<compile_context>
chip_gen: v7x
topology: tpu7x:2x2x1
jax: 0.10.2.dev20260603
libtpu: 0.0.44.dev20260713+nightly
codegen_flags: <defaults>
</compile_context>

<pallas_src>
import functools

import jax
import jax.numpy as jnp
from jax import lax
from jax.experimental import pallas as pl
from jax.experimental.pallas import tpu as pltpu
from jax.experimental.pallas import tpu_sc as plsc

VOCAB = 100000
D = 64
B = 16384
S = 50
L = 16
NC = 2
NS = 16
NW = NC * NS
RPT = B // NW
CH = 8
NCHUNK = RPT // CH
UNROLL = 50


def _dyngather(v, idx):
    return lax.gather(
        v,
        idx[:, None],
        lax.GatherDimensionNumbers(
            offset_dims=(), collapsed_slice_dims=(0,), start_index_map=(0,)
        ),
        slice_sizes=(1,),
        mode=lax.GatherScatterMode.PROMISE_IN_BOUNDS,
    )


_mesh = plsc.VectorSubcoreMesh(
    core_axis_name="c", subcore_axis_name="s", num_cores=NC, num_subcores=NS
)


@functools.partial(
    pl.kernel,
    out_type=jax.ShapeDtypeStruct((B, D), jnp.float32),
    mesh=_mesh,
    scratch_types=[
        pltpu.VMEM((2, CH, S), jnp.int32),
        pltpu.VMEM((2, CH * S, D), jnp.float32),
        pltpu.VMEM((2, CH, D), jnp.float32),
        pltpu.SemaphoreType.DMA,
        pltpu.SemaphoreType.DMA,
        pltpu.SemaphoreType.DMA,
        pltpu.SemaphoreType.DMA,
    ],
    compiler_params=pltpu.CompilerParams(use_tc_tiling_on_sc=False),
)
def _embed_pool(idx_hbm, table_hbm, out_hbm, idx_v, rows_v, out_v,
                sem0, sem1, osem0, osem1):
    sems = (sem0, sem1)
    osems = (osem0, osem1)
    wid = lax.axis_index("s") * NC + lax.axis_index("c")
    base = wid * RPT

    def fire(b, ci):
        row0 = base + ci * CH
        pltpu.sync_copy(idx_hbm.at[pl.ds(row0, CH)], idx_v.at[b])
        for r in range(CH):
            pltpu.async_copy(
                table_hbm.at[idx_v.at[b, r]],
                rows_v.at[b, pl.ds(r * S, S)],
                sems[b],
            )

    def drain(b):
        for r in range(CH):
            pltpu.make_async_copy(
                table_hbm.at[idx_v.at[b, r]],
                rows_v.at[b, pl.ds(r * S, S)],
                sems[b],
            ).wait()

    def process(b, ci, first):
        row0 = base + ci * CH

        @pl.when(jnp.logical_not(first))
        def _():
            pltpu.make_async_copy(
                out_v.at[b], out_hbm.at[pl.ds(base, CH)], osems[b]
            ).wait()

        lanes = lax.iota(jnp.int32, L)
        for r2 in range(CH // 4):
            zero = jnp.zeros((L,), jnp.float32)

            @plsc.parallel_loop(0, S, unroll=UNROLL, carry=(zero,) * 16)
            def acc8(j, acc):
                out = []
                for p in range(4):
                    rb = (4 * r2 + p) * S + j
                    for k in range(4):
                        out.append(
                            acc[4 * p + k] + rows_v[b, rb, pl.ds(k * L, L)]
                        )
                return tuple(out)

            for p in range(4):
                r = 4 * r2 + p
                cnt = jnp.zeros((L,), jnp.int32)
                for k in range(3):
                    v = idx_v[b, r, pl.ds(k * L, L)]
                    cnt = cnt + jnp.where(v != 0, 1, 0)
                v3 = idx_v[b, r, pl.ds(S - L, L)]
                cnt = cnt + jnp.where(
                    (v3 != 0) & (lanes >= 2 * L - (S - 2 * L)), 1, 0
                )
                cntf = cnt.astype(jnp.float32)
                for sh in (8, 4, 2, 1):
                    cntf = cntf + _dyngather(cntf, lanes ^ sh)
                inv = 1.0 / jnp.maximum(cntf, 1e-9)
                for k in range(4):
                    out_v[b, r, pl.ds(k * L, L)] = acc8[4 * p + k] * inv
        pltpu.async_copy(out_v.at[b], out_hbm.at[pl.ds(row0, CH)], osems[b])

    fire(0, 0)

    def pair_body(g, carry):
        fire(1, 2 * g + 1)
        drain(0)
        process(0, 2 * g, g == 0)

        @pl.when(g < NCHUNK // 2 - 1)
        def _():
            fire(0, 2 * g + 2)

        drain(1)
        process(1, 2 * g + 1, g == 0)
        return carry

    lax.fori_loop(0, NCHUNK // 2, pair_body, 0)
    for b in range(2):
        pltpu.make_async_copy(
            out_v.at[b], out_hbm.at[pl.ds(base, CH)], osems[b]
        ).wait()


def kernel(text_input_per_row, embedding):
    idx = text_input_per_row.astype(jnp.int32)
    return _embed_pool(idx, embedding)

# --- scband reference (transcript-rebuilt; emitter-appended) ---
"""Pipeline reference for scband-text-feature-extractor-6691559047563 (READ-ONLY COPY).

The authoritative reference and input builder live on the scoring server;
editing this copy changes nothing except your own understanding.
"""

import jax, jax.numpy as jnp
import numpy as np

VOCAB_SIZE = 100000
EMBED_DIM = 64
BATCH = 16384
SEQ_LEN = 50
PAD_TOKEN_ID = 0


def setup_inputs(seed: int = 0) -> dict:
    key = jax.random.key(seed)
    k_idx, k_emb = jax.random.split(key)
    text_input_per_row = jax.random.randint(k_idx, (BATCH, SEQ_LEN), 0, VOCAB_SIZE, dtype=jnp.int64 if jax.config.jax_enable_x64 else jnp.int32)
    embedding = jax.random.normal(k_emb, (VOCAB_SIZE, EMBED_DIM), dtype=jnp.float32)
    # emulate nn.Embedding padding_idx=0: row 0 initialized to zero
    embedding = embedding.at[PAD_TOKEN_ID].set(0.0)
    return {"text_input_per_row": text_input_per_row, "embedding": embedding}


def reference(text_input_per_row, embedding):
    # embedded_text = self.embedding(text_input_per_row)
    embedded_text = jnp.take(embedding, text_input_per_row, axis=0)
    # mask = (text_input_per_row != pad_token_id).unsqueeze(-1).float()
    mask = (text_input_per_row != PAD_TOKEN_ID)[..., None].astype(jnp.float32)
    masked_embedded_text = embedded_text * mask
    summed_embeddings = masked_embedded_text.sum(axis=1)
    non_padding_counts = mask.sum(axis=1)
    non_padding_counts = jnp.clip(non_padding_counts, 1e-09, None)
    text_features = summed_embeddings / non_padding_counts
    return text_features

if __name__ == "__main__":
    import jax
    _d = setup_inputs()
    print(jax.jit(kernel)(*tuple(_d.values())))

</pallas_src>

<mosaic_0001>
#map = affine_map<(d0, d1) -> (0, 0)>
module attributes {stable_mosaic.version = 14 : i64} {
  func.func @_embed_pool(%arg0: i32, %arg1: i32, %arg2: memref<16384x50xi32, #tpu.memory_space<hbm>>, %arg3: memref<100000x64xf32, #tpu.memory_space<hbm>>, %arg4: memref<16384x64xf32, #tpu.memory_space<hbm>>, %arg5: memref<2x8x50xi32, #tpu.memory_space<vmem>>, %arg6: memref<2x400x64xf32, #tpu.memory_space<vmem>>, %arg7: memref<2x8x64xf32, #tpu.memory_space<vmem>>, %arg8: memref<!tpu.dma_semaphore, #tpu.memory_space<semaphore_mem>>, %arg9: memref<!tpu.dma_semaphore, #tpu.memory_space<semaphore_mem>>, %arg10: memref<!tpu.dma_semaphore, #tpu.memory_space<semaphore_mem>>, %arg11: memref<!tpu.dma_semaphore, #tpu.memory_space<semaphore_mem>>) attributes {dimension_semantics = [#tpu.dimension_semantics<core_parallel>, #tpu.dimension_semantics<subcore_parallel>], iteration_bounds = array<i64: 2, 16>, scalar_prefetch = 0 : i64, scratch_operands = 7 : i64, tpu.core_type = #tpu.core_type<sc_vector_subcore>, window_params = [{transform_indices = #map}, {transform_indices = #map}, {transform_indices = #map}]} {
    %mul3A = arith.constant 2 : i32
    %mul3A_0 = arith.muli %arg1, %mul3A : i32
    %add3A = arith.addi %mul3A_0, %arg0 : i32
    %mul3A_1 = arith.constant 512 : i32
    %mul3A_2 = arith.muli %add3A, %mul3A_1 : i32
    %add3A_3 = arith.constant 0 : i32
    %add3A_4 = arith.addi %mul3A_2, %add3A_3 : i32
    %run_scoped3A = arith.constant 0 : i32
    "tpu.region"() ({
      %run_scoped3A_138 = tpu.sem_alloc : memref<!tpu.dma_semaphore, #tpu.memory_space<semaphore_mem>>
      %dma_start3A_139 = arith.constant 0 : i32
      %dma_start3A_140 = arith.constant 0 : i32
      %dma_start3A_141 = tpu.memref_slice %arg5[%run_scoped3A, %dma_start3A_139, %dma_start3A_140] : memref<2x8x50xi32, #tpu.memory_space<vmem>> -> memref<1x8x50xi32, #tpu.memory_space<vmem>>
      %dma_start3A_142 = tpu.memref_squeeze %dma_start3A_141 : memref<1x8x50xi32, #tpu.memory_space<vmem>> -> memref<8x50xi32, #tpu.memory_space<vmem>>
      %dma_start3A_143 = arith.constant 0 : i32
      %dma_start3A_144 = tpu.memref_slice %arg2[%add3A_4, %dma_start3A_143] : memref<16384x50xi32, #tpu.memory_space<hbm>> -> memref<8x50xi32, #tpu.memory_space<hbm>>
      %dma_start3A_145 = arith.constant 0 : i32
      %dma_start3A_146 = arith.constant 0 : i32
      %dma_start3A_147 = tpu.memref_slice %arg5[%run_scoped3A, %dma_start3A_145, %dma_start3A_146] : memref<2x8x50xi32, #tpu.memory_space<vmem>> -> memref<1x8x50xi32, #tpu.memory_space<vmem>>
      %dma_start3A_148 = tpu.memref_squeeze %dma_start3A_147 : memref<1x8x50xi32, #tpu.memory_space<vmem>> -> memref<8x50xi32, #tpu.memory_space<vmem>>
      %dma_start3A_149 = arith.constant 0 : i32
      %dma_start3A_150 = tpu.memref_slice %arg2[%add3A_4, %dma_start3A_149] : memref<16384x50xi32, #tpu.memory_space<hbm>> -> memref<8x50xi32, #tpu.memory_space<hbm>>
      tpu.enqueue_dma source(%dma_start3A_150 : memref<8x50xi32, #tpu.memory_space<hbm>>) target(%dma_start3A_148 : memref<8x50xi32, #tpu.memory_space<vmem>>) target_semaphore(%run_scoped3A_138 : memref<!tpu.dma_semaphore, #tpu.memory_space<semaphore_mem>>)
      %dma_wait3A_151 = arith.constant 0 : i32
      %dma_wait3A_152 = arith.constant 0 : i32
      %dma_wait3A_153 = tpu.memref_slice %arg5[%run_scoped3A, %dma_wait3A_151, %dma_wait3A_152] : memref<2x8x50xi32, #tpu.memory_space<vmem>> -> memref<1x8x50xi32, #tpu.memory_space<vmem>>
      %dma_wait3A_154 = tpu.memref_squeeze %dma_wait3A_153 : memref<1x8x50xi32, #tpu.memory_space<vmem>> -> memref<8x50xi32, #tpu.memory_space<vmem>>
      %dma_wait3A_155 = arith.constant 0 : i32
      %dma_wait3A_156 = tpu.memref_slice %arg2[%add3A_4, %dma_wait3A_155] : memref<16384x50xi32, #tpu.memory_space<hbm>> -> memref<8x50xi32, #tpu.memory_space<hbm>>
      %dma_wait3A_157 = arith.constant 0 : i32
      %dma_wait3A_158 = arith.constant 0 : i32
      %dma_wait3A_159 = tpu.memref_slice %arg5[%run_scoped3A, %dma_wait3A_157, %dma_wait3A_158] : memref<2x8x50xi32, #tpu.memory_space<vmem>> -> memref<1x8x50xi32, #tpu.memory_space<vmem>>
      %dma_wait3A_160 = tpu.memref_squeeze %dma_wait3A_159 : memref<1x8x50xi32, #tpu.memory_space<vmem>> -> memref<8x50xi32, #tpu.memory_space<vmem>>
      %dma_wait3A_161 = arith.constant 0 : i32
      %dma_wait3A_162 = tpu.memref_slice %arg2[%add3A_4, %dma_wait3A_161] : memref<16384x50xi32, #tpu.memory_space<hbm>> -> memref<8x50xi32, #tpu.memory_space<hbm>>
      tpu.wait_dma2 semaphore(%run_scoped3A_138 : memref<!tpu.dma_semaphore, #tpu.memory_space<semaphore_mem>>) src(%dma_wait3A_162 : memref<8x50xi32, #tpu.memory_space<hbm>>) dst(%dma_wait3A_160 : memref<8x50xi32, #tpu.memory_space<vmem>>)
      tpu.yield
    }) : () -> ()
    %dma_start3A = arith.constant 0 : i32
    %dma_start3A_5 = arith.constant 0 : i32
    %dma_start3A_6 = arith.constant 0 : i32
    %dma_start3A_7 = arith.constant 0 : i32
    %dma_start3A_8 = arith.constant 0 : i32
    %dma_start3A_9 = tpu.memref_slice %arg6[%dma_start3A_6, %dma_start3A_7, %dma_start3A_8] : memref<2x400x64xf32, #tpu.memory_space<vmem>> -> memref<1x50x64xf32, #tpu.memory_space<vmem>>
    %dma_start3A_10 = tpu.memref_squeeze %dma_start3A_9 : memref<1x50x64xf32, #tpu.memory_space<vmem>> -> memref<50x64xf32, #tpu.memory_space<vmem>>
    %dma_start3A_11 = arith.constant 0 : i32
    %dma_start3A_12 = tpu.memref_slice %arg5[%dma_start3A, %dma_start3A_5, %dma_start3A_11] : memref<2x8x50xi32, #tpu.memory_space<vmem>> -> memref<1x1x50xi32, #tpu.memory_space<vmem>>
    %dma_start3A_13 = tpu.memref_squeeze %dma_start3A_12 : memref<1x1x50xi32, #tpu.memory_space<vmem>> -> memref<50xi32, #tpu.memory_space<vmem>>
    %dma_start3A_14 = arith.constant 0 : i32
    %dma_start3A_15 = arith.constant 0 : i32
    %dma_start3A_16 = tpu.memref_slice %arg3[%dma_start3A_14, %dma_start3A_15] : memref<100000x64xf32, #tpu.memory_space<hbm>> -> memref<100000x64xf32, #tpu.memory_space<hbm>>
    tpu.enqueue_indirect_dma source(%dma_start3A_16 : memref<100000x64xf32, #tpu.memory_space<hbm>>) target(%dma_start3A_10 : memref<50x64xf32, #tpu.memory_space<vmem>>) offsets(%dma_start3A_13 : memref<50xi32, #tpu.memory_space<vmem>>) semaphore(%arg8 : memref<!tpu.dma_semaphore, #tpu.memory_space<semaphore_mem>>)
    %dma_start3A_17 = arith.constant 0 : i32
    %dma_start3A_18 = arith.constant 1 : i32
    %dma_start3A_19 = arith.constant 0 : i32
    %dma_start3A_20 = arith.constant 50 : i32
    %dma_start3A_21 = arith.constant 0 : i32
    %dma_start3A_22 = tpu.memref_slice %arg6[%dma_start3A_19, %dma_start3A_20, %dma_start3A_21] : memref<2x400x64xf32, #tpu.memory_space<vmem>> -> memref<1x50x64xf32, #tpu.memory_space<vmem>>
    %dma_start3A_23 = tpu.memref_squeeze %dma_start3A_22 : memref<1x50x64xf32, #tpu.memory_space<vmem>> -> memref<50x64xf32, #tpu.memory_space<vmem>>
    %dma_start3A_24 = arith.constant 0 : i32
    %dma_start3A_25 = tpu.memref_slice %arg5[%dma_start3A_17, %dma_start3A_18, %dma_start3A_24] : memref<2x8x50xi32, #tpu.memory_space<vmem>> -> memref<1x1x50xi32, #tpu.memory_space<vmem>>
    %dma_start3A_26 = tpu.memref_squeeze %dma_start3A_25 : memref<1x1x50xi32, #tpu.memory_space<vmem>> -> memref<50xi32, #tpu.memory_space<vmem>>
    %dma_start3A_27 = arith.constant 0 : i32
    %dma_start3A_28 = arith.constant 0 : i32
    %dma_start3A_29 = tpu.memref_slice %arg3[%dma_start3A_27, %dma_start3A_28] : memref<100000x64xf32, #tpu.memory_space<hbm>> -> memref<100000x64xf32, #tpu.memory_space<hbm>>
    tpu.enqueue_indirect_dma source(%dma_start3A_29 : memref<100000x64xf32, #tpu.memory_space<hbm>>) target(%dma_start3A_23 : memref<50x64xf32, #tpu.memory_space<vmem>>) offsets(%dma_start3A_26 : memref<50xi32, #tpu.memory_space<vmem>>) semaphore(%arg8 : memref<!tpu.dma_semaphore, #tpu.memory_space<semaphore_mem>>)
    %dma_start3A_30 = arith.constant 0 : i32
    %dma_start3A_31 = arith.constant 2 : i32
    %dma_start3A_32 = arith.constant 0 : i32
    %dma_start3A_33 = arith.constant 100 : i32
    %dma_start3A_34 = arith.constant 0 : i32
    %dma_start3A_35 = tpu.memref_slice %arg6[%dma_start3A_32, %dma_start3A_33, %dma_start3A_34] : memref<2x400x64xf32, #tpu.memory_space<vmem>> -> memref<1x50x64xf32, #tpu.memory_space<vmem>>
    %dma_start3A_36 = tpu.memref_squeeze %dma_start3A_35 : memref<1x50x64xf32, #tpu.memory_space<vmem>> -> memref<50x64xf32, #tpu.memory_space<vmem>>
    %dma_start3A_37 = arith.constant 0 : i32
    %dma_start3A_38 = tpu.memref_slice %arg5[%dma_start3A_30, %dma_start3A_31, %dma_start3A_37] : memref<2x8x50xi32, #tpu.memory_space<vmem>> -> memref<1x1x50xi32, #tpu.memory_space<vmem>>
    %dma_start3A_39 = tpu.memref_squeeze %dma_start3A_38 : memref<1x1x50xi32, #tpu.memory_space<vmem>> -> memref<50xi32, #tpu.memory_space<vmem>>
    %dma_start3A_40 = arith.constant 0 : i32
    %dma_start3A_41 = arith.constant 0 : i32
    %dma_start3A_42 = tpu.memref_slice %arg3[%dma_start3A_40, %dma_start3A_41] : memref<100000x64xf32, #tpu.memory_space<hbm>> -> memref<100000x64xf32, #tpu.memory_space<hbm>>
    tpu.enqueue_indirect_dma source(%dma_start3A_42 : memref<100000x64xf32, #tpu.memory_space<hbm>>) target(%dma_start3A_36 : memref<50x64xf32, #tpu.memory_space<vmem>>) offsets(%dma_start3A_39 : memref<50xi32, #tpu.memory_space<vmem>>) semaphore(%arg8 : memref<!tpu.dma_semaphore, #tpu.memory_space<semaphore_mem>>)
    %dma_start3A_43 = arith.constant 0 : i32
    %dma_start3A_44 = arith.constant 3 : i32
    %dma_start3A_45 = arith.constant 0 : i32
    %dma_start3A_46 = arith.constant 150 : i32
    %dma_start3A_47 = arith.constant 0 : i32
    %dma_start3A_48 = tpu.memref_slice %arg6[%dma_start3A_45, %dma_start3A_46, %dma_start3A_47] : memref<2x400x64xf32, #tpu.memory_space<vmem>> -> memref<1x50x64xf32, #tpu.memory_space<vmem>>
    %dma_start3A_49 = tpu.memref_squeeze %dma_start3A_48 : memref<1x50x64xf32, #tpu.memory_space<vmem>> -> memref<50x64xf32, #tpu.memory_space<vmem>>
    %dma_start3A_50 = arith.constant 0 : i32
    %dma_start3A_51 = tpu.memref_slice %arg5[%dma_start3A_43, %dma_start3A_44, %dma_start3A_50] : memref<2x8x50xi32, #tpu.memory_space<vmem>> -> memref<1x1x50xi32, #tpu.memory_space<vmem>>
    %dma_start3A_52 = tpu.memref_squeeze %dma_start3A_51 : memref<1x1x50xi32, #tpu.memory_space<vmem>> -> memref<50xi32, #tpu.memory_space<vmem>>
    %dma_start3A_53 = arith.constant 0 : i32
    %dma_start3A_54 = arith.constant 0 : i32
    %dma_start3A_55 = tpu.memref_slice %arg3[%dma_start3A_53, %dma_start3A_54] : memref<100000x64xf32, #tpu.memory_space<hbm>> -> memref<100000x64xf32, #tpu.memory_space<hbm>>
    tpu.enqueue_indirect_dma source(%dma_start3A_55 : memref<100000x64xf32, #tpu.memory_space<hbm>>) target(%dma_start3A_49 : memref<50x64xf32, #tpu.memory_space<vmem>>) offsets(%dma_start3A_52 : memref<50xi32, #tpu.memory_space<vmem>>) semaphore(%arg8 : memref<!tpu.dma_semaphore, #tpu.memory_space<semaphore_mem>>)
    %dma_start3A_56 = arith.constant 0 : i32
    %dma_start3A_57 = arith.constant 4 : i32
    %dma_start3A_58 = arith.constant 0 : i32
    %dma_start3A_59 = arith.constant 200 : i32
    %dma_start3A_60 = arith.constant 0 : i32
    %dma_start3A_61 = tpu.memref_slice %arg6[%dma_start3A_58, %dma_start3A_59, %dma_start3A_60] : memref<2x400x64xf32, #tpu.memory_space<vmem>> -> memref<1x50x64xf32, #tpu.memory_space<vmem>>
    %dma_start3A_62 = tpu.memref_squeeze %dma_start3A_61 : memref<1x50x64xf32, #tpu.memory_space<vmem>> -> memref<50x64xf32, #tpu.memory_space<vmem>>
    %dma_start3A_63 = arith.constant 0 : i32
    %dma_start3A_64 = tpu.memref_slice %arg5[%dma_start3A_56, %dma_start3A_57, %dma_start3A_63] : memref<2x8x50xi32, #tpu.memory_space<vmem>> -> memref<1x1x50xi32, #tpu.memory_space<vmem>>
    %dma_start3A_65 = tpu.memref_squeeze %dma_start3A_64 : memref<1x1x50xi32, #tpu.memory_space<vmem>> -> memref<50xi32, #tpu.memory_space<vmem>>
    %dma_start3A_66 = arith.constant 0 : i32
    %dma_start3A_67 = arith.constant 0 : i32
    %dma_start3A_68 = tpu.memref_slice %arg3[%dma_start3A_66, %dma_start3A_67] : memref<100000x64xf32, #tpu.memory_space<hbm>> -> memref<100000x64xf32, #tpu.memory_space<hbm>>
    tpu.enqueue_indirect_dma source(%dma_start3A_68 : memref<100000x64xf32, #tpu.memory_space<hbm>>) target(%dma_start3A_62 : memref<50x64xf32, #tpu.memory_space<vmem>>) offsets(%dma_start3A_65 : memref<50xi32, #tpu.memory_space<vmem>>) semaphore(%arg8 : memref<!tpu.dma_semaphore, #tpu.memory_space<semaphore_mem>>)
    %dma_start3A_69 = arith.constant 0 : i32
    %dma_start3A_70 = arith.constant 5 : i32
    %dma_start3A_71 = arith.constant 0 : i32
    %dma_start3A_72 = arith.constant 250 : i32
    %dma_start3A_73 = arith.constant 0 : i32
    %dma_start3A_74 = tpu.memref_slice %arg6[%dma_start3A_71, %dma_start3A_72, %dma_start3A_73] : memref<2x400x64xf32, #tpu.memory_space<vmem>> -> memref<1x50x64xf32, #tpu.memory_space<vmem>>
    %dma_start3A_75 = tpu.memref_squeeze %dma_start3A_74 : memref<1x50x64xf32, #tpu.memory_space<vmem>> -> memref<50x64xf32, #tpu.memory_space<vmem>>
    %dma_start3A_76 = arith.constant 0 : i32
    %dma_start3A_77 = tpu.memref_slice %arg5[%dma_start3A_69, %dma_start3A_70, %dma_start3A_76] : memref<2x8x50xi32, #tpu.memory_space<vmem>> -> memref<1x1x50xi32, #tpu.memory_space<vmem>>
    %dma_start3A_78 = tpu.memref_squeeze %dma_start3A_77 : memref<1x1x50xi32, #tpu.memory_space<vmem>> -> memref<50xi32, #tpu.memory_space<vmem>>
    %dma_start3A_79 = arith.constant 0 : i32
    %dma_start3A_80 = arith.constant 0 : i32
    %dma_start3A_81 = tpu.memref_slice %arg3[%dma_start3A_79, %dma_start3A_80] : memref<100000x64xf32, #tpu.memory_space<hbm>> -> memref<100000x64xf32, #tpu.memory_space<hbm>>
    tpu.enqueue_indirect_dma source(%dma_start3A_81 : memref<100000x64xf32, #tpu.memory_space<hbm>>) target(%dma_start3A_75 : memref<50x64xf32, #tpu.memory_space<vmem>>) offsets(%dma_start3A_78 : memref<50xi32, #tpu.memory_space<vmem>>) semaphore(%arg8 : memref<!tpu.dma_semaphore, #tpu.memory_space<semaphore_mem>>)
    %dma_start3A_82 = arith.constant 0 : i32
    %dma_start3A_83 = arith.constant 6 : i32
    %dma_start3A_84 = arith.constant 0 : i32
    %dma_start3A_85 = arith.constant 300 : i32
    %dma_start3A_86 = arith.constant 0 : i32
    %dma_start3A_87 = tpu.memref_slice %arg6[%dma_start3A_84, %dma_start3A_85, %dma_start3A_86] : memref<2x400x64xf32, #tpu.memory_space<vmem>> -> memref<1x50x64xf32, #tpu.memory_space<vmem>>
    %dma_start3A_88 = tpu.memref_squeeze %dma_start3A_87 : memref<1x50x64xf32, #tpu.memory_space<vmem>> -> memref<50x64xf32, #tpu.memory_space<vmem>>
    %dma_start3A_89 = arith.constant 0 : i32
    %dma_start3A_90 = tpu.memref_slice %arg5[%dma_start3A_82, %dma_start3A_83, %dma_start3A_89] : memref<2x8x50xi32, #tpu.memory_space<vmem>> -> memref<1x1x50xi32, #tpu.memory_space<vmem>>
    %dma_start3A_91 = tpu.memref_squeeze %dma_start3A_90 : memref<1x1x50xi32, #tpu.memory_space<vmem>> -> memref<50xi32, #tpu.memory_space<vmem>>
    %dma_start3A_92 = arith.constant 0 : i32
    %dma_start3A_93 = arith.constant 0 : i32
    %dma_start3A_94 = tpu.memref_slice %arg3[%dma_start3A_92, %dma_start3A_93] : memref<100000x64xf32, #tpu.memory_space<hbm>> -> memref<100000x64xf32, #tpu.memory_space<hbm>>
    tpu.enqueue_indirect_dma source(%dma_start3A_94 : memref<100000x64xf32, #tpu.memory_space<hbm>>) target(%dma_start3A_88 : memref<50x64xf32, #tpu.memory_space<vmem>>) offsets(%dma_start3A_91 : memref<50xi32, #tpu.memory_space<vmem>>) semaphore(%arg8 : memref<!tpu.dma_semaphore, #tpu.memory_space<semaphore_mem>>)
    %dma_start3A_95 = arith.constant 0 : i32
    %dma_start3A_96 = arith.constant 7 : i32
    %dma_start3A_97 = arith.constant 0 : i32
    %dma_start3A_98 = arith.constant 350 : i32
    %dma_start3A_99 = arith.constant 0 : i32
    %dma_start3A_100 = tpu.memref_slice %arg6[%dma_start3A_97, %dma_start3A_98, %dma_start3A_99] : memref<2x400x64xf32, #tpu.memory_space<vmem>> -> memref<1x50x64xf32, #tpu.memory_space<vmem>>
    %dma_start3A_101 = tpu.memref_squeeze %dma_start3A_100 : memref<1x50x64xf32, #tpu.memory_space<vmem>> -> memref<50x64xf32, #tpu.memory_space<vmem>>
    %dma_start3A_102 = arith.constant 0 : i32
    %dma_start3A_103 = tpu.memref_slice %arg5[%dma_start3A_95, %dma_start3A_96, %dma_start3A_102] : memref<2x8x50xi32, #tpu.memory_space<vmem>> -> memref<1x1x50xi32, #tpu.memory_space<vmem>>
    %dma_start3A_104 = tpu.memref_squeeze %dma_start3A_103 : memref<1x1x50xi32, #tpu.memory_space<vmem>> -> memref<50xi32, #tpu.memory_space<vmem>>
    %dma_start3A_105 = arith.constant 0 : i32
    %dma_start3A_106 = arith.constant 0 : i32
    %dma_start3A_107 = tpu.memref_slice %arg3[%dma_start3A_105, %dma_start3A_106] : memref<100000x64xf32, #tpu.memory_space<hbm>> -> memref<100000x64xf32, #tpu.memory_space<hbm>>
    tpu.enqueue_indirect_dma source(%dma_start3A_107 : memref<100000x64xf32, #tpu.memory_space<hbm>>) target(%dma_start3A_101 : memref<50x64xf32, #tpu.memory_space<vmem>>) offsets(%dma_start3A_104 : memref<50xi32, #tpu.memory_space<vmem>>) semaphore(%arg8 : memref<!tpu.dma_semaphore, #tpu.memory_space<semaphore_mem>>)
    %scan3A = arith.constant 0 : i32
    %scan3A_108 = arith.constant 0 : i32
    %scan3A_109 = arith.constant 32 : i32
    %scan3A_110 = arith.addi %scan3A_108, %scan3A_109 : i32
    %scan3A_111 = arith.constant 1 : i32
    scf.for %scan3A_138 = %scan3A_108 to %scan3A_110 step %scan3A_111  : i32 {
      %mul3A_139 = arith.constant 2 : i32
      %mul3A_140 = arith.muli %mul3A_139, %scan3A_138 : i32
      %add3A_141 = arith.constant 1 : i32
      %add3A_142 = arith.addi %mul3A_140, %add3A_141 : i32
      %mul3A_143 = arith.constant 8 : i32
      %mul3A_144 = arith.muli %add3A_142, %mul3A_143 : i32
      %add3A_145 = arith.addi %mul3A_2, %mul3A_144 : i32
      %run_scoped3A_146 = arith.constant 1 : i32
      "tpu.region"() ({
        %run_scoped3A_2779 = tpu.sem_alloc : memref<!tpu.dma_semaphore, #tpu.memory_space<semaphore_mem>>
        %dma_start3A_2780 = arith.constant 0 : i32
        %dma_start3A_2781 = arith.constant 0 : i32
        %dma_start3A_2782 = tpu.memref_slice %arg5[%run_scoped3A_146, %dma_start3A_2780, %dma_start3A_2781] : memref<2x8x50xi32, #tpu.memory_space<vmem>> -> memref<1x8x50xi32, #tpu.memory_space<vmem>>
        %dma_start3A_2783 = tpu.memref_squeeze %dma_start3A_2782 : memref<1x8x50xi32, #tpu.memory_space<vmem>> -> memref<8x50xi32, #tpu.memory_space<vmem>>
        %dma_start3A_2784 = arith.constant 0 : i32
        %dma_start3A_2785 = tpu.memref_slice %arg2[%add3A_145, %dma_start3A_2784] : memref<16384x50xi32, #tpu.memory_space<hbm>> -> memref<8x50xi32, #tpu.memory_space<hbm>>
        %dma_start3A_2786 = arith.constant 0 : i32
        %dma_start3A_2787 = arith.constant 0 : i32
        %dma_start3A_2788 = tpu.memref_slice %arg5[%run_scoped3A_146, %dma_start3A_2786, %dma_start3A_2787] : memref<2x8x50xi32, #tpu.memory_space<vmem>> -> memref<1x8x50xi32, #tpu.memory_space<vmem>>
        %dma_start3A_2789 = tpu.memref_squeeze %dma_start3A_2788 : memref<1x8x50xi32, #tpu.memory_space<vmem>> -> memref<8x50xi32, #tpu.memory_space<vmem>>
        %dma_start3A_2790 = arith.constant 0 : i32
        %dma_start3A_2791 = tpu.memref_slice %arg2[%add3A_145, %dma_start3A_2790] : memref<16384x50xi32, #tpu.memory_space<hbm>> -> memref<8x50xi32, #tpu.memory_space<hbm>>
        tpu.enqueue_dma source(%dma_start3A_2791 : memref<8x50xi32, #tpu.memory_space<hbm>>) target(%dma_start3A_2789 : memref<8x50xi32, #tpu.memory_space<vmem>>) target_semaphore(%run_scoped3A_2779 : memref<!tpu.dma_semaphore, #tpu.memory_space<semaphore_mem>>)
        %dma_wait3A_2792 = arith.constant 0 : i32
        %dma_wait3A_2793 = arith.constant 0 : i32
        %dma_wait3A_2794 = tpu.memref_slice %arg5[%run_scoped3A_146, %dma_wait3A_2792, %dma_wait3A_2793] : memref<2x8x50xi32, #tpu.memory_space<vmem>> -> memref<1x8x50xi32, #tpu.memory_space<vmem>>
        %dma_wait3A_2795 = tpu.memref_squeeze %dma_wait3A_2794 : memref<1x8x50xi32, #tpu.memory_space<vmem>> -> memref<8x50xi32, #tpu.memory_space<vmem>>
        %dma_wait3A_2796 = arith.constant 0 : i32
        %dma_wait3A_2797 = tpu.memref_slice %arg2[%add3A_145, %dma_wait3A_2796] : memref<16384x50xi32, #tpu.memory_space<hbm>> -> memref<8x50xi32, #tpu.memory_space<hbm>>
        %dma_wait3A_2798 = arith.constant 0 : i32
        %dma_wait3A_2799 = arith.constant 0 : i32
        %dma_wait3A_2800 = tpu.memref_slice %arg5[%run_scoped3A_146, %dma_wait3A_2798, %dma_wait3A_2799] : memref<2x8x50xi32, #tpu.memory_space<vmem>> -> memref<1x8x50xi32, #tpu.memory_space<vmem>>
        %dma_wait3A_2801 = tpu.memref_squeeze %dma_wait3A_2800 : memref<1x8x50xi32, #tpu.memory_space<vmem>> -> memref<8x50xi32, #tpu.memory_space<vmem>>
        %dma_wait3A_2802 = arith.constant 0 : i32
        %dma_wait3A_2803 = tpu.memref_slice %arg2[%add3A_145, %dma_wait3A_2802] : memref<16384x50xi32, #tpu.memory_space<hbm>> -> memref<8x50xi32, #tpu.memory_space<hbm>>
        tpu.wait_dma2 semaphore(%run_scoped3A_2779 : memref<!tpu.dma_semaphore, #tpu.memory_space<semaphore_mem>>) src(%dma_wait3A_2803 : memref<8x50xi32, #tpu.memory_space<hbm>>) dst(%dma_wait3A_2801 : memref<8x50xi32, #tpu.memory_space<vmem>>)
        tpu.yield
      }) : () -> ()
      %dma_start3A_147 = arith.constant 1 : i32
      %dma_start3A_148 = arith.constant 0 : i32
      %dma_start3A_149 = arith.constant 1 : i32
      %dma_start3A_150 = arith.constant 0 : i32
      %dma_start3A_151 = arith.constant 0 : i32
      %dma_start3A_152 = tpu.memref_slice %arg6[%dma_start3A_149, %dma_start3A_150, %dma_start3A_151] : memref<2x400x64xf32, #tpu.memory_space<vmem>> -> memref<1x50x64xf32, #tpu.memory_space<vmem>>
      %dma_start3A_153 = tpu.memref_squeeze %dma_start3A_152 : memref<1x50x64xf32, #tpu.memory_space<vmem>> -> memref<50x64xf32, #tpu.memory_space<vmem>>
      %dma_start3A_154 = arith.constant 0 : i32
      %dma_start3A_155 = tpu.memref_slice %arg5[%dma_start3A_147, %dma_start3A_148, %dma_start3A_154] : memref<2x8x50xi32, #tpu.memory_space<vmem>> -> memref<1x1x50xi32, #tpu.memory_space<vmem>>
      %dma_start3A_156 = tpu.memref_squeeze %dma_start3A_155 : memref<1x1x50xi32, #tpu.memory_space<vmem>> -> memref<50xi32, #tpu.memory_space<vmem>>
      %dma_start3A_157 = arith.constant 0 : i32
      %dma_start3A_158 = arith.constant 0 : i32
      %dma_start3A_159 = tpu.memref_slice %arg3[%dma_start3A_157, %dma_start3A_158] : memref<100000x64xf32, #tpu.memory_space<hbm>> -> memref<100000x64xf32, #tpu.memory_space<hbm>>
      tpu.enqueue_indirect_dma source(%dma_start3A_159 : memref<100000x64xf32, #tpu.memory_space<hbm>>) target(%dma_start3A_153 : memref<50x64xf32, #tpu.memory_space<vmem>>) offsets(%dma_start3A_156 : memref<50xi32, #tpu.memory_space<vmem>>) semaphore(%arg9 : memref<!tpu.dma_semaphore, #tpu.memory_space<semaphore_mem>>)
      %dma_start3A_160 = arith.constant 1 : i32
      %dma_start3A_161 = arith.constant 1 : i32
      %dma_start3A_162 = arith.constant 1 : i32
      %dma_start3A_163 = arith.constant 50 : i32
      %dma_start3A_164 = arith.constant 0 : i32
      %dma_start3A_165 = tpu.memref_slice %arg6[%dma_start3A_162, %dma_start3A_163, %dma_start3A_164] : memref<2x400x64xf32, #tpu.memory_space<vmem>> -> memref<1x50x64xf32, #tpu.memory_space<vmem>>
      %dma_start3A_166 = tpu.memref_squeeze %dma_start3A_165 : memref<1x50x64xf32, #tpu.memory_space<vmem>> -> memref<50x64xf32, #tpu.memory_space<vmem>>
      %dma_start3A_167 = arith.constant 0 : i32
      %dma_start3A_168 = tpu.memref_slice %arg5[%dma_start3A_160, %dma_start3A_161, %dma_start3A_167] : memref<2x8x50xi32, #tpu.memory_space<vmem>> -> memref<1x1x50xi32, #tpu.memory_space<vmem>>
      %dma_start3A_169 = tpu.memref_squeeze %dma_start3A_168 : memref<1x1x50xi32, #tpu.memory_space<vmem>> -> memref<50xi32, #tpu.memory_space<vmem>>
      %dma_start3A_170 = arith.constant 0 : i32
      %dma_start3A_171 = arith.constant 0 : i32
      %dma_start3A_172 = tpu.memref_slice %arg3[%dma_start3A_170, %dma_start3A_171] : memref<100000x64xf32, #tpu.memory_space<hbm>> -> memref<100000x64xf32, #tpu.memory_space<hbm>>
      tpu.enqueue_indirect_dma source(%dma_start3A_172 : memref<100000x64xf32, #tpu.memory_space<hbm>>) target(%dma_start3A_166 : memref<50x64xf32, #tpu.memory_space<vmem>>) offsets(%dma_start3A_169 : memref<50xi32, #tpu.memory_space<vmem>>) semaphore(%arg9 : memref<!tpu.dma_semaphore, #tpu.memory_space<semaphore_mem>>)
      %dma_start3A_173 = arith.constant 1 : i32
      %dma_start3A_174 = arith.constant 2 : i32
      %dma_start3A_175 = arith.constant 1 : i32
      %dma_start3A_176 = arith.constant 100 : i32
      %dma_start3A_177 = arith.constant 0 : i32
      %dma_start3A_178 = tpu.memref_slice %arg6[%dma_start3A_175, %dma_start3A_176, %dma_start3A_177] : memref<2x400x64xf32, #tpu.memory_space<vmem>> -> memref<1x50x64xf32, #tpu.memory_space<vmem>>
      %dma_start3A_179 = tpu.memref_squeeze %dma_start3A_178 : memref<1x50x64xf32, #tpu.memory_space<vmem>> -> memref<50x64xf32, #tpu.memory_space<vmem>>
      %dma_start3A_180 = arith.constant 0 : i32
      %dma_start3A_181 = tpu.memref_slice %arg5[%dma_start3A_173, %dma_start3A_174, %dma_start3A_180] : memref<2x8x50xi32, #tpu.memory_space<vmem>> -> memref<1x1x50xi32, #tpu.memory_space<vmem>>
      %dma_start3A_182 = tpu.memref_squeeze %dma_start3A_181 : memref<1x1x50xi32, #tpu.memory_space<vmem>> -> memref<50xi32, #tpu.memory_space<vmem>>
      %dma_start3A_183 = arith.constant 0 : i32
      %dma_start3A_184 = arith.constant 0 : i32
      %dma_start3A_185 = tpu.memref_slice %arg3[%dma_start3A_183, %dma_start3A_184] : memref<100000x64xf32, #tpu.memory_space<hbm>> -> memref<100000x64xf32, #tpu.memory_space<hbm>>
      tpu.enqueue_indirect_dma source(%dma_start3A_185 : memref<100000x64xf32, #tpu.memory_space<hbm>>) target(%dma_start3A_179 : memref<50x64xf32, #tpu.memory_space<vmem>>) offsets(%dma_start3A_182 : memref<50xi32, #tpu.memory_space<vmem>>) semaphore(%arg9 : memref<!tpu.dma_semaphore, #tpu.memory_space<semaphore_mem>>)
      %dma_start3A_186 = arith.constant 1 : i32
      %dma_start3A_187 = arith.constant 3 : i32
      %dma_start3A_188 = arith.constant 1 : i32
      %dma_start3A_189 = arith.constant 150 : i32
      %dma_start3A_190 = arith.constant 0 : i32
      %dma_start3A_191 = tpu.memref_slice %arg6[%dma_start3A_188, %dma_start3A_189, %dma_start3A_190] : memref<2x400x64xf32, #tpu.memory_space<vmem>> -> memref<1x50x64xf32, #tpu.memory_space<vmem>>
      %dma_start3A_192 = tpu.memref_squeeze %dma_start3A_191 : memref<1x50x64xf32, #tpu.memory_space<vmem>> -> memref<50x64xf32, #tpu.memory_space<vmem>>
      %dma_start3A_193 = arith.constant 0 : i32
      %dma_start3A_194 = tpu.memref_slice %arg5[%dma_start3A_186, %dma_start3A_187, %dma_start3A_193] : memref<2x8x50xi32, #tpu.memory_space<vmem>> -> memref<1x1x50xi32, #tpu.memory_space<vmem>>
      %dma_start3A_195 = tpu.memref_squeeze %dma_start3A_194 : memref<1x1x50xi32, #tpu.memory_space<vmem>> -> memref<50xi32, #tpu.memory_space<vmem>>
      %dma_start3A_196 = arith.constant 0 : i32
      %dma_start3A_197 = arith.constant 0 : i32
      %dma_start3A_198 = tpu.memref_slice %arg3[%dma_start3A_196, %dma_start3A_197] : memref<100000x64xf32, #tpu.memory_space<hbm>> -> memref<100000x64xf32, #tpu.memory_space<hbm>>
      tpu.enqueue_indirect_dma source(%dma_start3A_198 : memref<100000x64xf32, #tpu.memory_space<hbm>>) target(%dma_start3A_192 : memref<50x64xf32, #tpu.memory_space<vmem>>) offsets(%dma_start3A_195 : memref<50xi32, #tpu.memory_space<vmem>>) semaphore(%arg9 : memref<!tpu.dma_semaphore, #tpu.memory_space<semaphore_mem>>)
      %dma_start3A_199 = arith.constant 1 : i32
      %dma_start3A_200 = arith.constant 4 : i32
      %dma_start3A_201 = arith.constant 1 : i32
      %dma_start3A_202 = arith.constant 200 : i32
      %dma_start3A_203 = arith.constant 0 : i32
      %dma_start3A_204 = tpu.memref_slice %arg6[%dma_start3A_201, %dma_start3A_202, %dma_start3A_203] : memref<2x400x64xf32, #tpu.memory_space<vmem>> -> memref<1x50x64xf32, #tpu.memory_space<vmem>>
      %dma_start3A_205 = tpu.memref_squeeze %dma_start3A_204 : memref<1x50x64xf32, #tpu.memory_space<vmem>> -> memref<50x64xf32, #tpu.memory_space<vmem>>
      %dma_start3A_206 = arith.constant 0 : i32
      %dma_start3A_207 = tpu.memref_slice %arg5[%dma_start3A_199, %dma_start3A_200, %dma_start3A_206] : memref<2x8x50xi32, #tpu.memory_space<vmem>> -> memref<1x1x50xi32, #tpu.memory_space<vmem>>
      %dma_start3A_208 = tpu.memref_squeeze %dma_start3A_207 : memref<1x1x50xi32, #tpu.memory_space<vmem>> -> memref<50xi32, #tpu.memory_space<vmem>>
      %dma_start3A_209 = arith.constant 0 : i32
      %dma_start3A_210 = arith.constant 0 : i32
      %dma_start3A_211 = tpu.memref_slice %arg3[%dma_start3A_209, %dma_start3A_210] : memref<100000x64xf32, #tpu.memory_space<hbm>> -> memref<100000x64xf32, #tpu.memory_space<hbm>>
      tpu.enqueue_indirect_dma source(%dma_start3A_211 : memref<100000x64xf32, #tpu.memory_space<hbm>>) target(%dma_start3A_205 : memref<50x64xf32, #tpu.memory_space<vmem>>) offsets(%dma_start3A_208 : memref<50xi32, #tpu.memory_space<vmem>>) semaphore(%arg9 : memref<!tpu.dma_semaphore, #tpu.memory_space<semaphore_mem>>)
      %dma_start3A_212 = arith.constant 1 : i32
      %dma_start3A_213 = arith.constant 5 : i32
      %dma_start3A_214 = arith.constant 1 : i32
      %dma_start3A_215 = arith.constant 250 : i32
      %dma_start3A_216 = arith.constant 0 : i32
      %dma_start3A_217 = tpu.memref_slice %arg6[%dma_start3A_214, %dma_start3A_215, %dma_start3A_216] : memref<2x400x64xf32, #tpu.memory_space<vmem>> -> memref<1x50x64xf32, #tpu.memory_space<vmem>>
      %dma_start3A_218 = tpu.memref_squeeze %dma_start3A_217 : memref<1x50x64xf32, #tpu.memory_space<vmem>> -> memref<50x64xf32, #tpu.memory_space<vmem>>
      %dma_start3A_219 = arith.constant 0 : i32
      %dma_start3A_220 = tpu.memref_slice %arg5[%dma_start3A_212, %dma_start3A_213, %dma_start3A_219] : memref<2x8x50xi32, #tpu.memory_space<vmem>> -> memref<1x1x50xi32, #tpu.memory_space<vmem>>
      %dma_start3A_221 = tpu.memref_squeeze %dma_start3A_220 : memref<1x1x50xi32, #tpu.memory_space<vmem>> -> memref<50xi32, #tpu.memory_space<vmem>>
      %dma_start3A_222 = arith.constant 0 : i32
      %dma_start3A_223 = arith.constant 0 : i32
      %dma_start3A_224 = tpu.memref_slice %arg3[%dma_start3A_222, %dma_start3A_223] : memref<100000x64xf32, #tpu.memory_space<hbm>> -> memref<100000x64xf32, #tpu.memory_space<hbm>>
      tpu.enqueue_indirect_dma source(%dma_start3A_224 : memref<100000x64xf32, #tpu.memory_space<hbm>>) target(%dma_start3A_218 : memref<50x64xf32, #tpu.memory_space<vmem>>) offsets(%dma_start3A_221 : memref<50xi32, #tpu.memory_space<vmem>>) semaphore(%arg9 : memref<!tpu.dma_semaphore, #tpu.memory_space<semaphore_mem>>)
      %dma_start3A_225 = arith.constant 1 : i32
      %dma_start3A_226 = arith.constant 6 : i32
      %dma_start3A_227 = arith.constant 1 : i32
      %dma_start3A_228 = arith.constant 300 : i32
      %dma_start3A_229 = arith.constant 0 : i32
      %dma_start3A_230 = tpu.memref_slice %arg6[%dma_start3A_227, %dma_start3A_228, %dma_start3A_229] : memref<2x400x64xf32, #tpu.memory_space<vmem>> -> memref<1x50x64xf32, #tpu.memory_space<vmem>>
      %dma_start3A_231 = tpu.memref_squeeze %dma_start3A_230 : memref<1x50x64xf32, #tpu.memory_space<vmem>> -> memref<50x64xf32, #tpu.memory_space<vmem>>
      %dma_start3A_232 = arith.constant 0 : i32
      %dma_start3A_233 = tpu.memref_slice %arg5[%dma_start3A_225, %dma_start3A_226, %dma_start3A_232] : memref<2x8x50xi32, #tpu.memory_space<vmem>> -> memref<1x1x50xi32, #tpu.memory_space<vmem>>
      %dma_start3A_234 = tpu.memref_squeeze %dma_start3A_233 : memref<1x1x50xi32, #tpu.memory_space<vmem>> -> memref<50xi32, #tpu.memory_space<vmem>>
      %dma_start3A_235 = arith.constant 0 : i32
      %dma_start3A_236 = arith.constant 0 : i32
      %dma_start3A_237 = tpu.memref_slice %arg3[%dma_start3A_235, %dma_start3A_236] : memref<100000x64xf32, #tpu.memory_space<hbm>> -> memref<100000x64xf32, #tpu.memory_space<hbm>>
      tpu.enqueue_indirect_dma source(%dma_start3A_237 : memref<100000x64xf32, #tpu.memory_space<hbm>>) target(%dma_start3A_231 : memref<50x64xf32, #tpu.memory_space<vmem>>) offsets(%dma_start3A_234 : memref<50xi32, #tpu.memory_space<vmem>>) semaphore(%arg9 : memref<!tpu.dma_semaphore, #tpu.memory_space<semaphore_mem>>)
      %dma_start3A_238 = arith.constant 1 : i32
      %dma_start3A_239 = arith.constant 7 : i32
      %dma_start3A_240 = arith.constant 1 : i32
      %dma_start3A_241 = arith.constant 350 : i32
      %dma_start3A_242 = arith.constant 0 : i32
      %dma_start3A_243 = tpu.memref_slice %arg6[%dma_start3A_240, %dma_start3A_241, %dma_start3A_242] : memref<2x400x64xf32, #tpu.memory_space<vmem>> -> memref<1x50x64xf32, #tpu.memory_space<vmem>>
      %dma_start3A_244 = tpu.memref_squeeze %dma_start3A_243 : memref<1x50x64xf32, #tpu.memory_space<vmem>> -> memref<50x64xf32, #tpu.memory_space<vmem>>
      %dma_start3A_245 = arith.constant 0 : i32
      %dma_start3A_246 = tpu.memref_slice %arg5[%dma_start3A_238, %dma_start3A_239, %dma_start3A_245] : memref<2x8x50xi32, #tpu.memory_space<vmem>> -> memref<1x1x50xi32, #tpu.memory_space<vmem>>
      %dma_start3A_247 = tpu.memref_squeeze %dma_start3A_246 : memref<1x1x50xi32, #tpu.memory_space<vmem>> -> memref<50xi32, #tpu.memory_space<vmem>>
      %dma_start3A_248 = arith.constant 0 : i32
      %dma_start3A_249 = arith.constant 0 : i32
      %dma_start3A_250 = tpu.memref_slice %arg3[%dma_start3A_248, %dma_start3A_249] : memref<100000x64xf32, #tpu.memory_space<hbm>> -> memref<100000x64xf32, #tpu.memory_space<hbm>>
      tpu.enqueue_indirect_dma source(%dma_start3A_250 : memref<100000x64xf32, #tpu.memory_space<hbm>>) target(%dma_start3A_244 : memref<50x64xf32, #tpu.memory_space<vmem>>) offsets(%dma_start3A_247 : memref<50xi32, #tpu.memory_space<vmem>>) semaphore(%arg9 : memref<!tpu.dma_semaphore, #tpu.memory_space<semaphore_mem>>)
      %dma_wait3A_251 = arith.constant 0 : i32
      %dma_wait3A_252 = arith.constant 0 : i32
      %dma_wait3A_253 = arith.constant 0 : i32
      %dma_wait3A_254 = arith.constant 0 : i32
      %dma_wait3A_255 = arith.constant 0 : i32
      %dma_wait3A_256 = tpu.memref_slice %arg6[%dma_wait3A_253, %dma_wait3A_254, %dma_wait3A_255] : memref<2x400x64xf32, #tpu.memory_space<vmem>> -> memref<1x50x64xf32, #tpu.memory_space<vmem>>
      %dma_wait3A_257 = tpu.memref_squeeze %dma_wait3A_256 : memref<1x50x64xf32, #tpu.memory_space<vmem>> -> memref<50x64xf32, #tpu.memory_space<vmem>>
      %dma_wait3A_258 = arith.constant 0 : i32
      %dma_wait3A_259 = tpu.memref_slice %arg5[%dma_wait3A_251, %dma_wait3A_252, %dma_wait3A_258] : memref<2x8x50xi32, #tpu.memory_space<vmem>> -> memref<1x1x50xi32, #tpu.memory_space<vmem>>
      %dma_wait3A_260 = tpu.memref_squeeze %dma_wait3A_259 : memref<1x1x50xi32, #tpu.memory_space<vmem>> -> memref<50xi32, #tpu.memory_space<vmem>>
      %dma_wait3A_261 = arith.constant 0 : i32
      %dma_wait3A_262 = arith.constant 0 : i32
      %dma_wait3A_263 = tpu.memref_slice %arg3[%dma_wait3A_261, %dma_wait3A_262] : memref<100000x64xf32, #tpu.memory_space<hbm>> -> memref<100000x64xf32, #tpu.memory_space<hbm>>
      tpu.wait_indirect_dma semaphore(%arg8 : memref<!tpu.dma_semaphore, #tpu.memory_space<semaphore_mem>>) src(%dma_wait3A_263 : memref<100000x64xf32, #tpu.memory_space<hbm>>) dst(%dma_wait3A_257 : memref<50x64xf32, #tpu.memory_space<vmem>>)
      %dma_wait3A_264 = arith.constant 0 : i32
      %dma_wait3A_265 = arith.constant 1 : i32
      %dma_wait3A_266 = arith.constant 0 : i32
      %dma_wait3A_267 = arith.constant 50 : i32
      %dma_wait3A_268 = arith.constant 0 : i32
      %dma_wait3A_269 = tpu.memref_slice %arg6[%dma_wait3A_266, %dma_wait3A_267, %dma_wait3A_268] : memref<2x400x64xf32, #tpu.memory_space<vmem>> -> memref<1x50x64xf32, #tpu.memory_space<vmem>>
      %dma_wait3A_270 = tpu.memref_squeeze %dma_wait3A_269 : memref<1x50x64xf32, #tpu.memory_space<vmem>> -> memref<50x64xf32, #tpu.memory_space<vmem>>
      %dma_wait3A_271 = arith.constant 0 : i32
      %dma_wait3A_272 = tpu.memref_slice %arg5[%dma_wait3A_264, %dma_wait3A_265, %dma_wait3A_271] : memref<2x8x50xi32, #tpu.memory_space<vmem>> -> memref<1x1x50xi32, #tpu.memory_space<vmem>>
      %dma_wait3A_273 = tpu.memref_squeeze %dma_wait3A_272 : memref<1x1x50xi32, #tpu.memory_space<vmem>> -> memref<50xi32, #tpu.memory_space<vmem>>
      %dma_wait3A_274 = arith.constant 0 : i32
      %dma_wait3A_275 = arith.constant 0 : i32
      %dma_wait3A_276 = tpu.memref_slice %arg3[%dma_wait3A_274, %dma_wait3A_275] : memref<100000x64xf32, #tpu.memory_space<hbm>> -> memref<100000x64xf32, #tpu.memory_space<hbm>>
      tpu.wait_indirect_dma semaphore(%arg8 : memref<!tpu.dma_semaphore, #tpu.memory_space<semaphore_mem>>) src(%dma_wait3A_276 : memref<100000x64xf32, #tpu.memory_space<hbm>>) dst(%dma_wait3A_270 : memref<50x64xf32, #tpu.memory_space<vmem>>)
      %dma_wait3A_277 = arith.constant 0 : i32
      %dma_wait3A_278 = arith.constant 2 : i32
      %dma_wait3A_279 = arith.constant 0 : i32
      %dma_wait3A_280 = arith.constant 100 : i32
      %dma_wait3A_281 = arith.constant 0 : i32
      %dma_wait3A_282 = tpu.memref_slice %arg6[%dma_wait3A_279, %dma_wait3A_280, %dma_wait3A_281] : memref<2x400x64xf32, #tpu.memory_space<vmem>> -> memref<1x50x64xf32, #tpu.memory_space<vmem>>
      %dma_wait3A_283 = tpu.memref_squeeze %dma_wait3A_282 : memref<1x50x64xf32, #tpu.memory_space<vmem>> -> memref<50x64xf32, #tpu.memory_space<vmem>>
      %dma_wait3A_284 = arith.constant 0 : i32
      %dma_wait3A_285 = tpu.memref_slice %arg5[%dma_wait3A_277, %dma_wait3A_278, %dma_wait3A_284] : memref<2x8x50xi32, #tpu.memory_space<vmem>> -> memref<1x1x50xi32, #tpu.memory_space<vmem>>
      %dma_wait3A_286 = tpu.memref_squeeze %dma_wait3A_285 : memref<1x1x50xi32, #tpu.memory_space<vmem>> -> memref<50xi32, #tpu.memory_space<vmem>>
      %dma_wait3A_287 = arith.constant 0 : i32
      %dma_wait3A_288 = arith.constant 0 : i32
      %dma_wait3A_289 = tpu.memref_slice %arg3[%dma_wait3A_287, %dma_wait3A_288] : memref<100000x64xf32, #tpu.memory_space<hbm>> -> memref<100000x64xf32, #tpu.memory_space<hbm>>
      tpu.wait_indirect_dma semaphore(%arg8 : memref<!tpu.dma_semaphore, #tpu.memory_space<semaphore_mem>>) src(%dma_wait3A_289 : memref<100000x64xf32, #tpu.memory_space<hbm>>) dst(%dma_wait3A_283 : memref<50x64xf32, #tpu.memory_space<vmem>>)
      %dma_wait3A_290 = arith.constant 0 : i32
      %dma_wait3A_291 = arith.constant 3 : i32
      %dma_wait3A_292 = arith.constant 0 : i32
      %dma_wait3A_293 = arith.constant 150 : i32
      %dma_wait3A_294 = arith.constant 0 : i32
      %dma_wait3A_295 = tpu.memref_slice %arg6[%dma_wait3A_292, %dma_wait3A_293, %dma_wait3A_294] : memref<2x400x64xf32, #tpu.memory_space<vmem>> -> memref<1x50x64xf32, #tpu.memory_space<vmem>>
      %dma_wait3A_296 = tpu.memref_squeeze %dma_wait3A_295 : memref<1x50x64xf32, #tpu.memory_space<vmem>> -> memref<50x64xf32, #tpu.memory_space<vmem>>
      %dma_wait3A_297 = arith.constant 0 : i32
      %dma_wait3A_298 = tpu.memref_slice %arg5[%dma_wait3A_290, %dma_wait3A_291, %dma_wait3A_297] : memref<2x8x50xi32, #tpu.memory_space<vmem>> -> memref<1x1x50xi32, #tpu.memory_space<vmem>>
      %dma_wait3A_299 = tpu.memref_squeeze %dma_wait3A_298 : memref<1x1x50xi32, #tpu.memory_space<vmem>> -> memref<50xi32, #tpu.memory_space<vmem>>
      %dma_wait3A_300 = arith.constant 0 : i32
      %dma_wait3A_301 = arith.constant 0 : i32
      %dma_wait3A_302 = tpu.memref_slice %arg3[%dma_wait3A_300, %dma_wait3A_301] : memref<100000x64xf32, #tpu.memory_space<hbm>> -> memref<100000x64xf32, #tpu.memory_space<hbm>>
      tpu.wait_indirect_dma semaphore(%arg8 : memref<!tpu.dma_semaphore, #tpu.memory_space<semaphore_mem>>) src(%dma_wait3A_302 : memref<100000x64xf32, #tpu.memory_space<hbm>>) dst(%dma_wait3A_296 : memref<50x64xf32, #tpu.memory_space<vmem>>)
      %dma_wait3A_303 = arith.constant 0 : i32
      %dma_wait3A_304 = arith.constant 4 : i32
      %dma_wait3A_305 = arith.constant 0 : i32
      %dma_wait3A_306 = arith.constant 200 : i32
      %dma_wait3A_307 = arith.constant 0 : i32
      %dma_wait3A_308 = tpu.memref_slice %arg6[%dma_wait3A_305, %dma_wait3A_306, %dma_wait3A_307] : memref<2x400x64xf32, #tpu.memory_space<vmem>> -> memref<1x50x64xf32, #tpu.memory_space<vmem>>
      %dma_wait3A_309 = tpu.memref_squeeze %dma_wait3A_308 : memref<1x50x64xf32, #tpu.memory_space<vmem>> -> memref<50x64xf32, #tpu.memory_space<vmem>>
      %dma_wait3A_310 = arith.constant 0 : i32
      %dma_wait3A_311 = tpu.memref_slice %arg5[%dma_wait3A_303, %dma_wait3A_304, %dma_wait3A_310] : memref<2x8x50xi32, #tpu.memory_space<vmem>> -> memref<1x1x50xi32, #tpu.memory_space<vmem>>
      %dma_wait3A_312 = tpu.memref_squeeze %dma_wait3A_311 : memref<1x1x50xi32, #tpu.memory_space<vmem>> -> memref<50xi32, #tpu.memory_space<vmem>>
      %dma_wait3A_313 = arith.constant 0 : i32
      %dma_wait3A_314 = arith.constant 0 : i32
      %dma_wait3A_315 = tpu.memref_slice %arg3[%dma_wait3A_313, %dma_wait3A_314] : memref<100000x64xf32, #tpu.memory_space<hbm>> -> memref<100000x64xf32, #tpu.memory_space<hbm>>
      tpu.wait_indirect_dma semaphore(%arg8 : memref<!tpu.dma_semaphore, #tpu.memory_space<semaphore_mem>>) src(%dma_wait3A_315 : memref<100000x64xf32, #tpu.memory_space<hbm>>) dst(%dma_wait3A_309 : memref<50x64xf32, #tpu.memory_space<vmem>>)
      %dma_wait3A_316 = arith.constant 0 : i32
      %dma_wait3A_317 = arith.constant 5 : i32
      %dma_wait3A_318 = arith.constant 0 : i32
      %dma_wait3A_319 = arith.constant 250 : i32
      %dma_wait3A_320 = arith.constant 0 : i32
      %dma_wait3A_321 = tpu.memref_slice %arg6[%dma_wait3A_318, %dma_wait3A_319, %dma_wait3A_320] : memref<2x400x64xf32, #tpu.memory_space<vmem>> -> memref<1x50x64xf32, #tpu.memory_space<vmem>>
      %dma_wait3A_322 = tpu.memref_squeeze %dma_wait3A_321 : memref<1x50x64xf32, #tpu.memory_space<vmem>> -> memref<50x64xf32, #tpu.memory_space<vmem>>
      %dma_wait3A_323 = arith.constant 0 : i32
      %dma_wait3A_324 = tpu.memref_slice %arg5[%dma_wait3A_316, %dma_wait3A_317, %dma_wait3A_323] : memref<2x8x50xi32, #tpu.memory_space<vmem>> -> memref<1x1x50xi32, #tpu.memory_space<vmem>>
      %dma_wait3A_325 = tpu.memref_squeeze %dma_wait3A_324 : memref<1x1x50xi32, #tpu.memory_space<vmem>> -> memref<50xi32, #tpu.memory_space<vmem>>
      %dma_wait3A_326 = arith.constant 0 : i32
      %dma_wait3A_327 = arith.constant 0 : i32
      %dma_wait3A_328 = tpu.memref_slice %arg3[%dma_wait3A_326, %dma_wait3A_327] : memref<100000x64xf32, #tpu.memory_space<hbm>> -> memref<100000x64xf32, #tpu.memory_space<hbm>>
      tpu.wait_indirect_dma semaphore(%arg8 : memref<!tpu.dma_semaphore, #tpu.memory_space<semaphore_mem>>) src(%dma_wait3A_328 : memref<100000x64xf32, #tpu.memory_space<hbm>>) dst(%dma_wait3A_322 : memref<50x64xf32, #tpu.memory_space<vmem>>)
      %dma_wait3A_329 = arith.constant 0 : i32
      %dma_wait3A_330 = arith.constant 6 : i32
      %dma_wait3A_331 = arith.constant 0 : i32
      %dma_wait3A_332 = arith.constant 300 : i32
      %dma_wait3A_333 = arith.constant 0 : i32
      %dma_wait3A_334 = tpu.memref_slice %arg6[%dma_wait3A_331, %dma_wait3A_332, %dma_wait3A_333] : memref<2x400x64xf32, #tpu.memory_space<vmem>> -> memref<1x50x64xf32, #tpu.memory_space<vmem>>
      %dma_wait3A_335 = tpu.memref_squeeze %dma_wait3A_334 : memref<1x50x64xf32, #tpu.memory_space<vmem>> -> memref<50x64xf32, #tpu.memory_space<vmem>>
      %dma_wait3A_336 = arith.constant 0 : i32
      %dma_wait3A_337 = tpu.memref_slice %arg5[%dma_wait3A_329, %dma_wait3A_330, %dma_wait3A_336] : memref<2x8x50xi32, #tpu.memory_space<vmem>> -> memref<1x1x50xi32, #tpu.memory_space<vmem>>
      %dma_wait3A_338 = tpu.memref_squeeze %dma_wait3A_337 : memref<1x1x50xi32, #tpu.memory_space<vmem>> -> memref<50xi32, #tpu.memory_space<vmem>>
      %dma_wait3A_339 = arith.constant 0 : i32
      %dma_wait3A_340 = arith.constant 0 : i32
      %dma_wait3A_341 = tpu.memref_slice %arg3[%dma_wait3A_339, %dma_wait3A_340] : memref<100000x64xf32, #tpu.memory_space<hbm>> -> memref<100000x64xf32, #tpu.memory_space<hbm>>
      tpu.wait_indirect_dma semaphore(%arg8 : memref<!tpu.dma_semaphore, #tpu.memory_space<semaphore_mem>>) src(%dma_wait3A_341 : memref<100000x64xf32, #tpu.memory_space<hbm>>) dst(%dma_wait3A_335 : memref<50x64xf32, #tpu.memory_space<vmem>>)
      %dma_wait3A_342 = arith.constant 0 : i32
      %dma_wait3A_343 = arith.constant 7 : i32
      %dma_wait3A_344 = arith.constant 0 : i32
      %dma_wait3A_345 = arith.constant 350 : i32
      %dma_wait3A_346 = arith.constant 0 : i32
      %dma_wait3A_347 = tpu.memref_slice %arg6[%dma_wait3A_344, %dma_wait3A_345, %dma_wait3A_346] : memref<2x400x64xf32, #tpu.memory_space<vmem>> -> memref<1x50x64xf32, #tpu.memory_space<vmem>>
      %dma_wait3A_348 = tpu.memref_squeeze %dma_wait3A_347 : memref<1x50x64xf32, #tpu.memory_space<vmem>> -> memref<50x64xf32, #tpu.memory_space<vmem>>
      %dma_wait3A_349 = arith.constant 0 : i32
      %dma_wait3A_350 = tpu.memref_slice %arg5[%dma_wait3A_342, %dma_wait3A_343, %dma_wait3A_349] : memref<2x8x50xi32, #tpu.memory_space<vmem>> -> memref<1x1x50xi32, #tpu.memory_space<vmem>>
      %dma_wait3A_351 = tpu.memref_squeeze %dma_wait3A_350 : memref<1x1x50xi32, #tpu.memory_space<vmem>> -> memref<50xi32, #tpu.memory_space<vmem>>
      %dma_wait3A_352 = arith.constant 0 : i32
      %dma_wait3A_353 = arith.constant 0 : i32
      %dma_wait3A_354 = tpu.memref_slice %arg3[%dma_wait3A_352, %dma_wait3A_353] : memref<100000x64xf32, #tpu.memory_space<hbm>> -> memref<100000x64xf32, #tpu.memory_space<hbm>>
      tpu.wait_indirect_dma semaphore(%arg8 : memref<!tpu.dma_semaphore, #tpu.memory_space<semaphore_mem>>) src(%dma_wait3A_354 : memref<100000x64xf32, #tpu.memory_space<hbm>>) dst(%dma_wait3A_348 : memref<50x64xf32, #tpu.memory_space<vmem>>)
      %mul3A_355 = arith.constant 2 : i32
      %mul3A_356 = arith.muli %mul3A_355, %scan3A_138 : i32
      %eq3A = arith.constant 0 : i32
      %eq3A_357 = arith.cmpi eq, %scan3A_138, %eq3A : i32
      %mul3A_358 = arith.constant 8 : i32
      %mul3A_359 = arith.muli %mul3A_356, %mul3A_358 : i32
      %add3A_360 = arith.addi %mul3A_2, %mul3A_359 : i32
      %not3A = arith.constant true
      %not3A_361 = arith.xori %eq3A_357, %not3A : i1
      %convert_element_type3A = arith.extui %not3A_361 : i1 to i32
      %cond3A = arith.constant 0 : i32
      %cond3A_362 = arith.cmpi ne, %convert_element_type3A, %cond3A : i32
      scf.if %cond3A_362 {
        %dma_wait3A_2779 = arith.constant 0 : i32
        %dma_wait3A_2780 = arith.constant 0 : i32
        %dma_wait3A_2781 = arith.constant 0 : i32
        %dma_wait3A_2782 = tpu.memref_slice %arg7[%dma_wait3A_2779, %dma_wait3A_2780, %dma_wait3A_2781] : memref<2x8x64xf32, #tpu.memory_space<vmem>> -> memref<1x8x64xf32, #tpu.memory_space<vmem>>
        %dma_wait3A_2783 = tpu.memref_squeeze %dma_wait3A_2782 : memref<1x8x64xf32, #tpu.memory_space<vmem>> -> memref<8x64xf32, #tpu.memory_space<vmem>>
        %dma_wait3A_2784 = arith.constant 0 : i32
        %dma_wait3A_2785 = tpu.memref_slice %arg4[%mul3A_2, %dma_wait3A_2784] : memref<16384x64xf32, #tpu.memory_space<hbm>> -> memref<8x64xf32, #tpu.memory_space<hbm>>
        %dma_wait3A_2786 = arith.constant 0 : i32
        %dma_wait3A_2787 = tpu.memref_slice %arg4[%mul3A_2, %dma_wait3A_2786] : memref<16384x64xf32, #tpu.memory_space<hbm>> -> memref<8x64xf32, #tpu.memory_space<hbm>>
        %dma_wait3A_2788 = arith.constant 0 : i32
        %dma_wait3A_2789 = arith.constant 0 : i32
        %dma_wait3A_2790 = tpu.memref_slice %arg7[%dma_wait3A_2779, %dma_wait3A_2788, %dma_wait3A_2789] : memref<2x8x64xf32, #tpu.memory_space<vmem>> -> memref<1x8x64xf32, #tpu.memory_space<vmem>>
        %dma_wait3A_2791 = tpu.memref_squeeze %dma_wait3A_2790 : memref<1x8x64xf32, #tpu.memory_space<vmem>> -> memref<8x64xf32, #tpu.memory_space<vmem>>
        tpu.wait_dma2 semaphore(%arg10 : memref<!tpu.dma_semaphore, #tpu.memory_space<semaphore_mem>>) src(%dma_wait3A_2791 : memref<8x64xf32, #tpu.memory_space<vmem>>) dst(%dma_wait3A_2787 : memref<8x64xf32, #tpu.memory_space<hbm>>)
      } else {
      }
      %iota3A = tpu.iota {dimensions = array<i32: 0>} : vector<16xi32>
      %broadcast_in_dim3A = arith.constant 0.000000e+00 : f32
      %broadcast_in_dim3A_363 = vector.broadcast %broadcast_in_dim3A : f32 to vector<16xf32>
      %parallel_loop3A = arith.constant 0 : i32
      %parallel_loop3A_364 = arith.constant 50 : i32
      %parallel_loop3A_365 = arith.constant 1 : i32
      %parallel_loop3A_366:16 = scf.for %parallel_loop3A_2779 = %parallel_loop3A to %parallel_loop3A_364 step %parallel_loop3A_365 iter_args(%parallel_loop3A_2780 = %broadcast_in_dim3A_363, %parallel_loop3A_2781 = %broadcast_in_dim3A_363, %parallel_loop3A_2782 = %broadcast_in_dim3A_363, %parallel_loop3A_2783 = %broadcast_in_dim3A_363, %parallel_loop3A_2784 = %broadcast_in_dim3A_363, %parallel_loop3A_2785 = %broadcast_in_dim3A_363, %parallel_loop3A_2786 = %broadcast_in_dim3A_363, %parallel_loop3A_2787 = %broadcast_in_dim3A_363, %parallel_loop3A_2788 = %broadcast_in_dim3A_363, %parallel_loop3A_2789 = %broadcast_in_dim3A_363, %parallel_loop3A_2790 = %broadcast_in_dim3A_363, %parallel_loop3A_2791 = %broadcast_in_dim3A_363, %parallel_loop3A_2792 = %broadcast_in_dim3A_363, %parallel_loop3A_2793 = %broadcast_in_dim3A_363, %parallel_loop3A_2794 = %broadcast_in_dim3A_363, %parallel_loop3A_2795 = %broadcast_in_dim3A_363) -> (vector<16xf32>, vector<16xf32>, vector<16xf32>, vector<16xf32>, vector<16xf32>, vector<16xf32>, vector<16xf32>, vector<16xf32>, vector<16xf32>, vector<16xf32>, vector<16xf32>, vector<16xf32>, vector<16xf32>, vector<16xf32>, vector<16xf32>, vector<16xf32>)  : i32 {
        %parallel_loop3A_2796 = arith.constant 0 : i32
        %parallel_loop3A_2797 = arith.addi %parallel_loop3A_2796, %parallel_loop3A_2779 : i32
        %parallel_loop3A_2798 = arith.constant 0 : i32
        %parallel_loop3A_2799 = arith.index_cast %parallel_loop3A_2798 : i32 to index
        %parallel_loop3A_2800 = arith.index_cast %parallel_loop3A_2797 : i32 to index
        %parallel_loop3A_2801 = arith.constant 0 : index
        %parallel_loop3A_2802 = tpu.vector_load %arg6[%parallel_loop3A_2799, %parallel_loop3A_2800, %parallel_loop3A_2801] {strides = array<i32>} : memref<2x400x64xf32, #tpu.memory_space<vmem>>, vector<1x1x16xf32>,
        %parallel_loop3A_2803 = vector.shape_cast %parallel_loop3A_2802 : vector<1x1x16xf32> to vector<16xf32>
        %parallel_loop3A_2804 = arith.addf %parallel_loop3A_2780, %parallel_loop3A_2803 : vector<16xf32>
        %parallel_loop3A_2805 = arith.constant 0 : i32
        %parallel_loop3A_2806 = arith.index_cast %parallel_loop3A_2805 : i32 to index
        %parallel_loop3A_2807 = arith.index_cast %parallel_loop3A_2797 : i32 to index
        %parallel_loop3A_2808 = arith.constant 16 : index
        %parallel_loop3A_2809 = tpu.vector_load %arg6[%parallel_loop3A_2806, %parallel_loop3A_2807, %parallel_loop3A_2808] {strides = array<i32>} : memref<2x400x64xf32, #tpu.memory_space<vmem>>, vector<1x1x16xf32>,
        %parallel_loop3A_2810 = vector.shape_cast %parallel_loop3A_2809 : vector<1x1x16xf32> to vector<16xf32>
        %parallel_loop3A_2811 = arith.addf %parallel_loop3A_2781, %parallel_loop3A_2810 : vector<16xf32>
        %parallel_loop3A_2812 = arith.constant 0 : i32
        %parallel_loop3A_2813 = arith.index_cast %parallel_loop3A_2812 : i32 to index
        %parallel_loop3A_2814 = arith.index_cast %parallel_loop3A_2797 : i32 to index
        %parallel_loop3A_2815 = arith.constant 32 : index
        %parallel_loop3A_2816 = tpu.vector_load %arg6[%parallel_loop3A_2813, %parallel_loop3A_2814, %parallel_loop3A_2815] {strides = array<i32>} : memref<2x400x64xf32, #tpu.memory_space<vmem>>, vector<1x1x16xf32>,
        %parallel_loop3A_2817 = vector.shape_cast %parallel_loop3A_2816 : vector<1x1x16xf32> to vector<16xf32>
        %parallel_loop3A_2818 = arith.addf %parallel_loop3A_2782, %parallel_loop3A_2817 : vector<16xf32>
        %parallel_loop3A_2819 = arith.constant 0 : i32
        %parallel_loop3A_2820 = arith.index_cast %parallel_loop3A_2819 : i32 to index
        %parallel_loop3A_2821 = arith.index_cast %parallel_loop3A_2797 : i32 to index
        %parallel_loop3A_2822 = arith.constant 48 : index
        %parallel_loop3A_2823 = tpu.vector_load %arg6[%parallel_loop3A_2820, %parallel_loop3A_2821, %parallel_loop3A_2822] {strides = array<i32>} : memref<2x400x64xf32, #tpu.memory_space<vmem>>, vector<1x1x16xf32>,
        %parallel_loop3A_2824 = vector.shape_cast %parallel_loop3A_2823 : vector<1x1x16xf32> to vector<16xf32>
        %parallel_loop3A_2825 = arith.addf %parallel_loop3A_2783, %parallel_loop3A_2824 : vector<16xf32>
        %parallel_loop3A_2826 = arith.constant 50 : i32
        %parallel_loop3A_2827 = arith.addi %parallel_loop3A_2826, %parallel_loop3A_2779 : i32
        %parallel_loop3A_2828 = arith.constant 0 : i32
        %parallel_loop3A_2829 = arith.index_cast %parallel_loop3A_2828 : i32 to index
        %parallel_loop3A_2830 = arith.index_cast %parallel_loop3A_2827 : i32 to index
        %parallel_loop3A_2831 = arith.constant 0 : index
        %parallel_loop3A_2832 = tpu.vector_load %arg6[%parallel_loop3A_2829, %parallel_loop3A_2830, %parallel_loop3A_2831] {strides = array<i32>} : memref<2x400x64xf32, #tpu.memory_space<vmem>>, vector<1x1x16xf32>,
        %parallel_loop3A_2833 = vector.shape_cast %parallel_loop3A_2832 : vector<1x1x16xf32> to vector<16xf32>
        %parallel_loop3A_2834 = arith.addf %parallel_loop3A_2784, %parallel_loop3A_2833 : vector<16xf32>
        %parallel_loop3A_2835 = arith.constant 0 : i32
        %parallel_loop3A_2836 = arith.index_cast %parallel_loop3A_2835 : i32 to index
        %parallel_loop3A_2837 = arith.index_cast %parallel_loop3A_2827 : i32 to index
        %parallel_loop3A_2838 = arith.constant 16 : index
        %parallel_loop3A_2839 = tpu.vector_load %arg6[%parallel_loop3A_2836, %parallel_loop3A_2837, %parallel_loop3A_2838] {strides = array<i32>} : memref<2x400x64xf32, #tpu.memory_space<vmem>>, vector<1x1x16xf32>,
        %parallel_loop3A_2840 = vector.shape_cast %parallel_loop3A_2839 : vector<1x1x16xf32> to vector<16xf32>
        %parallel_loop3A_2841 = arith.addf %parallel_loop3A_2785, %parallel_loop3A_2840 : vector<16xf32>
        %parallel_loop3A_2842 = arith.constant 0 : i32
        %parallel_loop3A_2843 = arith.index_cast %parallel_loop3A_2842 : i32 to index
        %parallel_loop3A_2844 = arith.index_cast %parallel_loop3A_2827 : i32 to index
        %parallel_loop3A_2845 = arith.constant 32 : index
        %parallel_loop3A_2846 = tpu.vector_load %arg6[%parallel_loop3A_2843, %parallel_loop3A_2844, %parallel_loop3A_2845] {strides = array<i32>} : memref<2x400x64xf32, #tpu.memory_space<vmem>>, vector<1x1x16xf32>,
        %parallel_loop3A_2847 = vector.shape_cast %parallel_loop3A_2846 : vector<1x1x16xf32> to vector<16xf32>
        %parallel_loop3A_2848 = arith.addf %parallel_loop3A_2786, %parallel_loop3A_2847 : vector<16xf32>
        %parallel_loop3A_2849 = arith.constant 0 : i32
        %parallel_loop3A_2850 = arith.index_cast %parallel_loop3A_2849 : i32 to index
        %parallel_loop3A_2851 = arith.index_cast %parallel_loop3A_2827 : i32 to index
        %parallel_loop3A_2852 = arith.constant 48 : index
        %parallel_loop3A_2853 = tpu.vector_load %arg6[%parallel_loop3A_2850, %parallel_loop3A_2851, %parallel_loop3A_2852] {strides = array<i32>} : memref<2x400x64xf32, #tpu.memory_space<vmem>>, vector<1x1x16xf32>,
        %parallel_loop3A_2854 = vector.shape_cast %parallel_loop3A_2853 : vector<1x1x16xf32> to vector<16xf32>
        %parallel_loop3A_2855 = arith.addf %parallel_loop3A_2787, %parallel_loop3A_2854 : vector<16xf32>
        %parallel_loop3A_2856 = arith.constant 100 : i32
        %parallel_loop3A_2857 = arith.addi %parallel_loop3A_2856, %parallel_loop3A_2779 : i32
        %parallel_loop3A_2858 = arith.constant 0 : i32
        %parallel_loop3A_2859 = arith.index_cast %parallel_loop3A_2858 : i32 to index
        %parallel_loop3A_2860 = arith.index_cast %parallel_loop3A_2857 : i32 to index
        %parallel_loop3A_2861 = arith.constant 0 : index
        %parallel_loop3A_2862 = tpu.vector_load %arg6[%parallel_loop3A_2859, %parallel_loop3A_2860, %parallel_loop3A_2861] {strides = array<i32>} : memref<2x400x64xf32, #tpu.memory_space<vmem>>, vector<1x1x16xf32>,
        %parallel_loop3A_2863 = vector.shape_cast %parallel_loop3A_2862 : vector<1x1x16xf32> to vector<16xf32>
        %parallel_loop3A_2864 = arith.addf %parallel_loop3A_2788, %parallel_loop3A_2863 : vector<16xf32>
        %parallel_loop3A_2865 = arith.constant 0 : i32
        %parallel_loop3A_2866 = arith.index_cast %parallel_loop3A_2865 : i32 to index
        %parallel_loop3A_2867 = arith.index_cast %parallel_loop3A_2857 : i32 to index
        %parallel_loop3A_2868 = arith.constant 16 : index
        %parallel_loop3A_2869 = tpu.vector_load %arg6[%parallel_loop3A_2866, %parallel_loop3A_2867, %parallel_loop3A_2868] {strides = array<i32>} : memref<2x400x64xf32, #tpu.memory_space<vmem>>, vector<1x1x16xf32>,
        %parallel_loop3A_2870 = vector.shape_cast %parallel_loop3A_2869 : vector<1x1x16xf32> to vector<16xf32>
        %parallel_loop3A_2871 = arith.addf %parallel_loop3A_2789, %parallel_loop3A_2870 : vector<16xf32>
        %parallel_loop3A_2872 = arith.constant 0 : i32
        %parallel_loop3A_2873 = arith.index_cast %parallel_loop3A_2872 : i32 to index
        %parallel_loop3A_2874 = arith.index_cast %parallel_loop3A_2857 : i32 to index
        %parallel_loop3A_2875 = arith.constant 32 : index
        %parallel_loop3A_2876 = tpu.vector_load %arg6[%parallel_loop3A_2873, %parallel_loop3A_2874, %parallel_loop3A_2875] {strides = array<i32>} : memref<2x400x64xf32, #tpu.memory_space<vmem>>, vector<1x1x16xf32>,
        %parallel_loop3A_2877 = vector.shape_cast %parallel_loop3A_2876 : vector<1x1x16xf32> to vector<16xf32>
        %parallel_loop3A_2878 = arith.addf %parallel_loop3A_2790, %parallel_loop3A_2877 : vector<16xf32>
        %parallel_loop3A_2879 = arith.constant 0 : i32
        %parallel_loop3A_2880 = arith.index_cast %parallel_loop3A_2879 : i32 to index
        %parallel_loop3A_2881 = arith.index_cast %parallel_loop3A_2857 : i32 to index
        %parallel_loop3A_2882 = arith.constant 48 : index
        %parallel_loop3A_2883 = tpu.vector_load %arg6[%parallel_loop3A_2880, %parallel_loop3A_2881, %parallel_loop3A_2882] {strides = array<i32>} : memref<2x400x64xf32, #tpu.memory_space<vmem>>, vector<1x1x16xf32>,
        %parallel_loop3A_2884 = vector.shape_cast %parallel_loop3A_2883 : vector<1x1x16xf32> to vector<16xf32>
        %parallel_loop3A_2885 = arith.addf %parallel_loop3A_2791, %parallel_loop3A_2884 : vector<16xf32>
        %parallel_loop3A_2886 = arith.constant 150 : i32
        %parallel_loop3A_2887 = arith.addi %parallel_loop3A_2886, %parallel_loop3A_2779 : i32
        %parallel_loop3A_2888 = arith.constant 0 : i32
        %parallel_loop3A_2889 = arith.index_cast %parallel_loop3A_2888 : i32 to index
        %parallel_loop3A_2890 = arith.index_cast %parallel_loop3A_2887 : i32 to index
        %parallel_loop3A_2891 = arith.constant 0 : index
        %parallel_loop3A_2892 = tpu.vector_load %arg6[%parallel_loop3A_2889, %parallel_loop3A_2890, %parallel_loop3A_2891] {strides = array<i32>} : memref<2x400x64xf32, #tpu.memory_space<vmem>>, vector<1x1x16xf32>,
        %parallel_loop3A_2893 = vector.shape_cast %parallel_loop3A_2892 : vector<1x1x16xf32> to vector<16xf32>
        %parallel_loop3A_2894 = arith.addf %parallel_loop3A_2792, %parallel_loop3A_2893 : vector<16xf32>
        %parallel_loop3A_2895 = arith.constant 0 : i32
        %parallel_loop3A_2896 = arith.index_cast %parallel_loop3A_2895 : i32 to index
        %parallel_loop3A_2897 = arith.index_cast %parallel_loop3A_2887 : i32 to index
        %parallel_loop3A_2898 = arith.constant 16 : index
        %parallel_loop3A_2899 = tpu.vector_load %arg6[%parallel_loop3A_2896, %parallel_loop3A_2897, %parallel_loop3A_2898] {strides = array<i32>} : memref<2x400x64xf32, #tpu.memory_space<vmem>>, vector<1x1x16xf32>,
        %parallel_loop3A_2900 = vector.shape_cast %parallel_loop3A_2899 : vector<1x1x16xf32> to vector<16xf32>
        %parallel_loop3A_2901 = arith.addf %parallel_loop3A_2793, %parallel_loop3A_2900 : vector<16xf32>
        %parallel_loop3A_2902 = arith.constant 0 : i32
        %parallel_loop3A_2903 = arith.index_cast %parallel_loop3A_2902 : i32 to index
        %parallel_loop3A_2904 = arith.index_cast %parallel_loop3A_2887 : i32 to index
        %parallel_loop3A_2905 = arith.constant 32 : index
        %parallel_loop3A_2906 = tpu.vector_load %arg6[%parallel_loop3A_2903, %parallel_loop3A_2904, %parallel_loop3A_2905] {strides = array<i32>} : memref<2x400x64xf32, #tpu.memory_space<vmem>>, vector<1x1x16xf32>,
        %parallel_loop3A_2907 = vector.shape_cast %parallel_loop3A_2906 : vector<1x1x16xf32> to vector<16xf32>
        %parallel_loop3A_2908 = arith.addf %parallel_loop3A_2794, %parallel_loop3A_2907 : vector<16xf32>
        %parallel_loop3A_2909 = arith.constant 0 : i32
        %parallel_loop3A_2910 = arith.index_cast %parallel_loop3A_2909 : i32 to index
        %parallel_loop3A_2911 = arith.index_cast %parallel_loop3A_2887 : i32 to index
        %parallel_loop3A_2912 = arith.constant 48 : index
        %parallel_loop3A_2913 = tpu.vector_load %arg6[%parallel_loop3A_2910, %parallel_loop3A_2911, %parallel_loop3A_2912] {strides = array<i32>} : memref<2x400x64xf32, #tpu.memory_space<vmem>>, vector<1x1x16xf32>,
        %parallel_loop3A_2914 = vector.shape_cast %parallel_loop3A_2913 : vector<1x1x16xf32> to vector<16xf32>
        %parallel_loop3A_2915 = arith.addf %parallel_loop3A_2795, %parallel_loop3A_2914 : vector<16xf32>
        scf.yield %parallel_loop3A_2804, %parallel_loop3A_2811, %parallel_loop3A_2818, %parallel_loop3A_2825, %parallel_loop3A_2834, %parallel_loop3A_2841, %parallel_loop3A_2848, %parallel_loop3A_2855, %parallel_loop3A_2864, %parallel_loop3A_2871, %parallel_loop3A_2878, %parallel_loop3A_2885, %parallel_loop3A_2894, %parallel_loop3A_2901, %parallel_loop3A_2908, %parallel_loop3A_2915 : vector<16xf32>, vector<16xf32>, vector<16xf32>, vector<16xf32>, vector<16xf32>, vector<16xf32>, vector<16xf32>, vector<16xf32>, vector<16xf32>, vector<16xf32>, vector<16xf32>, vector<16xf32>, vector<16xf32>, vector<16xf32>, vector<16xf32>, vector<16xf32>
      } {sc.loop_unroll_factor = 50 : i64, sc.parallel_access}
      %broadcast_in_dim3A_367 = arith.constant 0 : i32
      %broadcast_in_dim3A_368 = vector.broadcast %broadcast_in_dim3A_367 : i32 to vector<16xi32>
      %get3A = arith.constant 0 : i32
      %get3A_369 = arith.constant 0 : i32
      %get3A_370 = arith.index_cast %get3A : i32 to index
      %get3A_371 = arith.index_cast %get3A_369 : i32 to index
      %get3A_372 = arith.constant 0 : index
      %get3A_373 = tpu.vector_load %arg5[%get3A_370, %get3A_371, %get3A_372] {strides = array<i32>} : memref<2x8x50xi32, #tpu.memory_space<vmem>>, vector<1x1x16xi32>,
      %get3A_374 = vector.shape_cast %get3A_373 : vector<1x1x16xi32> to vector<16xi32>
      %ne3A = arith.constant 0 : i32
      %ne3A_375 = vector.broadcast %ne3A : i32 to vector<16xi32>
      %ne3A_376 = arith.cmpi ne, %get3A_374, %ne3A_375 : vector<16xi32>
      %jit3A = arith.constant 1 : i32
      %jit3A_377 = arith.constant 0 : i32
      %broadcast_in_dim3A_378 = vector.broadcast %jit3A : i32 to vector<16xi32>
      %broadcast_in_dim3A_379 = vector.broadcast %jit3A_377 : i32 to vector<16xi32>
      %select_n3A = arith.select %ne3A_376, %broadcast_in_dim3A_378, %broadcast_in_dim3A_379 : vector<16xi1>, vector<16xi32>
      %add3A_380 = arith.addi %broadcast_in_dim3A_368, %select_n3A : vector<16xi32>
      %get3A_381 = arith.constant 0 : i32
      %get3A_382 = arith.constant 0 : i32
      %get3A_383 = arith.index_cast %get3A_381 : i32 to index
      %get3A_384 = arith.index_cast %get3A_382 : i32 to index
      %get3A_385 = arith.constant 16 : index
      %get3A_386 = tpu.vector_load %arg5[%get3A_383, %get3A_384, %get3A_385] {strides = array<i32>} : memref<2x8x50xi32, #tpu.memory_space<vmem>>, vector<1x1x16xi32>,
      %get3A_387 = vector.shape_cast %get3A_386 : vector<1x1x16xi32> to vector<16xi32>
      %ne3A_388 = arith.constant 0 : i32
      %ne3A_389 = vector.broadcast %ne3A_388 : i32 to vector<16xi32>
      %ne3A_390 = arith.cmpi ne, %get3A_387, %ne3A_389 : vector<16xi32>
      %jit3A_391 = arith.constant 1 : i32
      %jit3A_392 = arith.constant 0 : i32
      %broadcast_in_dim3A_393 = vector.broadcast %jit3A_391 : i32 to vector<16xi32>
      %broadcast_in_dim3A_394 = vector.broadcast %jit3A_392 : i32 to vector<16xi32>
      %select_n3A_395 = arith.select %ne3A_390, %broadcast_in_dim3A_393, %broadcast_in_dim3A_394 : vector<16xi1>, vector<16xi32>
      %add3A_396 = arith.addi %add3A_380, %select_n3A_395 : vector<16xi32>
      %get3A_397 = arith.constant 0 : i32
      %get3A_398 = arith.constant 0 : i32
      %get3A_399 = arith.index_cast %get3A_397 : i32 to index
      %get3A_400 = arith.index_cast %get3A_398 : i32 to index
      %get3A_401 = arith.constant 32 : index
      %get3A_402 = tpu.vector_load %arg5[%get3A_399, %get3A_400, %get3A_401] {strides = array<i32>} : memref<2x8x50xi32, #tpu.memory_space<vmem>>, vector<1x1x16xi32>,
      %get3A_403 = vector.shape_cast %get3A_402 : vector<1x1x16xi32> to vector<16xi32>
      %ne3A_404 = arith.constant 0 : i32
      %ne3A_405 = vector.broadcast %ne3A_404 : i32 to vector<16xi32>
      %ne3A_406 = arith.cmpi ne, %get3A_403, %ne3A_405 : vector<16xi32>
      %jit3A_407 = arith.constant 1 : i32
      %jit3A_408 = arith.constant 0 : i32
      %broadcast_in_dim3A_409 = vector.broadcast %jit3A_407 : i32 to vector<16xi32>
      %broadcast_in_dim3A_410 = vector.broadcast %jit3A_408 : i32 to vector<16xi32>
      %select_n3A_411 = arith.select %ne3A_406, %broadcast_in_dim3A_409, %broadcast_in_dim3A_410 : vector<16xi1>, vector<16xi32>
      %add3A_412 = arith.addi %add3A_396, %select_n3A_411 : vector<16xi32>
      %get3A_413 = arith.constant 0 : i32
      %get3A_414 = arith.constant 0 : i32
      %get3A_415 = arith.index_cast %get3A_413 : i32 to index
      %get3A_416 = arith.index_cast %get3A_414 : i32 to index
      %get3A_417 = arith.constant 34 : index
      %get3A_418 = tpu.vector_load %arg5[%get3A_415, %get3A_416, %get3A_417] {strides = array<i32>} : memref<2x8x50xi32, #tpu.memory_space<vmem>>, vector<1x1x16xi32>,
      %get3A_419 = vector.shape_cast %get3A_418 : vector<1x1x16xi32> to vector<16xi32>
      %ne3A_420 = arith.constant 0 : i32
      %ne3A_421 = vector.broadcast %ne3A_420 : i32 to vector<16xi32>
      %ne3A_422 = arith.cmpi ne, %get3A_419, %ne3A_421 : vector<16xi32>
      %ge3A = arith.constant 14 : i32
      %ge3A_423 = vector.broadcast %ge3A : i32 to vector<16xi32>
      %ge3A_424 = arith.cmpi sge, %iota3A, %ge3A_423 : vector<16xi32>
      %and3A = arith.andi %ne3A_422, %ge3A_424 : vector<16xi1>
      %jit3A_425 = arith.constant 1 : i32
      %jit3A_426 = arith.constant 0 : i32
      %broadcast_in_dim3A_427 = vector.broadcast %jit3A_425 : i32 to vector<16xi32>
      %broadcast_in_dim3A_428 = vector.broadcast %jit3A_426 : i32 to vector<16xi32>
      %select_n3A_429 = arith.select %and3A, %broadcast_in_dim3A_427, %broadcast_in_dim3A_428 : vector<16xi1>, vector<16xi32>
      %add3A_430 = arith.addi %add3A_412, %select_n3A_429 : vector<16xi32>
      %convert_element_type3A_431 = arith.sitofp %add3A_430 : vector<16xi32> to vector<16xf32>
      %xor3A = arith.constant 8 : i32
      %xor3A_432 = vector.broadcast %xor3A : i32 to vector<16xi32>
      %xor3A_433 = arith.xori %iota3A, %xor3A_432 : vector<16xi32>
      %broadcast_in_dim3A_434 = vector.shape_cast %xor3A_433 : vector<16xi32> to vector<16x1xi32>
      %gather3A = vector.shape_cast %broadcast_in_dim3A_434 : vector<16x1xi32> to vector<16xi32>
      %gather3A_435 = tpu.dynamic_gather %convert_element_type3A_431[%gather3A] in [0] : vector<16xf32>, vector<16xi32> -> vector<16xf32>
      %add3A_436 = arith.addf %convert_element_type3A_431, %gather3A_435 : vector<16xf32>
      %xor3A_437 = arith.constant 4 : i32
      %xor3A_438 = vector.broadcast %xor3A_437 : i32 to vector<16xi32>
      %xor3A_439 = arith.xori %iota3A, %xor3A_438 : vector<16xi32>
      %broadcast_in_dim3A_440 = vector.shape_cast %xor3A_439 : vector<16xi32> to vector<16x1xi32>
      %gather3A_441 = vector.shape_cast %broadcast_in_dim3A_440 : vector<16x1xi32> to vector<16xi32>
      %gather3A_442 = tpu.dynamic_gather %add3A_436[%gather3A_441] in [0] : vector<16xf32>, vector<16xi32> -> vector<16xf32>
      %add3A_443 = arith.addf %add3A_436, %gather3A_442 : vector<16xf32>
      %xor3A_444 = arith.constant 2 : i32
      %xor3A_445 = vector.broadcast %xor3A_444 : i32 to vector<16xi32>
      %xor3A_446 = arith.xori %iota3A, %xor3A_445 : vector<16xi32>
      %broadcast_in_dim3A_447 = vector.shape_cast %xor3A_446 : vector<16xi32> to vector<16x1xi32>
      %gather3A_448 = vector.shape_cast %broadcast_in_dim3A_447 : vector<16x1xi32> to vector<16xi32>
      %gather3A_449 = tpu.dynamic_gather %add3A_443[%gather3A_448] in [0] : vector<16xf32>, vector<16xi32> -> vector<16xf32>
      %add3A_450 = arith.addf %add3A_443, %gather3A_449 : vector<16xf32>
      %xor3A_451 = arith.constant 1 : i32
      %xor3A_452 = vector.broadcast %xor3A_451 : i32 to vector<16xi32>
      %xor3A_453 = arith.xori %iota3A, %xor3A_452 : vector<16xi32>
      %broadcast_in_dim3A_454 = vector.shape_cast %xor3A_453 : vector<16xi32> to vector<16x1xi32>
      %gather3A_455 = vector.shape_cast %broadcast_in_dim3A_454 : vector<16x1xi32> to vector<16xi32>
      %gather3A_456 = tpu.dynamic_gather %add3A_450[%gather3A_455] in [0] : vector<16xf32>, vector<16xi32> -> vector<16xf32>
      %add3A_457 = arith.addf %add3A_450, %gather3A_456 : vector<16xf32>
      %max3A = arith.constant 9.99999971E-10 : f32
      %max3A_458 = vector.broadcast %max3A : f32 to vector<16xf32>
      %max3A_459 = arith.maximumf %add3A_457, %max3A_458 : vector<16xf32>
      %div3A = arith.constant 1.000000e+00 : f32
      %div3A_460 = vector.broadcast %div3A : f32 to vector<16xf32>
      %div3A_461 = arith.divf %div3A_460, %max3A_459 : vector<16xf32>
      %mul3A_462 = arith.mulf %parallel_loop3A_366#0, %div3A_461 : vector<16xf32>
      %swap3A = arith.constant 0 : i32
      %swap3A_463 = arith.constant 0 : i32
      %swap3A_464 = arith.index_cast %swap3A : i32 to index
      %swap3A_465 = arith.index_cast %swap3A_463 : i32 to index
      %swap3A_466 = arith.constant 0 : index
      %swap3A_467 = tpu.vector_load %arg7[%swap3A_464, %swap3A_465, %swap3A_466] {strides = array<i32>} : memref<2x8x64xf32, #tpu.memory_space<vmem>>, vector<1x1x16xf32>,
      %swap3A_468 = vector.shape_cast %swap3A_467 : vector<1x1x16xf32> to vector<16xf32>
      %swap3A_469 = vector.shape_cast %mul3A_462 : vector<16xf32> to vector<1x1x16xf32>
      tpu.vector_store %arg7[%swap3A_464, %swap3A_465, %swap3A_466], %swap3A_469 {strides = array<i32>} : memref<2x8x64xf32, #tpu.memory_space<vmem>>, vector<1x1x16xf32>,
      %mul3A_470 = arith.mulf %parallel_loop3A_366#1, %div3A_461 : vector<16xf32>
      %swap3A_471 = arith.constant 0 : i32
      %swap3A_472 = arith.constant 0 : i32
      %swap3A_473 = arith.index_cast %swap3A_471 : i32 to index
      %swap3A_474 = arith.index_cast %swap3A_472 : i32 to index
      %swap3A_475 = arith.constant 16 : index
      %swap3A_476 = tpu.vector_load %arg7[%swap3A_473, %swap3A_474, %swap3A_475] {strides = array<i32>} : memref<2x8x64xf32, #tpu.memory_space<vmem>>, vector<1x1x16xf32>,
      %swap3A_477 = vector.shape_cast %swap3A_476 : vector<1x1x16xf32> to vector<16xf32>
      %swap3A_478 = vector.shape_cast %mul3A_470 : vector<16xf32> to vector<1x1x16xf32>
      tpu.vector_store %arg7[%swap3A_473, %swap3A_474, %swap3A_475], %swap3A_478 {strides = array<i32>} : memref<2x8x64xf32, #tpu.memory_space<vmem>>, vector<1x1x16xf32>,
      %mul3A_479 = arith.mulf %parallel_loop3A_366#2, %div3A_461 : vector<16xf32>
      %swap3A_480 = arith.constant 0 : i32
      %swap3A_481 = arith.constant 0 : i32
      %swap3A_482 = arith.index_cast %swap3A_480 : i32 to index
      %swap3A_483 = arith.index_cast %swap3A_481 : i32 to index
      %swap3A_484 = arith.constant 32 : index
      %swap3A_485 = tpu.vector_load %arg7[%swap3A_482, %swap3A_483, %swap3A_484] {strides = array<i32>} : memref<2x8x64xf32, #tpu.memory_space<vmem>>, vector<1x1x16xf32>,
      %swap3A_486 = vector.shape_cast %swap3A_485 : vector<1x1x16xf32> to vector<16xf32>
      %swap3A_487 = vector.shape_cast %mul3A_479 : vector<16xf32> to vector<1x1x16xf32>
      tpu.vector_store %arg7[%swap3A_482, %swap3A_483, %swap3A_484], %swap3A_487 {strides = array<i32>} : memref<2x8x64xf32, #tpu.memory_space<vmem>>, vector<1x1x16xf32>,
      %mul3A_488 = arith.mulf %parallel_loop3A_366#3, %div3A_461 : vector<16xf32>
      %swap3A_489 = arith.constant 0 : i32
      %swap3A_490 = arith.constant 0 : i32
      %swap3A_491 = arith.index_cast %swap3A_489 : i32 to index
      %swap3A_492 = arith.index_cast %swap3A_490 : i32 to index
      %swap3A_493 = arith.constant 48 : index
      %swap3A_494 = tpu.vector_load %arg7[%swap3A_491, %swap3A_492, %swap3A_493] {strides = array<i32>} : memref<2x8x64xf32, #tpu.memory_space<vmem>>, vector<1x1x16xf32>,
      %swap3A_495 = vector.shape_cast %swap3A_494 : vector<1x1x16xf32> to vector<16xf32>
      %swap3A_496 = vector.shape_cast %mul3A_488 : vector<16xf32> to vector<1x1x16xf32>
      tpu.vector_store %arg7[%swap3A_491, %swap3A_492, %swap3A_493], %swap3A_496 {strides = array<i32>} : memref<2x8x64xf32, #tpu.memory_space<vmem>>, vector<1x1x16xf32>,
      %broadcast_in_dim3A_497 = arith.constant 0 : i32
      %broadcast_in_dim3A_498 = vector.broadcast %broadcast_in_dim3A_497 : i32 to vector<16xi32>
      %get3A_499 = arith.constant 0 : i32
      %get3A_500 = arith.constant 1 : i32
      %get3A_501 = arith.index_cast %get3A_499 : i32 to index
      %get3A_502 = arith.index_cast %get3A_500 : i32 to index
      %get3A_503 = arith.constant 0 : index
      %get3A_504 = tpu.vector_load %arg5[%get3A_501, %get3A_502, %get3A_503] {strides = array<i32>} : memref<2x8x50xi32, #tpu.memory_space<vmem>>, vector<1x1x16xi32>,
      %get3A_505 = vector.shape_cast %get3A_504 : vector<1x1x16xi32> to vector<16xi32>
      %ne3A_506 = arith.constant 0 : i32
      %ne3A_507 = vector.broadcast %ne3A_506 : i32 to vector<16xi32>
      %ne3A_508 = arith.cmpi ne, %get3A_505, %ne3A_507 : vector<16xi32>
      %jit3A_509 = arith.constant 1 : i32
      %jit3A_510 = arith.constant 0 : i32
      %broadcast_in_dim3A_511 = vector.broadcast %jit3A_509 : i32 to vector<16xi32>
      %broadcast_in_dim3A_512 = vector.broadcast %jit3A_510 : i32 to vector<16xi32>
      %select_n3A_513 = arith.select %ne3A_508, %broadcast_in_dim3A_511, %broadcast_in_dim3A_512 : vector<16xi1>, vector<16xi32>
      %add3A_514 = arith.addi %broadcast_in_dim3A_498, %select_n3A_513 : vector<16xi32>
      %get3A_515 = arith.constant 0 : i32
      %get3A_516 = arith.constant 1 : i32
      %get3A_517 = arith.index_cast %get3A_515 : i32 to index
      %get3A_518 = arith.index_cast %get3A_516 : i32 to index
      %get3A_519 = arith.constant 16 : index
      %get3A_520 = tpu.vector_load %arg5[%get3A_517, %get3A_518, %get3A_519] {strides = array<i32>} : memref<2x8x50xi32, #tpu.memory_space<vmem>>, vector<1x1x16xi32>,
      %get3A_521 = vector.shape_cast %get3A_520 : vector<1x1x16xi32> to vector<16xi32>
      %ne3A_522 = arith.constant 0 : i32
      %ne3A_523 = vector.broadcast %ne3A_522 : i32 to vector<16xi32>
      %ne3A_524 = arith.cmpi ne, %get3A_521, %ne3A_523 : vector<16xi32>
      %jit3A_525 = arith.constant 1 : i32
      %jit3A_526 = arith.constant 0 : i32
      %broadcast_in_dim3A_527 = vector.broadcast %jit3A_525 : i32 to vector<16xi32>
      %broadcast_in_dim3A_528 = vector.broadcast %jit3A_526 : i32 to vector<16xi32>
      %select_n3A_529 = arith.select %ne3A_524, %broadcast_in_dim3A_527, %broadcast_in_dim3A_528 : vector<16xi1>, vector<16xi32>
      %add3A_530 = arith.addi %add3A_514, %select_n3A_529 : vector<16xi32>
      %get3A_531 = arith.constant 0 : i32
      %get3A_532 = arith.constant 1 : i32
      %get3A_533 = arith.index_cast %get3A_531 : i32 to index
      %get3A_534 = arith.index_cast %get3A_532 : i32 to index
      %get3A_535 = arith.constant 32 : index
      %get3A_536 = tpu.vector_load %arg5[%get3A_533, %get3A_534, %get3A_535] {strides = array<i32>} : memref<2x8x50xi32, #tpu.memory_space<vmem>>, vector<1x1x16xi32>,
      %get3A_537 = vector.shape_cast %get3A_536 : vector<1x1x16xi32> to vector<16xi32>
      %ne3A_538 = arith.constant 0 : i32
      %ne3A_539 = vector.broadcast %ne3A_538 : i32 to vector<16xi32>
      %ne3A_540 = arith.cmpi ne, %get3A_537, %ne3A_539 : vector<16xi32>
      %jit3A_541 = arith.constant 1 : i32
      %jit3A_542 = arith.constant 0 : i32
      %broadcast_in_dim3A_543 = vector.broadcast %jit3A_541 : i32 to vector<16xi32>
      %broadcast_in_dim3A_544 = vector.broadcast %jit3A_542 : i32 to vector<16xi32>
      %select_n3A_545 = arith.select %ne3A_540, %broadcast_in_dim3A_543, %broadcast_in_dim3A_544 : vector<16xi1>, vector<16xi32>
      %add3A_546 = arith.addi %add3A_530, %select_n3A_545 : vector<16xi32>
      %get3A_547 = arith.constant 0 : i32
      %get3A_548 = arith.constant 1 : i32
      %get3A_549 = arith.index_cast %get3A_547 : i32 to index
      %get3A_550 = arith.index_cast %get3A_548 : i32 to index
      %get3A_551 = arith.constant 34 : index
      %get3A_552 = tpu.vector_load %arg5[%get3A_549, %get3A_550, %get3A_551] {strides = array<i32>} : memref<2x8x50xi32, #tpu.memory_space<vmem>>, vector<1x1x16xi32>,
      %get3A_553 = vector.shape_cast %get3A_552 : vector<1x1x16xi32> to vector<16xi32>
      %ne3A_554 = arith.constant 0 : i32
      %ne3A_555 = vector.broadcast %ne3A_554 : i32 to vector<16xi32>
      %ne3A_556 = arith.cmpi ne, %get3A_553, %ne3A_555 : vector<16xi32>
      %ge3A_557 = arith.constant 14 : i32
      %ge3A_558 = vector.broadcast %ge3A_557 : i32 to vector<16xi32>
      %ge3A_559 = arith.cmpi sge, %iota3A, %ge3A_558 : vector<16xi32>
      %and3A_560 = arith.andi %ne3A_556, %ge3A_559 : vector<16xi1>
      %jit3A_561 = arith.constant 1 : i32
      %jit3A_562 = arith.constant 0 : i32
      %broadcast_in_dim3A_563 = vector.broadcast %jit3A_561 : i32 to vector<16xi32>
      %broadcast_in_dim3A_564 = vector.broadcast %jit3A_562 : i32 to vector<16xi32>
      %select_n3A_565 = arith.select %and3A_560, %broadcast_in_dim3A_563, %broadcast_in_dim3A_564 : vector<16xi1>, vector<16xi32>
      %add3A_566 = arith.addi %add3A_546, %select_n3A_565 : vector<16xi32>
      %convert_element_type3A_567 = arith.sitofp %add3A_566 : vector<16xi32> to vector<16xf32>
      %xor3A_568 = arith.constant 8 : i32
      %xor3A_569 = vector.broadcast %xor3A_568 : i32 to vector<16xi32>
      %xor3A_570 = arith.xori %iota3A, %xor3A_569 : vector<16xi32>
      %broadcast_in_dim3A_571 = vector.shape_cast %xor3A_570 : vector<16xi32> to vector<16x1xi32>
      %gather3A_572 = vector.shape_cast %broadcast_in_dim3A_571 : vector<16x1xi32> to vector<16xi32>
      %gather3A_573 = tpu.dynamic_gather %convert_element_type3A_567[%gather3A_572] in [0] : vector<16xf32>, vector<16xi32> -> vector<16xf32>
      %add3A_574 = arith.addf %convert_element_type3A_567, %gather3A_573 : vector<16xf32>
      %xor3A_575 = arith.constant 4 : i32
      %xor3A_576 = vector.broadcast %xor3A_575 : i32 to vector<16xi32>
      %xor3A_577 = arith.xori %iota3A, %xor3A_576 : vector<16xi32>
      %broadcast_in_dim3A_578 = vector.shape_cast %xor3A_577 : vector<16xi32> to vector<16x1xi32>
      %gather3A_579 = vector.shape_cast %broadcast_in_dim3A_578 : vector<16x1xi32> to vector<16xi32>
      %gather3A_580 = tpu.dynamic_gather %add3A_574[%gather3A_579] in [0] : vector<16xf32>, vector<16xi32> -> vector<16xf32>
      %add3A_581 = arith.addf %add3A_574, %gather3A_580 : vector<16xf32>
      %xor3A_582 = arith.constant 2 : i32
      %xor3A_583 = vector.broadcast %xor3A_582 : i32 to vector<16xi32>
      %xor3A_584 = arith.xori %iota3A, %xor3A_583 : vector<16xi32>
      %broadcast_in_dim3A_585 = vector.shape_cast %xor3A_584 : vector<16xi32> to vector<16x1xi32>
      %gather3A_586 = vector.shape_cast %broadcast_in_dim3A_585 : vector<16x1xi32> to vector<16xi32>
      %gather3A_587 = tpu.dynamic_gather %add3A_581[%gather3A_586] in [0] : vector<16xf32>, vector<16xi32> -> vector<16xf32>
      %add3A_588 = arith.addf %add3A_581, %gather3A_587 : vector<16xf32>
      %xor3A_589 = arith.constant 1 : i32
      %xor3A_590 = vector.broadcast %xor3A_589 : i32 to vector<16xi32>
      %xor3A_591 = arith.xori %iota3A, %xor3A_590 : vector<16xi32>
      %broadcast_in_dim3A_592 = vector.shape_cast %xor3A_591 : vector<16xi32> to vector<16x1xi32>
      %gather3A_593 = vector.shape_cast %broadcast_in_dim3A_592 : vector<16x1xi32> to vector<16xi32>
      %gather3A_594 = tpu.dynamic_gather %add3A_588[%gather3A_593] in [0] : vector<16xf32>, vector<16xi32> -> vector<16xf32>
      %add3A_595 = arith.addf %add3A_588, %gather3A_594 : vector<16xf32>
      %max3A_596 = arith.constant 9.99999971E-10 : f32
      %max3A_597 = vector.broadcast %max3A_596 : f32 to vector<16xf32>
      %max3A_598 = arith.maximumf %add3A_595, %max3A_597 : vector<16xf32>
      %div3A_599 = arith.constant 1.000000e+00 : f32
      %div3A_600 = vector.broadcast %div3A_599 : f32 to vector<16xf32>
      %div3A_601 = arith.divf %div3A_600, %max3A_598 : vector<16xf32>
      %mul3A_602 = arith.mulf %parallel_loop3A_366#4, %div3A_601 : vector<16xf32>
      %swap3A_603 = arith.constant 0 : i32
      %swap3A_604 = arith.constant 1 : i32
      %swap3A_605 = arith.index_cast %swap3A_603 : i32 to index
      %swap3A_606 = arith.index_cast %swap3A_604 : i32 to index
      %swap3A_607 = arith.constant 0 : index
      %swap3A_608 = tpu.vector_load %arg7[%swap3A_605, %swap3A_606, %swap3A_607] {strides = array<i32>} : memref<2x8x64xf32, #tpu.memory_space<vmem>>, vector<1x1x16xf32>,
      %swap3A_609 = vector.shape_cast %swap3A_608 : vector<1x1x16xf32> to vector<16xf32>
      %swap3A_610 = vector.shape_cast %mul3A_602 : vector<16xf32> to vector<1x1x16xf32>
      tpu.vector_store %arg7[%swap3A_605, %swap3A_606, %swap3A_607], %swap3A_610 {strides = array<i32>} : memref<2x8x64xf32, #tpu.memory_space<vmem>>, vector<1x1x16xf32>,
      %mul3A_611 = arith.mulf %parallel_loop3A_366#5, %div3A_601 : vector<16xf32>
      %swap3A_612 = arith.constant 0 : i32
      %swap3A_613 = arith.constant 1 : i32
      %swap3A_614 = arith.index_cast %swap3A_612 : i32 to index
      %swap3A_615 = arith.index_cast %swap3A_613 : i32 to index
      %swap3A_616 = arith.constant 16 : index
      %swap3A_617 = tpu.vector_load %arg7[%swap3A_614, %swap3A_615, %swap3A_616] {strides = array<i32>} : memref<2x8x64xf32, #tpu.memory_space<vmem>>, vector<1x1x16xf32>,
      %swap3A_618 = vector.shape_cast %swap3A_617 : vector<1x1x16xf32> to vector<16xf32>
      %swap3A_619 = vector.shape_cast %mul3A_611 : vector<16xf32> to vector<1x1x16xf32>
      tpu.vector_store %arg7[%swap3A_614, %swap3A_615, %swap3A_616], %swap3A_619 {strides = array<i32>} : memref<2x8x64xf32, #tpu.memory_space<vmem>>, vector<1x1x16xf32>,
      %mul3A_620 = arith.mulf %parallel_loop3A_366#6, %div3A_601 : vector<16xf32>
      %swap3A_621 = arith.constant 0 : i32
      %swap3A_622 = arith.constant 1 : i32
      %swap3A_623 = arith.index_cast %swap3A_621 : i32 to index
      %swap3A_624 = arith.index_cast %swap3A_622 : i32 to index
      %swap3A_625 = arith.constant 32 : index
      %swap3A_626 = tpu.vector_load %arg7[%swap3A_623, %swap3A_624, %swap3A_625] {strides = array<i32>} : memref<2x8x64xf32, #tpu.memory_space<vmem>>, vector<1x1x16xf32>,
      %swap3A_627 = vector.shape_cast %swap3A_626 : vector<1x1x16xf32> to vector<16xf32>
      %swap3A_628 = vector.shape_cast %mul3A_620 : vector<16xf32> to vector<1x1x16xf32>
      tpu.vector_store %arg7[%swap3A_623, %swap3A_624, %swap3A_625], %swap3A_628 {strides = array<i32>} : memref<2x8x64xf32, #tpu.memory_space<vmem>>, vector<1x1x16xf32>,
      %mul3A_629 = arith.mulf %parallel_loop3A_366#7, %div3A_601 : vector<16xf32>
      %swap3A_630 = arith.constant 0 : i32
      %swap3A_631 = arith.constant 1 : i32
      %swap3A_632 = arith.index_cast %swap3A_630 : i32 to index
      %swap3A_633 = arith.index_cast %swap3A_631 : i32 to index
      %swap3A_634 = arith.constant 48 : index
      %swap3A_635 = tpu.vector_load %arg7[%swap3A_632, %swap3A_633, %swap3A_634] {strides = array<i32>} : memref<2x8x64xf32, #tpu.memory_space<vmem>>, vector<1x1x16xf32>,
      %swap3A_636 = vector.shape_cast %swap3A_635 : vector<1x1x16xf32> to vector<16xf32>
      %swap3A_637 = vector.shape_cast %mul3A_629 : vector<16xf32> to vector<1x1x16xf32>
      tpu.vector_store %arg7[%swap3A_632, %swap3A_633, %swap3A_634], %swap3A_637 {strides = array<i32>} : memref<2x8x64xf32, #tpu.memory_space<vmem>>, vector<1x1x16xf32>,
      %broadcast_in_dim3A_638 = arith.constant 0 : i32
      %broadcast_in_dim3A_639 = vector.broadcast %broadcast_in_dim3A_638 : i32 to vector<16xi32>
      %get3A_640 = arith.constant 0 : i32
      %get3A_641 = arith.constant 2 : i32
      %get3A_642 = arith.index_cast %get3A_640 : i32 to index
      %get3A_643 = arith.index_cast %get3A_641 : i32 to index
      %get3A_644 = arith.constant 0 : index
      %get3A_645 = tpu.vector_load %arg5[%get3A_642, %get3A_643, %get3A_644] {strides = array<i32>} : memref<2x8x50xi32, #tpu.memory_space<vmem>>, vector<1x1x16xi32>,
      %get3A_646 = vector.shape_cast %get3A_645 : vector<1x1x16xi32> to vector<16xi32>
      %ne3A_647 = arith.constant 0 : i32
      %ne3A_648 = vector.broadcast %ne3A_647 : i32 to vector<16xi32>
      %ne3A_649 = arith.cmpi ne, %get3A_646, %ne3A_648 : vector<16xi32>
      %jit3A_650 = arith.constant 1 : i32
      %jit3A_651 = arith.constant 0 : i32
      %broadcast_in_dim3A_652 = vector.broadcast %jit3A_650 : i32 to vector<16xi32>
      %broadcast_in_dim3A_653 = vector.broadcast %jit3A_651 : i32 to vector<16xi32>
      %select_n3A_654 = arith.select %ne3A_649, %broadcast_in_dim3A_652, %broadcast_in_dim3A_653 : vector<16xi1>, vector<16xi32>
      %add3A_655 = arith.addi %broadcast_in_dim3A_639, %select_n3A_654 : vector<16xi32>
      %get3A_656 = arith.constant 0 : i32
      %get3A_657 = arith.constant 2 : i32
      %get3A_658 = arith.index_cast %get3A_656 : i32 to index
      %get3A_659 = arith.index_cast %get3A_657 : i32 to index
      %get3A_660 = arith.constant 16 : index
      %get3A_661 = tpu.vector_load %arg5[%get3A_658, %get3A_659, %get3A_660] {strides = array<i32>} : memref<2x8x50xi32, #tpu.memory_space<vmem>>, vector<1x1x16xi32>,
      %get3A_662 = vector.shape_cast %get3A_661 : vector<1x1x16xi32> to vector<16xi32>
      %ne3A_663 = arith.constant 0 : i32
      %ne3A_664 = vector.broadcast %ne3A_663 : i32 to vector<16xi32>
      %ne3A_665 = arith.cmpi ne, %get3A_662, %ne3A_664 : vector<16xi32>
      %jit3A_666 = arith.constant 1 : i32
      %jit3A_667 = arith.constant 0 : i32
      %broadcast_in_dim3A_668 = vector.broadcast %jit3A_666 : i32 to vector<16xi32>
      %broadcast_in_dim3A_669 = vector.broadcast %jit3A_667 : i32 to vector<16xi32>
      %select_n3A_670 = arith.select %ne3A_665, %broadcast_in_dim3A_668, %broadcast_in_dim3A_669 : vector<16xi1>, vector<16xi32>
      %add3A_671 = arith.addi %add3A_655, %select_n3A_670 : vector<16xi32>
      %get3A_672 = arith.constant 0 : i32
      %get3A_673 = arith.constant 2 : i32
      %get3A_674 = arith.index_cast %get3A_672 : i32 to index
      %get3A_675 = arith.index_cast %get3A_673 : i32 to index
      %get3A_676 = arith.constant 32 : index
      %get3A_677 = tpu.vector_load %arg5[%get3A_674, %get3A_675, %get3A_676] {strides = array<i32>} : memref<2x8x50xi32, #tpu.memory_space<vmem>>, vector<1x1x16xi32>,
      %get3A_678 = vector.shape_cast %get3A_677 : vector<1x1x16xi32> to vector<16xi32>
      %ne3A_679 = arith.constant 0 : i32
      %ne3A_680 = vector.broadcast %ne3A_679 : i32 to vector<16xi32>
      %ne3A_681 = arith.cmpi ne, %get3A_678, %ne3A_680 : vector<16xi32>
      %jit3A_682 = arith.constant 1 : i32
      %jit3A_683 = arith.constant 0 : i32
      %broadcast_in_dim3A_684 = vector.broadcast %jit3A_682 : i32 to vector<16xi32>
      %broadcast_in_dim3A_685 = vector.broadcast %jit3A_683 : i32 to vector<16xi32>
      %select_n3A_686 = arith.select %ne3A_681, %broadcast_in_dim3A_684, %broadcast_in_dim3A_685 : vector<16xi1>, vector<16xi32>
      %add3A_687 = arith.addi %add3A_671, %select_n3A_686 : vector<16xi32>
      %get3A_688 = arith.constant 0 : i32
      %get3A_689 = arith.constant 2 : i32
      %get3A_690 = arith.index_cast %get3A_688 : i32 to index
      %get3A_691 = arith.index_cast %get3A_689 : i32 to index
      %get3A_692 = arith.constant 34 : index
      %get3A_693 = tpu.vector_load %arg5[%get3A_690, %get3A_691, %get3A_692] {strides = array<i32>} : memref<2x8x50xi32, #tpu.memory_space<vmem>>, vector<1x1x16xi32>,
      %get3A_694 = vector.shape_cast %get3A_693 : vector<1x1x16xi32> to vector<16xi32>
      %ne3A_695 = arith.constant 0 : i32
      %ne3A_696 = vector.broadcast %ne3A_695 : i32 to vector<16xi32>
      %ne3A_697 = arith.cmpi ne, %get3A_694, %ne3A_696 : vector<16xi32>
      %ge3A_698 = arith.constant 14 : i32
      %ge3A_699 = vector.broadcast %ge3A_698 : i32 to vector<16xi32>
      %ge3A_700 = arith.cmpi sge, %iota3A, %ge3A_699 : vector<16xi32>
      %and3A_701 = arith.andi %ne3A_697, %ge3A_700 : vector<16xi1>
      %jit3A_702 = arith.constant 1 : i32
      %jit3A_703 = arith.constant 0 : i32
      %broadcast_in_dim3A_704 = vector.broadcast %jit3A_702 : i32 to vector<16xi32>
      %broadcast_in_dim3A_705 = vector.broadcast %jit3A_703 : i32 to vector<16xi32>
      %select_n3A_706 = arith.select %and3A_701, %broadcast_in_dim3A_704, %broadcast_in_dim3A_705 : vector<16xi1>, vector<16xi32>
      %add3A_707 = arith.addi %add3A_687, %select_n3A_706 : vector<16xi32>
      %convert_element_type3A_708 = arith.sitofp %add3A_707 : vector<16xi32> to vector<16xf32>
      %xor3A_709 = arith.constant 8 : i32
      %xor3A_710 = vector.broadcast %xor3A_709 : i32 to vector<16xi32>
      %xor3A_711 = arith.xori %iota3A, %xor3A_710 : vector<16xi32>
      %broadcast_in_dim3A_712 = vector.shape_cast %xor3A_711 : vector<16xi32> to vector<16x1xi32>
      %gather3A_713 = vector.shape_cast %broadcast_in_dim3A_712 : vector<16x1xi32> to vector<16xi32>
      %gather3A_714 = tpu.dynamic_gather %convert_element_type3A_708[%gather3A_713] in [0] : vector<16xf32>, vector<16xi32> -> vector<16xf32>
      %add3A_715 = arith.addf %convert_element_type3A_708, %gather3A_714 : vector<16xf32>
      %xor3A_716 = arith.constant 4 : i32
      %xor3A_717 = vector.broadcast %xor3A_716 : i32 to vector<16xi32>
      %xor3A_718 = arith.xori %iota3A, %xor3A_717 : vector<16xi32>
      %broadcast_in_dim3A_719 = vector.shape_cast %xor3A_718 : vector<16xi32> to vector<16x1xi32>
      %gather3A_720 = vector.shape_cast %broadcast_in_dim3A_719 : vector<16x1xi32> to vector<16xi32>
      %gather3A_721 = tpu.dynamic_gather %add3A_715[%gather3A_720] in [0] : vector<16xf32>, vector<16xi32> -> vector<16xf32>
      %add3A_722 = arith.addf %add3A_715, %gather3A_721 : vector<16xf32>
      %xor3A_723 = arith.constant 2 : i32
      %xor3A_724 = vector.broadcast %xor3A_723 : i32 to vector<16xi32>
      %xor3A_725 = arith.xori %iota3A, %xor3A_724 : vector<16xi32>
      %broadcast_in_dim3A_726 = vector.shape_cast %xor3A_725 : vector<16xi32> to vector<16x1xi32>
      %gather3A_727 = vector.shape_cast %broadcast_in_dim3A_726 : vector<16x1xi32> to vector<16xi32>
      %gather3A_728 = tpu.dynamic_gather %add3A_722[%gather3A_727] in [0] : vector<16xf32>, vector<16xi32> -> vector<16xf32>
      %add3A_729 = arith.addf %add3A_722, %gather3A_728 : vector<16xf32>
      %xor3A_730 = arith.constant 1 : i32
      %xor3A_731 = vector.broadcast %xor3A_730 : i32 to vector<16xi32>
      %xor3A_732 = arith.xori %iota3A, %xor3A_731 : vector<16xi32>
      %broadcast_in_dim3A_733 = vector.shape_cast %xor3A_732 : vector<16xi32> to vector<16x1xi32>
      %gather3A_734 = vector.shape_cast %broadcast_in_dim3A_733 : vector<16x1xi32> to vector<16xi32>
      %gather3A_735 = tpu.dynamic_gather %add3A_729[%gather3A_734] in [0] : vector<16xf32>, vector<16xi32> -> vector<16xf32>
      %add3A_736 = arith.addf %add3A_729, %gather3A_735 : vector<16xf32>
      %max3A_737 = arith.constant 9.99999971E-10 : f32
      %max3A_738 = vector.broadcast %max3A_737 : f32 to vector<16xf32>
      %max3A_739 = arith.maximumf %add3A_736, %max3A_738 : vector<16xf32>
      %div3A_740 = arith.constant 1.000000e+00 : f32
      %div3A_741 = vector.broadcast %div3A_740 : f32 to vector<16xf32>
      %div3A_742 = arith.divf %div3A_741, %max3A_739 : vector<16xf32>
      %mul3A_743 = arith.mulf %parallel_loop3A_366#8, %div3A_742 : vector<16xf32>
      %swap3A_744 = arith.constant 0 : i32
      %swap3A_745 = arith.constant 2 : i32
      %swap3A_746 = arith.index_cast %swap3A_744 : i32 to index
      %swap3A_747 = arith.index_cast %swap3A_745 : i32 to index
      %swap3A_748 = arith.constant 0 : index
      %swap3A_749 = tpu.vector_load %arg7[%swap3A_746, %swap3A_747, %swap3A_748] {strides = array<i32>} : memref<2x8x64xf32, #tpu.memory_space<vmem>>, vector<1x1x16xf32>,
      %swap3A_750 = vector.shape_cast %swap3A_749 : vector<1x1x16xf32> to vector<16xf32>
      %swap3A_751 = vector.shape_cast %mul3A_743 : vector<16xf32> to vector<1x1x16xf32>
      tpu.vector_store %arg7[%swap3A_746, %swap3A_747, %swap3A_748], %swap3A_751 {strides = array<i32>} : memref<2x8x64xf32, #tpu.memory_space<vmem>>, vector<1x1x16xf32>,
      %mul3A_752 = arith.mulf %parallel_loop3A_366#9, %div3A_742 : vector<16xf32>
      %swap3A_753 = arith.constant 0 : i32
      %swap3A_754 = arith.constant 2 : i32
      %swap3A_755 = arith.index_cast %swap3A_753 : i32 to index
      %swap3A_756 = arith.index_cast %swap3A_754 : i32 to index
      %swap3A_757 = arith.constant 16 : index
      %swap3A_758 = tpu.vector_load %arg7[%swap3A_755, %swap3A_756, %swap3A_757] {strides = array<i32>} : memref<2x8x64xf32, #tpu.memory_space<vmem>>, vector<1x1x16xf32>,
      %swap3A_759 = vector.shape_cast %swap3A_758 : vector<1x1x16xf32> to vector<16xf32>
      %swap3A_760 = vector.shape_cast %mul3A_752 : vector<16xf32> to vector<1x1x16xf32>
      tpu.vector_store %arg7[%swap3A_755, %swap3A_756, %swap3A_757], %swap3A_760 {strides = array<i32>} : memref<2x8x64xf32, #tpu.memory_space<vmem>>, vector<1x1x16xf32>,
      %mul3A_761 = arith.mulf %parallel_loop3A_366#10, %div3A_742 : vector<16xf32>
      %swap3A_762 = arith.constant 0 : i32
      %swap3A_763 = arith.constant 2 : i32
      %swap3A_764 = arith.index_cast %swap3A_762 : i32 to index
      %swap3A_765 = arith.index_cast %swap3A_763 : i32 to index
      %swap3A_766 = arith.constant 32 : index
      %swap3A_767 = tpu.vector_load %arg7[%swap3A_764, %swap3A_765, %swap3A_766] {strides = array<i32>} : memref<2x8x64xf32, #tpu.memory_space<vmem>>, vector<1x1x16xf32>,
      %swap3A_768 = vector.shape_cast %swap3A_767 : vector<1x1x16xf32> to vector<16xf32>
      %swap3A_769 = vector.shape_cast %mul3A_761 : vector<16xf32> to vector<1x1x16xf32>
      tpu.vector_store %arg7[%swap3A_764, %swap3A_765, %swap3A_766], %swap3A_769 {strides = array<i32>} : memref<2x8x64xf32, #tpu.memory_space<vmem>>, vector<1x1x16xf32>,
      %mul3A_770 = arith.mulf %parallel_loop3A_366#11, %div3A_742 : vector<16xf32>
      %swap3A_771 = arith.constant 0 : i32
      %swap3A_772 = arith.constant 2 : i32
      %swap3A_773 = arith.index_cast %swap3A_771 : i32 to index
      %swap3A_774 = arith.index_cast %swap3A_772 : i32 to index
      %swap3A_775 = arith.constant 48 : index
      %swap3A_776 = tpu.vector_load %arg7[%swap3A_773, %swap3A_774, %swap3A_775] {strides = array<i32>} : memref<2x8x64xf32, #tpu.memory_space<vmem>>, vector<1x1x16xf32>,
      %swap3A_777 = vector.shape_cast %swap3A_776 : vector<1x1x16xf32> to vector<16xf32>
      %swap3A_778 = vector.shape_cast %mul3A_770 : vector<16xf32> to vector<1x1x16xf32>
      tpu.vector_store %arg7[%swap3A_773, %swap3A_774, %swap3A_775], %swap3A_778 {strides = array<i32>} : memref<2x8x64xf32, #tpu.memory_space<vmem>>, vector<1x1x16xf32>,
      %broadcast_in_dim3A_779 = arith.constant 0 : i32
      %broadcast_in_dim3A_780 = vector.broadcast %broadcast_in_dim3A_779 : i32 to vector<16xi32>
      %get3A_781 = arith.constant 0 : i32
      %get3A_782 = arith.constant 3 : i32
      %get3A_783 = arith.index_cast %get3A_781 : i32 to index
      %get3A_784 = arith.index_cast %get3A_782 : i32 to index
      %get3A_785 = arith.constant 0 : index
      %get3A_786 = tpu.vector_load %arg5[%get3A_783, %get3A_784, %get3A_785] {strides = array<i32>} : memref<2x8x50xi32, #tpu.memory_space<vmem>>, vector<1x1x16xi32>,
      %get3A_787 = vector.shape_cast %get3A_786 : vector<1x1x16xi32> to vector<16xi32>
      %ne3A_788 = arith.constant 0 : i32
      %ne3A_789 = vector.broadcast %ne3A_788 : i32 to vector<16xi32>
      %ne3A_790 = arith.cmpi ne, %get3A_787, %ne3A_789 : vector<16xi32>
      %jit3A_791 = arith.constant 1 : i32
      %jit3A_792 = arith.constant 0 : i32
      %broadcast_in_dim3A_793 = vector.broadcast %jit3A_791 : i32 to vector<16xi32>
      %broadcast_in_dim3A_794 = vector.broadcast %jit3A_792 : i32 to vector<16xi32>
      %select_n3A_795 = arith.select %ne3A_790, %broadcast_in_dim3A_793, %broadcast_in_dim3A_794 : vector<16xi1>, vector<16xi32>
      %add3A_796 = arith.addi %broadcast_in_dim3A_780, %select_n3A_795 : vector<16xi32>
      %get3A_797 = arith.constant 0 : i32
      %get3A_798 = arith.constant 3 : i32
      %get3A_799 = arith.index_cast %get3A_797 : i32 to index
      %get3A_800 = arith.index_cast %get3A_798 : i32 to index
      %get3A_801 = arith.constant 16 : index
      %get3A_802 = tpu.vector_load %arg5[%get3A_799, %get3A_800, %get3A_801] {strides = array<i32>} : memref<2x8x50xi32, #tpu.memory_space<vmem>>, vector<1x1x16xi32>,
      %get3A_803 = vector.shape_cast %get3A_802 : vector<1x1x16xi32> to vector<16xi32>
      %ne3A_804 = arith.constant 0 : i32
      %ne3A_805 = vector.broadcast %ne3A_804 : i32 to vector<16xi32>
      %ne3A_806 = arith.cmpi ne, %get3A_803, %ne3A_805 : vector<16xi32>
      %jit3A_807 = arith.constant 1 : i32
      %jit3A_808 = arith.constant 0 : i32
      %broadcast_in_dim3A_809 = vector.broadcast %jit3A_807 : i32 to vector<16xi32>
      %broadcast_in_dim3A_810 = vector.broadcast %jit3A_808 : i32 to vector<16xi32>
      %select_n3A_811 = arith.select %ne3A_806, %broadcast_in_dim3A_809, %broadcast_in_dim3A_810 : vector<16xi1>, vector<16xi32>
      %add3A_812 = arith.addi %add3A_796, %select_n3A_811 : vector<16xi32>
      %get3A_813 = arith.constant 0 : i32
      %get3A_814 = arith.constant 3 : i32
      %get3A_815 = arith.index_cast %get3A_813 : i32 to index
      %get3A_816 = arith.index_cast %get3A_814 : i32 to index
      %get3A_817 = arith.constant 32 : index
      %get3A_818 = tpu.vector_load %arg5[%get3A_815, %get3A_816, %get3A_817] {strides = array<i32>} : memref<2x8x50xi32, #tpu.memory_space<vmem>>, vector<1x1x16xi32>,
      %get3A_819 = vector.shape_cast %get3A_818 : vector<1x1x16xi32> to vector<16xi32>
      %ne3A_820 = arith.constant 0 : i32
      %ne3A_821 = vector.broadcast %ne3A_820 : i32 to vector<16xi32>
      %ne3A_822 = arith.cmpi ne, %get3A_819, %ne3A_821 : vector<16xi32>
      %jit3A_823 = arith.constant 1 : i32
      %jit3A_824 = arith.constant 0 : i32
      %broadcast_in_dim3A_825 = vector.broadcast %jit3A_823 : i32 to vector<16xi32>
      %broadcast_in_dim3A_826 = vector.broadcast %jit3A_824 : i32 to vector<16xi32>
      %select_n3A_827 = arith.select %ne3A_822, %broadcast_in_dim3A_825, %broadcast_in_dim3A_826 : vector<16xi1>, vector<16xi32>
      %add3A_828 = arith.addi %add3A_812, %select_n3A_827 : vector<16xi32>
      %get3A_829 = arith.constant 0 : i32
      %get3A_830 = arith.constant 3 : i32
      %get3A_831 = arith.index_cast %get3A_829 : i32 to index
      %get3A_832 = arith.index_cast %get3A_830 : i32 to index
      %get3A_833 = arith.constant 34 : index
      %get3A_834 = tpu.vector_load %arg5[%get3A_831, %get3A_832, %get3A_833] {strides = array<i32>} : memref<2x8x50xi32, #tpu.memory_space<vmem>>, vector<1x1x16xi32>,
      %get3A_835 = vector.shape_cast %get3A_834 : vector<1x1x16xi32> to vector<16xi32>
      %ne3A_836 = arith.constant 0 : i32
      %ne3A_837 = vector.broadcast %ne3A_836 : i32 to vector<16xi32>
      %ne3A_838 = arith.cmpi ne, %get3A_835, %ne3A_837 : vector<16xi32>
      %ge3A_839 = arith.constant 14 : i32
      %ge3A_840 = vector.broadcast %ge3A_839 : i32 to vector<16xi32>
      %ge3A_841 = arith.cmpi sge, %iota3A, %ge3A_840 : vector<16xi32>
      %and3A_842 = arith.andi %ne3A_838, %ge3A_841 : vector<16xi1>
      %jit3A_843 = arith.constant 1 : i32
      %jit3A_844 = arith.constant 0 : i32
      %broadcast_in_dim3A_845 = vector.broadcast %jit3A_843 : i32 to vector<16xi32>
      %broadcast_in_dim3A_846 = vector.broadcast %jit3A_844 : i32 to vector<16xi32>
      %select_n3A_847 = arith.select %and3A_842, %broadcast_in_dim3A_845, %broadcast_in_dim3A_846 : vector<16xi1>, vector<16xi32>
      %add3A_848 = arith.addi %add3A_828, %select_n3A_847 : vector<16xi32>
      %convert_element_type3A_849 = arith.sitofp %add3A_848 : vector<16xi32> to vector<16xf32>
      %xor3A_850 = arith.constant 8 : i32
      %xor3A_851 = vector.broadcast %xor3A_850 : i32 to vector<16xi32>
      %xor3A_852 = arith.xori %iota3A, %xor3A_851 : vector<16xi32>
      %broadcast_in_dim3A_853 = vector.shape_cast %xor3A_852 : vector<16xi32> to vector<16x1xi32>
      %gather3A_854 = vector.shape_cast %broadcast_in_dim3A_853 : vector<16x1xi32> to vector<16xi32>
      %gather3A_855 = tpu.dynamic_gather %convert_element_type3A_849[%gather3A_854] in [0] : vector<16xf32>, vector<16xi32> -> vector<16xf32>
      %add3A_856 = arith.addf %convert_element_type3A_849, %gather3A_855 : vector<16xf32>
      %xor3A_857 = arith.constant 4 : i32
      %xor3A_858 = vector.broadcast %xor3A_857 : i32 to vector<16xi32>
      %xor3A_859 = arith.xori %iota3A, %xor3A_858 : vector<16xi32>
      %broadcast_in_dim3A_860 = vector.shape_cast %xor3A_859 : vector<16xi32> to vector<16x1xi32>
      %gather3A_861 = vector.shape_cast %broadcast_in_dim3A_860 : vector<16x1xi32> to vector<16xi32>
      %gather3A_862 = tpu.dynamic_gather %add3A_856[%gather3A_861] in [0] : vector<16xf32>, vector<16xi32> -> vector<16xf32>
      %add3A_863 = arith.addf %add3A_856, %gather3A_862 : vector<16xf32>
      %xor3A_864 = arith.constant 2 : i32
      %xor3A_865 = vector.broadcast %xor3A_864 : i32 to vector<16xi32>
      %xor3A_866 = arith.xori %iota3A, %xor3A_865 : vector<16xi32>
      %broadcast_in_dim3A_867 = vector.shape_cast %xor3A_866 : vector<16xi32> to vector<16x1xi32>
      %gather3A_868 = vector.shape_cast %broadcast_in_dim3A_867 : vector<16x1xi32> to vector<16xi32>
      %gather3A_869 = tpu.dynamic_gather %add3A_863[%gather3A_868] in [0] : vector<16xf32>, vector<16xi32> -> vector<16xf32>
      %add3A_870 = arith.addf %add3A_863, %gather3A_869 : vector<16xf32>
      %xor3A_871 = arith.constant 1 : i32
      %xor3A_872 = vector.broadcast %xor3A_871 : i32 to vector<16xi32>
      %xor3A_873 = arith.xori %iota3A, %xor3A_872 : vector<16xi32>
      %broadcast_in_dim3A_874 = vector.shape_cast %xor3A_873 : vector<16xi32> to vector<16x1xi32>
      %gather3A_875 = vector.shape_cast %broadcast_in_dim3A_874 : vector<16x1xi32> to vector<16xi32>
      %gather3A_876 = tpu.dynamic_gather %add3A_870[%gather3A_875] in [0] : vector<16xf32>, vector<16xi32> -> vector<16xf32>
      %add3A_877 = arith.addf %add3A_870, %gather3A_876 : vector<16xf32>
      %max3A_878 = arith.constant 9.99999971E-10 : f32
      %max3A_879 = vector.broadcast %max3A_878 : f32 to vector<16xf32>
      %max3A_880 = arith.maximumf %add3A_877, %max3A_879 : vector<16xf32>
      %div3A_881 = arith.constant 1.000000e+00 : f32
      %div3A_882 = vector.broadcast %div3A_881 : f32 to vector<16xf32>
      %div3A_883 = arith.divf %div3A_882, %max3A_880 : vector<16xf32>
      %mul3A_884 = arith.mulf %parallel_loop3A_366#12, %div3A_883 : vector<16xf32>
      %swap3A_885 = arith.constant 0 : i32
      %swap3A_886 = arith.constant 3 : i32
      %swap3A_887 = arith.index_cast %swap3A_885 : i32 to index
      %swap3A_888 = arith.index_cast %swap3A_886 : i32 to index
      %swap3A_889 = arith.constant 0 : index
      %swap3A_890 = tpu.vector_load %arg7[%swap3A_887, %swap3A_888, %swap3A_889] {strides = array<i32>} : memref<2x8x64xf32, #tpu.memory_space<vmem>>, vector<1x1x16xf32>,
      %swap3A_891 = vector.shape_cast %swap3A_890 : vector<1x1x16xf32> to vector<16xf32>
      %swap3A_892 = vector.shape_cast %mul3A_884 : vector<16xf32> to vector<1x1x16xf32>
      tpu.vector_store %arg7[%swap3A_887, %swap3A_888, %swap3A_889], %swap3A_892 {strides = array<i32>} : memref<2x8x64xf32, #tpu.memory_space<vmem>>, vector<1x1x16xf32>,
      %mul3A_893 = arith.mulf %parallel_loop3A_366#13, %div3A_883 : vector<16xf32>
      %swap3A_894 = arith.constant 0 : i32
      %swap3A_895 = arith.constant 3 : i32
      %swap3A_896 = arith.index_cast %swap3A_894 : i32 to index
      %swap3A_897 = arith.index_cast %swap3A_895 : i32 to index
      %swap3A_898 = arith.constant 16 : index
      %swap3A_899 = tpu.vector_load %arg7[%swap3A_896, %swap3A_897, %swap3A_898] {strides = array<i32>} : memref<2x8x64xf32, #tpu.memory_space<vmem>>, vector<1x1x16xf32>,
      %swap3A_900 = vector.shape_cast %swap3A_899 : vector<1x1x16xf32> to vector<16xf32>
      %swap3A_901 = vector.shape_cast %mul3A_893 : vector<16xf32> to vector<1x1x16xf32>
      tpu.vector_store %arg7[%swap3A_896, %swap3A_897, %swap3A_898], %swap3A_901 {strides = array<i32>} : memref<2x8x64xf32, #tpu.memory_space<vmem>>, vector<1x1x16xf32>,
      %mul3A_902 = arith.mulf %parallel_loop3A_366#14, %div3A_883 : vector<16xf32>
      %swap3A_903 = arith.constant 0 : i32
      %swap3A_904 = arith.constant 3 : i32
      %swap3A_905 = arith.index_cast %swap3A_903 : i32 to index
      %swap3A_906 = arith.index_cast %swap3A_904 : i32 to index
      %swap3A_907 = arith.constant 32 : index
      %swap3A_908 = tpu.vector_load %arg7[%swap3A_905, %swap3A_906, %swap3A_907] {strides = array<i32>} : memref<2x8x64xf32, #tpu.memory_space<vmem>>, vector<1x1x16xf32>,
      %swap3A_909 = vector.shape_cast %swap3A_908 : vector<1x1x16xf32> to vector<16xf32>
      %swap3A_910 = vector.shape_cast %mul3A_902 : vector<16xf32> to vector<1x1x16xf32>
      tpu.vector_store %arg7[%swap3A_905, %swap3A_906, %swap3A_907], %swap3A_910 {strides = array<i32>} : memref<2x8x64xf32, #tpu.memory_space<vmem>>, vector<1x1x16xf32>,
      %mul3A_911 = arith.mulf %parallel_loop3A_366#15, %div3A_883 : vector<16xf32>
      %swap3A_912 = arith.constant 0 : i32
      %swap3A_913 = arith.constant 3 : i32
      %swap3A_914 = arith.index_cast %swap3A_912 : i32 to index
      %swap3A_915 = arith.index_cast %swap3A_913 : i32 to index
      %swap3A_916 = arith.constant 48 : index
      %swap3A_917 = tpu.vector_load %arg7[%swap3A_914, %swap3A_915, %swap3A_916] {strides = array<i32>} : memref<2x8x64xf32, #tpu.memory_space<vmem>>, vector<1x1x16xf32>,
      %swap3A_918 = vector.shape_cast %swap3A_917 : vector<1x1x16xf32> to vector<16xf32>
      %swap3A_919 = vector.shape_cast %mul3A_911 : vector<16xf32> to vector<1x1x16xf32>
      tpu.vector_store %arg7[%swap3A_914, %swap3A_915, %swap3A_916], %swap3A_919 {strides = array<i32>} : memref<2x8x64xf32, #tpu.memory_space<vmem>>, vector<1x1x16xf32>,
      %broadcast_in_dim3A_920 = arith.constant 0.000000e+00 : f32
      %broadcast_in_dim3A_921 = vector.broadcast %broadcast_in_dim3A_920 : f32 to vector<16xf32>
      %parallel_loop3A_922 = arith.constant 0 : i32
      %parallel_loop3A_923 = arith.constant 50 : i32
      %parallel_loop3A_924 = arith.constant 1 : i32
      %parallel_loop3A_925:16 = scf.for %parallel_loop3A_2779 = %parallel_loop3A_922 to %parallel_loop3A_923 step %parallel_loop3A_924 iter_args(%parallel_loop3A_2780 = %broadcast_in_dim3A_921, %parallel_loop3A_2781 = %broadcast_in_dim3A_921, %parallel_loop3A_2782 = %broadcast_in_dim3A_921, %parallel_loop3A_2783 = %broadcast_in_dim3A_921, %parallel_loop3A_2784 = %broadcast_in_dim3A_921, %parallel_loop3A_2785 = %broadcast_in_dim3A_921, %parallel_loop3A_2786 = %broadcast_in_dim3A_921, %parallel_loop3A_2787 = %broadcast_in_dim3A_921, %parallel_loop3A_2788 = %broadcast_in_dim3A_921, %parallel_loop3A_2789 = %broadcast_in_dim3A_921, %parallel_loop3A_2790 = %broadcast_in_dim3A_921, %parallel_loop3A_2791 = %broadcast_in_dim3A_921, %parallel_loop3A_2792 = %broadcast_in_dim3A_921, %parallel_loop3A_2793 = %broadcast_in_dim3A_921, %parallel_loop3A_2794 = %broadcast_in_dim3A_921, %parallel_loop3A_2795 = %broadcast_in_dim3A_921) -> (vector<16xf32>, vector<16xf32>, vector<16xf32>, vector<16xf32>, vector<16xf32>, vector<16xf32>, vector<16xf32>, vector<16xf32>, vector<16xf32>, vector<16xf32>, vector<16xf32>, vector<16xf32>, vector<16xf32>, vector<16xf32>, vector<16xf32>, vector<16xf32>)  : i32 {
        %parallel_loop3A_2796 = arith.constant 200 : i32
        %parallel_loop3A_2797 = arith.addi %parallel_loop3A_2796, %parallel_loop3A_2779 : i32
        %parallel_loop3A_2798 = arith.constant 0 : i32
        %parallel_loop3A_2799 = arith.index_cast %parallel_loop3A_2798 : i32 to index
        %parallel_loop3A_2800 = arith.index_cast %parallel_loop3A_2797 : i32 to index
        %parallel_loop3A_2801 = arith.constant 0 : index
        %parallel_loop3A_2802 = tpu.vector_load %arg6[%parallel_loop3A_2799, %parallel_loop3A_2800, %parallel_loop3A_2801] {strides = array<i32>} : memref<2x400x64xf32, #tpu.memory_space<vmem>>, vector<1x1x16xf32>,
        %parallel_loop3A_2803 = vector.shape_cast %parallel_loop3A_2802 : vector<1x1x16xf32> to vector<16xf32>
        %parallel_loop3A_2804 = arith.addf %parallel_loop3A_2780, %parallel_loop3A_2803 : vector<16xf32>
        %parallel_loop3A_2805 = arith.constant 0 : i32
        %parallel_loop3A_2806 = arith.index_cast %parallel_loop3A_2805 : i32 to index
        %parallel_loop3A_2807 = arith.index_cast %parallel_loop3A_2797 : i32 to index
        %parallel_loop3A_2808 = arith.constant 16 : index
        %parallel_loop3A_2809 = tpu.vector_load %arg6[%parallel_loop3A_2806, %parallel_loop3A_2807, %parallel_loop3A_2808] {strides = array<i32>} : memref<2x400x64xf32, #tpu.memory_space<vmem>>, vector<1x1x16xf32>,
        %parallel_loop3A_2810 = vector.shape_cast %parallel_loop3A_2809 : vector<1x1x16xf32> to vector<16xf32>
        %parallel_loop3A_2811 = arith.addf %parallel_loop3A_2781, %parallel_loop3A_2810 : vector<16xf32>
        %parallel_loop3A_2812 = arith.constant 0 : i32
        %parallel_loop3A_2813 = arith.index_cast %parallel_loop3A_2812 : i32 to index
        %parallel_loop3A_2814 = arith.index_cast %parallel_loop3A_2797 : i32 to index
        %parallel_loop3A_2815 = arith.constant 32 : index
        %parallel_loop3A_2816 = tpu.vector_load %arg6[%parallel_loop3A_2813, %parallel_loop3A_2814, %parallel_loop3A_2815] {strides = array<i32>} : memref<2x400x64xf32, #tpu.memory_space<vmem>>, vector<1x1x16xf32>,
        %parallel_loop3A_2817 = vector.shape_cast %parallel_loop3A_2816 : vector<1x1x16xf32> to vector<16xf32>
        %parallel_loop3A_2818 = arith.addf %parallel_loop3A_2782, %parallel_loop3A_2817 : vector<16xf32>
        %parallel_loop3A_2819 = arith.constant 0 : i32
        %parallel_loop3A_2820 = arith.index_cast %parallel_loop3A_2819 : i32 to index
        %parallel_loop3A_2821 = arith.index_cast %parallel_loop3A_2797 : i32 to index
        %parallel_loop3A_2822 = arith.constant 48 : index
        %parallel_loop3A_2823 = tpu.vector_load %arg6[%parallel_loop3A_2820, %parallel_loop3A_2821, %parallel_loop3A_2822] {strides = array<i32>} : memref<2x400x64xf32, #tpu.memory_space<vmem>>, vector<1x1x16xf32>,
        %parallel_loop3A_2824 = vector.shape_cast %parallel_loop3A_2823 : vector<1x1x16xf32> to vector<16xf32>
        %parallel_loop3A_2825 = arith.addf %parallel_loop3A_2783, %parallel_loop3A_2824 : vector<16xf32>
        %parallel_loop3A_2826 = arith.constant 250 : i32
        %parallel_loop3A_2827 = arith.addi %parallel_loop3A_2826, %parallel_loop3A_2779 : i32
        %parallel_loop3A_2828 = arith.constant 0 : i32
        %parallel_loop3A_2829 = arith.index_cast %parallel_loop3A_2828 : i32 to index
        %parallel_loop3A_2830 = arith.index_cast %parallel_loop3A_2827 : i32 to index
        %parallel_loop3A_2831 = arith.constant 0 : index
        %parallel_loop3A_2832 = tpu.vector_load %arg6[%parallel_loop3A_2829, %parallel_loop3A_2830, %parallel_loop3A_2831] {strides = array<i32>} : memref<2x400x64xf32, #tpu.memory_space<vmem>>, vector<1x1x16xf32>,
        %parallel_loop3A_2833 = vector.shape_cast %parallel_loop3A_2832 : vector<1x1x16xf32> to vector<16xf32>
        %parallel_loop3A_2834 = arith.addf %parallel_loop3A_2784, %parallel_loop3A_2833 : vector<16xf32>
        %parallel_loop3A_2835 = arith.constant 0 : i32
        %parallel_loop3A_2836 = arith.index_cast %parallel_loop3A_2835 : i32 to index
        %parallel_loop3A_2837 = arith.index_cast %parallel_loop3A_2827 : i32 to index
        %parallel_loop3A_2838 = arith.constant 16 : index
        %parallel_loop3A_2839 = tpu.vector_load %arg6[%parallel_loop3A_2836, %parallel_loop3A_2837, %parallel_loop3A_2838] {strides = array<i32>} : memref<2x400x64xf32, #tpu.memory_space<vmem>>, vector<1x1x16xf32>,
        %parallel_loop3A_2840 = vector.shape_cast %parallel_loop3A_2839 : vector<1x1x16xf32> to vector<16xf32>
        %parallel_loop3A_2841 = arith.addf %parallel_loop3A_2785, %parallel_loop3A_2840 : vector<16xf32>
        %parallel_loop3A_2842 = arith.constant 0 : i32
        %parallel_loop3A_2843 = arith.index_cast %parallel_loop3A_2842 : i32 to index
        %parallel_loop3A_2844 = arith.index_cast %parallel_loop3A_2827 : i32 to index
        %parallel_loop3A_2845 = arith.constant 32 : index
        %parallel_loop3A_2846 = tpu.vector_load %arg6[%parallel_loop3A_2843, %parallel_loop3A_2844, %parallel_loop3A_2845] {strides = array<i32>} : memref<2x400x64xf32, #tpu.memory_space<vmem>>, vector<1x1x16xf32>,
        %parallel_loop3A_2847 = vector.shape_cast %parallel_loop3A_2846 : vector<1x1x16xf32> to vector<16xf32>
        %parallel_loop3A_2848 = arith.addf %parallel_loop3A_2786, %parallel_loop3A_2847 : vector<16xf32>
        %parallel_loop3A_2849 = arith.constant 0 : i32
        %parallel_loop3A_2850 = arith.index_cast %parallel_loop3A_2849 : i32 to index
        %parallel_loop3A_2851 = arith.index_cast %parallel_loop3A_2827 : i32 to index
        %parallel_loop3A_2852 = arith.constant 48 : index
        %parallel_loop3A_2853 = tpu.vector_load %arg6[%parallel_loop3A_2850, %parallel_loop3A_2851, %parallel_loop3A_2852] {strides = array<i32>} : memref<2x400x64xf32, #tpu.memory_space<vmem>>, vector<1x1x16xf32>,
        %parallel_loop3A_2854 = vector.shape_cast %parallel_loop3A_2853 : vector<1x1x16xf32> to vector<16xf32>
        %parallel_loop3A_2855 = arith.addf %parallel_loop3A_2787, %parallel_loop3A_2854 : vector<16xf32>
        %parallel_loop3A_2856 = arith.constant 300 : i32
        %parallel_loop3A_2857 = arith.addi %parallel_loop3A_2856, %parallel_loop3A_2779 : i32
        %parallel_loop3A_2858 = arith.constant 0 : i32
        %parallel_loop3A_2859 = arith.index_cast %parallel_loop3A_2858 : i32 to index
        %parallel_loop3A_2860 = arith.index_cast %parallel_loop3A_2857 : i32 to index
        %parallel_loop3A_2861 = arith.constant 0 : index
        %parallel_loop3A_2862 = tpu.vector_load %arg6[%parallel_loop3A_2859, %parallel_loop3A_2860, %parallel_loop3A_2861] {strides = array<i32>} : memref<2x400x64xf32, #tpu.memory_space<vmem>>, vector<1x1x16xf32>,
        %parallel_loop3A_2863 = vector.shape_cast %parallel_loop3A_2862 : vector<1x1x16xf32> to vector<16xf32>
        %parallel_loop3A_2864 = arith.addf %parallel_loop3A_2788, %parallel_loop3A_2863 : vector<16xf32>
        %parallel_loop3A_2865 = arith.constant 0 : i32
        %parallel_loop3A_2866 = arith.index_cast %parallel_loop3A_2865 : i32 to index
        %parallel_loop3A_2867 = arith.index_cast %parallel_loop3A_2857 : i32 to index
        %parallel_loop3A_2868 = arith.constant 16 : index
        %parallel_loop3A_2869 = tpu.vector_load %arg6[%parallel_loop3A_2866, %parallel_loop3A_2867, %parallel_loop3A_2868] {strides = array<i32>} : memref<2x400x64xf32, #tpu.memory_space<vmem>>, vector<1x1x16xf32>,
        %parallel_loop3A_2870 = vector.shape_cast %parallel_loop3A_2869 : vector<1x1x16xf32> to vector<16xf32>
        %parallel_loop3A_2871 = arith.addf %parallel_loop3A_2789, %parallel_loop3A_2870 : vector<16xf32>
        %parallel_loop3A_2872 = arith.constant 0 : i32
        %parallel_loop3A_2873 = arith.index_cast %parallel_loop3A_2872 : i32 to index
        %parallel_loop3A_2874 = arith.index_cast %parallel_loop3A_2857 : i32 to index
        %parallel_loop3A_2875 = arith.constant 32 : index
        %parallel_loop3A_2876 = tpu.vector_load %arg6[%parallel_loop3A_2873, %parallel_loop3A_2874, %parallel_loop3A_2875] {strides = array<i32>} : memref<2x400x64xf32, #tpu.memory_space<vmem>>, vector<1x1x16xf32>,
        %parallel_loop3A_2877 = vector.shape_cast %parallel_loop3A_2876 : vector<1x1x16xf32> to vector<16xf32>
        %parallel_loop3A_2878 = arith.addf %parallel_loop3A_2790, %parallel_loop3A_2877 : vector<16xf32>
        %parallel_loop3A_2879 = arith.constant 0 : i32
        %parallel_loop3A_2880 = arith.index_cast %parallel_loop3A_2879 : i32 to index
        %parallel_loop3A_2881 = arith.index_cast %parallel_loop3A_2857 : i32 to index
        %parallel_loop3A_2882 = arith.constant 48 : index
        %parallel_loop3A_2883 = tpu.vector_load %arg6[%parallel_loop3A_2880, %parallel_loop3A_2881, %parallel_loop3A_2882] {strides = array<i32>} : memref<2x400x64xf32, #tpu.memory_space<vmem>>, vector<1x1x16xf32>,
        %parallel_loop3A_2884 = vector.shape_cast %parallel_loop3A_2883 : vector<1x1x16xf32> to vector<16xf32>
        %parallel_loop3A_2885 = arith.addf %parallel_loop3A_2791, %parallel_loop3A_2884 : vector<16xf32>
        %parallel_loop3A_2886 = arith.constant 350 : i32
        %parallel_loop3A_2887 = arith.addi %parallel_loop3A_2886, %parallel_loop3A_2779 : i32
        %parallel_loop3A_2888 = arith.constant 0 : i32
        %parallel_loop3A_2889 = arith.index_cast %parallel_loop3A_2888 : i32 to index
        %parallel_loop3A_2890 = arith.index_cast %parallel_loop3A_2887 : i32 to index
        %parallel_loop3A_2891 = arith.constant 0 : index
        %parallel_loop3A_2892 = tpu.vector_load %arg6[%parallel_loop3A_2889, %parallel_loop3A_2890, %parallel_loop3A_2891] {strides = array<i32>} : memref<2x400x64xf32, #tpu.memory_space<vmem>>, vector<1x1x16xf32>,
        %parallel_loop3A_2893 = vector.shape_cast %parallel_loop3A_2892 : vector<1x1x16xf32> to vector<16xf32>
        %parallel_loop3A_2894 = arith.addf %parallel_loop3A_2792, %parallel_loop3A_2893 : vector<16xf32>
        %parallel_loop3A_2895 = arith.constant 0 : i32
        %parallel_loop3A_2896 = arith.index_cast %parallel_loop3A_2895 : i32 to index
        %parallel_loop3A_2897 = arith.index_cast %parallel_loop3A_2887 : i32 to index
        %parallel_loop3A_2898 = arith.constant 16 : index
        %parallel_loop3A_2899 = tpu.vector_load %arg6[%parallel_loop3A_2896, %parallel_loop3A_2897, %parallel_loop3A_2898] {strides = array<i32>} : memref<2x400x64xf32, #tpu.memory_space<vmem>>, vector<1x1x16xf32>,
        %parallel_loop3A_2900 = vector.shape_cast %parallel_loop3A_2899 : vector<1x1x16xf32> to vector<16xf32>
        %parallel_loop3A_2901 = arith.addf %parallel_loop3A_2793, %parallel_loop3A_2900 : vector<16xf32>
        %parallel_loop3A_2902 = arith.constant 0 : i32
        %parallel_loop3A_2903 = arith.index_cast %parallel_loop3A_2902 : i32 to index
        %parallel_loop3A_2904 = arith.index_cast %parallel_loop3A_2887 : i32 to index
        %parallel_loop3A_2905 = arith.constant 32 : index
        %parallel_loop3A_2906 = tpu.vector_load %arg6[%parallel_loop3A_2903, %parallel_loop3A_2904, %parallel_loop3A_2905] {strides = array<i32>} : memref<2x400x64xf32, #tpu.memory_space<vmem>>, vector<1x1x16xf32>,
        %parallel_loop3A_2907 = vector.shape_cast %parallel_loop3A_2906 : vector<1x1x16xf32> to vector<16xf32>
        %parallel_loop3A_2908 = arith.addf %parallel_loop3A_2794, %parallel_loop3A_2907 : vector<16xf32>
        %parallel_loop3A_2909 = arith.constant 0 : i32
        %parallel_loop3A_2910 = arith.index_cast %parallel_loop3A_2909 : i32 to index
        %parallel_loop3A_2911 = arith.index_cast %parallel_loop3A_2887 : i32 to index
        %parallel_loop3A_2912 = arith.constant 48 : index
        %parallel_loop3A_2913 = tpu.vector_load %arg6[%parallel_loop3A_2910, %parallel_loop3A_2911, %parallel_loop3A_2912] {strides = array<i32>} : memref<2x400x64xf32, #tpu.memory_space<vmem>>, vector<1x1x16xf32>,
        %parallel_loop3A_2914 = vector.shape_cast %parallel_loop3A_2913 : vector<1x1x16xf32> to vector<16xf32>
        %parallel_loop3A_2915 = arith.addf %parallel_loop3A_2795, %parallel_loop3A_2914 : vector<16xf32>
        scf.yield %parallel_loop3A_2804, %parallel_loop3A_2811, %parallel_loop3A_2818, %parallel_loop3A_2825, %parallel_loop3A_2834, %parallel_loop3A_2841, %parallel_loop3A_2848, %parallel_loop3A_2855, %parallel_loop3A_2864, %parallel_loop3A_2871, %parallel_loop3A_2878, %parallel_loop3A_2885, %parallel_loop3A_2894, %parallel_loop3A_2901, %parallel_loop3A_2908, %parallel_loop3A_2915 : vector<16xf32>, vector<16xf32>, vector<16xf32>, vector<16xf32>, vector<16xf32>, vector<16xf32>, vector<16xf32>, vector<16xf32>, vector<16xf32>, vector<16xf32>, vector<16xf32>, vector<16xf32>, vector<16xf32>, vector<16xf32>, vector<16xf32>, vector<16xf32>
      } {sc.loop_unroll_factor = 50 : i64, sc.parallel_access}
      %broadcast_in_dim3A_926 = arith.constant 0 : i32
      %broadcast_in_dim3A_927 = vector.broadcast %broadcast_in_dim3A_926 : i32 to vector<16xi32>
      %get3A_928 = arith.constant 0 : i32
      %get3A_929 = arith.constant 4 : i32
      %get3A_930 = arith.index_cast %get3A_928 : i32 to index
      %get3A_931 = arith.index_cast %get3A_929 : i32 to index
      %get3A_932 = arith.constant 0 : index
      %get3A_933 = tpu.vector_load %arg5[%get3A_930, %get3A_931, %get3A_932] {strides = array<i32>} : memref<2x8x50xi32, #tpu.memory_space<vmem>>, vector<1x1x16xi32>,
      %get3A_934 = vector.shape_cast %get3A_933 : vector<1x1x16xi32> to vector<16xi32>
      %ne3A_935 = arith.constant 0 : i32
      %ne3A_936 = vector.broadcast %ne3A_935 : i32 to vector<16xi32>
      %ne3A_937 = arith.cmpi ne, %get3A_934, %ne3A_936 : vector<16xi32>
      %jit3A_938 = arith.constant 1 : i32
      %jit3A_939 = arith.constant 0 : i32
      %broadcast_in_dim3A_940 = vector.broadcast %jit3A_938 : i32 to vector<16xi32>
      %broadcast_in_dim3A_941 = vector.broadcast %jit3A_939 : i32 to vector<16xi32>
      %select_n3A_942 = arith.select %ne3A_937, %broadcast_in_dim3A_940, %broadcast_in_dim3A_941 : vector<16xi1>, vector<16xi32>
      %add3A_943 = arith.addi %broadcast_in_dim3A_927, %select_n3A_942 : vector<16xi32>
      %get3A_944 = arith.constant 0 : i32
      %get3A_945 = arith.constant 4 : i32
      %get3A_946 = arith.index_cast %get3A_944 : i32 to index
      %get3A_947 = arith.index_cast %get3A_945 : i32 to index
      %get3A_948 = arith.constant 16 : index
      %get3A_949 = tpu.vector_load %arg5[%get3A_946, %get3A_947, %get3A_948] {strides = array<i32>} : memref<2x8x50xi32, #tpu.memory_space<vmem>>, vector<1x1x16xi32>,
      %get3A_950 = vector.shape_cast %get3A_949 : vector<1x1x16xi32> to vector<16xi32>
      %ne3A_951 = arith.constant 0 : i32
      %ne3A_952 = vector.broadcast %ne3A_951 : i32 to vector<16xi32>
      %ne3A_953 = arith.cmpi ne, %get3A_950, %ne3A_952 : vector<16xi32>
      %jit3A_954 = arith.constant 1 : i32
      %jit3A_955 = arith.constant 0 : i32
      %broadcast_in_dim3A_956 = vector.broadcast %jit3A_954 : i32 to vector<16xi32>
      %broadcast_in_dim3A_957 = vector.broadcast %jit3A_955 : i32 to vector<16xi32>
      %select_n3A_958 = arith.select %ne3A_953, %broadcast_in_dim3A_956, %broadcast_in_dim3A_957 : vector<16xi1>, vector<16xi32>
      %add3A_959 = arith.addi %add3A_943, %select_n3A_958 : vector<16xi32>
      %get3A_960 = arith.constant 0 : i32
      %get3A_961 = arith.constant 4 : i32
      %get3A_962 = arith.index_cast %get3A_960 : i32 to index
      %get3A_963 = arith.index_cast %get3A_961 : i32 to index
      %get3A_964 = arith.constant 32 : index
      %get3A_965 = tpu.vector_load %arg5[%get3A_962, %get3A_963, %get3A_964] {strides = array<i32>} : memref<2x8x50xi32, #tpu.memory_space<vmem>>, vector<1x1x16xi32>,
      %get3A_966 = vector.shape_cast %get3A_965 : vector<1x1x16xi32> to vector<16xi32>
      %ne3A_967 = arith.constant 0 : i32
      %ne3A_968 = vector.broadcast %ne3A_967 : i32 to vector<16xi32>
      %ne3A_969 = arith.cmpi ne, %get3A_966, %ne3A_968 : vector<16xi32>
      %jit3A_970 = arith.constant 1 : i32
      %jit3A_971 = arith.constant 0 : i32
      %broadcast_in_dim3A_972 = vector.broadcast %jit3A_970 : i32 to vector<16xi32>
      %broadcast_in_dim3A_973 = vector.broadcast %jit3A_971 : i32 to vector<16xi32>
      %select_n3A_974 = arith.select %ne3A_969, %broadcast_in_dim3A_972, %broadcast_in_dim3A_973 : vector<16xi1>, vector<16xi32>
      %add3A_975 = arith.addi %add3A_959, %select_n3A_974 : vector<16xi32>
      %get3A_976 = arith.constant 0 : i32
      %get3A_977 = arith.constant 4 : i32
      %get3A_978 = arith.index_cast %get3A_976 : i32 to index
      %get3A_979 = arith.index_cast %get3A_977 : i32 to index
      %get3A_980 = arith.constant 34 : index
      %get3A_981 = tpu.vector_load %arg5[%get3A_978, %get3A_979, %get3A_980] {strides = array<i32>} : memref<2x8x50xi32, #tpu.memory_space<vmem>>, vector<1x1x16xi32>,
      %get3A_982 = vector.shape_cast %get3A_981 : vector<1x1x16xi32> to vector<16xi32>
      %ne3A_983 = arith.constant 0 : i32
      %ne3A_984 = vector.broadcast %ne3A_983 : i32 to vector<16xi32>
      %ne3A_985 = arith.cmpi ne, %get3A_982, %ne3A_984 : vector<16xi32>
      %ge3A_986 = arith.constant 14 : i32
      %ge3A_987 = vector.broadcast %ge3A_986 : i32 to vector<16xi32>
      %ge3A_988 = arith.cmpi sge, %iota3A, %ge3A_987 : vector<16xi32>
      %and3A_989 = arith.andi %ne3A_985, %ge3A_988 : vector<16xi1>
      %jit3A_990 = arith.constant 1 : i32
      %jit3A_991 = arith.constant 0 : i32
      %broadcast_in_dim3A_992 = vector.broadcast %jit3A_990 : i32 to vector<16xi32>
      %broadcast_in_dim3A_993 = vector.broadcast %jit3A_991 : i32 to vector<16xi32>
      %select_n3A_994 = arith.select %and3A_989, %broadcast_in_dim3A_992, %broadcast_in_dim3A_993 : vector<16xi1>, vector<16xi32>
      %add3A_995 = arith.addi %add3A_975, %select_n3A_994 : vector<16xi32>
      %convert_element_type3A_996 = arith.sitofp %add3A_995 : vector<16xi32> to vector<16xf32>
      %xor3A_997 = arith.constant 8 : i32
      %xor3A_998 = vector.broadcast %xor3A_997 : i32 to vector<16xi32>
      %xor3A_999 = arith.xori %iota3A, %xor3A_998 : vector<16xi32>
      %broadcast_in_dim3A_1000 = vector.shape_cast %xor3A_999 : vector<16xi32> to vector<16x1xi32>
      %gather3A_1001 = vector.shape_cast %broadcast_in_dim3A_1000 : vector<16x1xi32> to vector<16xi32>
      %gather3A_1002 = tpu.dynamic_gather %convert_element_type3A_996[%gather3A_1001] in [0] : vector<16xf32>, vector<16xi32> -> vector<16xf32>
      %add3A_1003 = arith.addf %convert_element_type3A_996, %gather3A_1002 : vector<16xf32>
      %xor3A_1004 = arith.constant 4 : i32
      %xor3A_1005 = vector.broadcast %xor3A_1004 : i32 to vector<16xi32>
      %xor3A_1006 = arith.xori %iota3A, %xor3A_1005 : vector<16xi32>
      %broadcast_in_dim3A_1007 = vector.shape_cast %xor3A_1006 : vector<16xi32> to vector<16x1xi32>
      %gather3A_1008 = vector.shape_cast %broadcast_in_dim3A_1007 : vector<16x1xi32> to vector<16xi32>
      %gather3A_1009 = tpu.dynamic_gather %add3A_1003[%gather3A_1008] in [0] : vector<16xf32>, vector<16xi32> -> vector<16xf32>
      %add3A_1010 = arith.addf %add3A_1003, %gather3A_1009 : vector<16xf32>
      %xor3A_1011 = arith.constant 2 : i32
      %xor3A_1012 = vector.broadcast %xor3A_1011 : i32 to vector<16xi32>
      %xor3A_1013 = arith.xori %iota3A, %xor3A_1012 : vector<16xi32>
      %broadcast_in_dim3A_1014 = vector.shape_cast %xor3A_1013 : vector<16xi32> to vector<16x1xi32>
      %gather3A_1015 = vector.shape_cast %broadcast_in_dim3A_1014 : vector<16x1xi32> to vector<16xi32>
      %gather3A_1016 = tpu.dynamic_gather %add3A_1010[%gather3A_1015] in [0] : vector<16xf32>, vector<16xi32> -> vector<16xf32>
      %add3A_1017 = arith.addf %add3A_1010, %gather3A_1016 : vector<16xf32>
      %xor3A_1018 = arith.constant 1 : i32
      %xor3A_1019 = vector.broadcast %xor3A_1018 : i32 to vector<16xi32>
      %xor3A_1020 = arith.xori %iota3A, %xor3A_1019 : vector<16xi32>
      %broadcast_in_dim3A_1021 = vector.shape_cast %xor3A_1020 : vector<16xi32> to vector<16x1xi32>
      %gather3A_1022 = vector.shape_cast %broadcast_in_dim3A_1021 : vector<16x1xi32> to vector<16xi32>
      %gather3A_1023 = tpu.dynamic_gather %add3A_1017[%gather3A_1022] in [0] : vector<16xf32>, vector<16xi32> -> vector<16xf32>
      %add3A_1024 = arith.addf %add3A_1017, %gather3A_1023 : vector<16xf32>
      %max3A_1025 = arith.constant 9.99999971E-10 : f32
      %max3A_1026 = vector.broadcast %max3A_1025 : f32 to vector<16xf32>
      %max3A_1027 = arith.maximumf %add3A_1024, %max3A_1026 : vector<16xf32>
      %div3A_1028 = arith.constant 1.000000e+00 : f32
      %div3A_1029 = vector.broadcast %div3A_1028 : f32 to vector<16xf32>
      %div3A_1030 = arith.divf %div3A_1029, %max3A_1027 : vector<16xf32>
      %mul3A_1031 = arith.mulf %parallel_loop3A_925#0, %div3A_1030 : vector<16xf32>
      %swap3A_1032 = arith.constant 0 : i32
      %swap3A_1033 = arith.constant 4 : i32
      %swap3A_1034 = arith.index_cast %swap3A_1032 : i32 to index
      %swap3A_1035 = arith.index_cast %swap3A_1033 : i32 to index
      %swap3A_1036 = arith.constant 0 : index
      %swap3A_1037 = tpu.vector_load %arg7[%swap3A_1034, %swap3A_1035, %swap3A_1036] {strides = array<i32>} : memref<2x8x64xf32, #tpu.memory_space<vmem>>, vector<1x1x16xf32>,
      %swap3A_1038 = vector.shape_cast %swap3A_1037 : vector<1x1x16xf32> to vector<16xf32>
      %swap3A_1039 = vector.shape_cast %mul3A_1031 : vector<16xf32> to vector<1x1x16xf32>
      tpu.vector_store %arg7[%swap3A_1034, %swap3A_1035, %swap3A_1036], %swap3A_1039 {strides = array<i32>} : memref<2x8x64xf32, #tpu.memory_space<vmem>>, vector<1x1x16xf32>,
      %mul3A_1040 = arith.mulf %parallel_loop3A_925#1, %div3A_1030 : vector<16xf32>
      %swap3A_1041 = arith.constant 0 : i32
      %swap3A_1042 = arith.constant 4 : i32
      %swap3A_1043 = arith.index_cast %swap3A_1041 : i32 to index
      %swap3A_1044 = arith.index_cast %swap3A_1042 : i32 to index
      %swap3A_1045 = arith.constant 16 : index
      %swap3A_1046 = tpu.vector_load %arg7[%swap3A_1043, %swap3A_1044, %swap3A_1045] {strides = array<i32>} : memref<2x8x64xf32, #tpu.memory_space<vmem>>, vector<1x1x16xf32>,
      %swap3A_1047 = vector.shape_cast %swap3A_1046 : vector<1x1x16xf32> to vector<16xf32>
      %swap3A_1048 = vector.shape_cast %mul3A_1040 : vector<16xf32> to vector<1x1x16xf32>
      tpu.vector_store %arg7[%swap3A_1043, %swap3A_1044, %swap3A_1045], %swap3A_1048 {strides = array<i32>} : memref<2x8x64xf32, #tpu.memory_space<vmem>>, vector<1x1x16xf32>,
      %mul3A_1049 = arith.mulf %parallel_loop3A_925#2, %div3A_1030 : vector<16xf32>
      %swap3A_1050 = arith.constant 0 : i32
      %swap3A_1051 = arith.constant 4 : i32
      %swap3A_1052 = arith.index_cast %swap3A_1050 : i32 to index
      %swap3A_1053 = arith.index_cast %swap3A_1051 : i32 to index
      %swap3A_1054 = arith.constant 32 : index
      %swap3A_1055 = tpu.vector_load %arg7[%swap3A_1052, %swap3A_1053, %swap3A_1054] {strides = array<i32>} : memref<2x8x64xf32, #tpu.memory_space<vmem>>, vector<1x1x16xf32>,
      %swap3A_1056 = vector.shape_cast %swap3A_1055 : vector<1x1x16xf32> to vector<16xf32>
      %swap3A_1057 = vector.shape_cast %mul3A_1049 : vector<16xf32> to vector<1x1x16xf32>
      tpu.vector_store %arg7[%swap3A_1052, %swap3A_1053, %swap3A_1054], %swap3A_1057 {strides = array<i32>} : memref<2x8x64xf32, #tpu.memory_space<vmem>>, vector<1x1x16xf32>,
      %mul3A_1058 = arith.mulf %parallel_loop3A_925#3, %div3A_1030 : vector<16xf32>
      %swap3A_1059 = arith.constant 0 : i32
      %swap3A_1060 = arith.constant 4 : i32
      %swap3A_1061 = arith.index_cast %swap3A_1059 : i32 to index
      %swap3A_1062 = arith.index_cast %swap3A_1060 : i32 to index
      %swap3A_1063 = arith.constant 48 : index
      %swap3A_1064 = tpu.vector_load %arg7[%swap3A_1061, %swap3A_1062, %swap3A_1063] {strides = array<i32>} : memref<2x8x64xf32, #tpu.memory_space<vmem>>, vector<1x1x16xf32>,
      %swap3A_1065 = vector.shape_cast %swap3A_1064 : vector<1x1x16xf32> to vector<16xf32>
      %swap3A_1066 = vector.shape_cast %mul3A_1058 : vector<16xf32> to vector<1x1x16xf32>
      tpu.vector_store %arg7[%swap3A_1061, %swap3A_1062, %swap3A_1063], %swap3A_1066 {strides = array<i32>} : memref<2x8x64xf32, #tpu.memory_space<vmem>>, vector<1x1x16xf32>,
      %broadcast_in_dim3A_1067 = arith.constant 0 : i32
      %broadcast_in_dim3A_1068 = vector.broadcast %broadcast_in_dim3A_1067 : i32 to vector<16xi32>
      %get3A_1069 = arith.constant 0 : i32
      %get3A_1070 = arith.constant 5 : i32
      %get3A_1071 = arith.index_cast %get3A_1069 : i32 to index
      %get3A_1072 = arith.index_cast %get3A_1070 : i32 to index
      %get3A_1073 = arith.constant 0 : index
      %get3A_1074 = tpu.vector_load %arg5[%get3A_1071, %get3A_1072, %get3A_1073] {strides = array<i32>} : memref<2x8x50xi32, #tpu.memory_space<vmem>>, vector<1x1x16xi32>,
      %get3A_1075 = vector.shape_cast %get3A_1074 : vector<1x1x16xi32> to vector<16xi32>
      %ne3A_1076 = arith.constant 0 : i32
      %ne3A_1077 = vector.broadcast %ne3A_1076 : i32 to vector<16xi32>
      %ne3A_1078 = arith.cmpi ne, %get3A_1075, %ne3A_1077 : vector<16xi32>
      %jit3A_1079 = arith.constant 1 : i32
      %jit3A_1080 = arith.constant 0 : i32
      %broadcast_in_dim3A_1081 = vector.broadcast %jit3A_1079 : i32 to vector<16xi32>
      %broadcast_in_dim3A_1082 = vector.broadcast %jit3A_1080 : i32 to vector<16xi32>
      %select_n3A_1083 = arith.select %ne3A_1078, %broadcast_in_dim3A_1081, %broadcast_in_dim3A_1082 : vector<16xi1>, vector<16xi32>
      %add3A_1084 = arith.addi %broadcast_in_dim3A_1068, %select_n3A_1083 : vector<16xi32>
      %get3A_1085 = arith.constant 0 : i32
      %get3A_1086 = arith.constant 5 : i32
      %get3A_1087 = arith.index_cast %get3A_1085 : i32 to index
      %get3A_1088 = arith.index_cast %get3A_1086 : i32 to index
      %get3A_1089 = arith.constant 16 : index
      %get3A_1090 = tpu.vector_load %arg5[%get3A_1087, %get3A_1088, %get3A_1089] {strides = array<i32>} : memref<2x8x50xi32, #tpu.memory_space<vmem>>, vector<1x1x16xi32>,
      %get3A_1091 = vector.shape_cast %get3A_1090 : vector<1x1x16xi32> to vector<16xi32>
      %ne3A_1092 = arith.constant 0 : i32
      %ne3A_1093 = vector.broadcast %ne3A_1092 : i32 to vector<16xi32>
      %ne3A_1094 = arith.cmpi ne, %get3A_1091, %ne3A_1093 : vector<16xi32>
      %jit3A_1095 = arith.constant 1 : i32
      %jit3A_1096 = arith.constant 0 : i32
      %broadcast_in_dim3A_1097 = vector.broadcast %jit3A_1095 : i32 to vector<16xi32>
      %broadcast_in_dim3A_1098 = vector.broadcast %jit3A_1096 : i32 to vector<16xi32>
      %select_n3A_1099 = arith.select %ne3A_1094, %broadcast_in_dim3A_1097, %broadcast_in_dim3A_1098 : vector<16xi1>, vector<16xi32>
      %add3A_1100 = arith.addi %add3A_1084, %select_n3A_1099 : vector<16xi32>
      %get3A_1101 = arith.constant 0 : i32
      %get3A_1102 = arith.constant 5 : i32
      %get3A_1103 = arith.index_cast %get3A_1101 : i32 to index
      %get3A_1104 = arith.index_cast %get3A_1102 : i32 to index
      %get3A_1105 = arith.constant 32 : index
      %get3A_1106 = tpu.vector_load %arg5[%get3A_1103, %get3A_1104, %get3A_1105] {strides = array<i32>} : memref<2x8x50xi32, #tpu.memory_space<vmem>>, vector<1x1x16xi32>,
      %get3A_1107 = vector.shape_cast %get3A_1106 : vector<1x1x16xi32> to vector<16xi32>
      %ne3A_1108 = arith.constant 0 : i32
      %ne3A_1109 = vector.broadcast %ne3A_1108 : i32 to vector<16xi32>
      %ne3A_1110 = arith.cmpi ne, %get3A_1107, %ne3A_1109 : vector<16xi32>
      %jit3A_1111 = arith.constant 1 : i32
      %jit3A_1112 = arith.constant 0 : i32
      %broadcast_in_dim3A_1113 = vector.broadcast %jit3A_1111 : i32 to vector<16xi32>
      %broadcast_in_dim3A_1114 = vector.broadcast %jit3A_1112 : i32 to vector<16xi32>
      %select_n3A_1115 = arith.select %ne3A_1110, %broadcast_in_dim3A_1113, %broadcast_in_dim3A_1114 : vector<16xi1>, vector<16xi32>
      %add3A_1116 = arith.addi %add3A_1100, %select_n3A_1115 : vector<16xi32>
      %get3A_1117 = arith.constant 0 : i32
      %get3A_1118 = arith.constant 5 : i32
      %get3A_1119 = arith.index_cast %get3A_1117 : i32 to index
      %get3A_1120 = arith.index_cast %get3A_1118 : i32 to index
      %get3A_1121 = arith.constant 34 : index
      %get3A_1122 = tpu.vector_load %arg5[%get3A_1119, %get3A_1120, %get3A_1121] {strides = array<i32>} : memref<2x8x50xi32, #tpu.memory_space<vmem>>, vector<1x1x16xi32>,
      %get3A_1123 = vector.shape_cast %get3A_1122 : vector<1x1x16xi32> to vector<16xi32>
      %ne3A_1124 = arith.constant 0 : i32
      %ne3A_1125 = vector.broadcast %ne3A_1124 : i32 to vector<16xi32>
      %ne3A_1126 = arith.cmpi ne, %get3A_1123, %ne3A_1125 : vector<16xi32>
      %ge3A_1127 = arith.constant 14 : i32
      %ge3A_1128 = vector.broadcast %ge3A_1127 : i32 to vector<16xi32>
      %ge3A_1129 = arith.cmpi sge, %iota3A, %ge3A_1128 : vector<16xi32>
      %and3A_1130 = arith.andi %ne3A_1126, %ge3A_1129 : vector<16xi1>
      %jit3A_1131 = arith.constant 1 : i32
      %jit3A_1132 = arith.constant 0 : i32
      %broadcast_in_dim3A_1133 = vector.broadcast %jit3A_1131 : i32 to vector<16xi32>
      %broadcast_in_dim3A_1134 = vector.broadcast %jit3A_1132 : i32 to vector<16xi32>
      %select_n3A_1135 = arith.select %and3A_1130, %broadcast_in_dim3A_1133, %broadcast_in_dim3A_1134 : vector<16xi1>, vector<16xi32>
      %add3A_1136 = arith.addi %add3A_1116, %select_n3A_1135 : vector<16xi32>
      %convert_element_type3A_1137 = arith.sitofp %add3A_1136 : vector<16xi32> to vector<16xf32>
      %xor3A_1138 = arith.constant 8 : i32
      %xor3A_1139 = vector.broadcast %xor3A_1138 : i32 to vector<16xi32>
      %xor3A_1140 = arith.xori %iota3A, %xor3A_1139 : vector<16xi32>
      %broadcast_in_dim3A_1141 = vector.shape_cast %xor3A_1140 : vector<16xi32> to vector<16x1xi32>
      %gather3A_1142 = vector.shape_cast %broadcast_in_dim3A_1141 : vector<16x1xi32> to vector<16xi32>
      %gather3A_1143 = tpu.dynamic_gather %convert_element_type3A_1137[%gather3A_1142] in [0] : vector<16xf32>, vector<16xi32> -> vector<16xf32>
      %add3A_1144 = arith.addf %convert_element_type3A_1137, %gather3A_1143 : vector<16xf32>
      %xor3A_1145 = arith.constant 4 : i32
      %xor3A_1146 = vector.broadcast %xor3A_1145 : i32 to vector<16xi32>
      %xor3A_1147 = arith.xori %iota3A, %xor3A_1146 : vector<16xi32>
      %broadcast_in_dim3A_1148 = vector.shape_cast %xor3A_1147 : vector<16xi32> to vector<16x1xi32>
      %gather3A_1149 = vector.shape_cast %broadcast_in_dim3A_1148 : vector<16x1xi32> to vector<16xi32>
      %gather3A_1150 = tpu.dynamic_gather %add3A_1144[%gather3A_1149] in [0] : vector<16xf32>, vector<16xi32> -> vector<16xf32>
      %add3A_1151 = arith.addf %add3A_1144, %gather3A_1150 : vector<16xf32>
      %xor3A_1152 = arith.constant 2 : i32
      %xor3A_1153 = vector.broadcast %xor3A_1152 : i32 to vector<16xi32>
      %xor3A_1154 = arith.xori %iota3A, %xor3A_1153 : vector<16xi32>
      %broadcast_in_dim3A_1155 = vector.shape_cast %xor3A_1154 : vector<16xi32> to vector<16x1xi32>
      %gather3A_1156 = vector.shape_cast %broadcast_in_dim3A_1155 : vector<16x1xi32> to vector<16xi32>
      %gather3A_1157 = tpu.dynamic_gather %add3A_1151[%gather3A_1156] in [0] : vector<16xf32>, vector<16xi32> -> vector<16xf32>
      %add3A_1158 = arith.addf %add3A_1151, %gather3A_1157 : vector<16xf32>
      %xor3A_1159 = arith.constant 1 : i32
      %xor3A_1160 = vector.broadcast %xor3A_1159 : i32 to vector<16xi32>
      %xor3A_1161 = arith.xori %iota3A, %xor3A_1160 : vector<16xi32>
      %broadcast_in_dim3A_1162 = vector.shape_cast %xor3A_1161 : vector<16xi32> to vector<16x1xi32>
      %gather3A_1163 = vector.shape_cast %broadcast_in_dim3A_1162 : vector<16x1xi32> to vector<16xi32>
      %gather3A_1164 = tpu.dynamic_gather %add3A_1158[%gather3A_1163] in [0] : vector<16xf32>, vector<16xi32> -> vector<16xf32>
      %add3A_1165 = arith.addf %add3A_1158, %gather3A_1164 : vector<16xf32>
      %max3A_1166 = arith.constant 9.99999971E-10 : f32
      %max3A_1167 = vector.broadcast %max3A_1166 : f32 to vector<16xf32>
      %max3A_1168 = arith.maximumf %add3A_1165, %max3A_1167 : vector<16xf32>
      %div3A_1169 = arith.constant 1.000000e+00 : f32
      %div3A_1170 = vector.broadcast %div3A_1169 : f32 to vector<16xf32>
      %div3A_1171 = arith.divf %div3A_1170, %max3A_1168 : vector<16xf32>
      %mul3A_1172 = arith.mulf %parallel_loop3A_925#4, %div3A_1171 : vector<16xf32>
      %swap3A_1173 = arith.constant 0 : i32
      %swap3A_1174 = arith.constant 5 : i32
      %swap3A_1175 = arith.index_cast %swap3A_1173 : i32 to index
      %swap3A_1176 = arith.index_cast %swap3A_1174 : i32 to index
      %swap3A_1177 = arith.constant 0 : index
      %swap3A_1178 = tpu.vector_load %arg7[%swap3A_1175, %swap3A_1176, %swap3A_1177] {strides = array<i32>} : memref<2x8x64xf32, #tpu.memory_space<vmem>>, vector<1x1x16xf32>,
      %swap3A_1179 = vector.shape_cast %swap3A_1178 : vector<1x1x16xf32> to vector<16xf32>
      %swap3A_1180 = vector.shape_cast %mul3A_1172 : vector<16xf32> to vector<1x1x16xf32>
      tpu.vector_store %arg7[%swap3A_1175, %swap3A_1176, %swap3A_1177], %swap3A_1180 {strides = array<i32>} : memref<2x8x64xf32, #tpu.memory_space<vmem>>, vector<1x1x16xf32>,
      %mul3A_1181 = arith.mulf %parallel_loop3A_925#5, %div3A_1171 : vector<16xf32>
      %swap3A_1182 = arith.constant 0 : i32
      %swap3A_1183 = arith.constant 5 : i32
      %swap3A_1184 = arith.index_cast %swap3A_1182 : i32 to index
      %swap3A_1185 = arith.index_cast %swap3A_1183 : i32 to index
      %swap3A_1186 = arith.constant 16 : index
      %swap3A_1187 = tpu.vector_load %arg7[%swap3A_1184, %swap3A_1185, %swap3A_1186] {strides = array<i32>} : memref<2x8x64xf32, #tpu.memory_space<vmem>>, vector<1x1x16xf32>,
      %swap3A_1188 = vector.shape_cast %swap3A_1187 : vector<1x1x16xf32> to vector<16xf32>
      %swap3A_1189 = vector.shape_cast %mul3A_1181 : vector<16xf32> to vector<1x1x16xf32>
      tpu.vector_store %arg7[%swap3A_1184, %swap3A_1185, %swap3A_1186], %swap3A_1189 {strides = array<i32>} : memref<2x8x64xf32, #tpu.memory_space<vmem>>, vector<1x1x16xf32>,
      %mul3A_1190 = arith.mulf %parallel_loop3A_925#6, %div3A_1171 : vector<16xf32>
      %swap3A_1191 = arith.constant 0 : i32
      %swap3A_1192 = arith.constant 5 : i32
      %swap3A_1193 = arith.index_cast %swap3A_1191 : i32 to index
      %swap3A_1194 = arith.index_cast %swap3A_1192 : i32 to index
      %swap3A_1195 = arith.constant 32 : index
      %swap3A_1196 = tpu.vector_load %arg7[%swap3A_1193, %swap3A_1194, %swap3A_1195] {strides = array<i32>} : memref<2x8x64xf32, #tpu.memory_space<vmem>>, vector<1x1x16xf32>,
      %swap3A_1197 = vector.shape_cast %swap3A_1196 : vector<1x1x16xf32> to vector<16xf32>
      %swap3A_1198 = vector.shape_cast %mul3A_1190 : vector<16xf32> to vector<1x1x16xf32>
      tpu.vector_store %arg7[%swap3A_1193, %swap3A_1194, %swap3A_1195], %swap3A_1198 {strides = array<i32>} : memref<2x8x64xf32, #tpu.memory_space<vmem>>, vector<1x1x16xf32>,
      %mul3A_1199 = arith.mulf %parallel_loop3A_925#7, %div3A_1171 : vector<16xf32>
      %swap3A_1200 = arith.constant 0 : i32
      %swap3A_1201 = arith.constant 5 : i32
      %swap3A_1202 = arith.index_cast %swap3A_1200 : i32 to index
      %swap3A_1203 = arith.index_cast %swap3A_1201 : i32 to index
      %swap3A_1204 = arith.constant 48 : index
      %swap3A_1205 = tpu.vector_load %arg7[%swap3A_1202, %swap3A_1203, %swap3A_1204] {strides = array<i32>} : memref<2x8x64xf32, #tpu.memory_space<vmem>>, vector<1x1x16xf32>,
      %swap3A_1206 = vector.shape_cast %swap3A_1205 : vector<1x1x16xf32> to vector<16xf32>
      %swap3A_1207 = vector.shape_cast %mul3A_1199 : vector<16xf32> to vector<1x1x16xf32>
      tpu.vector_store %arg7[%swap3A_1202, %swap3A_1203, %swap3A_1204], %swap3A_1207 {strides = array<i32>} : memref<2x8x64xf32, #tpu.memory_space<vmem>>, vector<1x1x16xf32>,
      %broadcast_in_dim3A_1208 = arith.constant 0 : i32
      %broadcast_in_dim3A_1209 = vector.broadcast %broadcast_in_dim3A_1208 : i32 to vector<16xi32>
      %get3A_1210 = arith.constant 0 : i32
      %get3A_1211 = arith.constant 6 : i32
      %get3A_1212 = arith.index_cast %get3A_1210 : i32 to index
      %get3A_1213 = arith.index_cast %get3A_1211 : i32 to index
      %get3A_1214 = arith.constant 0 : index
      %get3A_1215 = tpu.vector_load %arg5[%get3A_1212, %get3A_1213, %get3A_1214] {strides = array<i32>} : memref<2x8x50xi32, #tpu.memory_space<vmem>>, vector<1x1x16xi32>,
      %get3A_1216 = vector.shape_cast %get3A_1215 : vector<1x1x16xi32> to vector<16xi32>
      %ne3A_1217 = arith.constant 0 : i32
      %ne3A_1218 = vector.broadcast %ne3A_1217 : i32 to vector<16xi32>
      %ne3A_1219 = arith.cmpi ne, %get3A_1216, %ne3A_1218 : vector<16xi32>
      %jit3A_1220 = arith.constant 1 : i32
      %jit3A_1221 = arith.constant 0 : i32
      %broadcast_in_dim3A_1222 = vector.broadcast %jit3A_1220 : i32 to vector<16xi32>
      %broadcast_in_dim3A_1223 = vector.broadcast %jit3A_1221 : i32 to vector<16xi32>
      %select_n3A_1224 = arith.select %ne3A_1219, %broadcast_in_dim3A_1222, %broadcast_in_dim3A_1223 : vector<16xi1>, vector<16xi32>
      %add3A_1225 = arith.addi %broadcast_in_dim3A_1209, %select_n3A_1224 : vector<16xi32>
      %get3A_1226 = arith.constant 0 : i32
      %get3A_1227 = arith.constant 6 : i32
      %get3A_1228 = arith.index_cast %get3A_1226 : i32 to index
      %get3A_1229 = arith.index_cast %get3A_1227 : i32 to index
      %get3A_1230 = arith.constant 16 : index
      %get3A_1231 = tpu.vector_load %arg5[%get3A_1228, %get3A_1229, %get3A_1230] {strides = array<i32>} : memref<2x8x50xi32, #tpu.memory_space<vmem>>, vector<1x1x16xi32>,
      %get3A_1232 = vector.shape_cast %get3A_1231 : vector<1x1x16xi32> to vector<16xi32>
      %ne3A_1233 = arith.constant 0 : i32
      %ne3A_1234 = vector.broadcast %ne3A_1233 : i32 to vector<16xi32>
      %ne3A_1235 = arith.cmpi ne, %get3A_1232, %ne3A_1234 : vector<16xi32>
      %jit3A_1236 = arith.constant 1 : i32
      %jit3A_1237 = arith.constant 0 : i32
      %broadcast_in_dim3A_1238 = vector.broadcast %jit3A_1236 : i32 to vector<16xi32>
      %broadcast_in_dim3A_1239 = vector.broadcast %jit3A_1237 : i32 to vector<16xi32>
      %select_n3A_1240 = arith.select %ne3A_1235, %broadcast_in_dim3A_1238, %broadcast_in_dim3A_1239 : vector<16xi1>, vector<16xi32>
      %add3A_1241 = arith.addi %add3A_1225, %select_n3A_1240 : vector<16xi32>
      %get3A_1242 = arith.constant 0 : i32
      %get3A_1243 = arith.constant 6 : i32
      %get3A_1244 = arith.index_cast %get3A_1242 : i32 to index
      %get3A_1245 = arith.index_cast %get3A_1243 : i32 to index
      %get3A_1246 = arith.constant 32 : index
      %get3A_1247 = tpu.vector_load %arg5[%get3A_1244, %get3A_1245, %get3A_1246] {strides = array<i32>} : memref<2x8x50xi32, #tpu.memory_space<vmem>>, vector<1x1x16xi32>,
      %get3A_1248 = vector.shape_cast %get3A_1247 : vector<1x1x16xi32> to vector<16xi32>
      %ne3A_1249 = arith.constant 0 : i32
      %ne3A_1250 = vector.broadcast %ne3A_1249 : i32 to vector<16xi32>
      %ne3A_1251 = arith.cmpi ne, %get3A_1248, %ne3A_1250 : vector<16xi32>
      %jit3A_1252 = arith.constant 1 : i32
      %jit3A_1253 = arith.constant 0 : i32
      %broadcast_in_dim3A_1254 = vector.broadcast %jit3A_1252 : i32 to vector<16xi32>
      %broadcast_in_dim3A_1255 = vector.broadcast %jit3A_1253 : i32 to vector<16xi32>
      %select_n3A_1256 = arith.select %ne3A_1251, %broadcast_in_dim3A_1254, %broadcast_in_dim3A_1255 : vector<16xi1>, vector<16xi32>
      %add3A_1257 = arith.addi %add3A_1241, %select_n3A_1256 : vector<16xi32>
      %get3A_1258 = arith.constant 0 : i32
      %get3A_1259 = arith.constant 6 : i32
      %get3A_1260 = arith.index_cast %get3A_1258 : i32 to index
      %get3A_1261 = arith.index_cast %get3A_1259 : i32 to index
      %get3A_1262 = arith.constant 34 : index
      %get3A_1263 = tpu.vector_load %arg5[%get3A_1260, %get3A_1261, %get3A_1262] {strides = array<i32>} : memref<2x8x50xi32, #tpu.memory_space<vmem>>, vector<1x1x16xi32>,
      %get3A_1264 = vector.shape_cast %get3A_1263 : vector<1x1x16xi32> to vector<16xi32>
      %ne3A_1265 = arith.constant 0 : i32
      %ne3A_1266 = vector.broadcast %ne3A_1265 : i32 to vector<16xi32>
      %ne3A_1267 = arith.cmpi ne, %get3A_1264, %ne3A_1266 : vector<16xi32>
      %ge3A_1268 = arith.constant 14 : i32
      %ge3A_1269 = vector.broadcast %ge3A_1268 : i32 to vector<16xi32>
      %ge3A_1270 = arith.cmpi sge, %iota3A, %ge3A_1269 : vector<16xi32>
      %and3A_1271 = arith.andi %ne3A_1267, %ge3A_1270 : vector<16xi1>
      %jit3A_1272 = arith.constant 1 : i32
      %jit3A_1273 = arith.constant 0 : i32
      %broadcast_in_dim3A_1274 = vector.broadcast %jit3A_1272 : i32 to vector<16xi32>
      %broadcast_in_dim3A_1275 = vector.broadcast %jit3A_1273 : i32 to vector<16xi32>
      %select_n3A_1276 = arith.select %and3A_1271, %broadcast_in_dim3A_1274, %broadcast_in_dim3A_1275 : vector<16xi1>, vector<16xi32>
      %add3A_1277 = arith.addi %add3A_1257, %select_n3A_1276 : vector<16xi32>
      %convert_element_type3A_1278 = arith.sitofp %add3A_1277 : vector<16xi32> to vector<16xf32>
      %xor3A_1279 = arith.constant 8 : i32
      %xor3A_1280 = vector.broadcast %xor3A_1279 : i32 to vector<16xi32>
      %xor3A_1281 = arith.xori %iota3A, %xor3A_1280 : vector<16xi32>
      %broadcast_in_dim3A_1282 = vector.shape_cast %xor3A_1281 : vector<16xi32> to vector<16x1xi32>
      %gather3A_1283 = vector.shape_cast %broadcast_in_dim3A_1282 : vector<16x1xi32> to vector<16xi32>
      %gather3A_1284 = tpu.dynamic_gather %convert_element_type3A_1278[%gather3A_1283] in [0] : vector<16xf32>, vector<16xi32> -> vector<16xf32>
      %add3A_1285 = arith.addf %convert_element_type3A_1278, %gather3A_1284 : vector<16xf32>
      %xor3A_1286 = arith.constant 4 : i32
      %xor3A_1287 = vector.broadcast %xor3A_1286 : i32 to vector<16xi32>
      %xor3A_1288 = arith.xori %iota3A, %xor3A_1287 : vector<16xi32>
      %broadcast_in_dim3A_1289 = vector.shape_cast %xor3A_1288 : vector<16xi32> to vector<16x1xi32>
      %gather3A_1290 = vector.shape_cast %broadcast_in_dim3A_1289 : vector<16x1xi32> to vector<16xi32>
      %gather3A_1291 = tpu.dynamic_gather %add3A_1285[%gather3A_1290] in [0] : vector<16xf32>, vector<16xi32> -> vector<16xf32>
      %add3A_1292 = arith.addf %add3A_1285, %gather3A_1291 : vector<16xf32>
      %xor3A_1293 = arith.constant 2 : i32
      %xor3A_1294 = vector.broadcast %xor3A_1293 : i32 to vector<16xi32>
      %xor3A_1295 = arith.xori %iota3A, %xor3A_1294 : vector<16xi32>
      %broadcast_in_dim3A_1296 = vector.shape_cast %xor3A_1295 : vector<16xi32> to vector<16x1xi32>
      %gather3A_1297 = vector.shape_cast %broadcast_in_dim3A_1296 : vector<16x1xi32> to vector<16xi32>
      %gather3A_1298 = tpu.dynamic_gather %add3A_1292[%gather3A_1297] in [0] : vector<16xf32>, vector<16xi32> -> vector<16xf32>
      %add3A_1299 = arith.addf %add3A_1292, %gather3A_1298 : vector<16xf32>
      %xor3A_1300 = arith.constant 1 : i32
      %xor3A_1301 = vector.broadcast %xor3A_1300 : i32 to vector<16xi32>
      %xor3A_1302 = arith.xori %iota3A, %xor3A_1301 : vector<16xi32>
      %broadcast_in_dim3A_1303 = vector.shape_cast %xor3A_1302 : vector<16xi32> to vector<16x1xi32>
      %gather3A_1304 = vector.shape_cast %broadcast_in_dim3A_1303 : vector<16x1xi32> to vector<16xi32>
      %gather3A_1305 = tpu.dynamic_gather %add3A_1299[%gather3A_1304] in [0] : vector<16xf32>, vector<16xi32> -> vector<16xf32>
      %add3A_1306 = arith.addf %add3A_1299, %gather3A_1305 : vector<16xf32>
      %max3A_1307 = arith.constant 9.99999971E-10 : f32
      %max3A_1308 = vector.broadcast %max3A_1307 : f32 to vector<16xf32>
      %max3A_1309 = arith.maximumf %add3A_1306, %max3A_1308 : vector<16xf32>
      %div3A_1310 = arith.constant 1.000000e+00 : f32
      %div3A_1311 = vector.broadcast %div3A_1310 : f32 to vector<16xf32>
      %div3A_1312 = arith.divf %div3A_1311, %max3A_1309 : vector<16xf32>
      %mul3A_1313 = arith.mulf %parallel_loop3A_925#8, %div3A_1312 : vector<16xf32>
      %swap3A_1314 = arith.constant 0 : i32
      %swap3A_1315 = arith.constant 6 : i32
      %swap3A_1316 = arith.index_cast %swap3A_1314 : i32 to index
      %swap3A_1317 = arith.index_cast %swap3A_1315 : i32 to index
      %swap3A_1318 = arith.constant 0 : index
      %swap3A_1319 = tpu.vector_load %arg7[%swap3A_1316, %swap3A_1317, %swap3A_1318] {strides = array<i32>} : memref<2x8x64xf32, #tpu.memory_space<vmem>>, vector<1x1x16xf32>,
      %swap3A_1320 = vector.shape_cast %swap3A_1319 : vector<1x1x16xf32> to vector<16xf32>
      %swap3A_1321 = vector.shape_cast %mul3A_1313 : vector<16xf32> to vector<1x1x16xf32>
      tpu.vector_store %arg7[%swap3A_1316, %swap3A_1317, %swap3A_1318], %swap3A_1321 {strides = array<i32>} : memref<2x8x64xf32, #tpu.memory_space<vmem>>, vector<1x1x16xf32>,
      %mul3A_1322 = arith.mulf %parallel_loop3A_925#9, %div3A_1312 : vector<16xf32>
      %swap3A_1323 = arith.constant 0 : i32
      %swap3A_1324 = arith.constant 6 : i32
      %swap3A_1325 = arith.index_cast %swap3A_1323 : i32 to index
      %swap3A_1326 = arith.index_cast %swap3A_1324 : i32 to index
      %swap3A_1327 = arith.constant 16 : index
      %swap3A_1328 = tpu.vector_load %arg7[%swap3A_1325, %swap3A_1326, %swap3A_1327] {strides = array<i32>} : memref<2x8x64xf32, #tpu.memory_space<vmem>>, vector<1x1x16xf32>,
      %swap3A_1329 = vector.shape_cast %swap3A_1328 : vector<1x1x16xf32> to vector<16xf32>
      %swap3A_1330 = vector.shape_cast %mul3A_1322 : vector<16xf32> to vector<1x1x16xf32>
      tpu.vector_store %arg7[%swap3A_1325, %swap3A_1326, %swap3A_1327], %swap3A_1330 {strides = array<i32>} : memref<2x8x64xf32, #tpu.memory_space<vmem>>, vector<1x1x16xf32>,
      %mul3A_1331 = arith.mulf %parallel_loop3A_925#10, %div3A_1312 : vector<16xf32>
      %swap3A_1332 = arith.constant 0 : i32
      %swap3A_1333 = arith.constant 6 : i32
      %swap3A_1334 = arith.index_cast %swap3A_1332 : i32 to index
      %swap3A_1335 = arith.index_cast %swap3A_1333 : i32 to index
      %swap3A_1336 = arith.constant 32 : index
      %swap3A_1337 = tpu.vector_load %arg7[%swap3A_1334, %swap3A_1335, %swap3A_1336] {strides = array<i32>} : memref<2x8x64xf32, #tpu.memory_space<vmem>>, vector<1x1x16xf32>,
      %swap3A_1338 = vector.shape_cast %swap3A_1337 : vector<1x1x16xf32> to vector<16xf32>
      %swap3A_1339 = vector.shape_cast %mul3A_1331 : vector<16xf32> to vector<1x1x16xf32>
      tpu.vector_store %arg7[%swap3A_1334, %swap3A_1335, %swap3A_1336], %swap3A_1339 {strides = array<i32>} : memref<2x8x64xf32, #tpu.memory_space<vmem>>, vector<1x1x16xf32>,
      %mul3A_1340 = arith.mulf %parallel_loop3A_925#11, %div3A_1312 : vector<16xf32>
      %swap3A_1341 = arith.constant 0 : i32
      %swap3A_1342 = arith.constant 6 : i32
      %swap3A_1343 = arith.index_cast %swap3A_1341 : i32 to index
      %swap3A_1344 = arith.index_cast %swap3A_1342 : i32 to index
      %swap3A_1345 = arith.constant 48 : index
      %swap3A_1346 = tpu.vector_load %arg7[%swap3A_1343, %swap3A_1344, %swap3A_1345] {strides = array<i32>} : memref<2x8x64xf32, #tpu.memory_space<vmem>>, vector<1x1x16xf32>,
      %swap3A_1347 = vector.shape_cast %swap3A_1346 : vector<1x1x16xf32> to vector<16xf32>
      %swap3A_1348 = vector.shape_cast %mul3A_1340 : vector<16xf32> to vector<1x1x16xf32>
      tpu.vector_store %arg7[%swap3A_1343, %swap3A_1344, %swap3A_1345], %swap3A_1348 {strides = array<i32>} : memref<2x8x64xf32, #tpu.memory_space<vmem>>, vector<1x1x16xf32>,
      %broadcast_in_dim3A_1349 = arith.constant 0 : i32
      %broadcast_in_dim3A_1350 = vector.broadcast %broadcast_in_dim3A_1349 : i32 to vector<16xi32>
      %get3A_1351 = arith.constant 0 : i32
      %get3A_1352 = arith.constant 7 : i32
      %get3A_1353 = arith.index_cast %get3A_1351 : i32 to index
      %get3A_1354 = arith.index_cast %get3A_1352 : i32 to index
      %get3A_1355 = arith.constant 0 : index
      %get3A_1356 = tpu.vector_load %arg5[%get3A_1353, %get3A_1354, %get3A_1355] {strides = array<i32>} : memref<2x8x50xi32, #tpu.memory_space<vmem>>, vector<1x1x16xi32>,
      %get3A_1357 = vector.shape_cast %get3A_1356 : vector<1x1x16xi32> to vector<16xi32>
      %ne3A_1358 = arith.constant 0 : i32
      %ne3A_1359 = vector.broadcast %ne3A_1358 : i32 to vector<16xi32>
      %ne3A_1360 = arith.cmpi ne, %get3A_1357, %ne3A_1359 : vector<16xi32>
      %jit3A_1361 = arith.constant 1 : i32
      %jit3A_1362 = arith.constant 0 : i32
      %broadcast_in_dim3A_1363 = vector.broadcast %jit3A_1361 : i32 to vector<16xi32>
      %broadcast_in_dim3A_1364 = vector.broadcast %jit3A_1362 : i32 to vector<16xi32>
      %select_n3A_1365 = arith.select %ne3A_1360, %broadcast_in_dim3A_1363, %broadcast_in_dim3A_1364 : vector<16xi1>, vector<16xi32>
      %add3A_1366 = arith.addi %broadcast_in_dim3A_1350, %select_n3A_1365 : vector<16xi32>
      %get3A_1367 = arith.constant 0 : i32
      %get3A_1368 = arith.constant 7 : i32
      %get3A_1369 = arith.index_cast %get3A_1367 : i32 to index
      %get3A_1370 = arith.index_cast %get3A_1368 : i32 to index
      %get3A_1371 = arith.constant 16 : index
      %get3A_1372 = tpu.vector_load %arg5[%get3A_1369, %get3A_1370, %get3A_1371] {strides = array<i32>} : memref<2x8x50xi32, #tpu.memory_space<vmem>>, vector<1x1x16xi32>,
      %get3A_1373 = vector.shape_cast %get3A_1372 : vector<1x1x16xi32> to vector<16xi32>
      %ne3A_1374 = arith.constant 0 : i32
      %ne3A_1375 = vector.broadcast %ne3A_1374 : i32 to vector<16xi32>
      %ne3A_1376 = arith.cmpi ne, %get3A_1373, %ne3A_1375 : vector<16xi32>
      %jit3A_1377 = arith.constant 1 : i32
      %jit3A_1378 = arith.constant 0 : i32
      %broadcast_in_dim3A_1379 = vector.broadcast %jit3A_1377 : i32 to vector<16xi32>
      %broadcast_in_dim3A_1380 = vector.broadcast %jit3A_1378 : i32 to vector<16xi32>
      %select_n3A_1381 = arith.select %ne3A_1376, %broadcast_in_dim3A_1379, %broadcast_in_dim3A_1380 : vector<16xi1>, vector<16xi32>
      %add3A_1382 = arith.addi %add3A_1366, %select_n3A_1381 : vector<16xi32>
      %get3A_1383 = arith.constant 0 : i32
      %get3A_1384 = arith.constant 7 : i32
      %get3A_1385 = arith.index_cast %get3A_1383 : i32 to index
      %get3A_1386 = arith.index_cast %get3A_1384 : i32 to index
      %get3A_1387 = arith.constant 32 : index
      %get3A_1388 = tpu.vector_load %arg5[%get3A_1385, %get3A_1386, %get3A_1387] {strides = array<i32>} : memref<2x8x50xi32, #tpu.memory_space<vmem>>, vector<1x1x16xi32>,
      %get3A_1389 = vector.shape_cast %get3A_1388 : vector<1x1x16xi32> to vector<16xi32>
      %ne3A_1390 = arith.constant 0 : i32
      %ne3A_1391 = vector.broadcast %ne3A_1390 : i32 to vector<16xi32>
      %ne3A_1392 = arith.cmpi ne, %get3A_1389, %ne3A_1391 : vector<16xi32>
      %jit3A_1393 = arith.constant 1 : i32
      %jit3A_1394 = arith.constant 0 : i32
      %broadcast_in_dim3A_1395 = vector.broadcast %jit3A_1393 : i32 to vector<16xi32>
      %broadcast_in_dim3A_1396 = vector.broadcast %jit3A_1394 : i32 to vector<16xi32>
      %select_n3A_1397 = arith.select %ne3A_1392, %broadcast_in_dim3A_1395, %broadcast_in_dim3A_1396 : vector<16xi1>, vector<16xi32>
      %add3A_1398 = arith.addi %add3A_1382, %select_n3A_1397 : vector<16xi32>
      %get3A_1399 = arith.constant 0 : i32
      %get3A_1400 = arith.constant 7 : i32
      %get3A_1401 = arith.index_cast %get3A_1399 : i32 to index
      %get3A_1402 = arith.index_cast %get3A_1400 : i32 to index
      %get3A_1403 = arith.constant 34 : index
      %get3A_1404 = tpu.vector_load %arg5[%get3A_1401, %get3A_1402, %get3A_1403] {strides = array<i32>} : memref<2x8x50xi32, #tpu.memory_space<vmem>>, vector<1x1x16xi32>,
      %get3A_1405 = vector.shape_cast %get3A_1404 : vector<1x1x16xi32> to vector<16xi32>
      %ne3A_1406 = arith.constant 0 : i32
      %ne3A_1407 = vector.broadcast %ne3A_1406 : i32 to vector<16xi32>
      %ne3A_1408 = arith.cmpi ne, %get3A_1405, %ne3A_1407 : vector<16xi32>
      %ge3A_1409 = arith.constant 14 : i32
      %ge3A_1410 = vector.broadcast %ge3A_1409 : i32 to vector<16xi32>
      %ge3A_1411 = arith.cmpi sge, %iota3A, %ge3A_1410 : vector<16xi32>
      %and3A_1412 = arith.andi %ne3A_1408, %ge3A_1411 : vector<16xi1>
      %jit3A_1413 = arith.constant 1 : i32
      %jit3A_1414 = arith.constant 0 : i32
      %broadcast_in_dim3A_1415 = vector.broadcast %jit3A_1413 : i32 to vector<16xi32>
      %broadcast_in_dim3A_1416 = vector.broadcast %jit3A_1414 : i32 to vector<16xi32>
      %select_n3A_1417 = arith.select %and3A_1412, %broadcast_in_dim3A_1415, %broadcast_in_dim3A_1416 : vector<16xi1>, vector<16xi32>
      %add3A_1418 = arith.addi %add3A_1398, %select_n3A_1417 : vector<16xi32>
      %convert_element_type3A_1419 = arith.sitofp %add3A_1418 : vector<16xi32> to vector<16xf32>
      %xor3A_1420 = arith.constant 8 : i32
      %xor3A_1421 = vector.broadcast %xor3A_1420 : i32 to vector<16xi32>
      %xor3A_1422 = arith.xori %iota3A, %xor3A_1421 : vector<16xi32>
      %broadcast_in_dim3A_1423 = vector.shape_cast %xor3A_1422 : vector<16xi32> to vector<16x1xi32>
      %gather3A_1424 = vector.shape_cast %broadcast_in_dim3A_1423 : vector<16x1xi32> to vector<16xi32>
      %gather3A_1425 = tpu.dynamic_gather %convert_element_type3A_1419[%gather3A_1424] in [0] : vector<16xf32>, vector<16xi32> -> vector<16xf32>
      %add3A_1426 = arith.addf %convert_element_type3A_1419, %gather3A_1425 : vector<16xf32>
      %xor3A_1427 = arith.constant 4 : i32
      %xor3A_1428 = vector.broadcast %xor3A_1427 : i32 to vector<16xi32>
      %xor3A_1429 = arith.xori %iota3A, %xor3A_1428 : vector<16xi32>
      %broadcast_in_dim3A_1430 = vector.shape_cast %xor3A_1429 : vector<16xi32> to vector<16x1xi32>
      %gather3A_1431 = vector.shape_cast %broadcast_in_dim3A_1430 : vector<16x1xi32> to vector<16xi32>
      %gather3A_1432 = tpu.dynamic_gather %add3A_1426[%gather3A_1431] in [0] : vector<16xf32>, vector<16xi32> -> vector<16xf32>
      %add3A_1433 = arith.addf %add3A_1426, %gather3A_1432 : vector<16xf32>
      %xor3A_1434 = arith.constant 2 : i32
      %xor3A_1435 = vector.broadcast %xor3A_1434 : i32 to vector<16xi32>
      %xor3A_1436 = arith.xori %iota3A, %xor3A_1435 : vector<16xi32>
      %broadcast_in_dim3A_1437 = vector.shape_cast %xor3A_1436 : vector<16xi32> to vector<16x1xi32>
      %gather3A_1438 = vector.shape_cast %broadcast_in_dim3A_1437 : vector<16x1xi32> to vector<16xi32>
      %gather3A_1439 = tpu.dynamic_gather %add3A_1433[%gather3A_1438] in [0] : vector<16xf32>, vector<16xi32> -> vector<16xf32>
      %add3A_1440 = arith.addf %add3A_1433, %gather3A_1439 : vector<16xf32>
      %xor3A_1441 = arith.constant 1 : i32
      %xor3A_1442 = vector.broadcast %xor3A_1441 : i32 to vector<16xi32>
      %xor3A_1443 = arith.xori %iota3A, %xor3A_1442 : vector<16xi32>
      %broadcast_in_dim3A_1444 = vector.shape_cast %xor3A_1443 : vector<16xi32> to vector<16x1xi32>
      %gather3A_1445 = vector.shape_cast %broadcast_in_dim3A_1444 : vector<16x1xi32> to vector<16xi32>
      %gather3A_1446 = tpu.dynamic_gather %add3A_1440[%gather3A_1445] in [0] : vector<16xf32>, vector<16xi32> -> vector<16xf32>
      %add3A_1447 = arith.addf %add3A_1440, %gather3A_1446 : vector<16xf32>
      %max3A_1448 = arith.constant 9.99999971E-10 : f32
      %max3A_1449 = vector.broadcast %max3A_1448 : f32 to vector<16xf32>
      %max3A_1450 = arith.maximumf %add3A_1447, %max3A_1449 : vector<16xf32>
      %div3A_1451 = arith.constant 1.000000e+00 : f32
      %div3A_1452 = vector.broadcast %div3A_1451 : f32 to vector<16xf32>
      %div3A_1453 = arith.divf %div3A_1452, %max3A_1450 : vector<16xf32>
      %mul3A_1454 = arith.mulf %parallel_loop3A_925#12, %div3A_1453 : vector<16xf32>
      %swap3A_1455 = arith.constant 0 : i32
      %swap3A_1456 = arith.constant 7 : i32
      %swap3A_1457 = arith.index_cast %swap3A_1455 : i32 to index
      %swap3A_1458 = arith.index_cast %swap3A_1456 : i32 to index
      %swap3A_1459 = arith.constant 0 : index
      %swap3A_1460 = tpu.vector_load %arg7[%swap3A_1457, %swap3A_1458, %swap3A_1459] {strides = array<i32>} : memref<2x8x64xf32, #tpu.memory_space<vmem>>, vector<1x1x16xf32>,
      %swap3A_1461 = vector.shape_cast %swap3A_1460 : vector<1x1x16xf32> to vector<16xf32>
      %swap3A_1462 = vector.shape_cast %mul3A_1454 : vector<16xf32> to vector<1x1x16xf32>
      tpu.vector_store %arg7[%swap3A_1457, %swap3A_1458, %swap3A_1459], %swap3A_1462 {strides = array<i32>} : memref<2x8x64xf32, #tpu.memory_space<vmem>>, vector<1x1x16xf32>,
      %mul3A_1463 = arith.mulf %parallel_loop3A_925#13, %div3A_1453 : vector<16xf32>
      %swap3A_1464 = arith.constant 0 : i32
      %swap3A_1465 = arith.constant 7 : i32
      %swap3A_1466 = arith.index_cast %swap3A_1464 : i32 to index
      %swap3A_1467 = arith.index_cast %swap3A_1465 : i32 to index
      %swap3A_1468 = arith.constant 16 : index
      %swap3A_1469 = tpu.vector_load %arg7[%swap3A_1466, %swap3A_1467, %swap3A_1468] {strides = array<i32>} : memref<2x8x64xf32, #tpu.memory_space<vmem>>, vector<1x1x16xf32>,
      %swap3A_1470 = vector.shape_cast %swap3A_1469 : vector<1x1x16xf32> to vector<16xf32>
      %swap3A_1471 = vector.shape_cast %mul3A_1463 : vector<16xf32> to vector<1x1x16xf32>
      tpu.vector_store %arg7[%swap3A_1466, %swap3A_1467, %swap3A_1468], %swap3A_1471 {strides = array<i32>} : memref<2x8x64xf32, #tpu.memory_space<vmem>>, vector<1x1x16xf32>,
      %mul3A_1472 = arith.mulf %parallel_loop3A_925#14, %div3A_1453 : vector<16xf32>
      %swap3A_1473 = arith.constant 0 : i32
      %swap3A_1474 = arith.constant 7 : i32
      %swap3A_1475 = arith.index_cast %swap3A_1473 : i32 to index
      %swap3A_1476 = arith.index_cast %swap3A_1474 : i32 to index
      %swap3A_1477 = arith.constant 32 : index
      %swap3A_1478 = tpu.vector_load %arg7[%swap3A_1475, %swap3A_1476, %swap3A_1477] {strides = array<i32>} : memref<2x8x64xf32, #tpu.memory_space<vmem>>, vector<1x1x16xf32>,
      %swap3A_1479 = vector.shape_cast %swap3A_1478 : vector<1x1x16xf32> to vector<16xf32>
      %swap3A_1480 = vector.shape_cast %mul3A_1472 : vector<16xf32> to vector<1x1x16xf32>
      tpu.vector_store %arg7[%swap3A_1475, %swap3A_1476, %swap3A_1477], %swap3A_1480 {strides = array<i32>} : memref<2x8x64xf32, #tpu.memory_space<vmem>>, vector<1x1x16xf32>,
      %mul3A_1481 = arith.mulf %parallel_loop3A_925#15, %div3A_1453 : vector<16xf32>
      %swap3A_1482 = arith.constant 0 : i32
      %swap3A_1483 = arith.constant 7 : i32
      %swap3A_1484 = arith.index_cast %swap3A_1482 : i32 to index
      %swap3A_1485 = arith.index_cast %swap3A_1483 : i32 to index
      %swap3A_1486 = arith.constant 48 : index
      %swap3A_1487 = tpu.vector_load %arg7[%swap3A_1484, %swap3A_1485, %swap3A_1486] {strides = array<i32>} : memref<2x8x64xf32, #tpu.memory_space<vmem>>, vector<1x1x16xf32>,
      %swap3A_1488 = vector.shape_cast %swap3A_1487 : vector<1x1x16xf32> to vector<16xf32>
      %swap3A_1489 = vector.shape_cast %mul3A_1481 : vector<16xf32> to vector<1x1x16xf32>
      tpu.vector_store %arg7[%swap3A_1484, %swap3A_1485, %swap3A_1486], %swap3A_1489 {strides = array<i32>} : memref<2x8x64xf32, #tpu.memory_space<vmem>>, vector<1x1x16xf32>,
      %dma_start3A_1490 = arith.constant 0 : i32
      %dma_start3A_1491 = arith.constant 0 : i32
      %dma_start3A_1492 = arith.constant 0 : i32
      %dma_start3A_1493 = tpu.memref_slice %arg7[%dma_start3A_1490, %dma_start3A_1491, %dma_start3A_1492] : memref<2x8x64xf32, #tpu.memory_space<vmem>> -> memref<1x8x64xf32, #tpu.memory_space<vmem>>
      %dma_start3A_1494 = tpu.memref_squeeze %dma_start3A_1493 : memref<1x8x64xf32, #tpu.memory_space<vmem>> -> memref<8x64xf32, #tpu.memory_space<vmem>>
      %dma_start3A_1495 = arith.constant 0 : i32
      %dma_start3A_1496 = tpu.memref_slice %arg4[%add3A_360, %dma_start3A_1495] : memref<16384x64xf32, #tpu.memory_space<hbm>> -> memref<8x64xf32, #tpu.memory_space<hbm>>
      %dma_start3A_1497 = arith.constant 0 : i32
      %dma_start3A_1498 = tpu.memref_slice %arg4[%add3A_360, %dma_start3A_1497] : memref<16384x64xf32, #tpu.memory_space<hbm>> -> memref<8x64xf32, #tpu.memory_space<hbm>>
      %dma_start3A_1499 = arith.constant 0 : i32
      %dma_start3A_1500 = arith.constant 0 : i32
      %dma_start3A_1501 = tpu.memref_slice %arg7[%dma_start3A_1490, %dma_start3A_1499, %dma_start3A_1500] : memref<2x8x64xf32, #tpu.memory_space<vmem>> -> memref<1x8x64xf32, #tpu.memory_space<vmem>>
      %dma_start3A_1502 = tpu.memref_squeeze %dma_start3A_1501 : memref<1x8x64xf32, #tpu.memory_space<vmem>> -> memref<8x64xf32, #tpu.memory_space<vmem>>
      tpu.enqueue_dma source(%dma_start3A_1502 : memref<8x64xf32, #tpu.memory_space<vmem>>) target(%dma_start3A_1498 : memref<8x64xf32, #tpu.memory_space<hbm>>) target_semaphore(%arg10 : memref<!tpu.dma_semaphore, #tpu.memory_space<semaphore_mem>>)
      %lt3A = arith.constant 31 : i32
      %lt3A_1503 = arith.cmpi slt, %scan3A_138, %lt3A : i32
      %convert_element_type3A_1504 = arith.extui %lt3A_1503 : i1 to i32
      %cond3A_1505 = arith.constant 0 : i32
      %cond3A_1506 = arith.cmpi ne, %convert_element_type3A_1504, %cond3A_1505 : i32
      scf.if %cond3A_1506 {
        %mul3A_2779 = arith.constant 2 : i32
        %mul3A_2780 = arith.muli %mul3A_2779, %scan3A_138 : i32
        %add3A_2781 = arith.constant 2 : i32
        %add3A_2782 = arith.addi %mul3A_2780, %add3A_2781 : i32
        %mul3A_2783 = arith.constant 8 : i32
        %mul3A_2784 = arith.muli %add3A_2782, %mul3A_2783 : i32
        %add3A_2785 = arith.addi %mul3A_2, %mul3A_2784 : i32
        %run_scoped3A_2786 = arith.constant 0 : i32
        "tpu.region"() ({
          %run_scoped3A_2891 = tpu.sem_alloc : memref<!tpu.dma_semaphore, #tpu.memory_space<semaphore_mem>>
          %dma_start3A_2892 = arith.constant 0 : i32
          %dma_start3A_2893 = arith.constant 0 : i32
          %dma_start3A_2894 = tpu.memref_slice %arg5[%run_scoped3A_2786, %dma_start3A_2892, %dma_start3A_2893] : memref<2x8x50xi32, #tpu.memory_space<vmem>> -> memref<1x8x50xi32, #tpu.memory_space<vmem>>
          %dma_start3A_2895 = tpu.memref_squeeze %dma_start3A_2894 : memref<1x8x50xi32, #tpu.memory_space<vmem>> -> memref<8x50xi32, #tpu.memory_space<vmem>>
          %dma_start3A_2896 = arith.constant 0 : i32
          %dma_start3A_2897 = tpu.memref_slice %arg2[%add3A_2785, %dma_start3A_2896] : memref<16384x50xi32, #tpu.memory_space<hbm>> -> memref<8x50xi32, #tpu.memory_space<hbm>>
          %dma_start3A_2898 = arith.constant 0 : i32
          %dma_start3A_2899 = arith.constant 0 : i32
          %dma_start3A_2900 = tpu.memref_slice %arg5[%run_scoped3A_2786, %dma_start3A_2898, %dma_start3A_2899] : memref<2x8x50xi32, #tpu.memory_space<vmem>> -> memref<1x8x50xi32, #tpu.memory_space<vmem>>
          %dma_start3A_2901 = tpu.memref_squeeze %dma_start3A_2900 : memref<1x8x50xi32, #tpu.memory_space<vmem>> -> memref<8x50xi32, #tpu.memory_space<vmem>>
          %dma_start3A_2902 = arith.constant 0 : i32
          %dma_start3A_2903 = tpu.memref_slice %arg2[%add3A_2785, %dma_start3A_2902] : memref<16384x50xi32, #tpu.memory_space<hbm>> -> memref<8x50xi32, #tpu.memory_space<hbm>>
          tpu.enqueue_dma source(%dma_start3A_2903 : memref<8x50xi32, #tpu.memory_space<hbm>>) target(%dma_start3A_2901 : memref<8x50xi32, #tpu.memory_space<vmem>>) target_semaphore(%run_scoped3A_2891 : memref<!tpu.dma_semaphore, #tpu.memory_space<semaphore_mem>>)
          %dma_wait3A_2904 = arith.constant 0 : i32
          %dma_wait3A_2905 = arith.constant 0 : i32
          %dma_wait3A_2906 = tpu.memref_slice %arg5[%run_scoped3A_2786, %dma_wait3A_2904, %dma_wait3A_2905] : memref<2x8x50xi32, #tpu.memory_space<vmem>> -> memref<1x8x50xi32, #tpu.memory_space<vmem>>
          %dma_wait3A_2907 = tpu.memref_squeeze %dma_wait3A_2906 : memref<1x8x50xi32, #tpu.memory_space<vmem>> -> memref<8x50xi32, #tpu.memory_space<vmem>>
          %dma_wait3A_2908 = arith.constant 0 : i32
          %dma_wait3A_2909 = tpu.memref_slice %arg2[%add3A_2785, %dma_wait3A_2908] : memref<16384x50xi32, #tpu.memory_space<hbm>> -> memref<8x50xi32, #tpu.memory_space<hbm>>
          %dma_wait3A_2910 = arith.constant 0 : i32
          %dma_wait3A_2911 = arith.constant 0 : i32
          %dma_wait3A_2912 = tpu.memref_slice %arg5[%run_scoped3A_2786, %dma_wait3A_2910, %dma_wait3A_2911] : memref<2x8x50xi32, #tpu.memory_space<vmem>> -> memref<1x8x50xi32, #tpu.memory_space<vmem>>
          %dma_wait3A_2913 = tpu.memref_squeeze %dma_wait3A_2912 : memref<1x8x50xi32, #tpu.memory_space<vmem>> -> memref<8x50xi32, #tpu.memory_space<vmem>>
          %dma_wait3A_2914 = arith.constant 0 : i32
          %dma_wait3A_2915 = tpu.memref_slice %arg2[%add3A_2785, %dma_wait3A_2914] : memref<16384x50xi32, #tpu.memory_space<hbm>> -> memref<8x50xi32, #tpu.memory_space<hbm>>
          tpu.wait_dma2 semaphore(%run_scoped3A_2891 : memref<!tpu.dma_semaphore, #tpu.memory_space<semaphore_mem>>) src(%dma_wait3A_2915 : memref<8x50xi32, #tpu.memory_space<hbm>>) dst(%dma_wait3A_2913 : memref<8x50xi32, #tpu.memory_space<vmem>>)
          tpu.yield
        }) : () -> ()
        %dma_start3A_2787 = arith.constant 0 : i32
        %dma_start3A_2788 = arith.constant 0 : i32
        %dma_start3A_2789 = arith.constant 0 : i32
        %dma_start3A_2790 = arith.constant 0 : i32
        %dma_start3A_2791 = arith.constant 0 : i32
        %dma_start3A_2792 = tpu.memref_slice %arg6[%dma_start3A_2789, %dma_start3A_2790, %dma_start3A_2791] : memref<2x400x64xf32, #tpu.memory_space<vmem>> -> memref<1x50x64xf32, #tpu.memory_space<vmem>>
        %dma_start3A_2793 = tpu.memref_squeeze %dma_start3A_2792 : memref<1x50x64xf32, #tpu.memory_space<vmem>> -> memref<50x64xf32, #tpu.memory_space<vmem>>
        %dma_start3A_2794 = arith.constant 0 : i32
        %dma_start3A_2795 = tpu.memref_slice %arg5[%dma_start3A_2787, %dma_start3A_2788, %dma_start3A_2794] : memref<2x8x50xi32, #tpu.memory_space<vmem>> -> memref<1x1x50xi32, #tpu.memory_space<vmem>>
        %dma_start3A_2796 = tpu.memref_squeeze %dma_start3A_2795 : memref<1x1x50xi32, #tpu.memory_space<vmem>> -> memref<50xi32, #tpu.memory_space<vmem>>
        %dma_start3A_2797 = arith.constant 0 : i32
        %dma_start3A_2798 = arith.constant 0 : i32
        %dma_start3A_2799 = tpu.memref_slice %arg3[%dma_start3A_2797, %dma_start3A_2798] : memref<100000x64xf32, #tpu.memory_space<hbm>> -> memref<100000x64xf32, #tpu.memory_space<hbm>>
        tpu.enqueue_indirect_dma source(%dma_start3A_2799 : memref<100000x64xf32, #tpu.memory_space<hbm>>) target(%dma_start3A_2793 : memref<50x64xf32, #tpu.memory_space<vmem>>) offsets(%dma_start3A_2796 : memref<50xi32, #tpu.memory_space<vmem>>) semaphore(%arg8 : memref<!tpu.dma_semaphore, #tpu.memory_space<semaphore_mem>>)
        %dma_start3A_2800 = arith.constant 0 : i32
        %dma_start3A_2801 = arith.constant 1 : i32
        %dma_start3A_2802 = arith.constant 0 : i32
        %dma_start3A_2803 = arith.constant 50 : i32
        %dma_start3A_2804 = arith.constant 0 : i32
        %dma_start3A_2805 = tpu.memref_slice %arg6[%dma_start3A_2802, %dma_start3A_2803, %dma_start3A_2804] : memref<2x400x64xf32, #tpu.memory_space<vmem>> -> memref<1x50x64xf32, #tpu.memory_space<vmem>>
        %dma_start3A_2806 = tpu.memref_squeeze %dma_start3A_2805 : memref<1x50x64xf32, #tpu.memory_space<vmem>> -> memref<50x64xf32, #tpu.memory_space<vmem>>
        %dma_start3A_2807 = arith.constant 0 : i32
        %dma_start3A_2808 = tpu.memref_slice %arg5[%dma_start3A_2800, %dma_start3A_2801, %dma_start3A_2807] : memref<2x8x50xi32, #tpu.memory_space<vmem>> -> memref<1x1x50xi32, #tpu.memory_space<vmem>>
        %dma_start3A_2809 = tpu.memref_squeeze %dma_start3A_2808 : memref<1x1x50xi32, #tpu.memory_space<vmem>> -> memref<50xi32, #tpu.memory_space<vmem>>
        %dma_start3A_2810 = arith.constant 0 : i32
        %dma_start3A_2811 = arith.constant 0 : i32
        %dma_start3A_2812 = tpu.memref_slice %arg3[%dma_start3A_2810, %dma_start3A_2811] : memref<100000x64xf32, #tpu.memory_space<hbm>> -> memref<100000x64xf32, #tpu.memory_space<hbm>>
        tpu.enqueue_indirect_dma source(%dma_start3A_2812 : memref<100000x64xf32, #tpu.memory_space<hbm>>) target(%dma_start3A_2806 : memref<50x64xf32, #tpu.memory_space<vmem>>) offsets(%dma_start3A_2809 : memref<50xi32, #tpu.memory_space<vmem>>) semaphore(%arg8 : memref<!tpu.dma_semaphore, #tpu.memory_space<semaphore_mem>>)
        %dma_start3A_2813 = arith.constant 0 : i32
        %dma_start3A_2814 = arith.constant 2 : i32
        %dma_start3A_2815 = arith.constant 0 : i32
        %dma_start3A_2816 = arith.constant 100 : i32
        %dma_start3A_2817 = arith.constant 0 : i32
        %dma_start3A_2818 = tpu.memref_slice %arg6[%dma_start3A_2815, %dma_start3A_2816, %dma_start3A_2817] : memref<2x400x64xf32, #tpu.memory_space<vmem>> -> memref<1x50x64xf32, #tpu.memory_space<vmem>>
        %dma_start3A_2819 = tpu.memref_squeeze %dma_start3A_2818 : memref<1x50x64xf32, #tpu.memory_space<vmem>> -> memref<50x64xf32, #tpu.memory_space<vmem>>
        %dma_start3A_2820 = arith.constant 0 : i32
        %dma_start3A_2821 = tpu.memref_slice %arg5[%dma_start3A_2813, %dma_start3A_2814, %dma_start3A_2820] : memref<2x8x50xi32, #tpu.memory_space<vmem>> -> memref<1x1x50xi32, #tpu.memory_space<vmem>>
        %dma_start3A_2822 = tpu.memref_squeeze %dma_start3A_2821 : memref<1x1x50xi32, #tpu.memory_space<vmem>> -> memref<50xi32, #tpu.memory_space<vmem>>
        %dma_start3A_2823 = arith.constant 0 : i32
        %dma_start3A_2824 = arith.constant 0 : i32
        %dma_start3A_2825 = tpu.memref_slice %arg3[%dma_start3A_2823, %dma_start3A_2824] : memref<100000x64xf32, #tpu.memory_space<hbm>> -> memref<100000x64xf32, #tpu.memory_space<hbm>>
        tpu.enqueue_indirect_dma source(%dma_start3A_2825 : memref<100000x64xf32, #tpu.memory_space<hbm>>) target(%dma_start3A_2819 : memref<50x64xf32, #tpu.memory_space<vmem>>) offsets(%dma_start3A_2822 : memref<50xi32, #tpu.memory_space<vmem>>) semaphore(%arg8 : memref<!tpu.dma_semaphore, #tpu.memory_space<semaphore_mem>>)
        %dma_start3A_2826 = arith.constant 0 : i32
        %dma_start3A_2827 = arith.constant 3 : i32
        %dma_start3A_2828 = arith.constant 0 : i32
        %dma_start3A_2829 = arith.constant 150 : i32
        %dma_start3A_2830 = arith.constant 0 : i32
        %dma_start3A_2831 = tpu.memref_slice %arg6[%dma_start3A_2828, %dma_start3A_2829, %dma_start3A_2830] : memref<2x400x64xf32, #tpu.memory_space<vmem>> -> memref<1x50x64xf32, #tpu.memory_space<vmem>>
        %dma_start3A_2832 = tpu.memref_squeeze %dma_start3A_2831 : memref<1x50x64xf32, #tpu.memory_space<vmem>> -> memref<50x64xf32, #tpu.memory_space<vmem>>
        %dma_start3A_2833 = arith.constant 0 : i32
        %dma_start3A_2834 = tpu.memref_slice %arg5[%dma_start3A_2826, %dma_start3A_2827, %dma_start3A_2833] : memref<2x8x50xi32, #tpu.memory_space<vmem>> -> memref<1x1x50xi32, #tpu.memory_space<vmem>>
        %dma_start3A_2835 = tpu.memref_squeeze %dma_start3A_2834 : memref<1x1x50xi32, #tpu.memory_space<vmem>> -> memref<50xi32, #tpu.memory_space<vmem>>
        %dma_start3A_2836 = arith.constant 0 : i32
        %dma_start3A_2837 = arith.constant 0 : i32
        %dma_start3A_2838 = tpu.memref_slice %arg3[%dma_start3A_2836, %dma_start3A_2837] : memref<100000x64xf32, #tpu.memory_space<hbm>> -> memref<100000x64xf32, #tpu.memory_space<hbm>>
        tpu.enqueue_indirect_dma source(%dma_start3A_2838 : memref<100000x64xf32, #tpu.memory_space<hbm>>) target(%dma_start3A_2832 : memref<50x64xf32, #tpu.memory_space<vmem>>) offsets(%dma_start3A_2835 : memref<50xi32, #tpu.memory_space<vmem>>) semaphore(%arg8 : memref<!tpu.dma_semaphore, #tpu.memory_space<semaphore_mem>>)
        %dma_start3A_2839 = arith.constant 0 : i32
        %dma_start3A_2840 = arith.constant 4 : i32
        %dma_start3A_2841 = arith.constant 0 : i32
        %dma_start3A_2842 = arith.constant 200 : i32
        %dma_start3A_2843 = arith.constant 0 : i32
        %dma_start3A_2844 = tpu.memref_slice %arg6[%dma_start3A_2841, %dma_start3A_2842, %dma_start3A_2843] : memref<2x400x64xf32, #tpu.memory_space<vmem>> -> memref<1x50x64xf32, #tpu.memory_space<vmem>>
        %dma_start3A_2845 = tpu.memref_squeeze %dma_start3A_2844 : memref<1x50x64xf32, #tpu.memory_space<vmem>> -> memref<50x64xf32, #tpu.memory_space<vmem>>
        %dma_start3A_2846 = arith.constant 0 : i32
        %dma_start3A_2847 = tpu.memref_slice %arg5[%dma_start3A_2839, %dma_start3A_2840, %dma_start3A_2846] : memref<2x8x50xi32, #tpu.memory_space<vmem>> -> memref<1x1x50xi32, #tpu.memory_space<vmem>>
        %dma_start3A_2848 = tpu.memref_squeeze %dma_start3A_2847 : memref<1x1x50xi32, #tpu.memory_space<vmem>> -> memref<50xi32, #tpu.memory_space<vmem>>
        %dma_start3A_2849 = arith.constant 0 : i32
        %dma_start3A_2850 = arith.constant 0 : i32
        %dma_start3A_2851 = tpu.memref_slice %arg3[%dma_start3A_2849, %dma_start3A_2850] : memref<100000x64xf32, #tpu.memory_space<hbm>> -> memref<100000x64xf32, #tpu.memory_space<hbm>>
        tpu.enqueue_indirect_dma source(%dma_start3A_2851 : memref<100000x64xf32, #tpu.memory_space<hbm>>) target(%dma_start3A_2845 : memref<50x64xf32, #tpu.memory_space<vmem>>) offsets(%dma_start3A_2848 : memref<50xi32, #tpu.memory_space<vmem>>) semaphore(%arg8 : memref<!tpu.dma_semaphore, #tpu.memory_space<semaphore_mem>>)
        %dma_start3A_2852 = arith.constant 0 : i32
        %dma_start3A_2853 = arith.constant 5 : i32
        %dma_start3A_2854 = arith.constant 0 : i32
        %dma_start3A_2855 = arith.constant 250 : i32
        %dma_start3A_2856 = arith.constant 0 : i32
        %dma_start3A_2857 = tpu.memref_slice %arg6[%dma_start3A_2854, %dma_start3A_2855, %dma_start3A_2856] : memref<2x400x64xf32, #tpu.memory_space<vmem>> -> memref<1x50x64xf32, #tpu.memory_space<vmem>>
        %dma_start3A_2858 = tpu.memref_squeeze %dma_start3A_2857 : memref<1x50x64xf32, #tpu.memory_space<vmem>> -> memref<50x64xf32, #tpu.memory_space<vmem>>
        %dma_start3A_2859 = arith.constant 0 : i32
        %dma_start3A_2860 = tpu.memref_slice %arg5[%dma_start3A_2852, %dma_start3A_2853, %dma_start3A_2859] : memref<2x8x50xi32, #tpu.memory_space<vmem>> -> memref<1x1x50xi32, #tpu.memory_space<vmem>>
        %dma_start3A_2861 = tpu.memref_squeeze %dma_start3A_2860 : memref<1x1x50xi32, #tpu.memory_space<vmem>> -> memref<50xi32, #tpu.memory_space<vmem>>
        %dma_start3A_2862 = arith.constant 0 : i32
        %dma_start3A_2863 = arith.constant 0 : i32
        %dma_start3A_2864 = tpu.memref_slice %arg3[%dma_start3A_2862, %dma_start3A_2863] : memref<100000x64xf32, #tpu.memory_space<hbm>> -> memref<100000x64xf32, #tpu.memory_space<hbm>>
        tpu.enqueue_indirect_dma source(%dma_start3A_2864 : memref<100000x64xf32, #tpu.memory_space<hbm>>) target(%dma_start3A_2858 : memref<50x64xf32, #tpu.memory_space<vmem>>) offsets(%dma_start3A_2861 : memref<50xi32, #tpu.memory_space<vmem>>) semaphore(%arg8 : memref<!tpu.dma_semaphore, #tpu.memory_space<semaphore_mem>>)
        %dma_start3A_2865 = arith.constant 0 : i32
        %dma_start3A_2866 = arith.constant 6 : i32
        %dma_start3A_2867 = arith.constant 0 : i32
        %dma_start3A_2868 = arith.constant 300 : i32
        %dma_start3A_2869 = arith.constant 0 : i32
        %dma_start3A_2870 = tpu.memref_slice %arg6[%dma_start3A_2867, %dma_start3A_2868, %dma_start3A_2869] : memref<2x400x64xf32, #tpu.memory_space<vmem>> -> memref<1x50x64xf32, #tpu.memory_space<vmem>>
        %dma_start3A_2871 = tpu.memref_squeeze %dma_start3A_2870 : memref<1x50x64xf32, #tpu.memory_space<vmem>> -> memref<50x64xf32, #tpu.memory_space<vmem>>
        %dma_start3A_2872 = arith.constant 0 : i32
        %dma_start3A_2873 = tpu.memref_slice %arg5[%dma_start3A_2865, %dma_start3A_2866, %dma_start3A_2872] : memref<2x8x50xi32, #tpu.memory_space<vmem>> -> memref<1x1x50xi32, #tpu.memory_space<vmem>>
        %dma_start3A_2874 = tpu.memref_squeeze %dma_start3A_2873 : memref<1x1x50xi32, #tpu.memory_space<vmem>> -> memref<50xi32, #tpu.memory_space<vmem>>
        %dma_start3A_2875 = arith.constant 0 : i32
        %dma_start3A_2876 = arith.constant 0 : i32
        %dma_start3A_2877 = tpu.memref_slice %arg3[%dma_start3A_2875, %dma_start3A_2876] : memref<100000x64xf32, #tpu.memory_space<hbm>> -> memref<100000x64xf32, #tpu.memory_space<hbm>>
        tpu.enqueue_indirect_dma source(%dma_start3A_2877 : memref<100000x64xf32, #tpu.memory_space<hbm>>) target(%dma_start3A_2871 : memref<50x64xf32, #tpu.memory_space<vmem>>) offsets(%dma_start3A_2874 : memref<50xi32, #tpu.memory_space<vmem>>) semaphore(%arg8 : memref<!tpu.dma_semaphore, #tpu.memory_space<semaphore_mem>>)
        %dma_start3A_2878 = arith.constant 0 : i32
        %dma_start3A_2879 = arith.constant 7 : i32
        %dma_start3A_2880 = arith.constant 0 : i32
        %dma_start3A_2881 = arith.constant 350 : i32
        %dma_start3A_2882 = arith.constant 0 : i32
        %dma_start3A_2883 = tpu.memref_slice %arg6[%dma_start3A_2880, %dma_start3A_2881, %dma_start3A_2882] : memref<2x400x64xf32, #tpu.memory_space<vmem>> -> memref<1x50x64xf32, #tpu.memory_space<vmem>>
        %dma_start3A_2884 = tpu.memref_squeeze %dma_start3A_2883 : memref<1x50x64xf32, #tpu.memory_space<vmem>> -> memref<50x64xf32, #tpu.memory_space<vmem>>
        %dma_start3A_2885 = arith.constant 0 : i32
        %dma_start3A_2886 = tpu.memref_slice %arg5[%dma_start3A_2878, %dma_start3A_2879, %dma_start3A_2885] : memref<2x8x50xi32, #tpu.memory_space<vmem>> -> memref<1x1x50xi32, #tpu.memory_space<vmem>>
        %dma_start3A_2887 = tpu.memref_squeeze %dma_start3A_2886 : memref<1x1x50xi32, #tpu.memory_space<vmem>> -> memref<50xi32, #tpu.memory_space<vmem>>
        %dma_start3A_2888 = arith.constant 0 : i32
        %dma_start3A_2889 = arith.constant 0 : i32
        %dma_start3A_2890 = tpu.memref_slice %arg3[%dma_start3A_2888, %dma_start3A_2889] : memref<100000x64xf32, #tpu.memory_space<hbm>> -> memref<100000x64xf32, #tpu.memory_space<hbm>>
        tpu.enqueue_indirect_dma source(%dma_start3A_2890 : memref<100000x64xf32, #tpu.memory_space<hbm>>) target(%dma_start3A_2884 : memref<50x64xf32, #tpu.memory_space<vmem>>) offsets(%dma_start3A_2887 : memref<50xi32, #tpu.memory_space<vmem>>) semaphore(%arg8 : memref<!tpu.dma_semaphore, #tpu.memory_space<semaphore_mem>>)
      } else {
      }
      %dma_wait3A_1507 = arith.constant 1 : i32
      %dma_wait3A_1508 = arith.constant 0 : i32
      %dma_wait3A_1509 = arith.constant 1 : i32
      %dma_wait3A_1510 = arith.constant 0 : i32
      %dma_wait3A_1511 = arith.constant 0 : i32
      %dma_wait3A_1512 = tpu.memref_slice %arg6[%dma_wait3A_1509, %dma_wait3A_1510, %dma_wait3A_1511] : memref<2x400x64xf32, #tpu.memory_space<vmem>> -> memref<1x50x64xf32, #tpu.memory_space<vmem>>
      %dma_wait3A_1513 = tpu.memref_squeeze %dma_wait3A_1512 : memref<1x50x64xf32, #tpu.memory_space<vmem>> -> memref<50x64xf32, #tpu.memory_space<vmem>>
      %dma_wait3A_1514 = arith.constant 0 : i32
      %dma_wait3A_1515 = tpu.memref_slice %arg5[%dma_wait3A_1507, %dma_wait3A_1508, %dma_wait3A_1514] : memref<2x8x50xi32, #tpu.memory_space<vmem>> -> memref<1x1x50xi32, #tpu.memory_space<vmem>>
      %dma_wait3A_1516 = tpu.memref_squeeze %dma_wait3A_1515 : memref<1x1x50xi32, #tpu.memory_space<vmem>> -> memref<50xi32, #tpu.memory_space<vmem>>
      %dma_wait3A_1517 = arith.constant 0 : i32
      %dma_wait3A_1518 = arith.constant 0 : i32
      %dma_wait3A_1519 = tpu.memref_slice %arg3[%dma_wait3A_1517, %dma_wait3A_1518] : memref<100000x64xf32, #tpu.memory_space<hbm>> -> memref<100000x64xf32, #tpu.memory_space<hbm>>
      tpu.wait_indirect_dma semaphore(%arg9 : memref<!tpu.dma_semaphore, #tpu.memory_space<semaphore_mem>>) src(%dma_wait3A_1519 : memref<100000x64xf32, #tpu.memory_space<hbm>>) dst(%dma_wait3A_1513 : memref<50x64xf32, #tpu.memory_space<vmem>>)
      %dma_wait3A_1520 = arith.constant 1 : i32
      %dma_wait3A_1521 = arith.constant 1 : i32
      %dma_wait3A_1522 = arith.constant 1 : i32
      %dma_wait3A_1523 = arith.constant 50 : i32
      %dma_wait3A_1524 = arith.constant 0 : i32
      %dma_wait3A_1525 = tpu.memref_slice %arg6[%dma_wait3A_1522, %dma_wait3A_1523, %dma_wait3A_1524] : memref<2x400x64xf32, #tpu.memory_space<vmem>> -> memref<1x50x64xf32, #tpu.memory_space<vmem>>
      %dma_wait3A_1526 = tpu.memref_squeeze %dma_wait3A_1525 : memref<1x50x64xf32, #tpu.memory_space<vmem>> -> memref<50x64xf32, #tpu.memory_space<vmem>>
      %dma_wait3A_1527 = arith.constant 0 : i32
      %dma_wait3A_1528 = tpu.memref_slice %arg5[%dma_wait3A_1520, %dma_wait3A_1521, %dma_wait3A_1527] : memref<2x8x50xi32, #tpu.memory_space<vmem>> -> memref<1x1x50xi32, #tpu.memory_space<vmem>>
      %dma_wait3A_1529 = tpu.memref_squeeze %dma_wait3A_1528 : memref<1x1x50xi32, #tpu.memory_space<vmem>> -> memref<50xi32, #tpu.memory_space<vmem>>
      %dma_wait3A_1530 = arith.constant 0 : i32
      %dma_wait3A_1531 = arith.constant 0 : i32
      %dma_wait3A_1532 = tpu.memref_slice %arg3[%dma_wait3A_1530, %dma_wait3A_1531] : memref<100000x64xf32, #tpu.memory_space<hbm>> -> memref<100000x64xf32, #tpu.memory_space<hbm>>
      tpu.wait_indirect_dma semaphore(%arg9 : memref<!tpu.dma_semaphore, #tpu.memory_space<semaphore_mem>>) src(%dma_wait3A_1532 : memref<100000x64xf32, #tpu.memory_space<hbm>>) dst(%dma_wait3A_1526 : memref<50x64xf32, #tpu.memory_space<vmem>>)
      %dma_wait3A_1533 = arith.constant 1 : i32
      %dma_wait3A_1534 = arith.constant 2 : i32
      %dma_wait3A_1535 = arith.constant 1 : i32
      %dma_wait3A_1536 = arith.constant 100 : i32
      %dma_wait3A_1537 = arith.constant 0 : i32
      %dma_wait3A_1538 = tpu.memref_slice %arg6[%dma_wait3A_1535, %dma_wait3A_1536, %dma_wait3A_1537] : memref<2x400x64xf32, #tpu.memory_space<vmem>> -> memref<1x50x64xf32, #tpu.memory_space<vmem>>
      %dma_wait3A_1539 = tpu.memref_squeeze %dma_wait3A_1538 : memref<1x50x64xf32, #tpu.memory_space<vmem>> -> memref<50x64xf32, #tpu.memory_space<vmem>>
      %dma_wait3A_1540 = arith.constant 0 : i32
      %dma_wait3A_1541 = tpu.memref_slice %arg5[%dma_wait3A_1533, %dma_wait3A_1534, %dma_wait3A_1540] : memref<2x8x50xi32, #tpu.memory_space<vmem>> -> memref<1x1x50xi32, #tpu.memory_space<vmem>>
      %dma_wait3A_1542 = tpu.memref_squeeze %dma_wait3A_1541 : memref<1x1x50xi32, #tpu.memory_space<vmem>> -> memref<50xi32, #tpu.memory_space<vmem>>
      %dma_wait3A_1543 = arith.constant 0 : i32
      %dma_wait3A_1544 = arith.constant 0 : i32
      %dma_wait3A_1545 = tpu.memref_slice %arg3[%dma_wait3A_1543, %dma_wait3A_1544] : memref<100000x64xf32, #tpu.memory_space<hbm>> -> memref<100000x64xf32, #tpu.memory_space<hbm>>
      tpu.wait_indirect_dma semaphore(%arg9 : memref<!tpu.dma_semaphore, #tpu.memory_space<semaphore_mem>>) src(%dma_wait3A_1545 : memref<100000x64xf32, #tpu.memory_space<hbm>>) dst(%dma_wait3A_1539 : memref<50x64xf32, #tpu.memory_space<vmem>>)
      %dma_wait3A_1546 = arith.constant 1 : i32
      %dma_wait3A_1547 = arith.constant 3 : i32
      %dma_wait3A_1548 = arith.constant 1 : i32
      %dma_wait3A_1549 = arith.constant 150 : i32
      %dma_wait3A_1550 = arith.constant 0 : i32
      %dma_wait3A_1551 = tpu.memref_slice %arg6[%dma_wait3A_1548, %dma_wait3A_1549, %dma_wait3A_1550] : memref<2x400x64xf32, #tpu.memory_space<vmem>> -> memref<1x50x64xf32, #tpu.memory_space<vmem>>
      %dma_wait3A_1552 = tpu.memref_squeeze %dma_wait3A_1551 : memref<1x50x64xf32, #tpu.memory_space<vmem>> -> memref<50x64xf32, #tpu.memory_space<vmem>>
      %dma_wait3A_1553 = arith.constant 0 : i32
      %dma_wait3A_1554 = tpu.memref_slice %arg5[%dma_wait3A_1546, %dma_wait3A_1547, %dma_wait3A_1553] : memref<2x8x50xi32, #tpu.memory_space<vmem>> -> memref<1x1x50xi32, #tpu.memory_space<vmem>>
      %dma_wait3A_1555 = tpu.memref_squeeze %dma_wait3A_1554 : memref<1x1x50xi32, #tpu.memory_space<vmem>> -> memref<50xi32, #tpu.memory_space<vmem>>
      %dma_wait3A_1556 = arith.constant 0 : i32
      %dma_wait3A_1557 = arith.constant 0 : i32
      %dma_wait3A_1558 = tpu.memref_slice %arg3[%dma_wait3A_1556, %dma_wait3A_1557] : memref<100000x64xf32, #tpu.memory_space<hbm>> -> memref<100000x64xf32, #tpu.memory_space<hbm>>
      tpu.wait_indirect_dma semaphore(%arg9 : memref<!tpu.dma_semaphore, #tpu.memory_space<semaphore_mem>>) src(%dma_wait3A_1558 : memref<100000x64xf32, #tpu.memory_space<hbm>>) dst(%dma_wait3A_1552 : memref<50x64xf32, #tpu.memory_space<vmem>>)
      %dma_wait3A_1559 = arith.constant 1 : i32
      %dma_wait3A_1560 = arith.constant 4 : i32
      %dma_wait3A_1561 = arith.constant 1 : i32
      %dma_wait3A_1562 = arith.constant 200 : i32
      %dma_wait3A_1563 = arith.constant 0 : i32
      %dma_wait3A_1564 = tpu.memref_slice %arg6[%dma_wait3A_1561, %dma_wait3A_1562, %dma_wait3A_1563] : memref<2x400x64xf32, #tpu.memory_space<vmem>> -> memref<1x50x64xf32, #tpu.memory_space<vmem>>
      %dma_wait3A_1565 = tpu.memref_squeeze %dma_wait3A_1564 : memref<1x50x64xf32, #tpu.memory_space<vmem>> -> memref<50x64xf32, #tpu.memory_space<vmem>>
      %dma_wait3A_1566 = arith.constant 0 : i32
      %dma_wait3A_1567 = tpu.memref_slice %arg5[%dma_wait3A_1559, %dma_wait3A_1560, %dma_wait3A_1566] : memref<2x8x50xi32, #tpu.memory_space<vmem>> -> memref<1x1x50xi32, #tpu.memory_space<vmem>>
      %dma_wait3A_1568 = tpu.memref_squeeze %dma_wait3A_1567 : memref<1x1x50xi32, #tpu.memory_space<vmem>> -> memref<50xi32, #tpu.memory_space<vmem>>
      %dma_wait3A_1569 = arith.constant 0 : i32
      %dma_wait3A_1570 = arith.constant 0 : i32
      %dma_wait3A_1571 = tpu.memref_slice %arg3[%dma_wait3A_1569, %dma_wait3A_1570] : memref<100000x64xf32, #tpu.memory_space<hbm>> -> memref<100000x64xf32, #tpu.memory_space<hbm>>
      tpu.wait_indirect_dma semaphore(%arg9 : memref<!tpu.dma_semaphore, #tpu.memory_space<semaphore_mem>>) src(%dma_wait3A_1571 : memref<100000x64xf32, #tpu.memory_space<hbm>>) dst(%dma_wait3A_1565 : memref<50x64xf32, #tpu.memory_space<vmem>>)
      %dma_wait3A_1572 = arith.constant 1 : i32
      %dma_wait3A_1573 = arith.constant 5 : i32
      %dma_wait3A_1574 = arith.constant 1 : i32
      %dma_wait3A_1575 = arith.constant 250 : i32
      %dma_wait3A_1576 = arith.constant 0 : i32
      %dma_wait3A_1577 = tpu.memref_slice %arg6[%dma_wait3A_1574, %dma_wait3A_1575, %dma_wait3A_1576] : memref<2x400x64xf32, #tpu.memory_space<vmem>> -> memref<1x50x64xf32, #tpu.memory_space<vmem>>
      %dma_wait3A_1578 = tpu.memref_squeeze %dma_wait3A_1577 : memref<1x50x64xf32, #tpu.memory_space<vmem>> -> memref<50x64xf32, #tpu.memory_space<vmem>>
      %dma_wait3A_1579 = arith.constant 0 : i32
      %dma_wait3A_1580 = tpu.memref_slice %arg5[%dma_wait3A_1572, %dma_wait3A_1573, %dma_wait3A_1579] : memref<2x8x50xi32, #tpu.memory_space<vmem>> -> memref<1x1x50xi32, #tpu.memory_space<vmem>>
      %dma_wait3A_1581 = tpu.memref_squeeze %dma_wait3A_1580 : memref<1x1x50xi32, #tpu.memory_space<vmem>> -> memref<50xi32, #tpu.memory_space<vmem>>
      %dma_wait3A_1582 = arith.constant 0 : i32
      %dma_wait3A_1583 = arith.constant 0 : i32
      %dma_wait3A_1584 = tpu.memref_slice %arg3[%dma_wait3A_1582, %dma_wait3A_1583] : memref<100000x64xf32, #tpu.memory_space<hbm>> -> memref<100000x64xf32, #tpu.memory_space<hbm>>
      tpu.wait_indirect_dma semaphore(%arg9 : memref<!tpu.dma_semaphore, #tpu.memory_space<semaphore_mem>>) src(%dma_wait3A_1584 : memref<100000x64xf32, #tpu.memory_space<hbm>>) dst(%dma_wait3A_1578 : memref<50x64xf32, #tpu.memory_space<vmem>>)
      %dma_wait3A_1585 = arith.constant 1 : i32
      %dma_wait3A_1586 = arith.constant 6 : i32
      %dma_wait3A_1587 = arith.constant 1 : i32
      %dma_wait3A_1588 = arith.constant 300 : i32
      %dma_wait3A_1589 = arith.constant 0 : i32
      %dma_wait3A_1590 = tpu.memref_slice %arg6[%dma_wait3A_1587, %dma_wait3A_1588, %dma_wait3A_1589] : memref<2x400x64xf32, #tpu.memory_space<vmem>> -> memref<1x50x64xf32, #tpu.memory_space<vmem>>
      %dma_wait3A_1591 = tpu.memref_squeeze %dma_wait3A_1590 : memref<1x50x64xf32, #tpu.memory_space<vmem>> -> memref<50x64xf32, #tpu.memory_space<vmem>>
      %dma_wait3A_1592 = arith.constant 0 : i32
      %dma_wait3A_1593 = tpu.memref_slice %arg5[%dma_wait3A_1585, %dma_wait3A_1586, %dma_wait3A_1592] : memref<2x8x50xi32, #tpu.memory_space<vmem>> -> memref<1x1x50xi32, #tpu.memory_space<vmem>>
      %dma_wait3A_1594 = tpu.memref_squeeze %dma_wait3A_1593 : memref<1x1x50xi32, #tpu.memory_space<vmem>> -> memref<50xi32, #tpu.memory_space<vmem>>
      %dma_wait3A_1595 = arith.constant 0 : i32
      %dma_wait3A_1596 = arith.constant 0 : i32
      %dma_wait3A_1597 = tpu.memref_slice %arg3[%dma_wait3A_1595, %dma_wait3A_1596] : memref<100000x64xf32, #tpu.memory_space<hbm>> -> memref<100000x64xf32, #tpu.memory_space<hbm>>
      tpu.wait_indirect_dma semaphore(%arg9 : memref<!tpu.dma_semaphore, #tpu.memory_space<semaphore_mem>>) src(%dma_wait3A_1597 : memref<100000x64xf32, #tpu.memory_space<hbm>>) dst(%dma_wait3A_1591 : memref<50x64xf32, #tpu.memory_space<vmem>>)
      %dma_wait3A_1598 = arith.constant 1 : i32
      %dma_wait3A_1599 = arith.constant 7 : i32
      %dma_wait3A_1600 = arith.constant 1 : i32
      %dma_wait3A_1601 = arith.constant 350 : i32
      %dma_wait3A_1602 = arith.constant 0 : i32
      %dma_wait3A_1603 = tpu.memref_slice %arg6[%dma_wait3A_1600, %dma_wait3A_1601, %dma_wait3A_1602] : memref<2x400x64xf32, #tpu.memory_space<vmem>> -> memref<1x50x64xf32, #tpu.memory_space<vmem>>
      %dma_wait3A_1604 = tpu.memref_squeeze %dma_wait3A_1603 : memref<1x50x64xf32, #tpu.memory_space<vmem>> -> memref<50x64xf32, #tpu.memory_space<vmem>>
      %dma_wait3A_1605 = arith.constant 0 : i32
      %dma_wait3A_1606 = tpu.memref_slice %arg5[%dma_wait3A_1598, %dma_wait3A_1599, %dma_wait3A_1605] : memref<2x8x50xi32, #tpu.memory_space<vmem>> -> memref<1x1x50xi32, #tpu.memory_space<vmem>>
      %dma_wait3A_1607 = tpu.memref_squeeze %dma_wait3A_1606 : memref<1x1x50xi32, #tpu.memory_space<vmem>> -> memref<50xi32, #tpu.memory_space<vmem>>
      %dma_wait3A_1608 = arith.constant 0 : i32
      %dma_wait3A_1609 = arith.constant 0 : i32
      %dma_wait3A_1610 = tpu.memref_slice %arg3[%dma_wait3A_1608, %dma_wait3A_1609] : memref<100000x64xf32, #tpu.memory_space<hbm>> -> memref<100000x64xf32, #tpu.memory_space<hbm>>
      tpu.wait_indirect_dma semaphore(%arg9 : memref<!tpu.dma_semaphore, #tpu.memory_space<semaphore_mem>>) src(%dma_wait3A_1610 : memref<100000x64xf32, #tpu.memory_space<hbm>>) dst(%dma_wait3A_1604 : memref<50x64xf32, #tpu.memory_space<vmem>>)
      %mul3A_1611 = arith.constant 2 : i32
      %mul3A_1612 = arith.muli %mul3A_1611, %scan3A_138 : i32
      %add3A_1613 = arith.constant 1 : i32
      %add3A_1614 = arith.addi %mul3A_1612, %add3A_1613 : i32
      %eq3A_1615 = arith.constant 0 : i32
      %eq3A_1616 = arith.cmpi eq, %scan3A_138, %eq3A_1615 : i32
      %mul3A_1617 = arith.constant 8 : i32
      %mul3A_1618 = arith.muli %add3A_1614, %mul3A_1617 : i32
      %add3A_1619 = arith.addi %mul3A_2, %mul3A_1618 : i32
      %not3A_1620 = arith.constant true
      %not3A_1621 = arith.xori %eq3A_1616, %not3A_1620 : i1
      %convert_element_type3A_1622 = arith.extui %not3A_1621 : i1 to i32
      %cond3A_1623 = arith.constant 0 : i32
      %cond3A_1624 = arith.cmpi ne, %convert_element_type3A_1622, %cond3A_1623 : i32
      scf.if %cond3A_1624 {
        %dma_wait3A_2779 = arith.constant 1 : i32
        %dma_wait3A_2780 = arith.constant 0 : i32
        %dma_wait3A_2781 = arith.constant 0 : i32
        %dma_wait3A_2782 = tpu.memref_slice %arg7[%dma_wait3A_2779, %dma_wait3A_2780, %dma_wait3A_2781] : memref<2x8x64xf32, #tpu.memory_space<vmem>> -> memref<1x8x64xf32, #tpu.memory_space<vmem>>
        %dma_wait3A_2783 = tpu.memref_squeeze %dma_wait3A_2782 : memref<1x8x64xf32, #tpu.memory_space<vmem>> -> memref<8x64xf32, #tpu.memory_space<vmem>>
        %dma_wait3A_2784 = arith.constant 0 : i32
        %dma_wait3A_2785 = tpu.memref_slice %arg4[%mul3A_2, %dma_wait3A_2784] : memref<16384x64xf32, #tpu.memory_space<hbm>> -> memref<8x64xf32, #tpu.memory_space<hbm>>
        %dma_wait3A_2786 = arith.constant 0 : i32
        %dma_wait3A_2787 = tpu.memref_slice %arg4[%mul3A_2, %dma_wait3A_2786] : memref<16384x64xf32, #tpu.memory_space<hbm>> -> memref<8x64xf32, #tpu.memory_space<hbm>>
        %dma_wait3A_2788 = arith.constant 0 : i32
        %dma_wait3A_2789 = arith.constant 0 : i32
        %dma_wait3A_2790 = tpu.memref_slice %arg7[%dma_wait3A_2779, %dma_wait3A_2788, %dma_wait3A_2789] : memref<2x8x64xf32, #tpu.memory_space<vmem>> -> memref<1x8x64xf32, #tpu.memory_space<vmem>>
        %dma_wait3A_2791 = tpu.memref_squeeze %dma_wait3A_2790 : memref<1x8x64xf32, #tpu.memory_space<vmem>> -> memref<8x64xf32, #tpu.memory_space<vmem>>
        tpu.wait_dma2 semaphore(%arg11 : memref<!tpu.dma_semaphore, #tpu.memory_space<semaphore_mem>>) src(%dma_wait3A_2791 : memref<8x64xf32, #tpu.memory_space<vmem>>) dst(%dma_wait3A_2787 : memref<8x64xf32, #tpu.memory_space<hbm>>)
      } else {
      }
      %iota3A_1625 = tpu.iota {dimensions = array<i32: 0>} : vector<16xi32>
      %broadcast_in_dim3A_1626 = arith.constant 0.000000e+00 : f32
      %broadcast_in_dim3A_1627 = vector.broadcast %broadcast_in_dim3A_1626 : f32 to vector<16xf32>
      %parallel_loop3A_1628 = arith.constant 0 : i32
      %parallel_loop3A_1629 = arith.constant 50 : i32
      %parallel_loop3A_1630 = arith.constant 1 : i32
      %parallel_loop3A_1631:16 = scf.for %parallel_loop3A_2779 = %parallel_loop3A_1628 to %parallel_loop3A_1629 step %parallel_loop3A_1630 iter_args(%parallel_loop3A_2780 = %broadcast_in_dim3A_1627, %parallel_loop3A_2781 = %broadcast_in_dim3A_1627, %parallel_loop3A_2782 = %broadcast_in_dim3A_1627, %parallel_loop3A_2783 = %broadcast_in_dim3A_1627, %parallel_loop3A_2784 = %broadcast_in_dim3A_1627, %parallel_loop3A_2785 = %broadcast_in_dim3A_1627, %parallel_loop3A_2786 = %broadcast_in_dim3A_1627, %parallel_loop3A_2787 = %broadcast_in_dim3A_1627, %parallel_loop3A_2788 = %broadcast_in_dim3A_1627, %parallel_loop3A_2789 = %broadcast_in_dim3A_1627, %parallel_loop3A_2790 = %broadcast_in_dim3A_1627, %parallel_loop3A_2791 = %broadcast_in_dim3A_1627, %parallel_loop3A_2792 = %broadcast_in_dim3A_1627, %parallel_loop3A_2793 = %broadcast_in_dim3A_1627, %parallel_loop3A_2794 = %broadcast_in_dim3A_1627, %parallel_loop3A_2795 = %broadcast_in_dim3A_1627) -> (vector<16xf32>, vector<16xf32>, vector<16xf32>, vector<16xf32>, vector<16xf32>, vector<16xf32>, vector<16xf32>, vector<16xf32>, vector<16xf32>, vector<16xf32>, vector<16xf32>, vector<16xf32>, vector<16xf32>, vector<16xf32>, vector<16xf32>, vector<16xf32>)  : i32 {
        %parallel_loop3A_2796 = arith.constant 0 : i32
        %parallel_loop3A_2797 = arith.addi %parallel_loop3A_2796, %parallel_loop3A_2779 : i32
        %parallel_loop3A_2798 = arith.constant 1 : i32
        %parallel_loop3A_2799 = arith.index_cast %parallel_loop3A_2798 : i32 to index
        %parallel_loop3A_2800 = arith.index_cast %parallel_loop3A_2797 : i32 to index
        %parallel_loop3A_2801 = arith.constant 0 : index
        %parallel_loop3A_2802 = tpu.vector_load %arg6[%parallel_loop3A_2799, %parallel_loop3A_2800, %parallel_loop3A_2801] {strides = array<i32>} : memref<2x400x64xf32, #tpu.memory_space<vmem>>, vector<1x1x16xf32>,
        %parallel_loop3A_2803 = vector.shape_cast %parallel_loop3A_2802 : vector<1x1x16xf32> to vector<16xf32>
        %parallel_loop3A_2804 = arith.addf %parallel_loop3A_2780, %parallel_loop3A_2803 : vector<16xf32>
        %parallel_loop3A_2805 = arith.constant 1 : i32
        %parallel_loop3A_2806 = arith.index_cast %parallel_loop3A_2805 : i32 to index
        %parallel_loop3A_2807 = arith.index_cast %parallel_loop3A_2797 : i32 to index
        %parallel_loop3A_2808 = arith.constant 16 : index
        %parallel_loop3A_2809 = tpu.vector_load %arg6[%parallel_loop3A_2806, %parallel_loop3A_2807, %parallel_loop3A_2808] {strides = array<i32>} : memref<2x400x64xf32, #tpu.memory_space<vmem>>, vector<1x1x16xf32>,
        %parallel_loop3A_2810 = vector.shape_cast %parallel_loop3A_2809 : vector<1x1x16xf32> to vector<16xf32>
        %parallel_loop3A_2811 = arith.addf %parallel_loop3A_2781, %parallel_loop3A_2810 : vector<16xf32>
        %parallel_loop3A_2812 = arith.constant 1 : i32
        %parallel_loop3A_2813 = arith.index_cast %parallel_loop3A_2812 : i32 to index
        %parallel_loop3A_2814 = arith.index_cast %parallel_loop3A_2797 : i32 to index
        %parallel_loop3A_2815 = arith.constant 32 : index
        %parallel_loop3A_2816 = tpu.vector_load %arg6[%parallel_loop3A_2813, %parallel_loop3A_2814, %parallel_loop3A_2815] {strides = array<i32>} : memref<2x400x64xf32, #tpu.memory_space<vmem>>, vector<1x1x16xf32>,
        %parallel_loop3A_2817 = vector.shape_cast %parallel_loop3A_2816 : vector<1x1x16xf32> to vector<16xf32>
        %parallel_loop3A_2818 = arith.addf %parallel_loop3A_2782, %parallel_loop3A_2817 : vector<16xf32>
        %parallel_loop3A_2819 = arith.constant 1 : i32
        %parallel_loop3A_2820 = arith.index_cast %parallel_loop3A_2819 : i32 to index
        %parallel_loop3A_2821 = arith.index_cast %parallel_loop3A_2797 : i32 to index
        %parallel_loop3A_2822 = arith.constant 48 : index
        %parallel_loop3A_2823 = tpu.vector_load %arg6[%parallel_loop3A_2820, %parallel_loop3A_2821, %parallel_loop3A_2822] {strides = array<i32>} : memref<2x400x64xf32, #tpu.memory_space<vmem>>, vector<1x1x16xf32>,
        %parallel_loop3A_2824 = vector.shape_cast %parallel_loop3A_2823 : vector<1x1x16xf32> to vector<16xf32>
        %parallel_loop3A_2825 = arith.addf %parallel_loop3A_2783, %parallel_loop3A_2824 : vector<16xf32>
        %parallel_loop3A_2826 = arith.constant 50 : i32
        %parallel_loop3A_2827 = arith.addi %parallel_loop3A_2826, %parallel_loop3A_2779 : i32
        %parallel_loop3A_2828 = arith.constant 1 : i32
        %parallel_loop3A_2829 = arith.index_cast %parallel_loop3A_2828 : i32 to index
        %parallel_loop3A_2830 = arith.index_cast %parallel_loop3A_2827 : i32 to index
        %parallel_loop3A_2831 = arith.constant 0 : index
        %parallel_loop3A_2832 = tpu.vector_load %arg6[%parallel_loop3A_2829, %parallel_loop3A_2830, %parallel_loop3A_2831] {strides = array<i32>} : memref<2x400x64xf32, #tpu.memory_space<vmem>>, vector<1x1x16xf32>,
        %parallel_loop3A_2833 = vector.shape_cast %parallel_loop3A_2832 : vector<1x1x16xf32> to vector<16xf32>
        %parallel_loop3A_2834 = arith.addf %parallel_loop3A_2784, %parallel_loop3A_2833 : vector<16xf32>
        %parallel_loop3A_2835 = arith.constant 1 : i32
        %parallel_loop3A_2836 = arith.index_cast %parallel_loop3A_2835 : i32 to index
        %parallel_loop3A_2837 = arith.index_cast %parallel_loop3A_2827 : i32 to index
        %parallel_loop3A_2838 = arith.constant 16 : index
        %parallel_loop3A_2839 = tpu.vector_load %arg6[%parallel_loop3A_2836, %parallel_loop3A_2837, %parallel_loop3A_2838] {strides = array<i32>} : memref<2x400x64xf32, #tpu.memory_space<vmem>>, vector<1x1x16xf32>,
        %parallel_loop3A_2840 = vector.shape_cast %parallel_loop3A_2839 : vector<1x1x16xf32> to vector<16xf32>
        %parallel_loop3A_2841 = arith.addf %parallel_loop3A_2785, %parallel_loop3A_2840 : vector<16xf32>
        %parallel_loop3A_2842 = arith.constant 1 : i32
        %parallel_loop3A_2843 = arith.index_cast %parallel_loop3A_2842 : i32 to index
        %parallel_loop3A_2844 = arith.index_cast %parallel_loop3A_2827 : i32 to index
        %parallel_loop3A_2845 = arith.constant 32 : index
        %parallel_loop3A_2846 = tpu.vector_load %arg6[%parallel_loop3A_2843, %parallel_loop3A_2844, %parallel_loop3A_2845] {strides = array<i32>} : memref<2x400x64xf32, #tpu.memory_space<vmem>>, vector<1x1x16xf32>,
        %parallel_loop3A_2847 = vector.shape_cast %parallel_loop3A_2846 : vector<1x1x16xf32> to vector<16xf32>
        %parallel_loop3A_2848 = arith.addf %parallel_loop3A_2786, %parallel_loop3A_2847 : vector<16xf32>
        %parallel_loop3A_2849 = arith.constant 1 : i32
        %parallel_loop3A_2850 = arith.index_cast %parallel_loop3A_2849 : i32 to index
        %parallel_loop3A_2851 = arith.index_cast %parallel_loop3A_2827 : i32 to index
        %parallel_loop3A_2852 = arith.constant 48 : index
        %parallel_loop3A_2853 = tpu.vector_load %arg6[%parallel_loop3A_2850, %parallel_loop3A_2851, %parallel_loop3A_2852] {strides = array<i32>} : memref<2x400x64xf32, #tpu.memory_space<vmem>>, vector<1x1x16xf32>,
        %parallel_loop3A_2854 = vector.shape_cast %parallel_loop3A_2853 : vector<1x1x16xf32> to vector<16xf32>
        %parallel_loop3A_2855 = arith.addf %parallel_loop3A_2787, %parallel_loop3A_2854 : vector<16xf32>
        %parallel_loop3A_2856 = arith.constant 100 : i32
        %parallel_loop3A_2857 = arith.addi %parallel_loop3A_2856, %parallel_loop3A_2779 : i32
        %parallel_loop3A_2858 = arith.constant 1 : i32
        %parallel_loop3A_2859 = arith.index_cast %parallel_loop3A_2858 : i32 to index
        %parallel_loop3A_2860 = arith.index_cast %parallel_loop3A_2857 : i32 to index
        %parallel_loop3A_2861 = arith.constant 0 : index
        %parallel_loop3A_2862 = tpu.vector_load %arg6[%parallel_loop3A_2859, %parallel_loop3A_2860, %parallel_loop3A_2861] {strides = array<i32>} : memref<2x400x64xf32, #tpu.memory_space<vmem>>, vector<1x1x16xf32>,
        %parallel_loop3A_2863 = vector.shape_cast %parallel_loop3A_2862 : vector<1x1x16xf32> to vector<16xf32>
        %parallel_loop3A_2864 = arith.addf %parallel_loop3A_2788, %parallel_loop3A_2863 : vector<16xf32>
        %parallel_loop3A_2865 = arith.constant 1 : i32
        %parallel_loop3A_2866 = arith.index_cast %parallel_loop3A_2865 : i32 to index
        %parallel_loop3A_2867 = arith.index_cast %parallel_loop3A_2857 : i32 to index
        %parallel_loop3A_2868 = arith.constant 16 : index
        %parallel_loop3A_2869 = tpu.vector_load %arg6[%parallel_loop3A_2866, %parallel_loop3A_2867, %parallel_loop3A_2868] {strides = array<i32>} : memref<2x400x64xf32, #tpu.memory_space<vmem>>, vector<1x1x16xf32>,
        %parallel_loop3A_2870 = vector.shape_cast %parallel_loop3A_2869 : vector<1x1x16xf32> to vector<16xf32>
        %parallel_loop3A_2871 = arith.addf %parallel_loop3A_2789, %parallel_loop3A_2870 : vector<16xf32>
        %parallel_loop3A_2872 = arith.constant 1 : i32
        %parallel_loop3A_2873 = arith.index_cast %parallel_loop3A_2872 : i32 to index
        %parallel_loop3A_2874 = arith.index_cast %parallel_loop3A_2857 : i32 to index
        %parallel_loop3A_2875 = arith.constant 32 : index
        %parallel_loop3A_2876 = tpu.vector_load %arg6[%parallel_loop3A_2873, %parallel_loop3A_2874, %parallel_loop3A_2875] {strides = array<i32>} : memref<2x400x64xf32, #tpu.memory_space<vmem>>, vector<1x1x16xf32>,
        %parallel_loop3A_2877 = vector.shape_cast %parallel_loop3A_2876 : vector<1x1x16xf32> to vector<16xf32>
        %parallel_loop3A_2878 = arith.addf %parallel_loop3A_2790, %parallel_loop3A_2877 : vector<16xf32>
        %parallel_loop3A_2879 = arith.constant 1 : i32
        %parallel_loop3A_2880 = arith.index_cast %parallel_loop3A_2879 : i32 to index
        %parallel_loop3A_2881 = arith.index_cast %parallel_loop3A_2857 : i32 to index
        %parallel_loop3A_2882 = arith.constant 48 : index
        %parallel_loop3A_2883 = tpu.vector_load %arg6[%parallel_loop3A_2880, %parallel_loop3A_2881, %parallel_loop3A_2882] {strides = array<i32>} : memref<2x400x64xf32, #tpu.memory_space<vmem>>, vector<1x1x16xf32>,
        %parallel_loop3A_2884 = vector.shape_cast %parallel_loop3A_2883 : vector<1x1x16xf32> to vector<16xf32>
        %parallel_loop3A_2885 = arith.addf %parallel_loop3A_2791, %parallel_loop3A_2884 : vector<16xf32>
        %parallel_loop3A_2886 = arith.constant 150 : i32
        %parallel_loop3A_2887 = arith.addi %parallel_loop3A_2886, %parallel_loop3A_2779 : i32
        %parallel_loop3A_2888 = arith.constant 1 : i32
        %parallel_loop3A_2889 = arith.index_cast %parallel_loop3A_2888 : i32 to index
        %parallel_loop3A_2890 = arith.index_cast %parallel_loop3A_2887 : i32 to index
        %parallel_loop3A_2891 = arith.constant 0 : index
        %parallel_loop3A_2892 = tpu.vector_load %arg6[%parallel_loop3A_2889, %parallel_loop3A_2890, %parallel_loop3A_2891] {strides = array<i32>} : memref<2x400x64xf32, #tpu.memory_space<vmem>>, vector<1x1x16xf32>,
        %parallel_loop3A_2893 = vector.shape_cast %parallel_loop3A_2892 : vector<1x1x16xf32> to vector<16xf32>
        %parallel_loop3A_2894 = arith.addf %parallel_loop3A_2792, %parallel_loop3A_2893 : vector<16xf32>
        %parallel_loop3A_2895 = arith.constant 1 : i32
        %parallel_loop3A_2896 = arith.index_cast %parallel_loop3A_2895 : i32 to index
        %parallel_loop3A_2897 = arith.index_cast %parallel_loop3A_2887 : i32 to index
        %parallel_loop3A_2898 = arith.constant 16 : index
        %parallel_loop3A_2899 = tpu.vector_load %arg6[%parallel_loop3A_2896, %parallel_loop3A_2897, %parallel_loop3A_2898] {strides = array<i32>} : memref<2x400x64xf32, #tpu.memory_space<vmem>>, vector<1x1x16xf32>,
        %parallel_loop3A_2900 = vector.shape_cast %parallel_loop3A_2899 : vector<1x1x16xf32> to vector<16xf32>
        %parallel_loop3A_2901 = arith.addf %parallel_loop3A_2793, %parallel_loop3A_2900 : vector<16xf32>
        %parallel_loop3A_2902 = arith.constant 1 : i32
        %parallel_loop3A_2903 = arith.index_cast %parallel_loop3A_2902 : i32 to index
        %parallel_loop3A_2904 = arith.index_cast %parallel_loop3A_2887 : i32 to index
        %parallel_loop3A_2905 = arith.constant 32 : index
        %parallel_loop3A_2906 = tpu.vector_load %arg6[%parallel_loop3A_2903, %parallel_loop3A_2904, %parallel_loop3A_2905] {strides = array<i32>} : memref<2x400x64xf32, #tpu.memory_space<vmem>>, vector<1x1x16xf32>,
        %parallel_loop3A_2907 = vector.shape_cast %parallel_loop3A_2906 : vector<1x1x16xf32> to vector<16xf32>
        %parallel_loop3A_2908 = arith.addf %parallel_loop3A_2794, %parallel_loop3A_2907 : vector<16xf32>
        %parallel_loop3A_2909 = arith.constant 1 : i32
        %parallel_loop3A_2910 = arith.index_cast %parallel_loop3A_2909 : i32 to index
        %parallel_loop3A_2911 = arith.index_cast %parallel_loop3A_2887 : i32 to index
        %parallel_loop3A_2912 = arith.constant 48 : index
        %parallel_loop3A_2913 = tpu.vector_load %arg6[%parallel_loop3A_2910, %parallel_loop3A_2911, %parallel_loop3A_2912] {strides = array<i32>} : memref<2x400x64xf32, #tpu.memory_space<vmem>>, vector<1x1x16xf32>,
        %parallel_loop3A_2914 = vector.shape_cast %parallel_loop3A_2913 : vector<1x1x16xf32> to vector<16xf32>
        %parallel_loop3A_2915 = arith.addf %parallel_loop3A_2795, %parallel_loop3A_2914 : vector<16xf32>
        scf.yield %parallel_loop3A_2804, %parallel_loop3A_2811, %parallel_loop3A_2818, %parallel_loop3A_2825, %parallel_loop3A_2834, %parallel_loop3A_2841, %parallel_loop3A_2848, %parallel_loop3A_2855, %parallel_loop3A_2864, %parallel_loop3A_2871, %parallel_loop3A_2878, %parallel_loop3A_2885, %parallel_loop3A_2894, %parallel_loop3A_2901, %parallel_loop3A_2908, %parallel_loop3A_2915 : vector<16xf32>, vector<16xf32>, vector<16xf32>, vector<16xf32>, vector<16xf32>, vector<16xf32>, vector<16xf32>, vector<16xf32>, vector<16xf32>, vector<16xf32>, vector<16xf32>, vector<16xf32>, vector<16xf32>, vector<16xf32>, vector<16xf32>, vector<16xf32>
      } {sc.loop_unroll_factor = 50 : i64, sc.parallel_access}
      %broadcast_in_dim3A_1632 = arith.constant 0 : i32
      %broadcast_in_dim3A_1633 = vector.broadcast %broadcast_in_dim3A_1632 : i32 to vector<16xi32>
      %get3A_1634 = arith.constant 1 : i32
      %get3A_1635 = arith.constant 0 : i32
      %get3A_1636 = arith.index_cast %get3A_1634 : i32 to index
      %get3A_1637 = arith.index_cast %get3A_1635 : i32 to index
      %get3A_1638 = arith.constant 0 : index
      %get3A_1639 = tpu.vector_load %arg5[%get3A_1636, %get3A_1637, %get3A_1638] {strides = array<i32>} : memref<2x8x50xi32, #tpu.memory_space<vmem>>, vector<1x1x16xi32>,
      %get3A_1640 = vector.shape_cast %get3A_1639 : vector<1x1x16xi32> to vector<16xi32>
      %ne3A_1641 = arith.constant 0 : i32
      %ne3A_1642 = vector.broadcast %ne3A_1641 : i32 to vector<16xi32>
      %ne3A_1643 = arith.cmpi ne, %get3A_1640, %ne3A_1642 : vector<16xi32>
      %jit3A_1644 = arith.constant 1 : i32
      %jit3A_1645 = arith.constant 0 : i32
      %broadcast_in_dim3A_1646 = vector.broadcast %jit3A_1644 : i32 to vector<16xi32>
      %broadcast_in_dim3A_1647 = vector.broadcast %jit3A_1645 : i32 to vector<16xi32>
      %select_n3A_1648 = arith.select %ne3A_1643, %broadcast_in_dim3A_1646, %broadcast_in_dim3A_1647 : vector<16xi1>, vector<16xi32>
      %add3A_1649 = arith.addi %broadcast_in_dim3A_1633, %select_n3A_1648 : vector<16xi32>
      %get3A_1650 = arith.constant 1 : i32
      %get3A_1651 = arith.constant 0 : i32
      %get3A_1652 = arith.index_cast %get3A_1650 : i32 to index
      %get3A_1653 = arith.index_cast %get3A_1651 : i32 to index
      %get3A_1654 = arith.constant 16 : index
      %get3A_1655 = tpu.vector_load %arg5[%get3A_1652, %get3A_1653, %get3A_1654] {strides = array<i32>} : memref<2x8x50xi32, #tpu.memory_space<vmem>>, vector<1x1x16xi32>,
      %get3A_1656 = vector.shape_cast %get3A_1655 : vector<1x1x16xi32> to vector<16xi32>
      %ne3A_1657 = arith.constant 0 : i32
      %ne3A_1658 = vector.broadcast %ne3A_1657 : i32 to vector<16xi32>
      %ne3A_1659 = arith.cmpi ne, %get3A_1656, %ne3A_1658 : vector<16xi32>
      %jit3A_1660 = arith.constant 1 : i32
      %jit3A_1661 = arith.constant 0 : i32
      %broadcast_in_dim3A_1662 = vector.broadcast %jit3A_1660 : i32 to vector<16xi32>
      %broadcast_in_dim3A_1663 = vector.broadcast %jit3A_1661 : i32 to vector<16xi32>
      %select_n3A_1664 = arith.select %ne3A_1659, %broadcast_in_dim3A_1662, %broadcast_in_dim3A_1663 : vector<16xi1>, vector<16xi32>
      %add3A_1665 = arith.addi %add3A_1649, %select_n3A_1664 : vector<16xi32>
      %get3A_1666 = arith.constant 1 : i32
      %get3A_1667 = arith.constant 0 : i32
      %get3A_1668 = arith.index_cast %get3A_1666 : i32 to index
      %get3A_1669 = arith.index_cast %get3A_1667 : i32 to index
      %get3A_1670 = arith.constant 32 : index
      %get3A_1671 = tpu.vector_load %arg5[%get3A_1668, %get3A_1669, %get3A_1670] {strides = array<i32>} : memref<2x8x50xi32, #tpu.memory_space<vmem>>, vector<1x1x16xi32>,
      %get3A_1672 = vector.shape_cast %get3A_1671 : vector<1x1x16xi32> to vector<16xi32>
      %ne3A_1673 = arith.constant 0 : i32
      %ne3A_1674 = vector.broadcast %ne3A_1673 : i32 to vector<16xi32>
      %ne3A_1675 = arith.cmpi ne, %get3A_1672, %ne3A_1674 : vector<16xi32>
      %jit3A_1676 = arith.constant 1 : i32
      %jit3A_1677 = arith.constant 0 : i32
      %broadcast_in_dim3A_1678 = vector.broadcast %jit3A_1676 : i32 to vector<16xi32>
      %broadcast_in_dim3A_1679 = vector.broadcast %jit3A_1677 : i32 to vector<16xi32>
      %select_n3A_1680 = arith.select %ne3A_1675, %broadcast_in_dim3A_1678, %broadcast_in_dim3A_1679 : vector<16xi1>, vector<16xi32>
      %add3A_1681 = arith.addi %add3A_1665, %select_n3A_1680 : vector<16xi32>
      %get3A_1682 = arith.constant 1 : i32
      %get3A_1683 = arith.constant 0 : i32
      %get3A_1684 = arith.index_cast %get3A_1682 : i32 to index
      %get3A_1685 = arith.index_cast %get3A_1683 : i32 to index
      %get3A_1686 = arith.constant 34 : index
      %get3A_1687 = tpu.vector_load %arg5[%get3A_1684, %get3A_1685, %get3A_1686] {strides = array<i32>} : memref<2x8x50xi32, #tpu.memory_space<vmem>>, vector<1x1x16xi32>,
      %get3A_1688 = vector.shape_cast %get3A_1687 : vector<1x1x16xi32> to vector<16xi32>
      %ne3A_1689 = arith.constant 0 : i32
      %ne3A_1690 = vector.broadcast %ne3A_1689 : i32 to vector<16xi32>
      %ne3A_1691 = arith.cmpi ne, %get3A_1688, %ne3A_1690 : vector<16xi32>
      %ge3A_1692 = arith.constant 14 : i32
      %ge3A_1693 = vector.broadcast %ge3A_1692 : i32 to vector<16xi32>
      %ge3A_1694 = arith.cmpi sge, %iota3A_1625, %ge3A_1693 : vector<16xi32>
      %and3A_1695 = arith.andi %ne3A_1691, %ge3A_1694 : vector<16xi1>
      %jit3A_1696 = arith.constant 1 : i32
      %jit3A_1697 = arith.constant 0 : i32
      %broadcast_in_dim3A_1698 = vector.broadcast %jit3A_1696 : i32 to vector<16xi32>
      %broadcast_in_dim3A_1699 = vector.broadcast %jit3A_1697 : i32 to vector<16xi32>
      %select_n3A_1700 = arith.select %and3A_1695, %broadcast_in_dim3A_1698, %broadcast_in_dim3A_1699 : vector<16xi1>, vector<16xi32>
      %add3A_1701 = arith.addi %add3A_1681, %select_n3A_1700 : vector<16xi32>
      %convert_element_type3A_1702 = arith.sitofp %add3A_1701 : vector<16xi32> to vector<16xf32>
      %xor3A_1703 = arith.constant 8 : i32
      %xor3A_1704 = vector.broadcast %xor3A_1703 : i32 to vector<16xi32>
      %xor3A_1705 = arith.xori %iota3A_1625, %xor3A_1704 : vector<16xi32>
      %broadcast_in_dim3A_1706 = vector.shape_cast %xor3A_1705 : vector<16xi32> to vector<16x1xi32>
      %gather3A_1707 = vector.shape_cast %broadcast_in_dim3A_1706 : vector<16x1xi32> to vector<16xi32>
      %gather3A_1708 = tpu.dynamic_gather %convert_element_type3A_1702[%gather3A_1707] in [0] : vector<16xf32>, vector<16xi32> -> vector<16xf32>
      %add3A_1709 = arith.addf %convert_element_type3A_1702, %gather3A_1708 : vector<16xf32>
      %xor3A_1710 = arith.constant 4 : i32
      %xor3A_1711 = vector.broadcast %xor3A_1710 : i32 to vector<16xi32>
      %xor3A_1712 = arith.xori %iota3A_1625, %xor3A_1711 : vector<16xi32>
      %broadcast_in_dim3A_1713 = vector.shape_cast %xor3A_1712 : vector<16xi32> to vector<16x1xi32>
      %gather3A_1714 = vector.shape_cast %broadcast_in_dim3A_1713 : vector<16x1xi32> to vector<16xi32>
      %gather3A_1715 = tpu.dynamic_gather %add3A_1709[%gather3A_1714] in [0] : vector<16xf32>, vector<16xi32> -> vector<16xf32>
      %add3A_1716 = arith.addf %add3A_1709, %gather3A_1715 : vector<16xf32>
      %xor3A_1717 = arith.constant 2 : i32
      %xor3A_1718 = vector.broadcast %xor3A_1717 : i32 to vector<16xi32>
      %xor3A_1719 = arith.xori %iota3A_1625, %xor3A_1718 : vector<16xi32>
      %broadcast_in_dim3A_1720 = vector.shape_cast %xor3A_1719 : vector<16xi32> to vector<16x1xi32>
      %gather3A_1721 = vector.shape_cast %broadcast_in_dim3A_1720 : vector<16x1xi32> to vector<16xi32>
      %gather3A_1722 = tpu.dynamic_gather %add3A_1716[%gather3A_1721] in [0] : vector<16xf32>, vector<16xi32> -> vector<16xf32>
      %add3A_1723 = arith.addf %add3A_1716, %gather3A_1722 : vector<16xf32>
      %xor3A_1724 = arith.constant 1 : i32
      %xor3A_1725 = vector.broadcast %xor3A_1724 : i32 to vector<16xi32>
      %xor3A_1726 = arith.xori %iota3A_1625, %xor3A_1725 : vector<16xi32>
      %broadcast_in_dim3A_1727 = vector.shape_cast %xor3A_1726 : vector<16xi32> to vector<16x1xi32>
      %gather3A_1728 = vector.shape_cast %broadcast_in_dim3A_1727 : vector<16x1xi32> to vector<16xi32>
      %gather3A_1729 = tpu.dynamic_gather %add3A_1723[%gather3A_1728] in [0] : vector<16xf32>, vector<16xi32> -> vector<16xf32>
      %add3A_1730 = arith.addf %add3A_1723, %gather3A_1729 : vector<16xf32>
      %max3A_1731 = arith.constant 9.99999971E-10 : f32
      %max3A_1732 = vector.broadcast %max3A_1731 : f32 to vector<16xf32>
      %max3A_1733 = arith.maximumf %add3A_1730, %max3A_1732 : vector<16xf32>
      %div3A_1734 = arith.constant 1.000000e+00 : f32
      %div3A_1735 = vector.broadcast %div3A_1734 : f32 to vector<16xf32>
      %div3A_1736 = arith.divf %div3A_1735, %max3A_1733 : vector<16xf32>
      %mul3A_1737 = arith.mulf %parallel_loop3A_1631#0, %div3A_1736 : vector<16xf32>
      %swap3A_1738 = arith.constant 1 : i32
      %swap3A_1739 = arith.constant 0 : i32
      %swap3A_1740 = arith.index_cast %swap3A_1738 : i32 to index
      %swap3A_1741 = arith.index_cast %swap3A_1739 : i32 to index
      %swap3A_1742 = arith.constant 0 : index
      %swap3A_1743 = tpu.vector_load %arg7[%swap3A_1740, %swap3A_1741, %swap3A_1742] {strides = array<i32>} : memref<2x8x64xf32, #tpu.memory_space<vmem>>, vector<1x1x16xf32>,
      %swap3A_1744 = vector.shape_cast %swap3A_1743 : vector<1x1x16xf32> to vector<16xf32>
      %swap3A_1745 = vector.shape_cast %mul3A_1737 : vector<16xf32> to vector<1x1x16xf32>
      tpu.vector_store %arg7[%swap3A_1740, %swap3A_1741, %swap3A_1742], %swap3A_1745 {strides = array<i32>} : memref<2x8x64xf32, #tpu.memory_space<vmem>>, vector<1x1x16xf32>,
      %mul3A_1746 = arith.mulf %parallel_loop3A_1631#1, %div3A_1736 : vector<16xf32>
      %swap3A_1747 = arith.constant 1 : i32
      %swap3A_1748 = arith.constant 0 : i32
      %swap3A_1749 = arith.index_cast %swap3A_1747 : i32 to index
      %swap3A_1750 = arith.index_cast %swap3A_1748 : i32 to index
      %swap3A_1751 = arith.constant 16 : index
      %swap3A_1752 = tpu.vector_load %arg7[%swap3A_1749, %swap3A_1750, %swap3A_1751] {strides = array<i32>} : memref<2x8x64xf32, #tpu.memory_space<vmem>>, vector<1x1x16xf32>,
      %swap3A_1753 = vector.shape_cast %swap3A_1752 : vector<1x1x16xf32> to vector<16xf32>
      %swap3A_1754 = vector.shape_cast %mul3A_1746 : vector<16xf32> to vector<1x1x16xf32>
      tpu.vector_store %arg7[%swap3A_1749, %swap3A_1750, %swap3A_1751], %swap3A_1754 {strides = array<i32>} : memref<2x8x64xf32, #tpu.memory_space<vmem>>, vector<1x1x16xf32>,
      %mul3A_1755 = arith.mulf %parallel_loop3A_1631#2, %div3A_1736 : vector<16xf32>
      %swap3A_1756 = arith.constant 1 : i32
      %swap3A_1757 = arith.constant 0 : i32
      %swap3A_1758 = arith.index_cast %swap3A_1756 : i32 to index
      %swap3A_1759 = arith.index_cast %swap3A_1757 : i32 to index
      %swap3A_1760 = arith.constant 32 : index
      %swap3A_1761 = tpu.vector_load %arg7[%swap3A_1758, %swap3A_1759, %swap3A_1760] {strides = array<i32>} : memref<2x8x64xf32, #tpu.memory_space<vmem>>, vector<1x1x16xf32>,
      %swap3A_1762 = vector.shape_cast %swap3A_1761 : vector<1x1x16xf32> to vector<16xf32>
      %swap3A_1763 = vector.shape_cast %mul3A_1755 : vector<16xf32> to vector<1x1x16xf32>
      tpu.vector_store %arg7[%swap3A_1758, %swap3A_1759, %swap3A_1760], %swap3A_1763 {strides = array<i32>} : memref<2x8x64xf32, #tpu.memory_space<vmem>>, vector<1x1x16xf32>,
      %mul3A_1764 = arith.mulf %parallel_loop3A_1631#3, %div3A_1736 : vector<16xf32>
      %swap3A_1765 = arith.constant 1 : i32
      %swap3A_1766 = arith.constant 0 : i32
      %swap3A_1767 = arith.index_cast %swap3A_1765 : i32 to index
      %swap3A_1768 = arith.index_cast %swap3A_1766 : i32 to index
      %swap3A_1769 = arith.constant 48 : index
      %swap3A_1770 = tpu.vector_load %arg7[%swap3A_1767, %swap3A_1768, %swap3A_1769] {strides = array<i32>} : memref<2x8x64xf32, #tpu.memory_space<vmem>>, vector<1x1x16xf32>,
      %swap3A_1771 = vector.shape_cast %swap3A_1770 : vector<1x1x16xf32> to vector<16xf32>
      %swap3A_1772 = vector.shape_cast %mul3A_1764 : vector<16xf32> to vector<1x1x16xf32>
      tpu.vector_store %arg7[%swap3A_1767, %swap3A_1768, %swap3A_1769], %swap3A_1772 {strides = array<i32>} : memref<2x8x64xf32, #tpu.memory_space<vmem>>, vector<1x1x16xf32>,
      %broadcast_in_dim3A_1773 = arith.constant 0 : i32
      %broadcast_in_dim3A_1774 = vector.broadcast %broadcast_in_dim3A_1773 : i32 to vector<16xi32>
      %get3A_1775 = arith.constant 1 : i32
      %get3A_1776 = arith.constant 1 : i32
      %get3A_1777 = arith.index_cast %get3A_1775 : i32 to index
      %get3A_1778 = arith.index_cast %get3A_1776 : i32 to index
      %get3A_1779 = arith.constant 0 : index
      %get3A_1780 = tpu.vector_load %arg5[%get3A_1777, %get3A_1778, %get3A_1779] {strides = array<i32>} : memref<2x8x50xi32, #tpu.memory_space<vmem>>, vector<1x1x16xi32>,
      %get3A_1781 = vector.shape_cast %get3A_1780 : vector<1x1x16xi32> to vector<16xi32>
      %ne3A_1782 = arith.constant 0 : i32
      %ne3A_1783 = vector.broadcast %ne3A_1782 : i32 to vector<16xi32>
      %ne3A_1784 = arith.cmpi ne, %get3A_1781, %ne3A_1783 : vector<16xi32>
      %jit3A_1785 = arith.constant 1 : i32
      %jit3A_1786 = arith.constant 0 : i32
      %broadcast_in_dim3A_1787 = vector.broadcast %jit3A_1785 : i32 to vector<16xi32>
      %broadcast_in_dim3A_1788 = vector.broadcast %jit3A_1786 : i32 to vector<16xi32>
      %select_n3A_1789 = arith.select %ne3A_1784, %broadcast_in_dim3A_1787, %broadcast_in_dim3A_1788 : vector<16xi1>, vector<16xi32>
      %add3A_1790 = arith.addi %broadcast_in_dim3A_1774, %select_n3A_1789 : vector<16xi32>
      %get3A_1791 = arith.constant 1 : i32
      %get3A_1792 = arith.constant 1 : i32
      %get3A_1793 = arith.index_cast %get3A_1791 : i32 to index
      %get3A_1794 = arith.index_cast %get3A_1792 : i32 to index
      %get3A_1795 = arith.constant 16 : index
      %get3A_1796 = tpu.vector_load %arg5[%get3A_1793, %get3A_1794, %get3A_1795] {strides = array<i32>} : memref<2x8x50xi32, #tpu.memory_space<vmem>>, vector<1x1x16xi32>,
      %get3A_1797 = vector.shape_cast %get3A_1796 : vector<1x1x16xi32> to vector<16xi32>
      %ne3A_1798 = arith.constant 0 : i32
      %ne3A_1799 = vector.broadcast %ne3A_1798 : i32 to vector<16xi32>
      %ne3A_1800 = arith.cmpi ne, %get3A_1797, %ne3A_1799 : vector<16xi32>
      %jit3A_1801 = arith.constant 1 : i32
      %jit3A_1802 = arith.constant 0 : i32
      %broadcast_in_dim3A_1803 = vector.broadcast %jit3A_1801 : i32 to vector<16xi32>
      %broadcast_in_dim3A_1804 = vector.broadcast %jit3A_1802 : i32 to vector<16xi32>
      %select_n3A_1805 = arith.select %ne3A_1800, %broadcast_in_dim3A_1803, %broadcast_in_dim3A_1804 : vector<16xi1>, vector<16xi32>
      %add3A_1806 = arith.addi %add3A_1790, %select_n3A_1805 : vector<16xi32>
      %get3A_1807 = arith.constant 1 : i32
      %get3A_1808 = arith.constant 1 : i32
      %get3A_1809 = arith.index_cast %get3A_1807 : i32 to index
      %get3A_1810 = arith.index_cast %get3A_1808 : i32 to index
      %get3A_1811 = arith.constant 32 : index
      %get3A_1812 = tpu.vector_load %arg5[%get3A_1809, %get3A_1810, %get3A_1811] {strides = array<i32>} : memref<2x8x50xi32, #tpu.memory_space<vmem>>, vector<1x1x16xi32>,
      %get3A_1813 = vector.shape_cast %get3A_1812 : vector<1x1x16xi32> to vector<16xi32>
      %ne3A_1814 = arith.constant 0 : i32
      %ne3A_1815 = vector.broadcast %ne3A_1814 : i32 to vector<16xi32>
      %ne3A_1816 = arith.cmpi ne, %get3A_1813, %ne3A_1815 : vector<16xi32>
      %jit3A_1817 = arith.constant 1 : i32
      %jit3A_1818 = arith.constant 0 : i32
      %broadcast_in_dim3A_1819 = vector.broadcast %jit3A_1817 : i32 to vector<16xi32>
      %broadcast_in_dim3A_1820 = vector.broadcast %jit3A_1818 : i32 to vector<16xi32>
      %select_n3A_1821 = arith.select %ne3A_1816, %broadcast_in_dim3A_1819, %broadcast_in_dim3A_1820 : vector<16xi1>, vector<16xi32>
      %add3A_1822 = arith.addi %add3A_1806, %select_n3A_1821 : vector<16xi32>
      %get3A_1823 = arith.constant 1 : i32
      %get3A_1824 = arith.constant 1 : i32
      %get3A_1825 = arith.index_cast %get3A_1823 : i32 to index
      %get3A_1826 = arith.index_cast %get3A_1824 : i32 to index
      %get3A_1827 = arith.constant 34 : index
      %get3A_1828 = tpu.vector_load %arg5[%get3A_1825, %get3A_1826, %get3A_1827] {strides = array<i32>} : memref<2x8x50xi32, #tpu.memory_space<vmem>>, vector<1x1x16xi32>,
      %get3A_1829 = vector.shape_cast %get3A_1828 : vector<1x1x16xi32> to vector<16xi32>
      %ne3A_1830 = arith.constant 0 : i32
      %ne3A_1831 = vector.broadcast %ne3A_1830 : i32 to vector<16xi32>
      %ne3A_1832 = arith.cmpi ne, %get3A_1829, %ne3A_1831 : vector<16xi32>
      %ge3A_1833 = arith.constant 14 : i32
      %ge3A_1834 = vector.broadcast %ge3A_1833 : i32 to vector<16xi32>
      %ge3A_1835 = arith.cmpi sge, %iota3A_1625, %ge3A_1834 : vector<16xi32>
      %and3A_1836 = arith.andi %ne3A_1832, %ge3A_1835 : vector<16xi1>
      %jit3A_1837 = arith.constant 1 : i32
      %jit3A_1838 = arith.constant 0 : i32
      %broadcast_in_dim3A_1839 = vector.broadcast %jit3A_1837 : i32 to vector<16xi32>
      %broadcast_in_dim3A_1840 = vector.broadcast %jit3A_1838 : i32 to vector<16xi32>
      %select_n3A_1841 = arith.select %and3A_1836, %broadcast_in_dim3A_1839, %broadcast_in_dim3A_1840 : vector<16xi1>, vector<16xi32>
      %add3A_1842 = arith.addi %add3A_1822, %select_n3A_1841 : vector<16xi32>
      %convert_element_type3A_1843 = arith.sitofp %add3A_1842 : vector<16xi32> to vector<16xf32>
      %xor3A_1844 = arith.constant 8 : i32
      %xor3A_1845 = vector.broadcast %xor3A_1844 : i32 to vector<16xi32>
      %xor3A_1846 = arith.xori %iota3A_1625, %xor3A_1845 : vector<16xi32>
      %broadcast_in_dim3A_1847 = vector.shape_cast %xor3A_1846 : vector<16xi32> to vector<16x1xi32>
      %gather3A_1848 = vector.shape_cast %broadcast_in_dim3A_1847 : vector<16x1xi32> to vector<16xi32>
      %gather3A_1849 = tpu.dynamic_gather %convert_element_type3A_1843[%gather3A_1848] in [0] : vector<16xf32>, vector<16xi32> -> vector<16xf32>
      %add3A_1850 = arith.addf %convert_element_type3A_1843, %gather3A_1849 : vector<16xf32>
      %xor3A_1851 = arith.constant 4 : i32
      %xor3A_1852 = vector.broadcast %xor3A_1851 : i32 to vector<16xi32>
      %xor3A_1853 = arith.xori %iota3A_1625, %xor3A_1852 : vector<16xi32>
      %broadcast_in_dim3A_1854 = vector.shape_cast %xor3A_1853 : vector<16xi32> to vector<16x1xi32>
      %gather3A_1855 = vector.shape_cast %broadcast_in_dim3A_1854 : vector<16x1xi32> to vector<16xi32>
      %gather3A_1856 = tpu.dynamic_gather %add3A_1850[%gather3A_1855] in [0] : vector<16xf32>, vector<16xi32> -> vector<16xf32>
      %add3A_1857 = arith.addf %add3A_1850, %gather3A_1856 : vector<16xf32>
      %xor3A_1858 = arith.constant 2 : i32
      %xor3A_1859 = vector.broadcast %xor3A_1858 : i32 to vector<16xi32>
      %xor3A_1860 = arith.xori %iota3A_1625, %xor3A_1859 : vector<16xi32>
      %broadcast_in_dim3A_1861 = vector.shape_cast %xor3A_1860 : vector<16xi32> to vector<16x1xi32>
      %gather3A_1862 = vector.shape_cast %broadcast_in_dim3A_1861 : vector<16x1xi32> to vector<16xi32>
      %gather3A_1863 = tpu.dynamic_gather %add3A_1857[%gather3A_1862] in [0] : vector<16xf32>, vector<16xi32> -> vector<16xf32>
      %add3A_1864 = arith.addf %add3A_1857, %gather3A_1863 : vector<16xf32>
      %xor3A_1865 = arith.constant 1 : i32
      %xor3A_1866 = vector.broadcast %xor3A_1865 : i32 to vector<16xi32>
      %xor3A_1867 = arith.xori %iota3A_1625, %xor3A_1866 : vector<16xi32>
      %broadcast_in_dim3A_1868 = vector.shape_cast %xor3A_1867 : vector<16xi32> to vector<16x1xi32>
      %gather3A_1869 = vector.shape_cast %broadcast_in_dim3A_1868 : vector<16x1xi32> to vector<16xi32>
      %gather3A_1870 = tpu.dynamic_gather %add3A_1864[%gather3A_1869] in [0] : vector<16xf32>, vector<16xi32> -> vector<16xf32>
      %add3A_1871 = arith.addf %add3A_1864, %gather3A_1870 : vector<16xf32>
      %max3A_1872 = arith.constant 9.99999971E-10 : f32
      %max3A_1873 = vector.broadcast %max3A_1872 : f32 to vector<16xf32>
      %max3A_1874 = arith.maximumf %add3A_1871, %max3A_1873 : vector<16xf32>
      %div3A_1875 = arith.constant 1.000000e+00 : f32
      %div3A_1876 = vector.broadcast %div3A_1875 : f32 to vector<16xf32>
      %div3A_1877 = arith.divf %div3A_1876, %max3A_1874 : vector<16xf32>
      %mul3A_1878 = arith.mulf %parallel_loop3A_1631#4, %div3A_1877 : vector<16xf32>
      %swap3A_1879 = arith.constant 1 : i32
      %swap3A_1880 = arith.constant 1 : i32
      %swap3A_1881 = arith.index_cast %swap3A_1879 : i32 to index
      %swap3A_1882 = arith.index_cast %swap3A_1880 : i32 to index
      %swap3A_1883 = arith.constant 0 : index
      %swap3A_1884 = tpu.vector_load %arg7[%swap3A_1881, %swap3A_1882, %swap3A_1883] {strides = array<i32>} : memref<2x8x64xf32, #tpu.memory_space<vmem>>, vector<1x1x16xf32>,
      %swap3A_1885 = vector.shape_cast %swap3A_1884 : vector<1x1x16xf32> to vector<16xf32>
      %swap3A_1886 = vector.shape_cast %mul3A_1878 : vector<16xf32> to vector<1x1x16xf32>
      tpu.vector_store %arg7[%swap3A_1881, %swap3A_1882, %swap3A_1883], %swap3A_1886 {strides = array<i32>} : memref<2x8x64xf32, #tpu.memory_space<vmem>>, vector<1x1x16xf32>,
      %mul3A_1887 = arith.mulf %parallel_loop3A_1631#5, %div3A_1877 : vector<16xf32>
      %swap3A_1888 = arith.constant 1 : i32
      %swap3A_1889 = arith.constant 1 : i32
      %swap3A_1890 = arith.index_cast %swap3A_1888 : i32 to index
      %swap3A_1891 = arith.index_cast %swap3A_1889 : i32 to index
      %swap3A_1892 = arith.constant 16 : index
      %swap3A_1893 = tpu.vector_load %arg7[%swap3A_1890, %swap3A_1891, %swap3A_1892] {strides = array<i32>} : memref<2x8x64xf32, #tpu.memory_space<vmem>>, vector<1x1x16xf32>,
      %swap3A_1894 = vector.shape_cast %swap3A_1893 : vector<1x1x16xf32> to vector<16xf32>
      %swap3A_1895 = vector.shape_cast %mul3A_1887 : vector<16xf32> to vector<1x1x16xf32>
      tpu.vector_store %arg7[%swap3A_1890, %swap3A_1891, %swap3A_1892], %swap3A_1895 {strides = array<i32>} : memref<2x8x64xf32, #tpu.memory_space<vmem>>, vector<1x1x16xf32>,
      %mul3A_1896 = arith.mulf %parallel_loop3A_1631#6, %div3A_1877 : vector<16xf32>
      %swap3A_1897 = arith.constant 1 : i32
      %swap3A_1898 = arith.constant 1 : i32
      %swap3A_1899 = arith.index_cast %swap3A_1897 : i32 to index
      %swap3A_1900 = arith.index_cast %swap3A_1898 : i32 to index
      %swap3A_1901 = arith.constant 32 : index
      %swap3A_1902 = tpu.vector_load %arg7[%swap3A_1899, %swap3A_1900, %swap3A_1901] {strides = array<i32>} : memref<2x8x64xf32, #tpu.memory_space<vmem>>, vector<1x1x16xf32>,
      %swap3A_1903 = vector.shape_cast %swap3A_1902 : vector<1x1x16xf32> to vector<16xf32>
      %swap3A_1904 = vector.shape_cast %mul3A_1896 : vector<16xf32> to vector<1x1x16xf32>
      tpu.vector_store %arg7[%swap3A_1899, %swap3A_1900, %swap3A_1901], %swap3A_1904 {strides = array<i32>} : memref<2x8x64xf32, #tpu.memory_space<vmem>>, vector<1x1x16xf32>,
      %mul3A_1905 = arith.mulf %parallel_loop3A_1631#7, %div3A_1877 : vector<16xf32>
      %swap3A_1906 = arith.constant 1 : i32
      %swap3A_1907 = arith.constant 1 : i32
      %swap3A_1908 = arith.index_cast %swap3A_1906 : i32 to index
      %swap3A_1909 = arith.index_cast %swap3A_1907 : i32 to index
      %swap3A_1910 = arith.constant 48 : index
      %swap3A_1911 = tpu.vector_load %arg7[%swap3A_1908, %swap3A_1909, %swap3A_1910] {strides = array<i32>} : memref<2x8x64xf32, #tpu.memory_space<vmem>>, vector<1x1x16xf32>,
      %swap3A_1912 = vector.shape_cast %swap3A_1911 : vector<1x1x16xf32> to vector<16xf32>
      %swap3A_1913 = vector.shape_cast %mul3A_1905 : vector<16xf32> to vector<1x1x16xf32>
      tpu.vector_store %arg7[%swap3A_1908, %swap3A_1909, %swap3A_1910], %swap3A_1913 {strides = array<i32>} : memref<2x8x64xf32, #tpu.memory_space<vmem>>, vector<1x1x16xf32>,
      %broadcast_in_dim3A_1914 = arith.constant 0 : i32
      %broadcast_in_dim3A_1915 = vector.broadcast %broadcast_in_dim3A_1914 : i32 to vector<16xi32>
      %get3A_1916 = arith.constant 1 : i32
      %get3A_1917 = arith.constant 2 : i32
      %get3A_1918 = arith.index_cast %get3A_1916 : i32 to index
      %get3A_1919 = arith.index_cast %get3A_1917 : i32 to index
      %get3A_1920 = arith.constant 0 : index
      %get3A_1921 = tpu.vector_load %arg5[%get3A_1918, %get3A_1919, %get3A_1920] {strides = array<i32>} : memref<2x8x50xi32, #tpu.memory_space<vmem>>, vector<1x1x16xi32>,
      %get3A_1922 = vector.shape_cast %get3A_1921 : vector<1x1x16xi32> to vector<16xi32>
      %ne3A_1923 = arith.constant 0 : i32
      %ne3A_1924 = vector.broadcast %ne3A_1923 : i32 to vector<16xi32>
      %ne3A_1925 = arith.cmpi ne, %get3A_1922, %ne3A_1924 : vector<16xi32>
      %jit3A_1926 = arith.constant 1 : i32
      %jit3A_1927 = arith.constant 0 : i32
      %broadcast_in_dim3A_1928 = vector.broadcast %jit3A_1926 : i32 to vector<16xi32>
      %broadcast_in_dim3A_1929 = vector.broadcast %jit3A_1927 : i32 to vector<16xi32>
      %select_n3A_1930 = arith.select %ne3A_1925, %broadcast_in_dim3A_1928, %broadcast_in_dim3A_1929 : vector<16xi1>, vector<16xi32>
      %add3A_1931 = arith.addi %broadcast_in_dim3A_1915, %select_n3A_1930 : vector<16xi32>
      %get3A_1932 = arith.constant 1 : i32
      %get3A_1933 = arith.constant 2 : i32
      %get3A_1934 = arith.index_cast %get3A_1932 : i32 to index
      %get3A_1935 = arith.index_cast %get3A_1933 : i32 to index
      %get3A_1936 = arith.constant 16 : index
      %get3A_1937 = tpu.vector_load %arg5[%get3A_1934, %get3A_1935, %get3A_1936] {strides = array<i32>} : memref<2x8x50xi32, #tpu.memory_space<vmem>>, vector<1x1x16xi32>,
      %get3A_1938 = vector.shape_cast %get3A_1937 : vector<1x1x16xi32> to vector<16xi32>
      %ne3A_1939 = arith.constant 0 : i32
      %ne3A_1940 = vector.broadcast %ne3A_1939 : i32 to vector<16xi32>
      %ne3A_1941 = arith.cmpi ne, %get3A_1938, %ne3A_1940 : vector<16xi32>
      %jit3A_1942 = arith.constant 1 : i32
      %jit3A_1943 = arith.constant 0 : i32
      %broadcast_in_dim3A_1944 = vector.broadcast %jit3A_1942 : i32 to vector<16xi32>
      %broadcast_in_dim3A_1945 = vector.broadcast %jit3A_1943 : i32 to vector<16xi32>
      %select_n3A_1946 = arith.select %ne3A_1941, %broadcast_in_dim3A_1944, %broadcast_in_dim3A_1945 : vector<16xi1>, vector<16xi32>
      %add3A_1947 = arith.addi %add3A_1931, %select_n3A_1946 : vector<16xi32>
      %get3A_1948 = arith.constant 1 : i32
      %get3A_1949 = arith.constant 2 : i32
      %get3A_1950 = arith.index_cast %get3A_1948 : i32 to index
      %get3A_1951 = arith.index_cast %get3A_1949 : i32 to index
      %get3A_1952 = arith.constant 32 : index
      %get3A_1953 = tpu.vector_load %arg5[%get3A_1950, %get3A_1951, %get3A_1952] {strides = array<i32>} : memref<2x8x50xi32, #tpu.memory_space<vmem>>, vector<1x1x16xi32>,
      %get3A_1954 = vector.shape_cast %get3A_1953 : vector<1x1x16xi32> to vector<16xi32>
      %ne3A_1955 = arith.constant 0 : i32
      %ne3A_1956 = vector.broadcast %ne3A_1955 : i32 to vector<16xi32>
      %ne3A_1957 = arith.cmpi ne, %get3A_1954, %ne3A_1956 : vector<16xi32>
      %jit3A_1958 = arith.constant 1 : i32
      %jit3A_1959 = arith.constant 0 : i32
      %broadcast_in_dim3A_1960 = vector.broadcast %jit3A_1958 : i32 to vector<16xi32>
      %broadcast_in_dim3A_1961 = vector.broadcast %jit3A_1959 : i32 to vector<16xi32>
      %select_n3A_1962 = arith.select %ne3A_1957, %broadcast_in_dim3A_1960, %broadcast_in_dim3A_1961 : vector<16xi1>, vector<16xi32>
      %add3A_1963 = arith.addi %add3A_1947, %select_n3A_1962 : vector<16xi32>
      %get3A_1964 = arith.constant 1 : i32
      %get3A_1965 = arith.constant 2 : i32
      %get3A_1966 = arith.index_cast %get3A_1964 : i32 to index
      %get3A_1967 = arith.index_cast %get3A_1965 : i32 to index
      %get3A_1968 = arith.constant 34 : index
      %get3A_1969 = tpu.vector_load %arg5[%get3A_1966, %get3A_1967, %get3A_1968] {strides = array<i32>} : memref<2x8x50xi32, #tpu.memory_space<vmem>>, vector<1x1x16xi32>,
      %get3A_1970 = vector.shape_cast %get3A_1969 : vector<1x1x16xi32> to vector<16xi32>
      %ne3A_1971 = arith.constant 0 : i32
      %ne3A_1972 = vector.broadcast %ne3A_1971 : i32 to vector<16xi32>
      %ne3A_1973 = arith.cmpi ne, %get3A_1970, %ne3A_1972 : vector<16xi32>
      %ge3A_1974 = arith.constant 14 : i32
      %ge3A_1975 = vector.broadcast %ge3A_1974 : i32 to vector<16xi32>
      %ge3A_1976 = arith.cmpi sge, %iota3A_1625, %ge3A_1975 : vector<16xi32>
      %and3A_1977 = arith.andi %ne3A_1973, %ge3A_1976 : vector<16xi1>
      %jit3A_1978 = arith.constant 1 : i32
      %jit3A_1979 = arith.constant 0 : i32
      %broadcast_in_dim3A_1980 = vector.broadcast %jit3A_1978 : i32 to vector<16xi32>
      %broadcast_in_dim3A_1981 = vector.broadcast %jit3A_1979 : i32 to vector<16xi32>
      %select_n3A_1982 = arith.select %and3A_1977, %broadcast_in_dim3A_1980, %broadcast_in_dim3A_1981 : vector<16xi1>, vector<16xi32>
      %add3A_1983 = arith.addi %add3A_1963, %select_n3A_1982 : vector<16xi32>
      %convert_element_type3A_1984 = arith.sitofp %add3A_1983 : vector<16xi32> to vector<16xf32>
      %xor3A_1985 = arith.constant 8 : i32
      %xor3A_1986 = vector.broadcast %xor3A_1985 : i32 to vector<16xi32>
      %xor3A_1987 = arith.xori %iota3A_1625, %xor3A_1986 : vector<16xi32>
      %broadcast_in_dim3A_1988 = vector.shape_cast %xor3A_1987 : vector<16xi32> to vector<16x1xi32>
      %gather3A_1989 = vector.shape_cast %broadcast_in_dim3A_1988 : vector<16x1xi32> to vector<16xi32>
      %gather3A_1990 = tpu.dynamic_gather %convert_element_type3A_1984[%gather3A_1989] in [0] : vector<16xf32>, vector<16xi32> -> vector<16xf32>
      %add3A_1991 = arith.addf %convert_element_type3A_1984, %gather3A_1990 : vector<16xf32>
      %xor3A_1992 = arith.constant 4 : i32
      %xor3A_1993 = vector.broadcast %xor3A_1992 : i32 to vector<16xi32>
      %xor3A_1994 = arith.xori %iota3A_1625, %xor3A_1993 : vector<16xi32>
      %broadcast_in_dim3A_1995 = vector.shape_cast %xor3A_1994 : vector<16xi32> to vector<16x1xi32>
      %gather3A_1996 = vector.shape_cast %broadcast_in_dim3A_1995 : vector<16x1xi32> to vector<16xi32>
      %gather3A_1997 = tpu.dynamic_gather %add3A_1991[%gather3A_1996] in [0] : vector<16xf32>, vector<16xi32> -> vector<16xf32>
      %add3A_1998 = arith.addf %add3A_1991, %gather3A_1997 : vector<16xf32>
      %xor3A_1999 = arith.constant 2 : i32
      %xor3A_2000 = vector.broadcast %xor3A_1999 : i32 to vector<16xi32>
      %xor3A_2001 = arith.xori %iota3A_1625, %xor3A_2000 : vector<16xi32>
      %broadcast_in_dim3A_2002 = vector.shape_cast %xor3A_2001 : vector<16xi32> to vector<16x1xi32>
      %gather3A_2003 = vector.shape_cast %broadcast_in_dim3A_2002 : vector<16x1xi32> to vector<16xi32>
      %gather3A_2004 = tpu.dynamic_gather %add3A_1998[%gather3A_2003] in [0] : vector<16xf32>, vector<16xi32> -> vector<16xf32>
      %add3A_2005 = arith.addf %add3A_1998, %gather3A_2004 : vector<16xf32>
      %xor3A_2006 = arith.constant 1 : i32
      %xor3A_2007 = vector.broadcast %xor3A_2006 : i32 to vector<16xi32>
      %xor3A_2008 = arith.xori %iota3A_1625, %xor3A_2007 : vector<16xi32>
      %broadcast_in_dim3A_2009 = vector.shape_cast %xor3A_2008 : vector<16xi32> to vector<16x1xi32>
      %gather3A_2010 = vector.shape_cast %broadcast_in_dim3A_2009 : vector<16x1xi32> to vector<16xi32>
      %gather3A_2011 = tpu.dynamic_gather %add3A_2005[%gather3A_2010] in [0] : vector<16xf32>, vector<16xi32> -> vector<16xf32>
      %add3A_2012 = arith.addf %add3A_2005, %gather3A_2011 : vector<16xf32>
      %max3A_2013 = arith.constant 9.99999971E-10 : f32
      %max3A_2014 = vector.broadcast %max3A_2013 : f32 to vector<16xf32>
      %max3A_2015 = arith.maximumf %add3A_2012, %max3A_2014 : vector<16xf32>
      %div3A_2016 = arith.constant 1.000000e+00 : f32
      %div3A_2017 = vector.broadcast %div3A_2016 : f32 to vector<16xf32>
      %div3A_2018 = arith.divf %div3A_2017, %max3A_2015 : vector<16xf32>
      %mul3A_2019 = arith.mulf %parallel_loop3A_1631#8, %div3A_2018 : vector<16xf32>
      %swap3A_2020 = arith.constant 1 : i32
      %swap3A_2021 = arith.constant 2 : i32
      %swap3A_2022 = arith.index_cast %swap3A_2020 : i32 to index
      %swap3A_2023 = arith.index_cast %swap3A_2021 : i32 to index
      %swap3A_2024 = arith.constant 0 : index
      %swap3A_2025 = tpu.vector_load %arg7[%swap3A_2022, %swap3A_2023, %swap3A_2024] {strides = array<i32>} : memref<2x8x64xf32, #tpu.memory_space<vmem>>, vector<1x1x16xf32>,
      %swap3A_2026 = vector.shape_cast %swap3A_2025 : vector<1x1x16xf32> to vector<16xf32>
      %swap3A_2027 = vector.shape_cast %mul3A_2019 : vector<16xf32> to vector<1x1x16xf32>
      tpu.vector_store %arg7[%swap3A_2022, %swap3A_2023, %swap3A_2024], %swap3A_2027 {strides = array<i32>} : memref<2x8x64xf32, #tpu.memory_space<vmem>>, vector<1x1x16xf32>,
      %mul3A_2028 = arith.mulf %parallel_loop3A_1631#9, %div3A_2018 : vector<16xf32>
      %swap3A_2029 = arith.constant 1 : i32
      %swap3A_2030 = arith.constant 2 : i32
      %swap3A_2031 = arith.index_cast %swap3A_2029 : i32 to index
      %swap3A_2032 = arith.index_cast %swap3A_2030 : i32 to index
      %swap3A_2033 = arith.constant 16 : index
      %swap3A_2034 = tpu.vector_load %arg7[%swap3A_2031, %swap3A_2032, %swap3A_2033] {strides = array<i32>} : memref<2x8x64xf32, #tpu.memory_space<vmem>>, vector<1x1x16xf32>,
      %swap3A_2035 = vector.shape_cast %swap3A_2034 : vector<1x1x16xf32> to vector<16xf32>
      %swap3A_2036 = vector.shape_cast %mul3A_2028 : vector<16xf32> to vector<1x1x16xf32>
      tpu.vector_store %arg7[%swap3A_2031, %swap3A_2032, %swap3A_2033], %swap3A_2036 {strides = array<i32>} : memref<2x8x64xf32, #tpu.memory_space<vmem>>, vector<1x1x16xf32>,
      %mul3A_2037 = arith.mulf %parallel_loop3A_1631#10, %div3A_2018 : vector<16xf32>
      %swap3A_2038 = arith.constant 1 : i32
      %swap3A_2039 = arith.constant 2 : i32
      %swap3A_2040 = arith.index_cast %swap3A_2038 : i32 to index
      %swap3A_2041 = arith.index_cast %swap3A_2039 : i32 to index
      %swap3A_2042 = arith.constant 32 : index
      %swap3A_2043 = tpu.vector_load %arg7[%swap3A_2040, %swap3A_2041, %swap3A_2042] {strides = array<i32>} : memref<2x8x64xf32, #tpu.memory_space<vmem>>, vector<1x1x16xf32>,
      %swap3A_2044 = vector.shape_cast %swap3A_2043 : vector<1x1x16xf32> to vector<16xf32>
      %swap3A_2045 = vector.shape_cast %mul3A_2037 : vector<16xf32> to vector<1x1x16xf32>
      tpu.vector_store %arg7[%swap3A_2040, %swap3A_2041, %swap3A_2042], %swap3A_2045 {strides = array<i32>} : memref<2x8x64xf32, #tpu.memory_space<vmem>>, vector<1x1x16xf32>,
      %mul3A_2046 = arith.mulf %parallel_loop3A_1631#11, %div3A_2018 : vector<16xf32>
      %swap3A_2047 = arith.constant 1 : i32
      %swap3A_2048 = arith.constant 2 : i32
      %swap3A_2049 = arith.index_cast %swap3A_2047 : i32 to index
      %swap3A_2050 = arith.index_cast %swap3A_2048 : i32 to index
      %swap3A_2051 = arith.constant 48 : index
      %swap3A_2052 = tpu.vector_load %arg7[%swap3A_2049, %swap3A_2050, %swap3A_2051] {strides = array<i32>} : memref<2x8x64xf32, #tpu.memory_space<vmem>>, vector<1x1x16xf32>,
      %swap3A_2053 = vector.shape_cast %swap3A_2052 : vector<1x1x16xf32> to vector<16xf32>
      %swap3A_2054 = vector.shape_cast %mul3A_2046 : vector<16xf32> to vector<1x1x16xf32>
      tpu.vector_store %arg7[%swap3A_2049, %swap3A_2050, %swap3A_2051], %swap3A_2054 {strides = array<i32>} : memref<2x8x64xf32, #tpu.memory_space<vmem>>, vector<1x1x16xf32>,
      %broadcast_in_dim3A_2055 = arith.constant 0 : i32
      %broadcast_in_dim3A_2056 = vector.broadcast %broadcast_in_dim3A_2055 : i32 to vector<16xi32>
      %get3A_2057 = arith.constant 1 : i32
      %get3A_2058 = arith.constant 3 : i32
      %get3A_2059 = arith.index_cast %get3A_2057 : i32 to index
      %get3A_2060 = arith.index_cast %get3A_2058 : i32 to index
      %get3A_2061 = arith.constant 0 : index
      %get3A_2062 = tpu.vector_load %arg5[%get3A_2059, %get3A_2060, %get3A_2061] {strides = array<i32>} : memref<2x8x50xi32, #tpu.memory_space<vmem>>, vector<1x1x16xi32>,
      %get3A_2063 = vector.shape_cast %get3A_2062 : vector<1x1x16xi32> to vector<16xi32>
      %ne3A_2064 = arith.constant 0 : i32
      %ne3A_2065 = vector.broadcast %ne3A_2064 : i32 to vector<16xi32>
      %ne3A_2066 = arith.cmpi ne, %get3A_2063, %ne3A_2065 : vector<16xi32>
      %jit3A_2067 = arith.constant 1 : i32
      %jit3A_2068 = arith.constant 0 : i32
      %broadcast_in_dim3A_2069 = vector.broadcast %jit3A_2067 : i32 to vector<16xi32>
      %broadcast_in_dim3A_2070 = vector.broadcast %jit3A_2068 : i32 to vector<16xi32>
      %select_n3A_2071 = arith.select %ne3A_2066, %broadcast_in_dim3A_2069, %broadcast_in_dim3A_2070 : vector<16xi1>, vector<16xi32>
      %add3A_2072 = arith.addi %broadcast_in_dim3A_2056, %select_n3A_2071 : vector<16xi32>
      %get3A_2073 = arith.constant 1 : i32
      %get3A_2074 = arith.constant 3 : i32
      %get3A_2075 = arith.index_cast %get3A_2073 : i32 to index
      %get3A_2076 = arith.index_cast %get3A_2074 : i32 to index
      %get3A_2077 = arith.constant 16 : index
      %get3A_2078 = tpu.vector_load %arg5[%get3A_2075, %get3A_2076, %get3A_2077] {strides = array<i32>} : memref<2x8x50xi32, #tpu.memory_space<vmem>>, vector<1x1x16xi32>,
      %get3A_2079 = vector.shape_cast %get3A_2078 : vector<1x1x16xi32> to vector<16xi32>
      %ne3A_2080 = arith.constant 0 : i32
      %ne3A_2081 = vector.broadcast %ne3A_2080 : i32 to vector<16xi32>
      %ne3A_2082 = arith.cmpi ne, %get3A_2079, %ne3A_2081 : vector<16xi32>
      %jit3A_2083 = arith.constant 1 : i32
      %jit3A_2084 = arith.constant 0 : i32
      %broadcast_in_dim3A_2085 = vector.broadcast %jit3A_2083 : i32 to vector<16xi32>
      %broadcast_in_dim3A_2086 = vector.broadcast %jit3A_2084 : i32 to vector<16xi32>
      %select_n3A_2087 = arith.select %ne3A_2082, %broadcast_in_dim3A_2085, %broadcast_in_dim3A_2086 : vector<16xi1>, vector<16xi32>
      %add3A_2088 = arith.addi %add3A_2072, %select_n3A_2087 : vector<16xi32>
      %get3A_2089 = arith.constant 1 : i32
      %get3A_2090 = arith.constant 3 : i32
      %get3A_2091 = arith.index_cast %get3A_2089 : i32 to index
      %get3A_2092 = arith.index_cast %get3A_2090 : i32 to index
      %get3A_2093 = arith.constant 32 : index
      %get3A_2094 = tpu.vector_load %arg5[%get3A_2091, %get3A_2092, %get3A_2093] {strides = array<i32>} : memref<2x8x50xi32, #tpu.memory_space<vmem>>, vector<1x1x16xi32>,
      %get3A_2095 = vector.shape_cast %get3A_2094 : vector<1x1x16xi32> to vector<16xi32>
      %ne3A_2096 = arith.constant 0 : i32
      %ne3A_2097 = vector.broadcast %ne3A_2096 : i32 to vector<16xi32>
      %ne3A_2098 = arith.cmpi ne, %get3A_2095, %ne3A_2097 : vector<16xi32>
      %jit3A_2099 = arith.constant 1 : i32
      %jit3A_2100 = arith.constant 0 : i32
      %broadcast_in_dim3A_2101 = vector.broadcast %jit3A_2099 : i32 to vector<16xi32>
      %broadcast_in_dim3A_2102 = vector.broadcast %jit3A_2100 : i32 to vector<16xi32>
      %select_n3A_2103 = arith.select %ne3A_2098, %broadcast_in_dim3A_2101, %broadcast_in_dim3A_2102 : vector<16xi1>, vector<16xi32>
      %add3A_2104 = arith.addi %add3A_2088, %select_n3A_2103 : vector<16xi32>
      %get3A_2105 = arith.constant 1 : i32
      %get3A_2106 = arith.constant 3 : i32
      %get3A_2107 = arith.index_cast %get3A_2105 : i32 to index
      %get3A_2108 = arith.index_cast %get3A_2106 : i32 to index
      %get3A_2109 = arith.constant 34 : index
      %get3A_2110 = tpu.vector_load %arg5[%get3A_2107, %get3A_2108, %get3A_2109] {strides = array<i32>} : memref<2x8x50xi32, #tpu.memory_space<vmem>>, vector<1x1x16xi32>,
      %get3A_2111 = vector.shape_cast %get3A_2110 : vector<1x1x16xi32> to vector<16xi32>
      %ne3A_2112 = arith.constant 0 : i32
      %ne3A_2113 = vector.broadcast %ne3A_2112 : i32 to vector<16xi32>
      %ne3A_2114 = arith.cmpi ne, %get3A_2111, %ne3A_2113 : vector<16xi32>
      %ge3A_2115 = arith.constant 14 : i32
      %ge3A_2116 = vector.broadcast %ge3A_2115 : i32 to vector<16xi32>
      %ge3A_2117 = arith.cmpi sge, %iota3A_1625, %ge3A_2116 : vector<16xi32>
      %and3A_2118 = arith.andi %ne3A_2114, %ge3A_2117 : vector<16xi1>
      %jit3A_2119 = arith.constant 1 : i32
      %jit3A_2120 = arith.constant 0 : i32
      %broadcast_in_dim3A_2121 = vector.broadcast %jit3A_2119 : i32 to vector<16xi32>
      %broadcast_in_dim3A_2122 = vector.broadcast %jit3A_2120 : i32 to vector<16xi32>
      %select_n3A_2123 = arith.select %and3A_2118, %broadcast_in_dim3A_2121, %broadcast_in_dim3A_2122 : vector<16xi1>, vector<16xi32>
      %add3A_2124 = arith.addi %add3A_2104, %select_n3A_2123 : vector<16xi32>
      %convert_element_type3A_2125 = arith.sitofp %add3A_2124 : vector<16xi32> to vector<16xf32>
      %xor3A_2126 = arith.constant 8 : i32
      %xor3A_2127 = vector.broadcast %xor3A_2126 : i32 to vector<16xi32>
      %xor3A_2128 = arith.xori %iota3A_1625, %xor3A_2127 : vector<16xi32>
      %broadcast_in_dim3A_2129 = vector.shape_cast %xor3A_2128 : vector<16xi32> to vector<16x1xi32>
      %gather3A_2130 = vector.shape_cast %broadcast_in_dim3A_2129 : vector<16x1xi32> to vector<16xi32>
      %gather3A_2131 = tpu.dynamic_gather %convert_element_type3A_2125[%gather3A_2130] in [0] : vector<16xf32>, vector<16xi32> -> vector<16xf32>
      %add3A_2132 = arith.addf %convert_element_type3A_2125, %gather3A_2131 : vector<16xf32>
      %xor3A_2133 = arith.constant 4 : i32
      %xor3A_2134 = vector.broadcast %xor3A_2133 : i32 to vector<16xi32>
      %xor3A_2135 = arith.xori %iota3A_1625, %xor3A_2134 : vector<16xi32>
      %broadcast_in_dim3A_2136 = vector.shape_cast %xor3A_2135 : vector<16xi32> to vector<16x1xi32>
      %gather3A_2137 = vector.shape_cast %broadcast_in_dim3A_2136 : vector<16x1xi32> to vector<16xi32>
      %gather3A_2138 = tpu.dynamic_gather %add3A_2132[%gather3A_2137] in [0] : vector<16xf32>, vector<16xi32> -> vector<16xf32>
      %add3A_2139 = arith.addf %add3A_2132, %gather3A_2138 : vector<16xf32>
      %xor3A_2140 = arith.constant 2 : i32
      %xor3A_2141 = vector.broadcast %xor3A_2140 : i32 to vector<16xi32>
      %xor3A_2142 = arith.xori %iota3A_1625, %xor3A_2141 : vector<16xi32>
      %broadcast_in_dim3A_2143 = vector.shape_cast %xor3A_2142 : vector<16xi32> to vector<16x1xi32>
      %gather3A_2144 = vector.shape_cast %broadcast_in_dim3A_2143 : vector<16x1xi32> to vector<16xi32>
      %gather3A_2145 = tpu.dynamic_gather %add3A_2139[%gather3A_2144] in [0] : vector<16xf32>, vector<16xi32> -> vector<16xf32>
      %add3A_2146 = arith.addf %add3A_2139, %gather3A_2145 : vector<16xf32>
      %xor3A_2147 = arith.constant 1 : i32
      %xor3A_2148 = vector.broadcast %xor3A_2147 : i32 to vector<16xi32>
      %xor3A_2149 = arith.xori %iota3A_1625, %xor3A_2148 : vector<16xi32>
      %broadcast_in_dim3A_2150 = vector.shape_cast %xor3A_2149 : vector<16xi32> to vector<16x1xi32>
      %gather3A_2151 = vector.shape_cast %broadcast_in_dim3A_2150 : vector<16x1xi32> to vector<16xi32>
      %gather3A_2152 = tpu.dynamic_gather %add3A_2146[%gather3A_2151] in [0] : vector<16xf32>, vector<16xi32> -> vector<16xf32>
      %add3A_2153 = arith.addf %add3A_2146, %gather3A_2152 : vector<16xf32>
      %max3A_2154 = arith.constant 9.99999971E-10 : f32
      %max3A_2155 = vector.broadcast %max3A_2154 : f32 to vector<16xf32>
      %max3A_2156 = arith.maximumf %add3A_2153, %max3A_2155 : vector<16xf32>
      %div3A_2157 = arith.constant 1.000000e+00 : f32
      %div3A_2158 = vector.broadcast %div3A_2157 : f32 to vector<16xf32>
      %div3A_2159 = arith.divf %div3A_2158, %max3A_2156 : vector<16xf32>
      %mul3A_2160 = arith.mulf %parallel_loop3A_1631#12, %div3A_2159 : vector<16xf32>
      %swap3A_2161 = arith.constant 1 : i32
      %swap3A_2162 = arith.constant 3 : i32
      %swap3A_2163 = arith.index_cast %swap3A_2161 : i32 to index
      %swap3A_2164 = arith.index_cast %swap3A_2162 : i32 to index
      %swap3A_2165 = arith.constant 0 : index
      %swap3A_2166 = tpu.vector_load %arg7[%swap3A_2163, %swap3A_2164, %swap3A_2165] {strides = array<i32>} : memref<2x8x64xf32, #tpu.memory_space<vmem>>, vector<1x1x16xf32>,
      %swap3A_2167 = vector.shape_cast %swap3A_2166 : vector<1x1x16xf32> to vector<16xf32>
      %swap3A_2168 = vector.shape_cast %mul3A_2160 : vector<16xf32> to vector<1x1x16xf32>
      tpu.vector_store %arg7[%swap3A_2163, %swap3A_2164, %swap3A_2165], %swap3A_2168 {strides = array<i32>} : memref<2x8x64xf32, #tpu.memory_space<vmem>>, vector<1x1x16xf32>,
      %mul3A_2169 = arith.mulf %parallel_loop3A_1631#13, %div3A_2159 : vector<16xf32>
      %swap3A_2170 = arith.constant 1 : i32
      %swap3A_2171 = arith.constant 3 : i32
      %swap3A_2172 = arith.index_cast %swap3A_2170 : i32 to index
      %swap3A_2173 = arith.index_cast %swap3A_2171 : i32 to index
      %swap3A_2174 = arith.constant 16 : index
      %swap3A_2175 = tpu.vector_load %arg7[%swap3A_2172, %swap3A_2173, %swap3A_2174] {strides = array<i32>} : memref<2x8x64xf32, #tpu.memory_space<vmem>>, vector<1x1x16xf32>,
      %swap3A_2176 = vector.shape_cast %swap3A_2175 : vector<1x1x16xf32> to vector<16xf32>
      %swap3A_2177 = vector.shape_cast %mul3A_2169 : vector<16xf32> to vector<1x1x16xf32>
      tpu.vector_store %arg7[%swap3A_2172, %swap3A_2173, %swap3A_2174], %swap3A_2177 {strides = array<i32>} : memref<2x8x64xf32, #tpu.memory_space<vmem>>, vector<1x1x16xf32>,
      %mul3A_2178 = arith.mulf %parallel_loop3A_1631#14, %div3A_2159 : vector<16xf32>
      %swap3A_2179 = arith.constant 1 : i32
      %swap3A_2180 = arith.constant 3 : i32
      %swap3A_2181 = arith.index_cast %swap3A_2179 : i32 to index
      %swap3A_2182 = arith.index_cast %swap3A_2180 : i32 to index
      %swap3A_2183 = arith.constant 32 : index
      %swap3A_2184 = tpu.vector_load %arg7[%swap3A_2181, %swap3A_2182, %swap3A_2183] {strides = array<i32>} : memref<2x8x64xf32, #tpu.memory_space<vmem>>, vector<1x1x16xf32>,
      %swap3A_2185 = vector.shape_cast %swap3A_2184 : vector<1x1x16xf32> to vector<16xf32>
      %swap3A_2186 = vector.shape_cast %mul3A_2178 : vector<16xf32> to vector<1x1x16xf32>
      tpu.vector_store %arg7[%swap3A_2181, %swap3A_2182, %swap3A_2183], %swap3A_2186 {strides = array<i32>} : memref<2x8x64xf32, #tpu.memory_space<vmem>>, vector<1x1x16xf32>,
      %mul3A_2187 = arith.mulf %parallel_loop3A_1631#15, %div3A_2159 : vector<16xf32>
      %swap3A_2188 = arith.constant 1 : i32
      %swap3A_2189 = arith.constant 3 : i32
      %swap3A_2190 = arith.index_cast %swap3A_2188 : i32 to index
      %swap3A_2191 = arith.index_cast %swap3A_2189 : i32 to index
      %swap3A_2192 = arith.constant 48 : index
      %swap3A_2193 = tpu.vector_load %arg7[%swap3A_2190, %swap3A_2191, %swap3A_2192] {strides = array<i32>} : memref<2x8x64xf32, #tpu.memory_space<vmem>>, vector<1x1x16xf32>,
      %swap3A_2194 = vector.shape_cast %swap3A_2193 : vector<1x1x16xf32> to vector<16xf32>
      %swap3A_2195 = vector.shape_cast %mul3A_2187 : vector<16xf32> to vector<1x1x16xf32>
      tpu.vector_store %arg7[%swap3A_2190, %swap3A_2191, %swap3A_2192], %swap3A_2195 {strides = array<i32>} : memref<2x8x64xf32, #tpu.memory_space<vmem>>, vector<1x1x16xf32>,
      %broadcast_in_dim3A_2196 = arith.constant 0.000000e+00 : f32
      %broadcast_in_dim3A_2197 = vector.broadcast %broadcast_in_dim3A_2196 : f32 to vector<16xf32>
      %parallel_loop3A_2198 = arith.constant 0 : i32
      %parallel_loop3A_2199 = arith.constant 50 : i32
      %parallel_loop3A_2200 = arith.constant 1 : i32
      %parallel_loop3A_2201:16 = scf.for %parallel_loop3A_2779 = %parallel_loop3A_2198 to %parallel_loop3A_2199 step %parallel_loop3A_2200 iter_args(%parallel_loop3A_2780 = %broadcast_in_dim3A_2197, %parallel_loop3A_2781 = %broadcast_in_dim3A_2197, %parallel_loop3A_2782 = %broadcast_in_dim3A_2197, %parallel_loop3A_2783 = %broadcast_in_dim3A_2197, %parallel_loop3A_2784 = %broadcast_in_dim3A_2197, %parallel_loop3A_2785 = %broadcast_in_dim3A_2197, %parallel_loop3A_2786 = %broadcast_in_dim3A_2197, %parallel_loop3A_2787 = %broadcast_in_dim3A_2197, %parallel_loop3A_2788 = %broadcast_in_dim3A_2197, %parallel_loop3A_2789 = %broadcast_in_dim3A_2197, %parallel_loop3A_2790 = %broadcast_in_dim3A_2197, %parallel_loop3A_2791 = %broadcast_in_dim3A_2197, %parallel_loop3A_2792 = %broadcast_in_dim3A_2197, %parallel_loop3A_2793 = %broadcast_in_dim3A_2197, %parallel_loop3A_2794 = %broadcast_in_dim3A_2197, %parallel_loop3A_2795 = %broadcast_in_dim3A_2197) -> (vector<16xf32>, vector<16xf32>, vector<16xf32>, vector<16xf32>, vector<16xf32>, vector<16xf32>, vector<16xf32>, vector<16xf32>, vector<16xf32>, vector<16xf32>, vector<16xf32>, vector<16xf32>, vector<16xf32>, vector<16xf32>, vector<16xf32>, vector<16xf32>)  : i32 {
        %parallel_loop3A_2796 = arith.constant 200 : i32
        %parallel_loop3A_2797 = arith.addi %parallel_loop3A_2796, %parallel_loop3A_2779 : i32
        %parallel_loop3A_2798 = arith.constant 1 : i32
        %parallel_loop3A_2799 = arith.index_cast %parallel_loop3A_2798 : i32 to index
        %parallel_loop3A_2800 = arith.index_cast %parallel_loop3A_2797 : i32 to index
        %parallel_loop3A_2801 = arith.constant 0 : index
        %parallel_loop3A_2802 = tpu.vector_load %arg6[%parallel_loop3A_2799, %parallel_loop3A_2800, %parallel_loop3A_2801] {strides = array<i32>} : memref<2x400x64xf32, #tpu.memory_space<vmem>>, vector<1x1x16xf32>,
        %parallel_loop3A_2803 = vector.shape_cast %parallel_loop3A_2802 : vector<1x1x16xf32> to vector<16xf32>
        %parallel_loop3A_2804 = arith.addf %parallel_loop3A_2780, %parallel_loop3A_2803 : vector<16xf32>
        %parallel_loop3A_2805 = arith.constant 1 : i32
        %parallel_loop3A_2806 = arith.index_cast %parallel_loop3A_2805 : i32 to index
        %parallel_loop3A_2807 = arith.index_cast %parallel_loop3A_2797 : i32 to index
        %parallel_loop3A_2808 = arith.constant 16 : index
        %parallel_loop3A_2809 = tpu.vector_load %arg6[%parallel_loop3A_2806, %parallel_loop3A_2807, %parallel_loop3A_2808] {strides = array<i32>} : memref<2x400x64xf32, #tpu.memory_space<vmem>>, vector<1x1x16xf32>,
        %parallel_loop3A_2810 = vector.shape_cast %parallel_loop3A_2809 : vector<1x1x16xf32> to vector<16xf32>
        %parallel_loop3A_2811 = arith.addf %parallel_loop3A_2781, %parallel_loop3A_2810 : vector<16xf32>
        %parallel_loop3A_2812 = arith.constant 1 : i32
        %parallel_loop3A_2813 = arith.index_cast %parallel_loop3A_2812 : i32 to index
        %parallel_loop3A_2814 = arith.index_cast %parallel_loop3A_2797 : i32 to index
        %parallel_loop3A_2815 = arith.constant 32 : index
        %parallel_loop3A_2816 = tpu.vector_load %arg6[%parallel_loop3A_2813, %parallel_loop3A_2814, %parallel_loop3A_2815] {strides = array<i32>} : memref<2x400x64xf32, #tpu.memory_space<vmem>>, vector<1x1x16xf32>,
        %parallel_loop3A_2817 = vector.shape_cast %parallel_loop3A_2816 : vector<1x1x16xf32> to vector<16xf32>
        %parallel_loop3A_2818 = arith.addf %parallel_loop3A_2782, %parallel_loop3A_2817 : vector<16xf32>
        %parallel_loop3A_2819 = arith.constant 1 : i32
        %parallel_loop3A_2820 = arith.index_cast %parallel_loop3A_2819 : i32 to index
        %parallel_loop3A_2821 = arith.index_cast %parallel_loop3A_2797 : i32 to index
        %parallel_loop3A_2822 = arith.constant 48 : index
        %parallel_loop3A_2823 = tpu.vector_load %arg6[%parallel_loop3A_2820, %parallel_loop3A_2821, %parallel_loop3A_2822] {strides = array<i32>} : memref<2x400x64xf32, #tpu.memory_space<vmem>>, vector<1x1x16xf32>,
        %parallel_loop3A_2824 = vector.shape_cast %parallel_loop3A_2823 : vector<1x1x16xf32> to vector<16xf32>
        %parallel_loop3A_2825 = arith.addf %parallel_loop3A_2783, %parallel_loop3A_2824 : vector<16xf32>
        %parallel_loop3A_2826 = arith.constant 250 : i32
        %parallel_loop3A_2827 = arith.addi %parallel_loop3A_2826, %parallel_loop3A_2779 : i32
        %parallel_loop3A_2828 = arith.constant 1 : i32
        %parallel_loop3A_2829 = arith.index_cast %parallel_loop3A_2828 : i32 to index
        %parallel_loop3A_2830 = arith.index_cast %parallel_loop3A_2827 : i32 to index
        %parallel_loop3A_2831 = arith.constant 0 : index
        %parallel_loop3A_2832 = tpu.vector_load %arg6[%parallel_loop3A_2829, %parallel_loop3A_2830, %parallel_loop3A_2831] {strides = array<i32>} : memref<2x400x64xf32, #tpu.memory_space<vmem>>, vector<1x1x16xf32>,
        %parallel_loop3A_2833 = vector.shape_cast %parallel_loop3A_2832 : vector<1x1x16xf32> to vector<16xf32>
        %parallel_loop3A_2834 = arith.addf %parallel_loop3A_2784, %parallel_loop3A_2833 : vector<16xf32>
        %parallel_loop3A_2835 = arith.constant 1 : i32
        %parallel_loop3A_2836 = arith.index_cast %parallel_loop3A_2835 : i32 to index
        %parallel_loop3A_2837 = arith.index_cast %parallel_loop3A_2827 : i32 to index
        %parallel_loop3A_2838 = arith.constant 16 : index
        %parallel_loop3A_2839 = tpu.vector_load %arg6[%parallel_loop3A_2836, %parallel_loop3A_2837, %parallel_loop3A_2838] {strides = array<i32>} : memref<2x400x64xf32, #tpu.memory_space<vmem>>, vector<1x1x16xf32>,
        %parallel_loop3A_2840 = vector.shape_cast %parallel_loop3A_2839 : vector<1x1x16xf32> to vector<16xf32>
        %parallel_loop3A_2841 = arith.addf %parallel_loop3A_2785, %parallel_loop3A_2840 : vector<16xf32>
        %parallel_loop3A_2842 = arith.constant 1 : i32
        %parallel_loop3A_2843 = arith.index_cast %parallel_loop3A_2842 : i32 to index
        %parallel_loop3A_2844 = arith.index_cast %parallel_loop3A_2827 : i32 to index
        %parallel_loop3A_2845 = arith.constant 32 : index
        %parallel_loop3A_2846 = tpu.vector_load %arg6[%parallel_loop3A_2843, %parallel_loop3A_2844, %parallel_loop3A_2845] {strides = array<i32>} : memref<2x400x64xf32, #tpu.memory_space<vmem>>, vector<1x1x16xf32>,
        %parallel_loop3A_2847 = vector.shape_cast %parallel_loop3A_2846 : vector<1x1x16xf32> to vector<16xf32>
        %parallel_loop3A_2848 = arith.addf %parallel_loop3A_2786, %parallel_loop3A_2847 : vector<16xf32>
        %parallel_loop3A_2849 = arith.constant 1 : i32
        %parallel_loop3A_2850 = arith.index_cast %parallel_loop3A_2849 : i32 to index
        %parallel_loop3A_2851 = arith.index_cast %parallel_loop3A_2827 : i32 to index
        %parallel_loop3A_2852 = arith.constant 48 : index
        %parallel_loop3A_2853 = tpu.vector_load %arg6[%parallel_loop3A_2850, %parallel_loop3A_2851, %parallel_loop3A_2852] {strides = array<i32>} : memref<2x400x64xf32, #tpu.memory_space<vmem>>, vector<1x1x16xf32>,
        %parallel_loop3A_2854 = vector.shape_cast %parallel_loop3A_2853 : vector<1x1x16xf32> to vector<16xf32>
        %parallel_loop3A_2855 = arith.addf %parallel_loop3A_2787, %parallel_loop3A_2854 : vector<16xf32>
        %parallel_loop3A_2856 = arith.constant 300 : i32
        %parallel_loop3A_2857 = arith.addi %parallel_loop3A_2856, %parallel_loop3A_2779 : i32
        %parallel_loop3A_2858 = arith.constant 1 : i32
        %parallel_loop3A_2859 = arith.index_cast %parallel_loop3A_2858 : i32 to index
        %parallel_loop3A_2860 = arith.index_cast %parallel_loop3A_2857 : i32 to index
        %parallel_loop3A_2861 = arith.constant 0 : index
        %parallel_loop3A_2862 = tpu.vector_load %arg6[%parallel_loop3A_2859, %parallel_loop3A_2860, %parallel_loop3A_2861] {strides = array<i32>} : memref<2x400x64xf32, #tpu.memory_space<vmem>>, vector<1x1x16xf32>,
        %parallel_loop3A_2863 = vector.shape_cast %parallel_loop3A_2862 : vector<1x1x16xf32> to vector<16xf32>
        %parallel_loop3A_2864 = arith.addf %parallel_loop3A_2788, %parallel_loop3A_2863 : vector<16xf32>
        %parallel_loop3A_2865 = arith.constant 1 : i32
        %parallel_loop3A_2866 = arith.index_cast %parallel_loop3A_2865 : i32 to index
        %parallel_loop3A_2867 = arith.index_cast %parallel_loop3A_2857 : i32 to index
        %parallel_loop3A_2868 = arith.constant 16 : index
        %parallel_loop3A_2869 = tpu.vector_load %arg6[%parallel_loop3A_2866, %parallel_loop3A_2867, %parallel_loop3A_2868] {strides = array<i32>} : memref<2x400x64xf32, #tpu.memory_space<vmem>>, vector<1x1x16xf32>,
        %parallel_loop3A_2870 = vector.shape_cast %parallel_loop3A_2869 : vector<1x1x16xf32> to vector<16xf32>
        %parallel_loop3A_2871 = arith.addf %parallel_loop3A_2789, %parallel_loop3A_2870 : vector<16xf32>
        %parallel_loop3A_2872 = arith.constant 1 : i32
        %parallel_loop3A_2873 = arith.index_cast %parallel_loop3A_2872 : i32 to index
        %parallel_loop3A_2874 = arith.index_cast %parallel_loop3A_2857 : i32 to index
        %parallel_loop3A_2875 = arith.constant 32 : index
        %parallel_loop3A_2876 = tpu.vector_load %arg6[%parallel_loop3A_2873, %parallel_loop3A_2874, %parallel_loop3A_2875] {strides = array<i32>} : memref<2x400x64xf32, #tpu.memory_space<vmem>>, vector<1x1x16xf32>,
        %parallel_loop3A_2877 = vector.shape_cast %parallel_loop3A_2876 : vector<1x1x16xf32> to vector<16xf32>
        %parallel_loop3A_2878 = arith.addf %parallel_loop3A_2790, %parallel_loop3A_2877 : vector<16xf32>
        %parallel_loop3A_2879 = arith.constant 1 : i32
        %parallel_loop3A_2880 = arith.index_cast %parallel_loop3A_2879 : i32 to index
        %parallel_loop3A_2881 = arith.index_cast %parallel_loop3A_2857 : i32 to index
        %parallel_loop3A_2882 = arith.constant 48 : index
        %parallel_loop3A_2883 = tpu.vector_load %arg6[%parallel_loop3A_2880, %parallel_loop3A_2881, %parallel_loop3A_2882] {strides = array<i32>} : memref<2x400x64xf32, #tpu.memory_space<vmem>>, vector<1x1x16xf32>,
        %parallel_loop3A_2884 = vector.shape_cast %parallel_loop3A_2883 : vector<1x1x16xf32> to vector<16xf32>
        %parallel_loop3A_2885 = arith.addf %parallel_loop3A_2791, %parallel_loop3A_2884 : vector<16xf32>
        %parallel_loop3A_2886 = arith.constant 350 : i32
        %parallel_loop3A_2887 = arith.addi %parallel_loop3A_2886, %parallel_loop3A_2779 : i32
        %parallel_loop3A_2888 = arith.constant 1 : i32
        %parallel_loop3A_2889 = arith.index_cast %parallel_loop3A_2888 : i32 to index
        %parallel_loop3A_2890 = arith.index_cast %parallel_loop3A_2887 : i32 to index
        %parallel_loop3A_2891 = arith.constant 0 : index
        %parallel_loop3A_2892 = tpu.vector_load %arg6[%parallel_loop3A_2889, %parallel_loop3A_2890, %parallel_loop3A_2891] {strides = array<i32>} : memref<2x400x64xf32, #tpu.memory_space<vmem>>, vector<1x1x16xf32>,
        %parallel_loop3A_2893 = vector.shape_cast %parallel_loop3A_2892 : vector<1x1x16xf32> to vector<16xf32>
        %parallel_loop3A_2894 = arith.addf %parallel_loop3A_2792, %parallel_loop3A_2893 : vector<16xf32>
        %parallel_loop3A_2895 = arith.constant 1 : i32
        %parallel_loop3A_2896 = arith.index_cast %parallel_loop3A_2895 : i32 to index
        %parallel_loop3A_2897 = arith.index_cast %parallel_loop3A_2887 : i32 to index
        %parallel_loop3A_2898 = arith.constant 16 : index
        %parallel_loop3A_2899 = tpu.vector_load %arg6[%parallel_loop3A_2896, %parallel_loop3A_2897, %parallel_loop3A_2898] {strides = array<i32>} : memref<2x400x64xf32, #tpu.memory_space<vmem>>, vector<1x1x16xf32>,
        %parallel_loop3A_2900 = vector.shape_cast %parallel_loop3A_2899 : vector<1x1x16xf32> to vector<16xf32>
        %parallel_loop3A_2901 = arith.addf %parallel_loop3A_2793, %parallel_loop3A_2900 : vector<16xf32>
        %parallel_loop3A_2902 = arith.constant 1 : i32
        %parallel_loop3A_2903 = arith.index_cast %parallel_loop3A_2902 : i32 to index
        %parallel_loop3A_2904 = arith.index_cast %parallel_loop3A_2887 : i32 to index
        %parallel_loop3A_2905 = arith.constant 32 : index
        %parallel_loop3A_2906 = tpu.vector_load %arg6[%parallel_loop3A_2903, %parallel_loop3A_2904, %parallel_loop3A_2905] {strides = array<i32>} : memref<2x400x64xf32, #tpu.memory_space<vmem>>, vector<1x1x16xf32>,
        %parallel_loop3A_2907 = vector.shape_cast %parallel_loop3A_2906 : vector<1x1x16xf32> to vector<16xf32>
        %parallel_loop3A_2908 = arith.addf %parallel_loop3A_2794, %parallel_loop3A_2907 : vector<16xf32>
        %parallel_loop3A_2909 = arith.constant 1 : i32
        %parallel_loop3A_2910 = arith.index_cast %parallel_loop3A_2909 : i32 to index
        %parallel_loop3A_2911 = arith.index_cast %parallel_loop3A_2887 : i32 to index
        %parallel_loop3A_2912 = arith.constant 48 : index
        %parallel_loop3A_2913 = tpu.vector_load %arg6[%parallel_loop3A_2910, %parallel_loop3A_2911, %parallel_loop3A_2912] {strides = array<i32>} : memref<2x400x64xf32, #tpu.memory_space<vmem>>, vector<1x1x16xf32>,
        %parallel_loop3A_2914 = vector.shape_cast %parallel_loop3A_2913 : vector<1x1x16xf32> to vector<16xf32>
        %parallel_loop3A_2915 = arith.addf %parallel_loop3A_2795, %parallel_loop3A_2914 : vector<16xf32>
        scf.yield %parallel_loop3A_2804, %parallel_loop3A_2811, %parallel_loop3A_2818, %parallel_loop3A_2825, %parallel_loop3A_2834, %parallel_loop3A_2841, %parallel_loop3A_2848, %parallel_loop3A_2855, %parallel_loop3A_2864, %parallel_loop3A_2871, %parallel_loop3A_2878, %parallel_loop3A_2885, %parallel_loop3A_2894, %parallel_loop3A_2901, %parallel_loop3A_2908, %parallel_loop3A_2915 : vector<16xf32>, vector<16xf32>, vector<16xf32>, vector<16xf32>, vector<16xf32>, vector<16xf32>, vector<16xf32>, vector<16xf32>, vector<16xf32>, vector<16xf32>, vector<16xf32>, vector<16xf32>, vector<16xf32>, vector<16xf32>, vector<16xf32>, vector<16xf32>
      } {sc.loop_unroll_factor = 50 : i64, sc.parallel_access}
      %broadcast_in_dim3A_2202 = arith.constant 0 : i32
      %broadcast_in_dim3A_2203 = vector.broadcast %broadcast_in_dim3A_2202 : i32 to vector<16xi32>
      %get3A_2204 = arith.constant 1 : i32
      %get3A_2205 = arith.constant 4 : i32
      %get3A_2206 = arith.index_cast %get3A_2204 : i32 to index
      %get3A_2207 = arith.index_cast %get3A_2205 : i32 to index
      %get3A_2208 = arith.constant 0 : index
      %get3A_2209 = tpu.vector_load %arg5[%get3A_2206, %get3A_2207, %get3A_2208] {strides = array<i32>} : memref<2x8x50xi32, #tpu.memory_space<vmem>>, vector<1x1x16xi32>,
      %get3A_2210 = vector.shape_cast %get3A_2209 : vector<1x1x16xi32> to vector<16xi32>
      %ne3A_2211 = arith.constant 0 : i32
      %ne3A_2212 = vector.broadcast %ne3A_2211 : i32 to vector<16xi32>
      %ne3A_2213 = arith.cmpi ne, %get3A_2210, %ne3A_2212 : vector<16xi32>
      %jit3A_2214 = arith.constant 1 : i32
      %jit3A_2215 = arith.constant 0 : i32
      %broadcast_in_dim3A_2216 = vector.broadcast %jit3A_2214 : i32 to vector<16xi32>
      %broadcast_in_dim3A_2217 = vector.broadcast %jit3A_2215 : i32 to vector<16xi32>
      %select_n3A_2218 = arith.select %ne3A_2213, %broadcast_in_dim3A_2216, %broadcast_in_dim3A_2217 : vector<16xi1>, vector<16xi32>
      %add3A_2219 = arith.addi %broadcast_in_dim3A_2203, %select_n3A_2218 : vector<16xi32>
      %get3A_2220 = arith.constant 1 : i32
      %get3A_2221 = arith.constant 4 : i32
      %get3A_2222 = arith.index_cast %get3A_2220 : i32 to index
      %get3A_2223 = arith.index_cast %get3A_2221 : i32 to index
      %get3A_2224 = arith.constant 16 : index
      %get3A_2225 = tpu.vector_load %arg5[%get3A_2222, %get3A_2223, %get3A_2224] {strides = array<i32>} : memref<2x8x50xi32, #tpu.memory_space<vmem>>, vector<1x1x16xi32>,
      %get3A_2226 = vector.shape_cast %get3A_2225 : vector<1x1x16xi32> to vector<16xi32>
      %ne3A_2227 = arith.constant 0 : i32
      %ne3A_2228 = vector.broadcast %ne3A_2227 : i32 to vector<16xi32>
      %ne3A_2229 = arith.cmpi ne, %get3A_2226, %ne3A_2228 : vector<16xi32>
      %jit3A_2230 = arith.constant 1 : i32
      %jit3A_2231 = arith.constant 0 : i32
      %broadcast_in_dim3A_2232 = vector.broadcast %jit3A_2230 : i32 to vector<16xi32>
      %broadcast_in_dim3A_2233 = vector.broadcast %jit3A_2231 : i32 to vector<16xi32>
      %select_n3A_2234 = arith.select %ne3A_2229, %broadcast_in_dim3A_2232, %broadcast_in_dim3A_2233 : vector<16xi1>, vector<16xi32>
      %add3A_2235 = arith.addi %add3A_2219, %select_n3A_2234 : vector<16xi32>
      %get3A_2236 = arith.constant 1 : i32
      %get3A_2237 = arith.constant 4 : i32
      %get3A_2238 = arith.index_cast %get3A_2236 : i32 to index
      %get3A_2239 = arith.index_cast %get3A_2237 : i32 to index
      %get3A_2240 = arith.constant 32 : index
      %get3A_2241 = tpu.vector_load %arg5[%get3A_2238, %get3A_2239, %get3A_2240] {strides = array<i32>} : memref<2x8x50xi32, #tpu.memory_space<vmem>>, vector<1x1x16xi32>,
      %get3A_2242 = vector.shape_cast %get3A_2241 : vector<1x1x16xi32> to vector<16xi32>
      %ne3A_2243 = arith.constant 0 : i32
      %ne3A_2244 = vector.broadcast %ne3A_2243 : i32 to vector<16xi32>
      %ne3A_2245 = arith.cmpi ne, %get3A_2242, %ne3A_2244 : vector<16xi32>
      %jit3A_2246 = arith.constant 1 : i32
      %jit3A_2247 = arith.constant 0 : i32
      %broadcast_in_dim3A_2248 = vector.broadcast %jit3A_2246 : i32 to vector<16xi32>
      %broadcast_in_dim3A_2249 = vector.broadcast %jit3A_2247 : i32 to vector<16xi32>
      %select_n3A_2250 = arith.select %ne3A_2245, %broadcast_in_dim3A_2248, %broadcast_in_dim3A_2249 : vector<16xi1>, vector<16xi32>
      %add3A_2251 = arith.addi %add3A_2235, %select_n3A_2250 : vector<16xi32>
      %get3A_2252 = arith.constant 1 : i32
      %get3A_2253 = arith.constant 4 : i32
      %get3A_2254 = arith.index_cast %get3A_2252 : i32 to index
      %get3A_2255 = arith.index_cast %get3A_2253 : i32 to index
      %get3A_2256 = arith.constant 34 : index
      %get3A_2257 = tpu.vector_load %arg5[%get3A_2254, %get3A_2255, %get3A_2256] {strides = array<i32>} : memref<2x8x50xi32, #tpu.memory_space<vmem>>, vector<1x1x16xi32>,
      %get3A_2258 = vector.shape_cast %get3A_2257 : vector<1x1x16xi32> to vector<16xi32>
      %ne3A_2259 = arith.constant 0 : i32
      %ne3A_2260 = vector.broadcast %ne3A_2259 : i32 to vector<16xi32>
      %ne3A_2261 = arith.cmpi ne, %get3A_2258, %ne3A_2260 : vector<16xi32>
      %ge3A_2262 = arith.constant 14 : i32
      %ge3A_2263 = vector.broadcast %ge3A_2262 : i32 to vector<16xi32>
      %ge3A_2264 = arith.cmpi sge, %iota3A_1625, %ge3A_2263 : vector<16xi32>
      %and3A_2265 = arith.andi %ne3A_2261, %ge3A_2264 : vector<16xi1>
      %jit3A_2266 = arith.constant 1 : i32
      %jit3A_2267 = arith.constant 0 : i32
      %broadcast_in_dim3A_2268 = vector.broadcast %jit3A_2266 : i32 to vector<16xi32>
      %broadcast_in_dim3A_2269 = vector.broadcast %jit3A_2267 : i32 to vector<16xi32>
      %select_n3A_2270 = arith.select %and3A_2265, %broadcast_in_dim3A_2268, %broadcast_in_dim3A_2269 : vector<16xi1>, vector<16xi32>
      %add3A_2271 = arith.addi %add3A_2251, %select_n3A_2270 : vector<16xi32>
      %convert_element_type3A_2272 = arith.sitofp %add3A_2271 : vector<16xi32> to vector<16xf32>
      %xor3A_2273 = arith.constant 8 : i32
      %xor3A_2274 = vector.broadcast %xor3A_2273 : i32 to vector<16xi32>
      %xor3A_2275 = arith.xori %iota3A_1625, %xor3A_2274 : vector<16xi32>
      %broadcast_in_dim3A_2276 = vector.shape_cast %xor3A_2275 : vector<16xi32> to vector<16x1xi32>
      %gather3A_2277 = vector.shape_cast %broadcast_in_dim3A_2276 : vector<16x1xi32> to vector<16xi32>
      %gather3A_2278 = tpu.dynamic_gather %convert_element_type3A_2272[%gather3A_2277] in [0] : vector<16xf32>, vector<16xi32> -> vector<16xf32>
      %add3A_2279 = arith.addf %convert_element_type3A_2272, %gather3A_2278 : vector<16xf32>
      %xor3A_2280 = arith.constant 4 : i32
      %xor3A_2281 = vector.broadcast %xor3A_2280 : i32 to vector<16xi32>
      %xor3A_2282 = arith.xori %iota3A_1625, %xor3A_2281 : vector<16xi32>
      %broadcast_in_dim3A_2283 = vector.shape_cast %xor3A_2282 : vector<16xi32> to vector<16x1xi32>
      %gather3A_2284 = vector.shape_cast %broadcast_in_dim3A_2283 : vector<16x1xi32> to vector<16xi32>
      %gather3A_2285 = tpu.dynamic_gather %add3A_2279[%gather3A_2284] in [0] : vector<16xf32>, vector<16xi32> -> vector<16xf32>
      %add3A_2286 = arith.addf %add3A_2279, %gather3A_2285 : vector<16xf32>
      %xor3A_2287 = arith.constant 2 : i32
      %xor3A_2288 = vector.broadcast %xor3A_2287 : i32 to vector<16xi32>
      %xor3A_2289 = arith.xori %iota3A_1625, %xor3A_2288 : vector<16xi32>
      %broadcast_in_dim3A_2290 = vector.shape_cast %xor3A_2289 : vector<16xi32> to vector<16x1xi32>
      %gather3A_2291 = vector.shape_cast %broadcast_in_dim3A_2290 : vector<16x1xi32> to vector<16xi32>
      %gather3A_2292 = tpu.dynamic_gather %add3A_2286[%gather3A_2291] in [0] : vector<16xf32>, vector<16xi32> -> vector<16xf32>
      %add3A_2293 = arith.addf %add3A_2286, %gather3A_2292 : vector<16xf32>
      %xor3A_2294 = arith.constant 1 : i32
      %xor3A_2295 = vector.broadcast %xor3A_2294 : i32 to vector<16xi32>
      %xor3A_2296 = arith.xori %iota3A_1625, %xor3A_2295 : vector<16xi32>
      %broadcast_in_dim3A_2297 = vector.shape_cast %xor3A_2296 : vector<16xi32> to vector<16x1xi32>
      %gather3A_2298 = vector.shape_cast %broadcast_in_dim3A_2297 : vector<16x1xi32> to vector<16xi32>
      %gather3A_2299 = tpu.dynamic_gather %add3A_2293[%gather3A_2298] in [0] : vector<16xf32>, vector<16xi32> -> vector<16xf32>
      %add3A_2300 = arith.addf %add3A_2293, %gather3A_2299 : vector<16xf32>
      %max3A_2301 = arith.constant 9.99999971E-10 : f32
      %max3A_2302 = vector.broadcast %max3A_2301 : f32 to vector<16xf32>
      %max3A_2303 = arith.maximumf %add3A_2300, %max3A_2302 : vector<16xf32>
      %div3A_2304 = arith.constant 1.000000e+00 : f32
      %div3A_2305 = vector.broadcast %div3A_2304 : f32 to vector<16xf32>
      %div3A_2306 = arith.divf %div3A_2305, %max3A_2303 : vector<16xf32>
      %mul3A_2307 = arith.mulf %parallel_loop3A_2201#0, %div3A_2306 : vector<16xf32>
      %swap3A_2308 = arith.constant 1 : i32
      %swap3A_2309 = arith.constant 4 : i32
      %swap3A_2310 = arith.index_cast %swap3A_2308 : i32 to index
      %swap3A_2311 = arith.index_cast %swap3A_2309 : i32 to index
      %swap3A_2312 = arith.constant 0 : index
      %swap3A_2313 = tpu.vector_load %arg7[%swap3A_2310, %swap3A_2311, %swap3A_2312] {strides = array<i32>} : memref<2x8x64xf32, #tpu.memory_space<vmem>>, vector<1x1x16xf32>,
      %swap3A_2314 = vector.shape_cast %swap3A_2313 : vector<1x1x16xf32> to vector<16xf32>
      %swap3A_2315 = vector.shape_cast %mul3A_2307 : vector<16xf32> to vector<1x1x16xf32>
      tpu.vector_store %arg7[%swap3A_2310, %swap3A_2311, %swap3A_2312], %swap3A_2315 {strides = array<i32>} : memref<2x8x64xf32, #tpu.memory_space<vmem>>, vector<1x1x16xf32>,
      %mul3A_2316 = arith.mulf %parallel_loop3A_2201#1, %div3A_2306 : vector<16xf32>
      %swap3A_2317 = arith.constant 1 : i32
      %swap3A_2318 = arith.constant 4 : i32
      %swap3A_2319 = arith.index_cast %swap3A_2317 : i32 to index
      %swap3A_2320 = arith.index_cast %swap3A_2318 : i32 to index
      %swap3A_2321 = arith.constant 16 : index
      %swap3A_2322 = tpu.vector_load %arg7[%swap3A_2319, %swap3A_2320, %swap3A_2321] {strides = array<i32>} : memref<2x8x64xf32, #tpu.memory_space<vmem>>, vector<1x1x16xf32>,
      %swap3A_2323 = vector.shape_cast %swap3A_2322 : vector<1x1x16xf32> to vector<16xf32>
      %swap3A_2324 = vector.shape_cast %mul3A_2316 : vector<16xf32> to vector<1x1x16xf32>
      tpu.vector_store %arg7[%swap3A_2319, %swap3A_2320, %swap3A_2321], %swap3A_2324 {strides = array<i32>} : memref<2x8x64xf32, #tpu.memory_space<vmem>>, vector<1x1x16xf32>,
      %mul3A_2325 = arith.mulf %parallel_loop3A_2201#2, %div3A_2306 : vector<16xf32>
      %swap3A_2326 = arith.constant 1 : i32
      %swap3A_2327 = arith.constant 4 : i32
      %swap3A_2328 = arith.index_cast %swap3A_2326 : i32 to index
      %swap3A_2329 = arith.index_cast %swap3A_2327 : i32 to index
      %swap3A_2330 = arith.constant 32 : index
      %swap3A_2331 = tpu.vector_load %arg7[%swap3A_2328, %swap3A_2329, %swap3A_2330] {strides = array<i32>} : memref<2x8x64xf32, #tpu.memory_space<vmem>>, vector<1x1x16xf32>,
      %swap3A_2332 = vector.shape_cast %swap3A_2331 : vector<1x1x16xf32> to vector<16xf32>
      %swap3A_2333 = vector.shape_cast %mul3A_2325 : vector<16xf32> to vector<1x1x16xf32>
      tpu.vector_store %arg7[%swap3A_2328, %swap3A_2329, %swap3A_2330], %swap3A_2333 {strides = array<i32>} : memref<2x8x64xf32, #tpu.memory_space<vmem>>, vector<1x1x16xf32>,
      %mul3A_2334 = arith.mulf %parallel_loop3A_2201#3, %div3A_2306 : vector<16xf32>
      %swap3A_2335 = arith.constant 1 : i32
      %swap3A_2336 = arith.constant 4 : i32
      %swap3A_2337 = arith.index_cast %swap3A_2335 : i32 to index
      %swap3A_2338 = arith.index_cast %swap3A_2336 : i32 to index
      %swap3A_2339 = arith.constant 48 : index
      %swap3A_2340 = tpu.vector_load %arg7[%swap3A_2337, %swap3A_2338, %swap3A_2339] {strides = array<i32>} : memref<2x8x64xf32, #tpu.memory_space<vmem>>, vector<1x1x16xf32>,
      %swap3A_2341 = vector.shape_cast %swap3A_2340 : vector<1x1x16xf32> to vector<16xf32>
      %swap3A_2342 = vector.shape_cast %mul3A_2334 : vector<16xf32> to vector<1x1x16xf32>
      tpu.vector_store %arg7[%swap3A_2337, %swap3A_2338, %swap3A_2339], %swap3A_2342 {strides = array<i32>} : memref<2x8x64xf32, #tpu.memory_space<vmem>>, vector<1x1x16xf32>,
      %broadcast_in_dim3A_2343 = arith.constant 0 : i32
      %broadcast_in_dim3A_2344 = vector.broadcast %broadcast_in_dim3A_2343 : i32 to vector<16xi32>
      %get3A_2345 = arith.constant 1 : i32
      %get3A_2346 = arith.constant 5 : i32
      %get3A_2347 = arith.index_cast %get3A_2345 : i32 to index
      %get3A_2348 = arith.index_cast %get3A_2346 : i32 to index
      %get3A_2349 = arith.constant 0 : index
      %get3A_2350 = tpu.vector_load %arg5[%get3A_2347, %get3A_2348, %get3A_2349] {strides = array<i32>} : memref<2x8x50xi32, #tpu.memory_space<vmem>>, vector<1x1x16xi32>,
      %get3A_2351 = vector.shape_cast %get3A_2350 : vector<1x1x16xi32> to vector<16xi32>
      %ne3A_2352 = arith.constant 0 : i32
      %ne3A_2353 = vector.broadcast %ne3A_2352 : i32 to vector<16xi32>
      %ne3A_2354 = arith.cmpi ne, %get3A_2351, %ne3A_2353 : vector<16xi32>
      %jit3A_2355 = arith.constant 1 : i32
      %jit3A_2356 = arith.constant 0 : i32
      %broadcast_in_dim3A_2357 = vector.broadcast %jit3A_2355 : i32 to vector<16xi32>
      %broadcast_in_dim3A_2358 = vector.broadcast %jit3A_2356 : i32 to vector<16xi32>
      %select_n3A_2359 = arith.select %ne3A_2354, %broadcast_in_dim3A_2357, %broadcast_in_dim3A_2358 : vector<16xi1>, vector<16xi32>
      %add3A_2360 = arith.addi %broadcast_in_dim3A_2344, %select_n3A_2359 : vector<16xi32>
      %get3A_2361 = arith.constant 1 : i32
      %get3A_2362 = arith.constant 5 : i32
      %get3A_2363 = arith.index_cast %get3A_2361 : i32 to index
      %get3A_2364 = arith.index_cast %get3A_2362 : i32 to index
      %get3A_2365 = arith.constant 16 : index
      %get3A_2366 = tpu.vector_load %arg5[%get3A_2363, %get3A_2364, %get3A_2365] {strides = array<i32>} : memref<2x8x50xi32, #tpu.memory_space<vmem>>, vector<1x1x16xi32>,
      %get3A_2367 = vector.shape_cast %get3A_2366 : vector<1x1x16xi32> to vector<16xi32>
      %ne3A_2368 = arith.constant 0 : i32
      %ne3A_2369 = vector.broadcast %ne3A_2368 : i32 to vector<16xi32>
      %ne3A_2370 = arith.cmpi ne, %get3A_2367, %ne3A_2369 : vector<16xi32>
      %jit3A_2371 = arith.constant 1 : i32
      %jit3A_2372 = arith.constant 0 : i32
      %broadcast_in_dim3A_2373 = vector.broadcast %jit3A_2371 : i32 to vector<16xi32>
      %broadcast_in_dim3A_2374 = vector.broadcast %jit3A_2372 : i32 to vector<16xi32>
      %select_n3A_2375 = arith.select %ne3A_2370, %broadcast_in_dim3A_2373, %broadcast_in_dim3A_2374 : vector<16xi1>, vector<16xi32>
      %add3A_2376 = arith.addi %add3A_2360, %select_n3A_2375 : vector<16xi32>
      %get3A_2377 = arith.constant 1 : i32
      %get3A_2378 = arith.constant 5 : i32
      %get3A_2379 = arith.index_cast %get3A_2377 : i32 to index
      %get3A_2380 = arith.index_cast %get3A_2378 : i32 to index
      %get3A_2381 = arith.constant 32 : index
      %get3A_2382 = tpu.vector_load %arg5[%get3A_2379, %get3A_2380, %get3A_2381] {strides = array<i32>} : memref<2x8x50xi32, #tpu.memory_space<vmem>>, vector<1x1x16xi32>,
      %get3A_2383 = vector.shape_cast %get3A_2382 : vector<1x1x16xi32> to vector<16xi32>
      %ne3A_2384 = arith.constant 0 : i32
      %ne3A_2385 = vector.broadcast %ne3A_2384 : i32 to vector<16xi32>
      %ne3A_2386 = arith.cmpi ne, %get3A_2383, %ne3A_2385 : vector<16xi32>
      %jit3A_2387 = arith.constant 1 : i32
      %jit3A_2388 = arith.constant 0 : i32
      %broadcast_in_dim3A_2389 = vector.broadcast %jit3A_2387 : i32 to vector<16xi32>
      %broadcast_in_dim3A_2390 = vector.broadcast %jit3A_2388 : i32 to vector<16xi32>
      %select_n3A_2391 = arith.select %ne3A_2386, %broadcast_in_dim3A_2389, %broadcast_in_dim3A_2390 : vector<16xi1>, vector<16xi32>
      %add3A_2392 = arith.addi %add3A_2376, %select_n3A_2391 : vector<16xi32>
      %get3A_2393 = arith.constant 1 : i32
      %get3A_2394 = arith.constant 5 : i32
      %get3A_2395 = arith.index_cast %get3A_2393 : i32 to index
      %get3A_2396 = arith.index_cast %get3A_2394 : i32 to index
      %get3A_2397 = arith.constant 34 : index
      %get3A_2398 = tpu.vector_load %arg5[%get3A_2395, %get3A_2396, %get3A_2397] {strides = array<i32>} : memref<2x8x50xi32, #tpu.memory_space<vmem>>, vector<1x1x16xi32>,
      %get3A_2399 = vector.shape_cast %get3A_2398 : vector<1x1x16xi32> to vector<16xi32>
      %ne3A_2400 = arith.constant 0 : i32
      %ne3A_2401 = vector.broadcast %ne3A_2400 : i32 to vector<16xi32>
      %ne3A_2402 = arith.cmpi ne, %get3A_2399, %ne3A_2401 : vector<16xi32>
      %ge3A_2403 = arith.constant 14 : i32
      %ge3A_2404 = vector.broadcast %ge3A_2403 : i32 to vector<16xi32>
      %ge3A_2405 = arith.cmpi sge, %iota3A_1625, %ge3A_2404 : vector<16xi32>
      %and3A_2406 = arith.andi %ne3A_2402, %ge3A_2405 : vector<16xi1>
      %jit3A_2407 = arith.constant 1 : i32
      %jit3A_2408 = arith.constant 0 : i32
      %broadcast_in_dim3A_2409 = vector.broadcast %jit3A_2407 : i32 to vector<16xi32>
      %broadcast_in_dim3A_2410 = vector.broadcast %jit3A_2408 : i32 to vector<16xi32>
      %select_n3A_2411 = arith.select %and3A_2406, %broadcast_in_dim3A_2409, %broadcast_in_dim3A_2410 : vector<16xi1>, vector<16xi32>
      %add3A_2412 = arith.addi %add3A_2392, %select_n3A_2411 : vector<16xi32>
      %convert_element_type3A_2413 = arith.sitofp %add3A_2412 : vector<16xi32> to vector<16xf32>
      %xor3A_2414 = arith.constant 8 : i32
      %xor3A_2415 = vector.broadcast %xor3A_2414 : i32 to vector<16xi32>
      %xor3A_2416 = arith.xori %iota3A_1625, %xor3A_2415 : vector<16xi32>
      %broadcast_in_dim3A_2417 = vector.shape_cast %xor3A_2416 : vector<16xi32> to vector<16x1xi32>
      %gather3A_2418 = vector.shape_cast %broadcast_in_dim3A_2417 : vector<16x1xi32> to vector<16xi32>
      %gather3A_2419 = tpu.dynamic_gather %convert_element_type3A_2413[%gather3A_2418] in [0] : vector<16xf32>, vector<16xi32> -> vector<16xf32>
      %add3A_2420 = arith.addf %convert_element_type3A_2413, %gather3A_2419 : vector<16xf32>
      %xor3A_2421 = arith.constant 4 : i32
      %xor3A_2422 = vector.broadcast %xor3A_2421 : i32 to vector<16xi32>
      %xor3A_2423 = arith.xori %iota3A_1625, %xor3A_2422 : vector<16xi32>
      %broadcast_in_dim3A_2424 = vector.shape_cast %xor3A_2423 : vector<16xi32> to vector<16x1xi32>
      %gather3A_2425 = vector.shape_cast %broadcast_in_dim3A_2424 : vector<16x1xi32> to vector<16xi32>
      %gather3A_2426 = tpu.dynamic_gather %add3A_2420[%gather3A_2425] in [0] : vector<16xf32>, vector<16xi32> -> vector<16xf32>
      %add3A_2427 = arith.addf %add3A_2420, %gather3A_2426 : vector<16xf32>
      %xor3A_2428 = arith.constant 2 : i32
      %xor3A_2429 = vector.broadcast %xor3A_2428 : i32 to vector<16xi32>
      %xor3A_2430 = arith.xori %iota3A_1625, %xor3A_2429 : vector<16xi32>
      %broadcast_in_dim3A_2431 = vector.shape_cast %xor3A_2430 : vector<16xi32> to vector<16x1xi32>
      %gather3A_2432 = vector.shape_cast %broadcast_in_dim3A_2431 : vector<16x1xi32> to vector<16xi32>
      %gather3A_2433 = tpu.dynamic_gather %add3A_2427[%gather3A_2432] in [0] : vector<16xf32>, vector<16xi32> -> vector<16xf32>
      %add3A_2434 = arith.addf %add3A_2427, %gather3A_2433 : vector<16xf32>
      %xor3A_2435 = arith.constant 1 : i32
      %xor3A_2436 = vector.broadcast %xor3A_2435 : i32 to vector<16xi32>
      %xor3A_2437 = arith.xori %iota3A_1625, %xor3A_2436 : vector<16xi32>
      %broadcast_in_dim3A_2438 = vector.shape_cast %xor3A_2437 : vector<16xi32> to vector<16x1xi32>
      %gather3A_2439 = vector.shape_cast %broadcast_in_dim3A_2438 : vector<16x1xi32> to vector<16xi32>
      %gather3A_2440 = tpu.dynamic_gather %add3A_2434[%gather3A_2439] in [0] : vector<16xf32>, vector<16xi32> -> vector<16xf32>
      %add3A_2441 = arith.addf %add3A_2434, %gather3A_2440 : vector<16xf32>
      %max3A_2442 = arith.constant 9.99999971E-10 : f32
      %max3A_2443 = vector.broadcast %max3A_2442 : f32 to vector<16xf32>
      %max3A_2444 = arith.maximumf %add3A_2441, %max3A_2443 : vector<16xf32>
      %div3A_2445 = arith.constant 1.000000e+00 : f32
      %div3A_2446 = vector.broadcast %div3A_2445 : f32 to vector<16xf32>
      %div3A_2447 = arith.divf %div3A_2446, %max3A_2444 : vector<16xf32>
      %mul3A_2448 = arith.mulf %parallel_loop3A_2201#4, %div3A_2447 : vector<16xf32>
      %swap3A_2449 = arith.constant 1 : i32
      %swap3A_2450 = arith.constant 5 : i32
      %swap3A_2451 = arith.index_cast %swap3A_2449 : i32 to index
      %swap3A_2452 = arith.index_cast %swap3A_2450 : i32 to index
      %swap3A_2453 = arith.constant 0 : index
      %swap3A_2454 = tpu.vector_load %arg7[%swap3A_2451, %swap3A_2452, %swap3A_2453] {strides = array<i32>} : memref<2x8x64xf32, #tpu.memory_space<vmem>>, vector<1x1x16xf32>,
      %swap3A_2455 = vector.shape_cast %swap3A_2454 : vector<1x1x16xf32> to vector<16xf32>
      %swap3A_2456 = vector.shape_cast %mul3A_2448 : vector<16xf32> to vector<1x1x16xf32>
      tpu.vector_store %arg7[%swap3A_2451, %swap3A_2452, %swap3A_2453], %swap3A_2456 {strides = array<i32>} : memref<2x8x64xf32, #tpu.memory_space<vmem>>, vector<1x1x16xf32>,
      %mul3A_2457 = arith.mulf %parallel_loop3A_2201#5, %div3A_2447 : vector<16xf32>
      %swap3A_2458 = arith.constant 1 : i32
      %swap3A_2459 = arith.constant 5 : i32
      %swap3A_2460 = arith.index_cast %swap3A_2458 : i32 to index
      %swap3A_2461 = arith.index_cast %swap3A_2459 : i32 to index
      %swap3A_2462 = arith.constant 16 : index
      %swap3A_2463 = tpu.vector_load %arg7[%swap3A_2460, %swap3A_2461, %swap3A_2462] {strides = array<i32>} : memref<2x8x64xf32, #tpu.memory_space<vmem>>, vector<1x1x16xf32>,
      %swap3A_2464 = vector.shape_cast %swap3A_2463 : vector<1x1x16xf32> to vector<16xf32>
      %swap3A_2465 = vector.shape_cast %mul3A_2457 : vector<16xf32> to vector<1x1x16xf32>
      tpu.vector_store %arg7[%swap3A_2460, %swap3A_2461, %swap3A_2462], %swap3A_2465 {strides = array<i32>} : memref<2x8x64xf32, #tpu.memory_space<vmem>>, vector<1x1x16xf32>,
      %mul3A_2466 = arith.mulf %parallel_loop3A_2201#6, %div3A_2447 : vector<16xf32>
      %swap3A_2467 = arith.constant 1 : i32
      %swap3A_2468 = arith.constant 5 : i32
      %swap3A_2469 = arith.index_cast %swap3A_2467 : i32 to index
      %swap3A_2470 = arith.index_cast %swap3A_2468 : i32 to index
      %swap3A_2471 = arith.constant 32 : index
      %swap3A_2472 = tpu.vector_load %arg7[%swap3A_2469, %swap3A_2470, %swap3A_2471] {strides = array<i32>} : memref<2x8x64xf32, #tpu.memory_space<vmem>>, vector<1x1x16xf32>,
      %swap3A_2473 = vector.shape_cast %swap3A_2472 : vector<1x1x16xf32> to vector<16xf32>
      %swap3A_2474 = vector.shape_cast %mul3A_2466 : vector<16xf32> to vector<1x1x16xf32>
      tpu.vector_store %arg7[%swap3A_2469, %swap3A_2470, %swap3A_2471], %swap3A_2474 {strides = array<i32>} : memref<2x8x64xf32, #tpu.memory_space<vmem>>, vector<1x1x16xf32>,
      %mul3A_2475 = arith.mulf %parallel_loop3A_2201#7, %div3A_2447 : vector<16xf32>
      %swap3A_2476 = arith.constant 1 : i32
      %swap3A_2477 = arith.constant 5 : i32
      %swap3A_2478 = arith.index_cast %swap3A_2476 : i32 to index
      %swap3A_2479 = arith.index_cast %swap3A_2477 : i32 to index
      %swap3A_2480 = arith.constant 48 : index
      %swap3A_2481 = tpu.vector_load %arg7[%swap3A_2478, %swap3A_2479, %swap3A_2480] {strides = array<i32>} : memref<2x8x64xf32, #tpu.memory_space<vmem>>, vector<1x1x16xf32>,
      %swap3A_2482 = vector.shape_cast %swap3A_2481 : vector<1x1x16xf32> to vector<16xf32>
      %swap3A_2483 = vector.shape_cast %mul3A_2475 : vector<16xf32> to vector<1x1x16xf32>
      tpu.vector_store %arg7[%swap3A_2478, %swap3A_2479, %swap3A_2480], %swap3A_2483 {strides = array<i32>} : memref<2x8x64xf32, #tpu.memory_space<vmem>>, vector<1x1x16xf32>,
      %broadcast_in_dim3A_2484 = arith.constant 0 : i32
      %broadcast_in_dim3A_2485 = vector.broadcast %broadcast_in_dim3A_2484 : i32 to vector<16xi32>
      %get3A_2486 = arith.constant 1 : i32
      %get3A_2487 = arith.constant 6 : i32
      %get3A_2488 = arith.index_cast %get3A_2486 : i32 to index
      %get3A_2489 = arith.index_cast %get3A_2487 : i32 to index
      %get3A_2490 = arith.constant 0 : index
      %get3A_2491 = tpu.vector_load %arg5[%get3A_2488, %get3A_2489, %get3A_2490] {strides = array<i32>} : memref<2x8x50xi32, #tpu.memory_space<vmem>>, vector<1x1x16xi32>,
      %get3A_2492 = vector.shape_cast %get3A_2491 : vector<1x1x16xi32> to vector<16xi32>
      %ne3A_2493 = arith.constant 0 : i32
      %ne3A_2494 = vector.broadcast %ne3A_2493 : i32 to vector<16xi32>
      %ne3A_2495 = arith.cmpi ne, %get3A_2492, %ne3A_2494 : vector<16xi32>
      %jit3A_2496 = arith.constant 1 : i32
      %jit3A_2497 = arith.constant 0 : i32
      %broadcast_in_dim3A_2498 = vector.broadcast %jit3A_2496 : i32 to vector<16xi32>
      %broadcast_in_dim3A_2499 = vector.broadcast %jit3A_2497 : i32 to vector<16xi32>
      %select_n3A_2500 = arith.select %ne3A_2495, %broadcast_in_dim3A_2498, %broadcast_in_dim3A_2499 : vector<16xi1>, vector<16xi32>
      %add3A_2501 = arith.addi %broadcast_in_dim3A_2485, %select_n3A_2500 : vector<16xi32>
      %get3A_2502 = arith.constant 1 : i32
      %get3A_2503 = arith.constant 6 : i32
      %get3A_2504 = arith.index_cast %get3A_2502 : i32 to index
      %get3A_2505 = arith.index_cast %get3A_2503 : i32 to index
      %get3A_2506 = arith.constant 16 : index
      %get3A_2507 = tpu.vector_load %arg5[%get3A_2504, %get3A_2505, %get3A_2506] {strides = array<i32>} : memref<2x8x50xi32, #tpu.memory_space<vmem>>, vector<1x1x16xi32>,
      %get3A_2508 = vector.shape_cast %get3A_2507 : vector<1x1x16xi32> to vector<16xi32>
      %ne3A_2509 = arith.constant 0 : i32
      %ne3A_2510 = vector.broadcast %ne3A_2509 : i32 to vector<16xi32>
      %ne3A_2511 = arith.cmpi ne, %get3A_2508, %ne3A_2510 : vector<16xi32>
      %jit3A_2512 = arith.constant 1 : i32
      %jit3A_2513 = arith.constant 0 : i32
      %broadcast_in_dim3A_2514 = vector.broadcast %jit3A_2512 : i32 to vector<16xi32>
      %broadcast_in_dim3A_2515 = vector.broadcast %jit3A_2513 : i32 to vector<16xi32>
      %select_n3A_2516 = arith.select %ne3A_2511, %broadcast_in_dim3A_2514, %broadcast_in_dim3A_2515 : vector<16xi1>, vector<16xi32>
      %add3A_2517 = arith.addi %add3A_2501, %select_n3A_2516 : vector<16xi32>
      %get3A_2518 = arith.constant 1 : i32
      %get3A_2519 = arith.constant 6 : i32
      %get3A_2520 = arith.index_cast %get3A_2518 : i32 to index
      %get3A_2521 = arith.index_cast %get3A_2519 : i32 to index
      %get3A_2522 = arith.constant 32 : index
      %get3A_2523 = tpu.vector_load %arg5[%get3A_2520, %get3A_2521, %get3A_2522] {strides = array<i32>} : memref<2x8x50xi32, #tpu.memory_space<vmem>>, vector<1x1x16xi32>,
      %get3A_2524 = vector.shape_cast %get3A_2523 : vector<1x1x16xi32> to vector<16xi32>
      %ne3A_2525 = arith.constant 0 : i32
      %ne3A_2526 = vector.broadcast %ne3A_2525 : i32 to vector<16xi32>
      %ne3A_2527 = arith.cmpi ne, %get3A_2524, %ne3A_2526 : vector<16xi32>
      %jit3A_2528 = arith.constant 1 : i32
      %jit3A_2529 = arith.constant 0 : i32
      %broadcast_in_dim3A_2530 = vector.broadcast %jit3A_2528 : i32 to vector<16xi32>
      %broadcast_in_dim3A_2531 = vector.broadcast %jit3A_2529 : i32 to vector<16xi32>
      %select_n3A_2532 = arith.select %ne3A_2527, %broadcast_in_dim3A_2530, %broadcast_in_dim3A_2531 : vector<16xi1>, vector<16xi32>
      %add3A_2533 = arith.addi %add3A_2517, %select_n3A_2532 : vector<16xi32>
      %get3A_2534 = arith.constant 1 : i32
      %get3A_2535 = arith.constant 6 : i32
      %get3A_2536 = arith.index_cast %get3A_2534 : i32 to index
      %get3A_2537 = arith.index_cast %get3A_2535 : i32 to index
      %get3A_2538 = arith.constant 34 : index
      %get3A_2539 = tpu.vector_load %arg5[%get3A_2536, %get3A_2537, %get3A_2538] {strides = array<i32>} : memref<2x8x50xi32, #tpu.memory_space<vmem>>, vector<1x1x16xi32>,
      %get3A_2540 = vector.shape_cast %get3A_2539 : vector<1x1x16xi32> to vector<16xi32>
      %ne3A_2541 = arith.constant 0 : i32
      %ne3A_2542 = vector.broadcast %ne3A_2541 : i32 to vector<16xi32>
      %ne3A_2543 = arith.cmpi ne, %get3A_2540, %ne3A_2542 : vector<16xi32>
      %ge3A_2544 = arith.constant 14 : i32
      %ge3A_2545 = vector.broadcast %ge3A_2544 : i32 to vector<16xi32>
      %ge3A_2546 = arith.cmpi sge, %iota3A_1625, %ge3A_2545 : vector<16xi32>
      %and3A_2547 = arith.andi %ne3A_2543, %ge3A_2546 : vector<16xi1>
      %jit3A_2548 = arith.constant 1 : i32
      %jit3A_2549 = arith.constant 0 : i32
      %broadcast_in_dim3A_2550 = vector.broadcast %jit3A_2548 : i32 to vector<16xi32>
      %broadcast_in_dim3A_2551 = vector.broadcast %jit3A_2549 : i32 to vector<16xi32>
      %select_n3A_2552 = arith.select %and3A_2547, %broadcast_in_dim3A_2550, %broadcast_in_dim3A_2551 : vector<16xi1>, vector<16xi32>
      %add3A_2553 = arith.addi %add3A_2533, %select_n3A_2552 : vector<16xi32>
      %convert_element_type3A_2554 = arith.sitofp %add3A_2553 : vector<16xi32> to vector<16xf32>
      %xor3A_2555 = arith.constant 8 : i32
      %xor3A_2556 = vector.broadcast %xor3A_2555 : i32 to vector<16xi32>
      %xor3A_2557 = arith.xori %iota3A_1625, %xor3A_2556 : vector<16xi32>
      %broadcast_in_dim3A_2558 = vector.shape_cast %xor3A_2557 : vector<16xi32> to vector<16x1xi32>
      %gather3A_2559 = vector.shape_cast %broadcast_in_dim3A_2558 : vector<16x1xi32> to vector<16xi32>
      %gather3A_2560 = tpu.dynamic_gather %convert_element_type3A_2554[%gather3A_2559] in [0] : vector<16xf32>, vector<16xi32> -> vector<16xf32>
      %add3A_2561 = arith.addf %convert_element_type3A_2554, %gather3A_2560 : vector<16xf32>
      %xor3A_2562 = arith.constant 4 : i32
      %xor3A_2563 = vector.broadcast %xor3A_2562 : i32 to vector<16xi32>
      %xor3A_2564 = arith.xori %iota3A_1625, %xor3A_2563 : vector<16xi32>
      %broadcast_in_dim3A_2565 = vector.shape_cast %xor3A_2564 : vector<16xi32> to vector<16x1xi32>
      %gather3A_2566 = vector.shape_cast %broadcast_in_dim3A_2565 : vector<16x1xi32> to vector<16xi32>
      %gather3A_2567 = tpu.dynamic_gather %add3A_2561[%gather3A_2566] in [0] : vector<16xf32>, vector<16xi32> -> vector<16xf32>
      %add3A_2568 = arith.addf %add3A_2561, %gather3A_2567 : vector<16xf32>
      %xor3A_2569 = arith.constant 2 : i32
      %xor3A_2570 = vector.broadcast %xor3A_2569 : i32 to vector<16xi32>
      %xor3A_2571 = arith.xori %iota3A_1625, %xor3A_2570 : vector<16xi32>
      %broadcast_in_dim3A_2572 = vector.shape_cast %xor3A_2571 : vector<16xi32> to vector<16x1xi32>
      %gather3A_2573 = vector.shape_cast %broadcast_in_dim3A_2572 : vector<16x1xi32> to vector<16xi32>
      %gather3A_2574 = tpu.dynamic_gather %add3A_2568[%gather3A_2573] in [0] : vector<16xf32>, vector<16xi32> -> vector<16xf32>
      %add3A_2575 = arith.addf %add3A_2568, %gather3A_2574 : vector<16xf32>
      %xor3A_2576 = arith.constant 1 : i32
      %xor3A_2577 = vector.broadcast %xor3A_2576 : i32 to vector<16xi32>
      %xor3A_2578 = arith.xori %iota3A_1625, %xor3A_2577 : vector<16xi32>
      %broadcast_in_dim3A_2579 = vector.shape_cast %xor3A_2578 : vector<16xi32> to vector<16x1xi32>
      %gather3A_2580 = vector.shape_cast %broadcast_in_dim3A_2579 : vector<16x1xi32> to vector<16xi32>
      %gather3A_2581 = tpu.dynamic_gather %add3A_2575[%gather3A_2580] in [0] : vector<16xf32>, vector<16xi32> -> vector<16xf32>
      %add3A_2582 = arith.addf %add3A_2575, %gather3A_2581 : vector<16xf32>
      %max3A_2583 = arith.constant 9.99999971E-10 : f32
      %max3A_2584 = vector.broadcast %max3A_2583 : f32 to vector<16xf32>
      %max3A_2585 = arith.maximumf %add3A_2582, %max3A_2584 : vector<16xf32>
      %div3A_2586 = arith.constant 1.000000e+00 : f32
      %div3A_2587 = vector.broadcast %div3A_2586 : f32 to vector<16xf32>
      %div3A_2588 = arith.divf %div3A_2587, %max3A_2585 : vector<16xf32>
      %mul3A_2589 = arith.mulf %parallel_loop3A_2201#8, %div3A_2588 : vector<16xf32>
      %swap3A_2590 = arith.constant 1 : i32
      %swap3A_2591 = arith.constant 6 : i32
      %swap3A_2592 = arith.index_cast %swap3A_2590 : i32 to index
      %swap3A_2593 = arith.index_cast %swap3A_2591 : i32 to index
      %swap3A_2594 = arith.constant 0 : index
      %swap3A_2595 = tpu.vector_load %arg7[%swap3A_2592, %swap3A_2593, %swap3A_2594] {strides = array<i32>} : memref<2x8x64xf32, #tpu.memory_space<vmem>>, vector<1x1x16xf32>,
      %swap3A_2596 = vector.shape_cast %swap3A_2595 : vector<1x1x16xf32> to vector<16xf32>
      %swap3A_2597 = vector.shape_cast %mul3A_2589 : vector<16xf32> to vector<1x1x16xf32>
      tpu.vector_store %arg7[%swap3A_2592, %swap3A_2593, %swap3A_2594], %swap3A_2597 {strides = array<i32>} : memref<2x8x64xf32, #tpu.memory_space<vmem>>, vector<1x1x16xf32>,
      %mul3A_2598 = arith.mulf %parallel_loop3A_2201#9, %div3A_2588 : vector<16xf32>
      %swap3A_2599 = arith.constant 1 : i32
      %swap3A_2600 = arith.constant 6 : i32
      %swap3A_2601 = arith.index_cast %swap3A_2599 : i32 to index
      %swap3A_2602 = arith.index_cast %swap3A_2600 : i32 to index
      %swap3A_2603 = arith.constant 16 : index
      %swap3A_2604 = tpu.vector_load %arg7[%swap3A_2601, %swap3A_2602, %swap3A_2603] {strides = array<i32>} : memref<2x8x64xf32, #tpu.memory_space<vmem>>, vector<1x1x16xf32>,
      %swap3A_2605 = vector.shape_cast %swap3A_2604 : vector<1x1x16xf32> to vector<16xf32>
      %swap3A_2606 = vector.shape_cast %mul3A_2598 : vector<16xf32> to vector<1x1x16xf32>
      tpu.vector_store %arg7[%swap3A_2601, %swap3A_2602, %swap3A_2603], %swap3A_2606 {strides = array<i32>} : memref<2x8x64xf32, #tpu.memory_space<vmem>>, vector<1x1x16xf32>,
      %mul3A_2607 = arith.mulf %parallel_loop3A_2201#10, %div3A_2588 : vector<16xf32>
      %swap3A_2608 = arith.constant 1 : i32
      %swap3A_2609 = arith.constant 6 : i32
      %swap3A_2610 = arith.index_cast %swap3A_2608 : i32 to index
      %swap3A_2611 = arith.index_cast %swap3A_2609 : i32 to index
      %swap3A_2612 = arith.constant 32 : index
      %swap3A_2613 = tpu.vector_load %arg7[%swap3A_2610, %swap3A_2611, %swap3A_2612] {strides = array<i32>} : memref<2x8x64xf32, #tpu.memory_space<vmem>>, vector<1x1x16xf32>,
      %swap3A_2614 = vector.shape_cast %swap3A_2613 : vector<1x1x16xf32> to vector<16xf32>
      %swap3A_2615 = vector.shape_cast %mul3A_2607 : vector<16xf32> to vector<1x1x16xf32>
      tpu.vector_store %arg7[%swap3A_2610, %swap3A_2611, %swap3A_2612], %swap3A_2615 {strides = array<i32>} : memref<2x8x64xf32, #tpu.memory_space<vmem>>, vector<1x1x16xf32>,
      %mul3A_2616 = arith.mulf %parallel_loop3A_2201#11, %div3A_2588 : vector<16xf32>
      %swap3A_2617 = arith.constant 1 : i32
      %swap3A_2618 = arith.constant 6 : i32
      %swap3A_2619 = arith.index_cast %swap3A_2617 : i32 to index
      %swap3A_2620 = arith.index_cast %swap3A_2618 : i32 to index
      %swap3A_2621 = arith.constant 48 : index
      %swap3A_2622 = tpu.vector_load %arg7[%swap3A_2619, %swap3A_2620, %swap3A_2621] {strides = array<i32>} : memref<2x8x64xf32, #tpu.memory_space<vmem>>, vector<1x1x16xf32>,
      %swap3A_2623 = vector.shape_cast %swap3A_2622 : vector<1x1x16xf32> to vector<16xf32>
      %swap3A_2624 = vector.shape_cast %mul3A_2616 : vector<16xf32> to vector<1x1x16xf32>
      tpu.vector_store %arg7[%swap3A_2619, %swap3A_2620, %swap3A_2621], %swap3A_2624 {strides = array<i32>} : memref<2x8x64xf32, #tpu.memory_space<vmem>>, vector<1x1x16xf32>,
      %broadcast_in_dim3A_2625 = arith.constant 0 : i32
      %broadcast_in_dim3A_2626 = vector.broadcast %broadcast_in_dim3A_2625 : i32 to vector<16xi32>
      %get3A_2627 = arith.constant 1 : i32
      %get3A_2628 = arith.constant 7 : i32
      %get3A_2629 = arith.index_cast %get3A_2627 : i32 to index
      %get3A_2630 = arith.index_cast %get3A_2628 : i32 to index
      %get3A_2631 = arith.constant 0 : index
      %get3A_2632 = tpu.vector_load %arg5[%get3A_2629, %get3A_2630, %get3A_2631] {strides = array<i32>} : memref<2x8x50xi32, #tpu.memory_space<vmem>>, vector<1x1x16xi32>,
      %get3A_2633 = vector.shape_cast %get3A_2632 : vector<1x1x16xi32> to vector<16xi32>
      %ne3A_2634 = arith.constant 0 : i32
      %ne3A_2635 = vector.broadcast %ne3A_2634 : i32 to vector<16xi32>
      %ne3A_2636 = arith.cmpi ne, %get3A_2633, %ne3A_2635 : vector<16xi32>
      %jit3A_2637 = arith.constant 1 : i32
      %jit3A_2638 = arith.constant 0 : i32
      %broadcast_in_dim3A_2639 = vector.broadcast %jit3A_2637 : i32 to vector<16xi32>
      %broadcast_in_dim3A_2640 = vector.broadcast %jit3A_2638 : i32 to vector<16xi32>
      %select_n3A_2641 = arith.select %ne3A_2636, %broadcast_in_dim3A_2639, %broadcast_in_dim3A_2640 : vector<16xi1>, vector<16xi32>
      %add3A_2642 = arith.addi %broadcast_in_dim3A_2626, %select_n3A_2641 : vector<16xi32>
      %get3A_2643 = arith.constant 1 : i32
      %get3A_2644 = arith.constant 7 : i32
      %get3A_2645 = arith.index_cast %get3A_2643 : i32 to index
      %get3A_2646 = arith.index_cast %get3A_2644 : i32 to index
      %get3A_2647 = arith.constant 16 : index
      %get3A_2648 = tpu.vector_load %arg5[%get3A_2645, %get3A_2646, %get3A_2647] {strides = array<i32>} : memref<2x8x50xi32, #tpu.memory_space<vmem>>, vector<1x1x16xi32>,
      %get3A_2649 = vector.shape_cast %get3A_2648 : vector<1x1x16xi32> to vector<16xi32>
      %ne3A_2650 = arith.constant 0 : i32
      %ne3A_2651 = vector.broadcast %ne3A_2650 : i32 to vector<16xi32>
      %ne3A_2652 = arith.cmpi ne, %get3A_2649, %ne3A_2651 : vector<16xi32>
      %jit3A_2653 = arith.constant 1 : i32
      %jit3A_2654 = arith.constant 0 : i32
      %broadcast_in_dim3A_2655 = vector.broadcast %jit3A_2653 : i32 to vector<16xi32>
      %broadcast_in_dim3A_2656 = vector.broadcast %jit3A_2654 : i32 to vector<16xi32>
      %select_n3A_2657 = arith.select %ne3A_2652, %broadcast_in_dim3A_2655, %broadcast_in_dim3A_2656 : vector<16xi1>, vector<16xi32>
      %add3A_2658 = arith.addi %add3A_2642, %select_n3A_2657 : vector<16xi32>
      %get3A_2659 = arith.constant 1 : i32
      %get3A_2660 = arith.constant 7 : i32
      %get3A_2661 = arith.index_cast %get3A_2659 : i32 to index
      %get3A_2662 = arith.index_cast %get3A_2660 : i32 to index
      %get3A_2663 = arith.constant 32 : index
      %get3A_2664 = tpu.vector_load %arg5[%get3A_2661, %get3A_2662, %get3A_2663] {strides = array<i32>} : memref<2x8x50xi32, #tpu.memory_space<vmem>>, vector<1x1x16xi32>,
      %get3A_2665 = vector.shape_cast %get3A_2664 : vector<1x1x16xi32> to vector<16xi32>
      %ne3A_2666 = arith.constant 0 : i32
      %ne3A_2667 = vector.broadcast %ne3A_2666 : i32 to vector<16xi32>
      %ne3A_2668 = arith.cmpi ne, %get3A_2665, %ne3A_2667 : vector<16xi32>
      %jit3A_2669 = arith.constant 1 : i32
      %jit3A_2670 = arith.constant 0 : i32
      %broadcast_in_dim3A_2671 = vector.broadcast %jit3A_2669 : i32 to vector<16xi32>
      %broadcast_in_dim3A_2672 = vector.broadcast %jit3A_2670 : i32 to vector<16xi32>
      %select_n3A_2673 = arith.select %ne3A_2668, %broadcast_in_dim3A_2671, %broadcast_in_dim3A_2672 : vector<16xi1>, vector<16xi32>
      %add3A_2674 = arith.addi %add3A_2658, %select_n3A_2673 : vector<16xi32>
      %get3A_2675 = arith.constant 1 : i32
      %get3A_2676 = arith.constant 7 : i32
      %get3A_2677 = arith.index_cast %get3A_2675 : i32 to index
      %get3A_2678 = arith.index_cast %get3A_2676 : i32 to index
      %get3A_2679 = arith.constant 34 : index
      %get3A_2680 = tpu.vector_load %arg5[%get3A_2677, %get3A_2678, %get3A_2679] {strides = array<i32>} : memref<2x8x50xi32, #tpu.memory_space<vmem>>, vector<1x1x16xi32>,
      %get3A_2681 = vector.shape_cast %get3A_2680 : vector<1x1x16xi32> to vector<16xi32>
      %ne3A_2682 = arith.constant 0 : i32
      %ne3A_2683 = vector.broadcast %ne3A_2682 : i32 to vector<16xi32>
      %ne3A_2684 = arith.cmpi ne, %get3A_2681, %ne3A_2683 : vector<16xi32>
      %ge3A_2685 = arith.constant 14 : i32
      %ge3A_2686 = vector.broadcast %ge3A_2685 : i32 to vector<16xi32>
      %ge3A_2687 = arith.cmpi sge, %iota3A_1625, %ge3A_2686 : vector<16xi32>
      %and3A_2688 = arith.andi %ne3A_2684, %ge3A_2687 : vector<16xi1>
      %jit3A_2689 = arith.constant 1 : i32
      %jit3A_2690 = arith.constant 0 : i32
      %broadcast_in_dim3A_2691 = vector.broadcast %jit3A_2689 : i32 to vector<16xi32>
      %broadcast_in_dim3A_2692 = vector.broadcast %jit3A_2690 : i32 to vector<16xi32>
      %select_n3A_2693 = arith.select %and3A_2688, %broadcast_in_dim3A_2691, %broadcast_in_dim3A_2692 : vector<16xi1>, vector<16xi32>
      %add3A_2694 = arith.addi %add3A_2674, %select_n3A_2693 : vector<16xi32>
      %convert_element_type3A_2695 = arith.sitofp %add3A_2694 : vector<16xi32> to vector<16xf32>
      %xor3A_2696 = arith.constant 8 : i32
      %xor3A_2697 = vector.broadcast %xor3A_2696 : i32 to vector<16xi32>
      %xor3A_2698 = arith.xori %iota3A_1625, %xor3A_2697 : vector<16xi32>
      %broadcast_in_dim3A_2699 = vector.shape_cast %xor3A_2698 : vector<16xi32> to vector<16x1xi32>
      %gather3A_2700 = vector.shape_cast %broadcast_in_dim3A_2699 : vector<16x1xi32> to vector<16xi32>
      %gather3A_2701 = tpu.dynamic_gather %convert_element_type3A_2695[%gather3A_2700] in [0] : vector<16xf32>, vector<16xi32> -> vector<16xf32>
      %add3A_2702 = arith.addf %convert_element_type3A_2695, %gather3A_2701 : vector<16xf32>
      %xor3A_2703 = arith.constant 4 : i32
      %xor3A_2704 = vector.broadcast %xor3A_2703 : i32 to vector<16xi32>
      %xor3A_2705 = arith.xori %iota3A_1625, %xor3A_2704 : vector<16xi32>
      %broadcast_in_dim3A_2706 = vector.shape_cast %xor3A_2705 : vector<16xi32> to vector<16x1xi32>
      %gather3A_2707 = vector.shape_cast %broadcast_in_dim3A_2706 : vector<16x1xi32> to vector<16xi32>
      %gather3A_2708 = tpu.dynamic_gather %add3A_2702[%gather3A_2707] in [0] : vector<16xf32>, vector<16xi32> -> vector<16xf32>
      %add3A_2709 = arith.addf %add3A_2702, %gather3A_2708 : vector<16xf32>
      %xor3A_2710 = arith.constant 2 : i32
      %xor3A_2711 = vector.broadcast %xor3A_2710 : i32 to vector<16xi32>
      %xor3A_2712 = arith.xori %iota3A_1625, %xor3A_2711 : vector<16xi32>
      %broadcast_in_dim3A_2713 = vector.shape_cast %xor3A_2712 : vector<16xi32> to vector<16x1xi32>
      %gather3A_2714 = vector.shape_cast %broadcast_in_dim3A_2713 : vector<16x1xi32> to vector<16xi32>
      %gather3A_2715 = tpu.dynamic_gather %add3A_2709[%gather3A_2714] in [0] : vector<16xf32>, vector<16xi32> -> vector<16xf32>
      %add3A_2716 = arith.addf %add3A_2709, %gather3A_2715 : vector<16xf32>
      %xor3A_2717 = arith.constant 1 : i32
      %xor3A_2718 = vector.broadcast %xor3A_2717 : i32 to vector<16xi32>
      %xor3A_2719 = arith.xori %iota3A_1625, %xor3A_2718 : vector<16xi32>
      %broadcast_in_dim3A_2720 = vector.shape_cast %xor3A_2719 : vector<16xi32> to vector<16x1xi32>
      %gather3A_2721 = vector.shape_cast %broadcast_in_dim3A_2720 : vector<16x1xi32> to vector<16xi32>
      %gather3A_2722 = tpu.dynamic_gather %add3A_2716[%gather3A_2721] in [0] : vector<16xf32>, vector<16xi32> -> vector<16xf32>
      %add3A_2723 = arith.addf %add3A_2716, %gather3A_2722 : vector<16xf32>
      %max3A_2724 = arith.constant 9.99999971E-10 : f32
      %max3A_2725 = vector.broadcast %max3A_2724 : f32 to vector<16xf32>
      %max3A_2726 = arith.maximumf %add3A_2723, %max3A_2725 : vector<16xf32>
      %div3A_2727 = arith.constant 1.000000e+00 : f32
      %div3A_2728 = vector.broadcast %div3A_2727 : f32 to vector<16xf32>
      %div3A_2729 = arith.divf %div3A_2728, %max3A_2726 : vector<16xf32>
      %mul3A_2730 = arith.mulf %parallel_loop3A_2201#12, %div3A_2729 : vector<16xf32>
      %swap3A_2731 = arith.constant 1 : i32
      %swap3A_2732 = arith.constant 7 : i32
      %swap3A_2733 = arith.index_cast %swap3A_2731 : i32 to index
      %swap3A_2734 = arith.index_cast %swap3A_2732 : i32 to index
      %swap3A_2735 = arith.constant 0 : index
      %swap3A_2736 = tpu.vector_load %arg7[%swap3A_2733, %swap3A_2734, %swap3A_2735] {strides = array<i32>} : memref<2x8x64xf32, #tpu.memory_space<vmem>>, vector<1x1x16xf32>,
      %swap3A_2737 = vector.shape_cast %swap3A_2736 : vector<1x1x16xf32> to vector<16xf32>
      %swap3A_2738 = vector.shape_cast %mul3A_2730 : vector<16xf32> to vector<1x1x16xf32>
      tpu.vector_store %arg7[%swap3A_2733, %swap3A_2734, %swap3A_2735], %swap3A_2738 {strides = array<i32>} : memref<2x8x64xf32, #tpu.memory_space<vmem>>, vector<1x1x16xf32>,
      %mul3A_2739 = arith.mulf %parallel_loop3A_2201#13, %div3A_2729 : vector<16xf32>
      %swap3A_2740 = arith.constant 1 : i32
      %swap3A_2741 = arith.constant 7 : i32
      %swap3A_2742 = arith.index_cast %swap3A_2740 : i32 to index
      %swap3A_2743 = arith.index_cast %swap3A_2741 : i32 to index
      %swap3A_2744 = arith.constant 16 : index
      %swap3A_2745 = tpu.vector_load %arg7[%swap3A_2742, %swap3A_2743, %swap3A_2744] {strides = array<i32>} : memref<2x8x64xf32, #tpu.memory_space<vmem>>, vector<1x1x16xf32>,
      %swap3A_2746 = vector.shape_cast %swap3A_2745 : vector<1x1x16xf32> to vector<16xf32>
      %swap3A_2747 = vector.shape_cast %mul3A_2739 : vector<16xf32> to vector<1x1x16xf32>
      tpu.vector_store %arg7[%swap3A_2742, %swap3A_2743, %swap3A_2744], %swap3A_2747 {strides = array<i32>} : memref<2x8x64xf32, #tpu.memory_space<vmem>>, vector<1x1x16xf32>,
      %mul3A_2748 = arith.mulf %parallel_loop3A_2201#14, %div3A_2729 : vector<16xf32>
      %swap3A_2749 = arith.constant 1 : i32
      %swap3A_2750 = arith.constant 7 : i32
      %swap3A_2751 = arith.index_cast %swap3A_2749 : i32 to index
      %swap3A_2752 = arith.index_cast %swap3A_2750 : i32 to index
      %swap3A_2753 = arith.constant 32 : index
      %swap3A_2754 = tpu.vector_load %arg7[%swap3A_2751, %swap3A_2752, %swap3A_2753] {strides = array<i32>} : memref<2x8x64xf32, #tpu.memory_space<vmem>>, vector<1x1x16xf32>,
      %swap3A_2755 = vector.shape_cast %swap3A_2754 : vector<1x1x16xf32> to vector<16xf32>
      %swap3A_2756 = vector.shape_cast %mul3A_2748 : vector<16xf32> to vector<1x1x16xf32>
      tpu.vector_store %arg7[%swap3A_2751, %swap3A_2752, %swap3A_2753], %swap3A_2756 {strides = array<i32>} : memref<2x8x64xf32, #tpu.memory_space<vmem>>, vector<1x1x16xf32>,
      %mul3A_2757 = arith.mulf %parallel_loop3A_2201#15, %div3A_2729 : vector<16xf32>
      %swap3A_2758 = arith.constant 1 : i32
      %swap3A_2759 = arith.constant 7 : i32
      %swap3A_2760 = arith.index_cast %swap3A_2758 : i32 to index
      %swap3A_2761 = arith.index_cast %swap3A_2759 : i32 to index
      %swap3A_2762 = arith.constant 48 : index
      %swap3A_2763 = tpu.vector_load %arg7[%swap3A_2760, %swap3A_2761, %swap3A_2762] {strides = array<i32>} : memref<2x8x64xf32, #tpu.memory_space<vmem>>, vector<1x1x16xf32>,
      %swap3A_2764 = vector.shape_cast %swap3A_2763 : vector<1x1x16xf32> to vector<16xf32>
      %swap3A_2765 = vector.shape_cast %mul3A_2757 : vector<16xf32> to vector<1x1x16xf32>
      tpu.vector_store %arg7[%swap3A_2760, %swap3A_2761, %swap3A_2762], %swap3A_2765 {strides = array<i32>} : memref<2x8x64xf32, #tpu.memory_space<vmem>>, vector<1x1x16xf32>,
      %dma_start3A_2766 = arith.constant 1 : i32
      %dma_start3A_2767 = arith.constant 0 : i32
      %dma_start3A_2768 = arith.constant 0 : i32
      %dma_start3A_2769 = tpu.memref_slice %arg7[%dma_start3A_2766, %dma_start3A_2767, %dma_start3A_2768] : memref<2x8x64xf32, #tpu.memory_space<vmem>> -> memref<1x8x64xf32, #tpu.memory_space<vmem>>
      %dma_start3A_2770 = tpu.memref_squeeze %dma_start3A_2769 : memref<1x8x64xf32, #tpu.memory_space<vmem>> -> memref<8x64xf32, #tpu.memory_space<vmem>>
      %dma_start3A_2771 = arith.constant 0 : i32
      %dma_start3A_2772 = tpu.memref_slice %arg4[%add3A_1619, %dma_start3A_2771] : memref<16384x64xf32, #tpu.memory_space<hbm>> -> memref<8x64xf32, #tpu.memory_space<hbm>>
      %dma_start3A_2773 = arith.constant 0 : i32
      %dma_start3A_2774 = tpu.memref_slice %arg4[%add3A_1619, %dma_start3A_2773] : memref<16384x64xf32, #tpu.memory_space<hbm>> -> memref<8x64xf32, #tpu.memory_space<hbm>>
      %dma_start3A_2775 = arith.constant 0 : i32
      %dma_start3A_2776 = arith.constant 0 : i32
      %dma_start3A_2777 = tpu.memref_slice %arg7[%dma_start3A_2766, %dma_start3A_2775, %dma_start3A_2776] : memref<2x8x64xf32, #tpu.memory_space<vmem>> -> memref<1x8x64xf32, #tpu.memory_space<vmem>>
      %dma_start3A_2778 = tpu.memref_squeeze %dma_start3A_2777 : memref<1x8x64xf32, #tpu.memory_space<vmem>> -> memref<8x64xf32, #tpu.memory_space<vmem>>
      tpu.enqueue_dma source(%dma_start3A_2778 : memref<8x64xf32, #tpu.memory_space<vmem>>) target(%dma_start3A_2774 : memref<8x64xf32, #tpu.memory_space<hbm>>) target_semaphore(%arg11 : memref<!tpu.dma_semaphore, #tpu.memory_space<semaphore_mem>>)
    }
    %scan3A_112 = arith.constant 32 : i32
    %dma_wait3A = arith.constant 0 : i32
    %dma_wait3A_113 = arith.constant 0 : i32
    %dma_wait3A_114 = arith.constant 0 : i32
    %dma_wait3A_115 = tpu.memref_slice %arg7[%dma_wait3A, %dma_wait3A_113, %dma_wait3A_114] : memref<2x8x64xf32, #tpu.memory_space<vmem>> -> memref<1x8x64xf32, #tpu.memory_space<vmem>>
    %dma_wait3A_116 = tpu.memref_squeeze %dma_wait3A_115 : memref<1x8x64xf32, #tpu.memory_space<vmem>> -> memref<8x64xf32, #tpu.memory_space<vmem>>
    %dma_wait3A_117 = arith.constant 0 : i32
    %dma_wait3A_118 = tpu.memref_slice %arg4[%mul3A_2, %dma_wait3A_117] : memref<16384x64xf32, #tpu.memory_space<hbm>> -> memref<8x64xf32, #tpu.memory_space<hbm>>
    %dma_wait3A_119 = arith.constant 0 : i32
    %dma_wait3A_120 = tpu.memref_slice %arg4[%mul3A_2, %dma_wait3A_119] : memref<16384x64xf32, #tpu.memory_space<hbm>> -> memref<8x64xf32, #tpu.memory_space<hbm>>
    %dma_wait3A_121 = arith.constant 0 : i32
    %dma_wait3A_122 = arith.constant 0 : i32
    %dma_wait3A_123 = tpu.memref_slice %arg7[%dma_wait3A, %dma_wait3A_121, %dma_wait3A_122] : memref<2x8x64xf32, #tpu.memory_space<vmem>> -> memref<1x8x64xf32, #tpu.memory_space<vmem>>
    %dma_wait3A_124 = tpu.memref_squeeze %dma_wait3A_123 : memref<1x8x64xf32, #tpu.memory_space<vmem>> -> memref<8x64xf32, #tpu.memory_space<vmem>>
    tpu.wait_dma2 semaphore(%arg10 : memref<!tpu.dma_semaphore, #tpu.memory_space<semaphore_mem>>) src(%dma_wait3A_124 : memref<8x64xf32, #tpu.memory_space<vmem>>) dst(%dma_wait3A_120 : memref<8x64xf32, #tpu.memory_space<hbm>>)
    %dma_wait3A_125 = arith.constant 1 : i32
    %dma_wait3A_126 = arith.constant 0 : i32
    %dma_wait3A_127 = arith.constant 0 : i32
    %dma_wait3A_128 = tpu.memref_slice %arg7[%dma_wait3A_125, %dma_wait3A_126, %dma_wait3A_127] : memref<2x8x64xf32, #tpu.memory_space<vmem>> -> memref<1x8x64xf32, #tpu.memory_space<vmem>>
    %dma_wait3A_129 = tpu.memref_squeeze %dma_wait3A_128 : memref<1x8x64xf32, #tpu.memory_space<vmem>> -> memref<8x64xf32, #tpu.memory_space<vmem>>
    %dma_wait3A_130 = arith.constant 0 : i32
    %dma_wait3A_131 = tpu.memref_slice %arg4[%mul3A_2, %dma_wait3A_130] : memref<16384x64xf32, #tpu.memory_space<hbm>> -> memref<8x64xf32, #tpu.memory_space<hbm>>
    %dma_wait3A_132 = arith.constant 0 : i32
    %dma_wait3A_133 = tpu.memref_slice %arg4[%mul3A_2, %dma_wait3A_132] : memref<16384x64xf32, #tpu.memory_space<hbm>> -> memref<8x64xf32, #tpu.memory_space<hbm>>
    %dma_wait3A_134 = arith.constant 0 : i32
    %dma_wait3A_135 = arith.constant 0 : i32
    %dma_wait3A_136 = tpu.memref_slice %arg7[%dma_wait3A_125, %dma_wait3A_134, %dma_wait3A_135] : memref<2x8x64xf32, #tpu.memory_space<vmem>> -> memref<1x8x64xf32, #tpu.memory_space<vmem>>
    %dma_wait3A_137 = tpu.memref_squeeze %dma_wait3A_136 : memref<1x8x64xf32, #tpu.memory_space<vmem>> -> memref<8x64xf32, #tpu.memory_space<vmem>>
    tpu.wait_dma2 semaphore(%arg11 : memref<!tpu.dma_semaphore, #tpu.memory_space<semaphore_mem>>) src(%dma_wait3A_137 : memref<8x64xf32, #tpu.memory_space<vmem>>) dst(%dma_wait3A_133 : memref<8x64xf32, #tpu.memory_space<hbm>>)
    return
  }
}

</mosaic_0001>

<sc_bundles>
// kernel: kernel.3.cloned.1.call-start
scs
__scs_entry_jumppad:
0x0: {  	(pc) =	sbr.rel $0x88, $3  }
0x1: {  	(tag) =	ssettag $0x0;
	lr =	simm.s32 $0x1  }
0x2: {  	[smem:$0x3F9F] =	sst lr;
	_ =	strace $0xD0000000  }
0x3: {  	_ = 	snop  }
0x4: {  	_ = 	snop  }
0x5: {  	_ = 	snop  }
0x6: {  	_ = 	snop  }
0x7: {  	_ = 	snop  }
__scs_overlays_trampoline_lowered:
0x8: {  	[smem:$0x3FAE] =	sst s0  }
0x9: {  	[smem:$0x3FAF] =	sst s1  }
0xa: {  	[smem:$0x3FB0] =	sst s2  }
0xb: {  	[smem:$0x3FB1] =	sst s3  }
0xc: {  	[smem:$0x3FB2] =	sst s4  }
0xd: {  	[smem:$0x3FB3] =	sst s5  }
0xe: {  	[smem:$0x3FB4] =	sst s6  }
0xf: {  	[smem:$0x3FB5] =	sst s7  }
0x10: {  	[smem:$0x3FB6] =	sst s8  }
0x11: {  	[smem:$0x3FB7] =	sst s9;
	s0 =	simm.s32 @!p0 $0x0  }
0x12: {  	s1 =	sld [smem:$0x3F9D];
	s0 =	simm.s32 @p0 $0x1  }
0x13: {  	[smem:$0x3FB8] =	sst s0;
	s0 =	simm.s32 @!p1 $0x0  }
0x14: {  	s2 =	sld [smem:$0x3F9C];
	s0 =	simm.s32 @p1 $0x1  }
0x15: {  	[smem:$0x3FB9] =	sst s0;
	s0 =	simm.s32 @!p2 $0x0  }
0x16: {  	s3 =	sld [smem:$0x3FDB];
	s0 =	simm.s32 @p2 $0x1  }
0x17: {  	s4 =	simm.s32 $0x1BF5;
	[smem:$0x3FBB] =	sst s0  }
0x18: {  	s0 =	sld [smem:$0x3F9E];
	_ =	swait.ge [sflag:s4], $0x0  }
0x19: {  	s7 =	sld [smem:$0x3F9F]  }
0x1a: {  	s8 =	sadd.s32 $0xFFFFE003, lr  }
0x1b: {  	s9 =	sadd.s32 $0xFFFFFEF7, lr;
	s5 =	simm.s32 $0xFFFFFFFF;
	p2 =	slt.u32 s8, $0xFFFFF086  }
0x1c: {  	p1 =	slt.u32 s9, $0xF7A;
	s5 =	simm.s32 @!p2 $0x0  }
0x1d: {  	s5 =	simm.s32 @p1 $0x1;
	p0 =	seq.s32 s7, s2  }
0x1e: {  	s7 =	smul.u32 @!p0 $0xF7A, s2;
	p2 =	seq.s32 @!p0 s5, $0x0  }
0x1f: {  	s9 =	smul.u32 $0xF7A, s1;
	s8 =	simm.s32 @!p0 $0x1BF5;
	p2 =	por !p2, p0  }
0x20: {  	[sflag:s8] =	ssyncset.s32 @!p0 $0xFFFFF086;
	s6 =	sadd.s32 @!p0 s3, s7;
	s7 =	simm.s32 @!p0 $0x108  }
0x21: {  	s3 =	sadd.s32 s3, s9;
	s6 =	sadd.s32 @!p0 $0x88, s6;
	s7 =	simm.s32 @p2 $0x1082  }
0x22: {  	[simem:s7], [sflag:s8] =	dma.local @!p0 [hbm:s6], $0xF7A  }
0x23: {  	s9 =	sor.u32 $0xD0000000, s2;
	s6 =	simm.s32 $0x108;
	_ =	swait.ge @!p0 [sflag:s8], $0x0  }
0x24: {  	s3 =	sadd.s32 $0x88, s3;
	s6 =	simm.s32 @!p1 $0x1082;
	[sflag:s4] =	ssyncset.s32 $0xFFFFF086  }
0x25: {  	[simem:s6], [sflag:s4] =	dma.local [hbm:s3], $0xF7A  }
0x26: {  	[smem:$0x3F9F] =	sst s1;
	(tag) =	ssettag s2;
	_ =	strace s9  }
0x27: {  	s1 =	sld [smem:$0x3FAF]  }
0x28: {  	s2 =	sld [smem:$0x3FB0]  }
0x29: {  	s4 =	sld [smem:$0x3FB2]  }
0x2a: {  	p0 =	seq.s32 s5, $0x0;
	s5 =	sld [smem:$0x3FB3]  }
0x2b: {  	s6 =	sld [smem:$0x3FB4]  }
0x2c: {  	s7 =	sld [smem:$0x3FB5]  }
0x2d: {  	s3 =	simm.s32 $0x108;
	s8 =	sld [smem:$0x3FB6]  }
0x2e: {  	s3 =	simm.s32 @!p0 $0x1082;
	s9 =	sld [smem:$0x3FB7]  }
0x2f: {  	lr =	sadd.s32 s0, s3;
	s0 =	sld [smem:$0x3FAE]  }
0x30: {  	s3 =	sld [smem:$0x3FB1]  }
0x31: {  	[smem:$0x3FBA] =	sst s10  }
0x32: {  	s10 =	sld [smem:$0x3FB8];
	_ =	sdelay $0x3  }
0x33: {  	p0 =	seq.s32 s10, $0x1;
	s10 =	sld [smem:$0x3FBA];
	_ =	sdelay $0x3  }
0x34: {  	[smem:$0x3FBA] =	sst s10  }
0x35: {  	s10 =	sld [smem:$0x3FB9];
	_ =	sdelay $0x3  }
0x36: {  	p1 =	seq.s32 s10, $0x1;
	s10 =	sld [smem:$0x3FBA];
	_ =	sdelay $0x3  }
0x37: {  	[smem:$0x3FBA] =	sst s10  }
0x38: {  	s10 =	sld [smem:$0x3FBB]  }
0x39: {  	_ = 	snop;
	(pc) =	sbr.ind lr, $3  }
0x3a: {  	_ = 	snop  }
0x3b: {  	_ = 	snop  }
0x3c: {  	p2 =	seq.s32 s10, $0x1;
	s10 =	sld [smem:$0x3FBA]  }
0x3d: {  	_ =	shalt  }
0x3e: {  	_ =	shalt  }
0x3f: {  	_ =	shalt  }
0x40: {  	_ =	shalt  }
0x41: {  	_ =	shalt  }
0x42: {  	_ =	shalt  }
0x43: {  	_ =	shalt  }
0x44: {  	_ =	shalt  }
0x45: {  	_ =	shalt  }
0x46: {  	_ =	shalt  }
0x47: {  	_ =	shalt  }
0x48: {  	_ =	shalt  }
0x49: {  	_ =	shalt  }
0x4a: {  	_ =	shalt  }
0x4b: {  	_ =	shalt  }
0x4c: {  	_ =	shalt  }
0x4d: {  	_ =	shalt  }
0x4e: {  	_ =	shalt  }
0x4f: {  	_ =	shalt  }
0x50: {  	_ =	shalt  }
0x51: {  	_ =	shalt  }
0x52: {  	_ =	shalt  }
0x53: {  	_ =	shalt  }
0x54: {  	_ =	shalt  }
0x55: {  	_ =	shalt  }
0x56: {  	_ =	shalt  }
0x57: {  	_ =	shalt  }
0x58: {  	_ =	shalt  }
0x59: {  	_ =	shalt  }
0x5a: {  	_ =	shalt  }
0x5b: {  	_ =	shalt  }
0x5c: {  	_ =	shalt  }
0x5d: {  	_ =	shalt  }
0x5e: {  	_ =	shalt  }
0x5f: {  	_ =	shalt  }
0x60: {  	_ =	shalt  }
0x61: {  	_ =	shalt  }
0x62: {  	_ =	shalt  }
0x63: {  	_ =	shalt  }
0x64: {  	_ =	shalt  }
0x65: {  	_ =	shalt  }
0x66: {  	_ =	shalt  }
0x67: {  	_ =	shalt  }
0x68: {  	_ =	shalt  }
0x69: {  	_ =	shalt  }
0x6a: {  	_ =	shalt  }
0x6b: {  	_ =	shalt  }
0x6c: {  	_ =	shalt  }
0x6d: {  	_ =	shalt  }
0x6e: {  	_ =	shalt  }
0x6f: {  	_ =	shalt  }
0x70: {  	_ =	shalt  }
0x71: {  	_ =	shalt  }
0x72: {  	_ =	shalt  }
0x73: {  	_ =	shalt  }
0x74: {  	_ =	shalt  }
0x75: {  	_ =	shalt  }
0x76: {  	_ =	shalt  }
0x77: {  	_ =	shalt  }
0x78: {  	_ =	shalt  }
0x79: {  	_ =	shalt  }
0x7a: {  	_ =	shalt  }
0x7b: {  	_ =	shalt  }
0x7c: {  	_ =	shalt  }
0x7d: {  	_ =	shalt  }
0x7e: {  	_ =	shalt  }
0x7f: {  	_ =	shalt  }
0x80: {  	_ =	shalt  }
0x81: {  	_ =	shalt  }
0x82: {  	_ =	shalt  }
0x83: {  	_ =	shalt  }
0x84: {  	_ =	shalt  }
0x85: {  	_ =	shalt  }
0x86: {  	_ =	shalt  }
0x87: {  	_ =	shalt  }
.Lfunc_end0:
.L_simem_size_0:
called_computation_lowered:
.L_overlay_start_0:
0x88: {  	s2 =	sld [smem:$0x3FD9]  }
0x89: {  	s3 =	sld [smem:$0x3FFE];
	_ =	sdelay $0x1  }
0x8a: {  	s1 =	srdreg.scid  }
0x8b: {  	s0 =	sand.u32 $0x1, s1  }
0x8c: {  	s17 =	sshll.u32 s0, $0xA;
	s2 =	sadd.s32 s3, s2  }
0x8d: {  	s2 =	sadd.s32 s2, s17  }
0x8e: {  	[smem:$0x3FC6] =	sst s2  }
0x8f: {  	_ = 	snop  }
0x90: {  	s2 =	sld [smem:$0x3FD0];
	(tm) =	ssettm $0x1  }
0x91: {  	s18 =	sld [smem:$0x3FFB];
	_ =	sdelay $0x3  }
0x92: {  	_ =	strace s18  }
0x93: {  	s3 =	sld [smem:$0x3FFC];
	_ =	sdelay $0x3  }
0x94: {  	_ =	strace s3  }
0x95: {  	s3 =	sld [smem:$0x3FFD];
	_ =	sdelay $0x3  }
0x96: {  	_ =	strace s3  }
0x97: {  	_ =	strace $0x8FFFFFFF  }
0x98: {  	s19 =	sld [smem:$0x3FDB];
	_ =	sdelay $0x1  }
0x99: {  	s4 =	simm.s32 $_scs_section_size  }
0x9a: {  	s5 =	simm.s32 $_size__tile_overlayer_lowered;
	s6 =	simm.s32 $_tile_overlayer_lowered  }
0x9b: {  	s22 =	simm.s32 $0x1BFF;
	s21 =	sshll.u32 s6, $0x1;
	s3 =	sadd.s32 s4, s19  }
0x9c: {  	s7 =	simm.s32 $0x0;
	s20 =	sshll.u32 s5, $0x1;
	s5 =	sadd.s32 s21, s3  }
0x9d: {  	[timem:s7], [sflag:s22] =	dma.local [hbm:s5], s20  }
0x9e: {  	_ =	swait.ge [sflag:s22], s20  }
0x9f: {  	s4 =	ssub.s32 $0x0, s20;
	[sflag:s22] =	ssyncset.done $0x0  }
0xa0: {  	[sflag:s22] =	ssyncadd.s32 s4;
	_ =	sdelay $0x1  }
0xa1: {  	s23 =	simm.s32 $0x1B8B  }
0xa2: {  	_ =	swait.ge [sflag:s23], $0x1  }
0xa3: {  	[sflag:s23] =	ssyncset.done $0x0  }
0xa4: {  	s25 =	simm.s32 $0x1B8E;
	s24 =	sld [smem:$0x3FFE];
	[sflag:s23] =	ssyncadd.s32 $0xFFFFFFFF  }
0xa5: {  	s26 =	simm.s32 $execute0_lowered;
	[smem:$0x3FD2] =	sst s25  }
0xa6: {  	s5 =	sshll.u32 s26, $0x1;
	_ =	strace $0x80000046;
	[dreg:$0x1] =	wrdreg $0xFFFFFFFF  }
0xa7: {  	s28 =	simm.s32 $_size_execute0_lowered;
	s3 =	sadd.s32 s3, s5;
	[dreg:$0x0] =	wrdreg $0x0  }
0xa8: {  	s5 =	sshll.u32 s28, $0x1;
	[dreg:$0x2] =	wrdreg s3  }
0xa9: {  	[dreg:$0x3] =	wrdreg s5  }
0xaa: {  	[dreg:$0x4] =	wrdreg $0xC0  }
0xab: {  	_ =	task [dreg:s7], $0x5FFFF  }
0xac: {  	[dreg:$0x1] =	wrdreg $0xFFFFFFFF  }
0xad: {  	[dreg:$0x0] =	wrdreg $0x60  }
0xae: {  	[dreg:$0x2] =	wrdreg s24  }
0xaf: {  	[dreg:$0x3] =	wrdreg s2  }
0xb0: {  	[dreg:$0x4] =	wrdreg $0x9  }
0xb1: {  	_ =	task.clear_ibuf [dreg:s7], $0x5FFFF;
	_ =	strace $0x90000046  }
0xb2: {  	s29 =	simm.s32 $0x9;
	_ =	strace $0x80000048  }
0xb3: {  	_ =	swait.ge [sflag:s29], $0x1  }
0xb4: {  	[sflag:s29] =	ssyncadd.s32 $0xFFFFFFFF  }
0xb5: {  	_ =	strace $0x90000048  }
0xb6: {  	_ =	sfence  }
0xb7: {  	s30 =	sld [smem:$0x0];
	_ =	sdelay $0x2  }
0xb8: {  	s31 =	sshll.u32 s1, $0xD;
	s1 =	sshrl.u32 s1, $0x2  }
0xb9: {  	s3 =	sand.u32 $0x4000, s31;
	s1 =	sadd.s32 s1, s30  }
0xba: {  	s0 =	sor.u32 s3, s0;
	s1 =	sshll.u32 s1, $0x11  }
0xbb: {  	s0 =	sor.u32 s1, s0  }
0xbc: {  	s0 =	sadd.s32 $0x8F2B, s0  }
0xbd: {  	[sflag:s0] =	ssyncadd.remote.s32 $0x1  }
0xbe: {  	_ =	sfence.sel $0xFFFF  }
0xbf: {  	[dreg:$0x0] =	wrdreg $0xFFFFFFFF;
	(pc) =	sbr.abs _section_cstart, $3  }
0xc0: {  	[dreg:$0x1] =	wrdreg $0xFFFFFFFF  }
0xc1: {  	_ =	task.clear_ibuf [dreg:s7], $0x2FFFF;
	_ =	strace $0x9FFFFFFF  }
0xc2: {  	(tm) =	ssettm $0x7FFFFFFF  }
0xc3: {  	_ =	shalt  }
tec
execute0_lowered:
.L_overlay_start_1:
0x0: {  	(tag) =	ssettag $0x1  }
0x1: {  	s0 =	rddreg [dreg:$0x0]  }
0x2: {  	s8 =	rddreg [dreg:$0x1];
	s1 =	srdreg.scid;
	v0 =	vimm.s32 $0xFEDCBA98  }
0x3: {  	s3 =	simm.s32 $0x0;
	s2 =	stileid.u32;
	v1 =	vimm.s32 $0x76543210;
	v2 =	vimm.s32 $0xBA98FEDC;
	v3 =	vimm.s32 $0x32107654;
	s24 =	simm.s32 $0x5  }
0x4: {  	v4 =	vimm.s32 $0xDCFE98BA;
	s29 =	simm.s32 $0x1C0;
	s9 =	simm.s32 $0x8080;
	s10 =	simm.s32 $0x268  }
0x5: {  	v5 =	vimm.s32 $0x54761032;
	s11 =	simm.s32 $0x8D00;
	s12 =	simm.s32 $0x2A0;
	s13 =	simm.s32 $0x9980  }
0x6: {  	v6 =	vimm.s32 $0xEFCDAB89;
	s14 =	simm.s32 $0x2D8;
	s15 =	simm.s32 $0xA600;
	s16 =	simm.s32 $0x310  }
0x7: {  	v7 =	vimm.s32 $0x67452301;
	s17 =	simm.s32 $0xB280;
	s18 =	simm.s32 $0x348;
	s19 =	simm.s32 $0xBF00  }
0x8: {  	s20 =	simm.s32 $0x1;
	s25 =	simm.s32 $0xCB80;
	s28 =	simm.s32 $0xCD80;
	v0 =	vunpack.c.l.s4.s8 v0;
	v1 =	vunpack.c.l.s4.s8 v1;
	v2 =	vunpack.c.l.s4.s8 v2  }
0x9: {  	s1 =	sand.u32 $0x1, s1;
	[smem:$0x7FF] =	sst s3;
	s2 =	sshll.u32 s2, $0xA;
	v3 =	vunpack.c.l.s4.s8 v3;
	v4 =	vunpack.c.l.s4.s8 v4;
	v5 =	vunpack.c.l.s4.s8 v5  }
0xa: {  	s5 =	sadd.s32 $0x187000, s0;
	v6 =	vunpack.c.l.s4.s8 v6;
	v7 =	vunpack.c.l.s4.s8 v7;
	s4 =	sshll.u32 s1, $0x9;
	s1 =	ssub.s32 $0x2, s1;
	v0 =	vunpack.c.0.s8.s32 v0  }
0xb: {  	_ =	strace $0x80000047;
	s2 =	sor.u32 s4, s2;
	s6 =	sshrl.u32 s1, $0x1;
	v2 =	vunpack.c.0.s8.s32 v2;
	v3 =	vunpack.c.0.s8.s32 v3;
	v4 =	vunpack.c.0.s8.s32 v4  }
0xc: {  	s4 =	sadd.s32 $0x600, s0;
	v5 =	vunpack.c.0.s8.s32 v5;
	v6 =	vunpack.c.0.s8.s32 v6;
	v7 =	vunpack.c.0.s8.s32 v7;
	s7 =	smul.u32 $0x7, s2;
	s26 =	ssub.s32 s1, s6  }
0xd: {  	v1 =	vunpack.c.0.s8.s32 v1;
	s30 =	sshll.u32 s2, $0x3;
	s21 =	sor.u32 $0x10, s2;
	s23 =	sor.u32 $0x8, s2;
	v2 =	vcombine.low v3, v2  }
0xe: {  	s1 =	simm.s32 $0x230;
	s6 =	simm.s32 $0x0;
	s0 =	smax.u32 s26, $0x1;
	v3 =	vcombine.low v5, v4;
	v4 =	vand.u32 $0xF, v0;
	v5 =	vcombine.low v7, v6  }
0xf: {  	vm0 =	vcmask $0x3F38;
	v0 =	vimm.s32 $0x0;
	s26 =	simm.s32 $0x2;
	s31 =	sadd.s32 s4, s7;
	[dreg:$0x4] =	wrdreg s0;
	v1 =	vcombine.low v4, v1  }
0x10: {  	s7 =	sadd.s32 s8, s30;
	s8 =	simm.s32 $0x32;
	[dreg:$0x3] =	wrdreg s31;
	v2 =	vand.u32 $0xF, v2;
	v3 =	vand.u32 $0xF, v3;
	v4 =	vand.u32 $0xF, v5  }
.LBB2_1:
0x11: {  	[dreg:$0x5] =	wrdreg s6  }
0x12: {  	s0 =	rddreg [dreg:$0x3]  }
0x13: {  	[tilespmem:s3], [sflag:$0x5] =	stream.linear.gather [hbm4b:s0+s3], $0x1C0, $0x38;
	[tilespmem:$0xCF80] =	vst v63  }
0x14: {  	_ =	swait.ge [sflag:s24], $0x1C0  }
0x15: {  	[sflag:s24] =	ssyncset.done $0x0  }
0x16: {  	s30 =	simm.s32 $0x380;
	[sflag:s24] =	ssyncadd.s32 $0xFFFFFE40  }
0x17: {  	[tilespmem:s30], [sflag:$0x1] =	stream.indirect.gather [hbm4b:s5+s8], $0x40, s3, s8, $0xb8;
	[tilespmem:$0xCF80] =	vst v63  }
0x18: {  	s31 =	simm.s32 $0x38;
	s2 =	simm.s32 $0x1000  }
0x19: {  	[tilespmem:s2], [sflag:$0x1] =	stream.indirect.gather [hbm4b:s5+s8], $0x40, s31, s8, $0xb8;
	[tilespmem:$0xCF80] =	vst v63  }
0x1a: {  	s6 =	simm.s32 $0x70;
	s22 =	simm.s32 $0x1C80  }
0x1b: {  	[tilespmem:s22], [sflag:$0x1] =	stream.indirect.gather [hbm4b:s5+s8], $0x40, s6, s8, $0xb8;
	[tilespmem:$0xCF80] =	vst v63  }
0x1c: {  	s30 =	simm.s32 $0xA8;
	s31 =	simm.s32 $0x2900  }
0x1d: {  	[tilespmem:s31], [sflag:$0x1] =	stream.indirect.gather [hbm4b:s5+s8], $0x40, s30, s8, $0xb8;
	[tilespmem:$0xCF80] =	vst v63  }
0x1e: {  	s6 =	simm.s32 $0xE0;
	s22 =	simm.s32 $0x3580  }
0x1f: {  	[tilespmem:s22], [sflag:$0x1] =	stream.indirect.gather [hbm4b:s5+s8], $0x40, s6, s8, $0xb8;
	[tilespmem:$0xCF80] =	vst v63  }
0x20: {  	s30 =	simm.s32 $0x118;
	s31 =	simm.s32 $0x4200  }
0x21: {  	[tilespmem:s31], [sflag:$0x1] =	stream.indirect.gather [hbm4b:s5+s8], $0x40, s30, s8, $0xb8;
	[tilespmem:$0xCF80] =	vst v63  }
0x22: {  	s6 =	simm.s32 $0x150;
	s22 =	simm.s32 $0x4E80  }
0x23: {  	[tilespmem:s22], [sflag:$0x1] =	stream.indirect.gather [hbm4b:s5+s8], $0x40, s6, s8, $0xb8;
	[tilespmem:$0xCF80] =	vst v63  }
0x24: {  	s30 =	simm.s32 $0x188;
	s31 =	simm.s32 $0x5B00;
	s22 =	simm.s32 $0x0  }
0x25: {  	[tilespmem:s31], [sflag:$0x1] =	stream.indirect.gather [hbm4b:s5+s8], $0x40, s30, s8, $0xb8;
	[tilespmem:$0xCF80] =	vst v63  }
.LBB2_2:
0x26: {  	s2 =	sshll.u32 s22, $0x4  }
0x27: {  	s6 =	sor.u32 s23, s2  }
0x28: {  	s30 =	smul.u32 $0x7, s6;
	_ =	sdelay $0x1  }
0x29: {  	s30 =	sadd.s32 s4, s30  }
0x2a: {  	[tilespmem:s29], [sflag:$0x5] =	stream.linear.gather [hbm4b:s30+s3], $0x1C0, $0x38;
	[tilespmem:$0xCF80] =	vst v63  }
0x2b: {  	_ =	swait.ge [sflag:s24], $0x1C0  }
0x2c: {  	[sflag:s24] =	ssyncset.done $0x0  }
0x2d: {  	s0 =	simm.s32 $0x6780;
	[sflag:s24] =	ssyncadd.s32 $0xFFFFFE40  }
0x2e: {  	[tilespmem:s0], [sflag:$0x2] =	stream.indirect.gather [hbm4b:s5+s8], $0x40, s29, s8, $0xb8;
	[tilespmem:$0xCF80] =	vst v63  }
0x2f: {  	s30 =	simm.s32 $0x7400;
	s0 =	simm.s32 $0x1F8  }
0x30: {  	[tilespmem:s30], [sflag:$0x2] =	stream.indirect.gather [hbm4b:s5+s8], $0x40, s0, s8, $0xb8;
	[tilespmem:$0xCF80] =	vst v63  }
0x31: {  	_ = 	snop  }
0x32: {  	[tilespmem:s9], [sflag:$0x2] =	stream.indirect.gather [hbm4b:s5+s8], $0x40, s1, s8, $0xb8;
	[tilespmem:$0xCF80] =	vst v63  }
0x33: {  	_ = 	snop  }
0x34: {  	[tilespmem:s11], [sflag:$0x2] =	stream.indirect.gather [hbm4b:s5+s8], $0x40, s10, s8, $0xb8;
	[tilespmem:$0xCF80] =	vst v63  }
0x35: {  	_ = 	snop  }
0x36: {  	[tilespmem:s13], [sflag:$0x2] =	stream.indirect.gather [hbm4b:s5+s8], $0x40, s12, s8, $0xb8;
	[tilespmem:$0xCF80] =	vst v63  }
0x37: {  	_ = 	snop  }
0x38: {  	[tilespmem:s15], [sflag:$0x2] =	stream.indirect.gather [hbm4b:s5+s8], $0x40, s14, s8, $0xb8;
	[tilespmem:$0xCF80] =	vst v63  }
0x39: {  	_ = 	snop  }
0x3a: {  	[tilespmem:s17], [sflag:$0x2] =	stream.indirect.gather [hbm4b:s5+s8], $0x40, s16, s8, $0xb8;
	[tilespmem:$0xCF80] =	vst v63  }
0x3b: {  	_ = 	snop  }
0x3c: {  	[tilespmem:s19], [sflag:$0x2] =	stream.indirect.gather [hbm4b:s5+s8], $0x40, s18, s8, $0xb8;
	[tilespmem:$0xCF80] =	vst v63  }
0x3d: {  	_ =	swait.ge [sflag:s20], $0xC80  }
0x3e: {  	[sflag:s20] =	ssyncset.done $0x0  }
0x3f: {  	[sflag:s20] =	ssyncadd.s32 $0xFFFFF380  }
0x40: {  	_ =	swait.ge [sflag:s20], $0xC80  }
0x41: {  	[sflag:s20] =	ssyncset.done $0x0  }
0x42: {  	[sflag:s20] =	ssyncadd.s32 $0xFFFFF380  }
0x43: {  	_ =	swait.ge [sflag:s20], $0xC80  }
0x44: {  	[sflag:s20] =	ssyncset.done $0x0  }
0x45: {  	[sflag:s20] =	ssyncadd.s32 $0xFFFFF380  }
0x46: {  	_ =	swait.ge [sflag:s20], $0xC80  }
0x47: {  	[sflag:s20] =	ssyncset.done $0x0  }
0x48: {  	[sflag:s20] =	ssyncadd.s32 $0xFFFFF380  }
0x49: {  	_ =	swait.ge [sflag:s20], $0xC80  }
0x4a: {  	[sflag:s20] =	ssyncset.done $0x0  }
0x4b: {  	[sflag:s20] =	ssyncadd.s32 $0xFFFFF380  }
0x4c: {  	_ =	swait.ge [sflag:s20], $0xC80  }
0x4d: {  	[sflag:s20] =	ssyncset.done $0x0  }
0x4e: {  	[sflag:s20] =	ssyncadd.s32 $0xFFFFF380  }
0x4f: {  	_ =	swait.ge [sflag:s20], $0xC80  }
0x50: {  	[sflag:s20] =	ssyncset.done $0x0  }
0x51: {  	[sflag:s20] =	ssyncadd.s32 $0xFFFFF380  }
0x52: {  	_ =	swait.ge [sflag:s20], $0xC80  }
0x53: {  	p0 =	seq.s32 s22, $0x0;
	[sflag:s20] =	ssyncset.done $0x0  }
0x54: {  	s30 =	simm.s32 @!p0 $0x3;
	[sflag:s20] =	ssyncadd.s32 $0xFFFFF380  }
0x55: {  	_ =	swait.ge @!p0 [sflag:s30], $0x200  }
0x56: {  	[sflag:s30] =	ssyncset.done @!p0 $0x0  }
0x57: {  	s31 =	simm.s32 $0xFFFFF380;
	[sflag:s30] =	ssyncadd.s32 @!p0 $0xFFFFFE00  }
0x58: {  	v5 =	vld [tilespmem:s31+$0x35B0]  }
0x59: {  	v7 =	vld [tilespmem:s31+$0x1000]  }
0x5a: {  	v8 =	vld [tilespmem:s31+$0x1010]  }
0x5b: {  	v9 =	vld [tilespmem:s31+$0x1020]  }
0x5c: {  	v10 =	vld [tilespmem:s31+$0x1030]  }
0x5d: {  	v11 =	vld [tilespmem:s31+$0x1C80]  }
0x5e: {  	v12 =	vld [tilespmem:s31+$0x1C90]  }
0x5f: {  	v13 =	vld [tilespmem:s31+$0x1CA0]  }
0x60: {  	v21 =	vld [tilespmem:s31+$0x1CB0]  }
0x61: {  	v6 =	vimm.f32 $0.0e+00;
	v22 =	vld [tilespmem:s31+$0x2900]  }
0x62: {  	v26 =	vld [tilespmem:s31+$0x2910];
	v5 =	vadd.f32 v5, v6  }
0x63: {  	v20 =	vadd.f32 v7, v6;
	v19 =	vadd.f32 v8, v6  }
0x64: {  	v25 =	vld [tilespmem:s31+$0x2920];
	v18 =	vadd.f32 v9, v6;
	v17 =	vadd.f32 v10, v6  }
0x65: {  	v24 =	vld [tilespmem:s31+$0x2930];
	v16 =	vadd.f32 v11, v6;
	v15 =	vadd.f32 v12, v6  }
0x66: {  	v23 =	vld [tilespmem:s31+$0x3580];
	v14 =	vadd.f32 v13, v6;
	v13 =	vadd.f32 v21, v6  }
0x67: {  	v12 =	vadd.f32 v22, v6;
	v21 =	vld [tilespmem:s31+$0x3590];
	v9 =	vadd.f32 v26, v6;
	v10 =	vimm.f32 $0.0e+00  }
0x68: {  	s30 =	simm.s32 $0xFFFFF3C0;
	v22 =	vld [tilespmem:s31+$0x35A0];
	s31 =	simm.s32 $0xFFFFD000;
	v11 =	vimm.f32 $0.0e+00;
	v8 =	vimm.f32 $0.0e+00;
	v7 =	vimm.f32 $0.0e+00  }
.LBB2_3:
0x69: {  	p1 =	sne.s32 s31, $0xFFFFFF00;
	v26 =	vld [tilespmem:s30+$0x35B0];
	v6 =	vadd.f32 v25, v6  }
0x6a: {  	v25 =	vld [tilespmem:s30+$0x1000];
	v10 =	vadd.f32 v24, v10  }
0x6b: {  	v24 =	vld [tilespmem:s30+$0x1010];
	v11 =	vadd.f32 v23, v11  }
0x6c: {  	v23 =	vld [tilespmem:s30+$0x1020];
	v8 =	vadd.f32 v21, v8  }
0x6d: {  	v21 =	vld [tilespmem:s30+$0x1030];
	v7 =	vadd.f32 v22, v7  }
0x6e: {  	v22 =	vld [tilespmem:s30+$0x1C80];
	v5 =	vadd.f32 v26, v5  }
0x6f: {  	v20 =	vadd.f32 v25, v20;
	v25 =	vld [tilespmem:s30+$0x1C90]  }
0x70: {  	v19 =	vadd.f32 v24, v19;
	v24 =	vld [tilespmem:s30+$0x1CA0]  }
0x71: {  	v18 =	vadd.f32 v23, v18;
	v23 =	vld [tilespmem:s30+$0x1CB0]  }
0x72: {  	v17 =	vadd.f32 v21, v17;
	v21 =	vld [tilespmem:s30+$0x2900]  }
0x73: {  	v16 =	vadd.f32 v22, v16;
	v22 =	vld [tilespmem:s30+$0x2910]  }
.Ltmp0:
0x74: {  	v15 =	vadd.f32 v25, v15;
	v25 =	vld [tilespmem:s30+$0x2920];
	(pc) =	sbr.rel @p1 .LBB2_3-.Ltmp0, $4  }
0x75: {  	v14 =	vadd.f32 v24, v14;
	v24 =	vld [tilespmem:s30+$0x2930]  }
0x76: {  	v13 =	vadd.f32 v23, v13;
	v23 =	vld [tilespmem:s30+$0x3580]  }
0x77: {  	v12 =	vadd.f32 v21, v12;
	v21 =	vld [tilespmem:s30+$0x3590]  }
0x78: {  	v9 =	vadd.f32 v22, v9;
	v22 =	vld [tilespmem:s30+$0x35A0];
	s30 =	sshra.s32 s31, $0x2;
	s31 =	sadd.s32 $0x100, s31  }
0x79: {  	v26 =	vld [tilespmem:$0x0]  }
0x7a: {  	v27 =	vld [tilespmem:$0x10]  }
0x7b: {  	v28 =	vld [tilespmem:$0x20]  }
0x7c: {  	v29 =	vld [tilespmem:$0x22];
	_ =	sdelay $0x2  }
0x7d: {  	v48 =	vld [tilespmem:$0x48];
	vm1 =	vne.s32 v26, $0x0  }
0x7e: {  	v26 =	vsel vm1, $0x1, v0;
	vm1 =	vne.s32 v27, $0x0;
	v27 =	vld [tilespmem:$0x38]  }
0x7f: {  	v31 =	vld [tilespmem:$0x5A];
	vm2 =	vne.s32 v29, $0x0;
	v30 =	vsel vm1, $0x1, v0;
	vm1 =	vne.s32 v28, $0x0  }
0x80: {  	v50 =	vld [tilespmem:$0x58];
	v26 =	vadd.s32 v26, v30;
	v49 =	vsel vm1, $0x1, v0;
	vm1 =	vmand vm2, vm0  }
0x81: {  	v26 =	vadd.s32 v49, v26;
	v51 =	vsel vm1, $0x1, v0  }
0x82: {  	v53 =	vld [tilespmem:$0x70];
	v26 =	vadd.s32 v51, v26  }
0x83: {  	v57 =	vld [tilespmem:$0x90];
	v26 =	vcvt.s32.f32 v26;
	vm1 =	vne.s32 v27, $0x0  }
0x84: {  	v55 =	vld [tilespmem:$0x80];
	vm2 =	vne.s32 v31, $0x0;
	v52 =	vsel vm1, $0x1, v0;
	vm1 =	vne.s32 v48, $0x0  }
0x85: {  	v58 =	vld [tilespmem:$0x92];
	v27 =	vperm.xlane v26, v1;
	v28 =	vsel vm1, $0x1, v0;
	vm1 =	vne.s32 v50, $0x0  }
0x86: {  	v28 =	vadd.s32 v52, v28;
	v54 =	vsel vm1, $0x1, v0;
	vm1 =	vmand vm2, vm0  }
0x87: {  	v26 =	vadd.f32 v26, v27;
	v27 =	vadd.s32 v54, v28;
	v56 =	vsel vm1, $0x1, v0  }
0x88: {  	v33 =	vld [tilespmem:$0xA8];
	vm2 =	vne.s32 v57, $0x0;
	vm1 =	vne.s32 v53, $0x0;
	v27 =	vadd.s32 v56, v27  }
0x89: {  	v60 =	vld [tilespmem:$0xB8];
	v34 =	vsel vm1, $0x1, v0;
	vm1 =	vne.s32 v55, $0x0;
	v32 =	vperm.xlane v26, v2  }
0x8a: {  	v61 =	vld [tilespmem:$0xC8];
	v27 =	vcvt.s32.f32 v27;
	v31 =	vsel vm1, $0x1, v0;
	vm1 =	vne.s32 v58, $0x0  }
0x8b: {  	v35 =	vsel vm2, $0x1, v0;
	vm1 =	vmand vm1, vm0  }
0x8c: {  	v62 =	vld [tilespmem:$0xCA];
	v31 =	vadd.s32 v34, v31;
	v26 =	vadd.f32 v26, v32;
	v59 =	vperm.xlane v27, v1  }
0x8d: {  	v63 =	vsel vm1, $0x1, v0;
	vm1 =	vne.s32 v33, $0x0;
	v31 =	vadd.s32 v35, v31  }
0x8e: {  	v33 =	vsel vm1, $0x1, v0;
	vm1 =	vne.s32 v60, $0x0;
	v35 =	vadd.s32 v63, v31  }
0x8f: {  	v27 =	vadd.f32 v27, v59;
	v37 =	vsel vm1, $0x1, v0;
	vm1 =	vne.s32 v61, $0x0  }
0x90: {  	v36 =	vperm.xlane v26, v3;
	v38 =	vcvt.s32.f32 v35;
	v39 =	vsel vm1, $0x1, v0  }
0x91: {  	vm1 =	vne.s32 v62, $0x0;
	v31 =	vadd.s32 v33, v37;
	v40 =	vperm.xlane v27, v2  }
0x92: {  	vm1 =	vmand vm1, vm0;
	v41 =	vperm.xlane v38, v1;
	v26 =	vadd.f32 v26, v36  }
0x93: {  	v30 =	vadd.s32 v39, v31;
	v42 =	vsel vm1, $0x1, v0;
	v27 =	vadd.f32 v27, v40  }
0x94: {  	v43 =	vadd.s32 v42, v30;
	v29 =	vadd.f32 v38, v41;
	v44 =	vperm.xlane v26, v4  }
0x95: {  	v28 =	vcvt.s32.f32 v43  }
0x96: {  	v45 =	vperm.xlane v27, v3;
	v32 =	vperm.xlane v29, v2;
	v26 =	vadd.f32 v26, v44  }
0x97: {  	v46 =	vperm.xlane v28, v1  }
0x98: {  	v27 =	vadd.f32 v27, v45;
	v29 =	vadd.f32 v29, v32;
	v26 =	vmax.f32 v26, $9.999999710e-10  }
0x99: {  	v47 =	vld [tilespmem:s30+$0x35B0];
	v28 =	vadd.f32 v28, v46;
	(erf) = vrcp.f32 v26  }
0x9a: {  	v49 =	vld [tilespmem:s30+$0x1010];
	v50 =	vperm.xlane v27, v4;
	v52 =	vperm.xlane v29, v3  }
0x9b: {  	v51 =	vld [tilespmem:s30+$0x1020];
	v53 =	vperm.xlane v28, v2  }
0x9c: {  	v48 =	vld [tilespmem:s30+$0x1000];
	v26 =	vadd.f32 v27, v50;
	v29 =	vadd.f32 v29, v52  }
0x9d: {  	v57 =	vld [tilespmem:s30+$0x2910];
	v28 =	vadd.f32 v28, v53  }
0x9e: {  	v54 =	vld [tilespmem:s30+$0x1C90];
	v26 =	vmax.f32 v26, $9.999999710e-10;
	v56 =	vperm.xlane v29, v4  }
0x9f: {  	v55 =	vld [tilespmem:s30+$0x1CA0];
	v38 =	vperm.xlane v28, v3;
	(erf) = vrcp.f32 v26  }
0xa0: {  	v58 =	vld [tilespmem:s30+$0x2920]  }
0xa1: {  	v37 =	vld [tilespmem:s30+$0x1030];
	v29 =	vadd.f32 v29, v56;
	v28 =	vadd.f32 v28, v38  }
0xa2: {  	v20 =	vadd.f32 v48, v20;
	v27 =	vld [tilespmem:s30+$0x1C80]  }
0xa3: {  	v60 =	vld [tilespmem:s30+$0x3580];
	v29 =	vmax.f32 v29, $9.999999710e-10;
	v61 =	vpop (erf);
	v40 =	vperm.xlane v28, v4  }
0xa4: {  	v63 =	vld [tilespmem:s30+$0x35A0];
	(erf) = vrcp.f32 v29;
	v20 =	vmul.f32 v61, v20  }
0xa5: {  	v19 =	vadd.f32 v49, v19;
	v59 =	vld [tilespmem:s30+$0x2930];
	v28 =	vadd.f32 v28, v40  }
0xa6: {  	v18 =	vadd.f32 v51, v18;
	v39 =	vld [tilespmem:s30+$0x1CB0];
	v17 =	vadd.f32 v37, v17  }
0xa7: {  	v26 =	vld [tilespmem:s30+$0x2900];
	v16 =	vadd.f32 v27, v16;
	v19 =	vmul.f32 v61, v19;
	v28 =	vmax.f32 v28, $9.999999710e-10  }
0xa8: {  	v62 =	vld [tilespmem:s30+$0x3590];
	v18 =	vmul.f32 v61, v18;
	[tilespmem:$0xCB80] =	vst v20;
	(erf) = vrcp.f32 v28;
	v20 =	vpop (erf)  }
0xa9: {  	v15 =	vadd.f32 v54, v15;
	v17 =	vmul.f32 v61, v17;
	[tilespmem:$0xCB90] =	vst v19;
	v16 =	vmul.f32 v20, v16  }
0xaa: {  	v14 =	vadd.f32 v55, v14;
	[tilespmem:$0xCBA0] =	vst v18  }
0xab: {  	v10 =	vadd.f32 v24, v10;
	v13 =	vadd.f32 v39, v13;
	[tilespmem:$0xCBB0] =	vst v17;
	v15 =	vmul.f32 v20, v15  }
0xac: {  	v6 =	vadd.f32 v25, v6;
	v12 =	vadd.f32 v26, v12;
	v14 =	vmul.f32 v20, v14;
	[tilespmem:$0xCBC0] =	vst v16  }
0xad: {  	v9 =	vadd.f32 v57, v9;
	v10 =	vadd.f32 v59, v10;
	v13 =	vmul.f32 v20, v13;
	[tilespmem:$0xCBD0] =	vst v15;
	v16 =	vpop (erf)  }
0xae: {  	v11 =	vadd.f32 v23, v11;
	v6 =	vadd.f32 v58, v6;
	[tilespmem:$0xCBE0] =	vst v14;
	v12 =	vmul.f32 v16, v12  }
0xaf: {  	v8 =	vadd.f32 v21, v8;
	[tilespmem:$0xCBF0] =	vst v13;
	v9 =	vmul.f32 v16, v9  }
0xb0: {  	v11 =	vadd.f32 v60, v11;
	v6 =	vmul.f32 v16, v6;
	[tilespmem:$0xCC00] =	vst v12  }
0xb1: {  	v7 =	vadd.f32 v22, v7;
	v8 =	vadd.f32 v62, v8;
	[tilespmem:$0xCC10] =	vst v9;
	v9 =	vmul.f32 v16, v10;
	v10 =	vpop (erf)  }
0xb2: {  	v5 =	vadd.f32 v47, v5;
	[tilespmem:$0xCC20] =	vst v6;
	v6 =	vmul.f32 v10, v11  }
0xb3: {  	v7 =	vadd.f32 v63, v7;
	[tilespmem:$0xCC30] =	vst v9;
	v8 =	vmul.f32 v10, v8  }
0xb4: {  	v5 =	vmul.f32 v10, v5;
	[tilespmem:$0xCC40] =	vst v6  }
0xb5: {  	v6 =	vmul.f32 v10, v7;
	[tilespmem:$0xCC50] =	vst v8  }
0xb6: {  	[tilespmem:$0xCC70] =	vst v5  }
0xb7: {  	s0 =	simm.s32 $0x0;
	[tilespmem:$0xCC60] =	vst v6  }
0xb8: {  	v5 =	vld [tilespmem:s0+$0x5B30]  }
0xb9: {  	v7 =	vld [tilespmem:s0+$0x3580]  }
0xba: {  	v8 =	vld [tilespmem:s0+$0x3590]  }
0xbb: {  	v9 =	vld [tilespmem:s0+$0x35A0]  }
0xbc: {  	v10 =	vld [tilespmem:s0+$0x35B0]  }
0xbd: {  	v11 =	vld [tilespmem:s0+$0x4200]  }
0xbe: {  	v12 =	vld [tilespmem:s0+$0x4210]  }
0xbf: {  	v13 =	vld [tilespmem:s0+$0x4220]  }
0xc0: {  	v21 =	vld [tilespmem:s0+$0x4230]  }
0xc1: {  	v6 =	vimm.f32 $0.0e+00;
	v22 =	vld [tilespmem:s0+$0x4E80]  }
0xc2: {  	v26 =	vld [tilespmem:s0+$0x4E90];
	v5 =	vadd.f32 v5, v6  }
0xc3: {  	v20 =	vadd.f32 v7, v6;
	v19 =	vadd.f32 v8, v6  }
0xc4: {  	v25 =	vld [tilespmem:s0+$0x4EA0];
	v18 =	vadd.f32 v9, v6;
	v17 =	vadd.f32 v10, v6  }
0xc5: {  	v24 =	vld [tilespmem:s0+$0x4EB0];
	v16 =	vadd.f32 v11, v6;
	v15 =	vadd.f32 v12, v6  }
0xc6: {  	v23 =	vld [tilespmem:s0+$0x5B00];
	v14 =	vadd.f32 v13, v6;
	v13 =	vadd.f32 v21, v6  }
0xc7: {  	v12 =	vadd.f32 v22, v6;
	v21 =	vld [tilespmem:s0+$0x5B10];
	v9 =	vadd.f32 v26, v6;
	v10 =	vimm.f32 $0.0e+00  }
0xc8: {  	s31 =	simm.s32 $0x200;
	s30 =	simm.s32 $0x40;
	v22 =	vld [tilespmem:s0+$0x5B20];
	v11 =	vimm.f32 $0.0e+00;
	v8 =	vimm.f32 $0.0e+00;
	v7 =	vimm.f32 $0.0e+00  }
.LBB2_5:
0xc9: {  	p1 =	sne.s32 s31, $0x3100;
	v26 =	vld [tilespmem:s30+$0x5B30];
	v6 =	vadd.f32 v25, v6  }
0xca: {  	v25 =	vld [tilespmem:s30+$0x3580];
	v10 =	vadd.f32 v24, v10  }
0xcb: {  	v24 =	vld [tilespmem:s30+$0x3590];
	v11 =	vadd.f32 v23, v11  }
0xcc: {  	v23 =	vld [tilespmem:s30+$0x35A0];
	v8 =	vadd.f32 v21, v8  }
0xcd: {  	v21 =	vld [tilespmem:s30+$0x35B0];
	v7 =	vadd.f32 v22, v7  }
0xce: {  	v22 =	vld [tilespmem:s30+$0x4200];
	v5 =	vadd.f32 v26, v5  }
0xcf: {  	v20 =	vadd.f32 v25, v20;
	v25 =	vld [tilespmem:s30+$0x4210]  }
0xd0: {  	v19 =	vadd.f32 v24, v19;
	v24 =	vld [tilespmem:s30+$0x4220]  }
0xd1: {  	v18 =	vadd.f32 v23, v18;
	v23 =	vld [tilespmem:s30+$0x4230]  }
0xd2: {  	v17 =	vadd.f32 v21, v17;
	v21 =	vld [tilespmem:s30+$0x4E80]  }
0xd3: {  	v16 =	vadd.f32 v22, v16;
	v22 =	vld [tilespmem:s30+$0x4E90]  }
.Ltmp1:
0xd4: {  	v15 =	vadd.f32 v25, v15;
	v25 =	vld [tilespmem:s30+$0x4EA0];
	(pc) =	sbr.rel @p1 .LBB2_5-.Ltmp1, $4  }
0xd5: {  	v14 =	vadd.f32 v24, v14;
	v24 =	vld [tilespmem:s30+$0x4EB0]  }
0xd6: {  	v13 =	vadd.f32 v23, v13;
	v23 =	vld [tilespmem:s30+$0x5B00]  }
0xd7: {  	v12 =	vadd.f32 v21, v12;
	v21 =	vld [tilespmem:s30+$0x5B10]  }
0xd8: {  	v9 =	vadd.f32 v22, v9;
	v22 =	vld [tilespmem:s30+$0x5B20];
	s30 =	sshra.s32 s31, $0x2;
	s31 =	sadd.s32 $0x100, s31  }
0xd9: {  	v26 =	vld [tilespmem:$0xE0]  }
0xda: {  	v27 =	vld [tilespmem:$0xF0]  }
0xdb: {  	v28 =	vld [tilespmem:$0x100]  }
0xdc: {  	v29 =	vld [tilespmem:$0x102];
	_ =	sdelay $0x2  }
0xdd: {  	v48 =	vld [tilespmem:$0x128];
	vm1 =	vne.s32 v26, $0x0  }
0xde: {  	v26 =	vsel vm1, $0x1, v0;
	vm1 =	vne.s32 v27, $0x0;
	v27 =	vld [tilespmem:$0x118]  }
0xdf: {  	v31 =	vld [tilespmem:$0x13A];
	vm2 =	vne.s32 v29, $0x0;
	v30 =	vsel vm1, $0x1, v0;
	vm1 =	vne.s32 v28, $0x0  }
0xe0: {  	v50 =	vld [tilespmem:$0x138];
	v26 =	vadd.s32 v26, v30;
	v49 =	vsel vm1, $0x1, v0;
	vm1 =	vmand vm2, vm0  }
0xe1: {  	v26 =	vadd.s32 v49, v26;
	v51 =	vsel vm1, $0x1, v0  }
0xe2: {  	v53 =	vld [tilespmem:$0x150];
	v26 =	vadd.s32 v51, v26  }
0xe3: {  	v57 =	vld [tilespmem:$0x170];
	v26 =	vcvt.s32.f32 v26;
	vm1 =	vne.s32 v27, $0x0  }
0xe4: {  	v55 =	vld [tilespmem:$0x160];
	vm2 =	vne.s32 v31, $0x0;
	v52 =	vsel vm1, $0x1, v0;
	vm1 =	vne.s32 v48, $0x0  }
0xe5: {  	v58 =	vld [tilespmem:$0x172];
	v27 =	vperm.xlane v26, v1;
	v28 =	vsel vm1, $0x1, v0;
	vm1 =	vne.s32 v50, $0x0  }
0xe6: {  	v28 =	vadd.s32 v52, v28;
	v54 =	vsel vm1, $0x1, v0;
	vm1 =	vmand vm2, vm0  }
0xe7: {  	v26 =	vadd.f32 v26, v27;
	v27 =	vadd.s32 v54, v28;
	v56 =	vsel vm1, $0x1, v0  }
0xe8: {  	v33 =	vld [tilespmem:$0x188];
	vm2 =	vne.s32 v57, $0x0;
	vm1 =	vne.s32 v53, $0x0;
	v27 =	vadd.s32 v56, v27  }
0xe9: {  	v60 =	vld [tilespmem:$0x198];
	v34 =	vsel vm1, $0x1, v0;
	vm1 =	vne.s32 v55, $0x0;
	v32 =	vperm.xlane v26, v2  }
0xea: {  	v61 =	vld [tilespmem:$0x1A8];
	v27 =	vcvt.s32.f32 v27;
	v31 =	vsel vm1, $0x1, v0;
	vm1 =	vne.s32 v58, $0x0  }
0xeb: {  	v35 =	vsel vm2, $0x1, v0;
	vm1 =	vmand vm1, vm0  }
0xec: {  	v62 =	vld [tilespmem:$0x1AA];
	v31 =	vadd.s32 v34, v31;
	v26 =	vadd.f32 v26, v32;
	v59 =	vperm.xlane v27, v1  }
0xed: {  	v63 =	vsel vm1, $0x1, v0;
	vm1 =	vne.s32 v33, $0x0;
	v31 =	vadd.s32 v35, v31  }
0xee: {  	v33 =	vsel vm1, $0x1, v0;
	vm1 =	vne.s32 v60, $0x0;
	v35 =	vadd.s32 v63, v31  }
0xef: {  	v27 =	vadd.f32 v27, v59;
	v37 =	vsel vm1, $0x1, v0;
	vm1 =	vne.s32 v61, $0x0  }
0xf0: {  	v36 =	vperm.xlane v26, v3;
	v38 =	vcvt.s32.f32 v35;
	v39 =	vsel vm1, $0x1, v0  }
0xf1: {  	vm1 =	vne.s32 v62, $0x0;
	v31 =	vadd.s32 v33, v37;
	v40 =	vperm.xlane v27, v2  }
0xf2: {  	vm1 =	vmand vm1, vm0;
	v41 =	vperm.xlane v38, v1;
	v26 =	vadd.f32 v26, v36  }
0xf3: {  	v30 =	vadd.s32 v39, v31;
	v42 =	vsel vm1, $0x1, v0;
	v27 =	vadd.f32 v27, v40  }
0xf4: {  	v43 =	vadd.s32 v42, v30;
	v29 =	vadd.f32 v38, v41;
	v44 =	vperm.xlane v26, v4  }
0xf5: {  	v28 =	vcvt.s32.f32 v43  }
0xf6: {  	v45 =	vperm.xlane v27, v3;
	v32 =	vperm.xlane v29, v2;
	v26 =	vadd.f32 v26, v44  }
0xf7: {  	v46 =	vperm.xlane v28, v1  }
0xf8: {  	v27 =	vadd.f32 v27, v45;
	v29 =	vadd.f32 v29, v32;
	v26 =	vmax.f32 v26, $9.999999710e-10  }
0xf9: {  	v47 =	vld [tilespmem:s30+$0x5B30];
	v28 =	vadd.f32 v28, v46;
	(erf) = vrcp.f32 v26  }
0xfa: {  	v49 =	vld [tilespmem:s30+$0x3590];
	v50 =	vperm.xlane v27, v4;
	v52 =	vperm.xlane v29, v3  }
0xfb: {  	v51 =	vld [tilespmem:s30+$0x35A0];
	v53 =	vperm.xlane v28, v2  }
0xfc: {  	v48 =	vld [tilespmem:s30+$0x3580];
	v26 =	vadd.f32 v27, v50;
	v29 =	vadd.f32 v29, v52  }
0xfd: {  	v57 =	vld [tilespmem:s30+$0x4E90];
	v28 =	vadd.f32 v28, v53  }
0xfe: {  	v54 =	vld [tilespmem:s30+$0x4210];
	v26 =	vmax.f32 v26, $9.999999710e-10;
	v56 =	vperm.xlane v29, v4  }
0xff: {  	v55 =	vld [tilespmem:s30+$0x4220];
	v38 =	vperm.xlane v28, v3;
	(erf) = vrcp.f32 v26  }
0x100: {  	v58 =	vld [tilespmem:s30+$0x4EA0]  }
0x101: {  	v37 =	vld [tilespmem:s30+$0x35B0];
	v29 =	vadd.f32 v29, v56;
	v28 =	vadd.f32 v28, v38  }
0x102: {  	v20 =	vadd.f32 v48, v20;
	v27 =	vld [tilespmem:s30+$0x4200]  }
0x103: {  	v60 =	vld [tilespmem:s30+$0x5B00];
	v29 =	vmax.f32 v29, $9.999999710e-10;
	v61 =	vpop (erf);
	v40 =	vperm.xlane v28, v4  }
0x104: {  	v63 =	vld [tilespmem:s30+$0x5B20];
	(erf) = vrcp.f32 v29;
	v20 =	vmul.f32 v61, v20  }
0x105: {  	v19 =	vadd.f32 v49, v19;
	v59 =	vld [tilespmem:s30+$0x4EB0];
	v28 =	vadd.f32 v28, v40  }
0x106: {  	v18 =	vadd.f32 v51, v18;
	v39 =	vld [tilespmem:s30+$0x4230];
	v17 =	vadd.f32 v37, v17  }
0x107: {  	v26 =	vld [tilespmem:s30+$0x4E80];
	v16 =	vadd.f32 v27, v16;
	v19 =	vmul.f32 v61, v19;
	v28 =	vmax.f32 v28, $9.999999710e-10  }
0x108: {  	v62 =	vld [tilespmem:s30+$0x5B10];
	v18 =	vmul.f32 v61, v18;
	[tilespmem:$0xCC80] =	vst v20;
	(erf) = vrcp.f32 v28;
	v20 =	vpop (erf)  }
0x109: {  	v15 =	vadd.f32 v54, v15;
	v17 =	vmul.f32 v61, v17;
	[tilespmem:$0xCC90] =	vst v19;
	v16 =	vmul.f32 v20, v16  }
0x10a: {  	v14 =	vadd.f32 v55, v14;
	[tilespmem:$0xCCA0] =	vst v18  }
0x10b: {  	v10 =	vadd.f32 v24, v10;
	v13 =	vadd.f32 v39, v13;
	[tilespmem:$0xCCB0] =	vst v17;
	v15 =	vmul.f32 v20, v15  }
0x10c: {  	v6 =	vadd.f32 v25, v6;
	v12 =	vadd.f32 v26, v12;
	v14 =	vmul.f32 v20, v14;
	[tilespmem:$0xCCC0] =	vst v16  }
0x10d: {  	v9 =	vadd.f32 v57, v9;
	v10 =	vadd.f32 v59, v10;
	v13 =	vmul.f32 v20, v13;
	[tilespmem:$0xCCD0] =	vst v15;
	v16 =	vpop (erf)  }
0x10e: {  	v11 =	vadd.f32 v23, v11;
	v6 =	vadd.f32 v58, v6;
	[tilespmem:$0xCCE0] =	vst v14;
	v12 =	vmul.f32 v16, v12  }
0x10f: {  	v8 =	vadd.f32 v21, v8;
	[tilespmem:$0xCCF0] =	vst v13;
	v9 =	vmul.f32 v16, v9  }
0x110: {  	v11 =	vadd.f32 v60, v11;
	v6 =	vmul.f32 v16, v6;
	[tilespmem:$0xCD00] =	vst v12  }
0x111: {  	v7 =	vadd.f32 v22, v7;
	v8 =	vadd.f32 v62, v8;
	[tilespmem:$0xCD10] =	vst v9;
	v9 =	vmul.f32 v16, v10;
	v10 =	vpop (erf)  }
0x112: {  	v5 =	vadd.f32 v47, v5;
	[tilespmem:$0xCD20] =	vst v6;
	v6 =	vmul.f32 v10, v11  }
0x113: {  	v7 =	vadd.f32 v63, v7;
	[tilespmem:$0xCD30] =	vst v9;
	v8 =	vmul.f32 v10, v8  }
0x114: {  	v5 =	vmul.f32 v10, v5;
	[tilespmem:$0xCD40] =	vst v6  }
0x115: {  	p1 =	seq.s32 s22, $0x1F;
	v6 =	vmul.f32 v10, v7;
	[tilespmem:$0xCD50] =	vst v8  }
0x116: {  	s0 =	sshll.u32 s22, $0x7;
	s2 =	sadd.s32 @!p1 s2, s21;
	[tilespmem:$0xCD70] =	vst v5  }
0x117: {  	s0 =	sadd.s32 s0, s7;
	s2 =	smul.u32 @!p1 $0x7, s2;
	[tilespmem:$0xCD60] =	vst v6  }
0x118: {  	[hbm4b:s0+s3] =	stream.linear.scatter [tilespmem:s25], [sflag:$0x3], $0x200, $0x38;
	[tilespmem:$0xCF80] =	vst v63  }
0x119: {  	s0 =	sadd.s32 @!p1 s4, s2;
	s2 =	simm.s32 @!p1 $0x0  }
0x11a: {  	[tilespmem:s2], [sflag:$0x5] =	stream.linear.gather @!p1 [hbm4b:s0+s2], $0x1C0, $0x38;
	[tilespmem:$0xCF80] =	vst v63  }
0x11b: {  	s0 =	simm.s32 @!p1 $0x5  }
0x11c: {  	_ =	swait.ge @!p1 [sflag:s0], $0x1C0  }
0x11d: {  	[sflag:s0] =	ssyncset.done @!p1 $0x0  }
0x11e: {  	s30 =	simm.s32 @!p1 $0x380;
	[sflag:s0] =	ssyncadd.s32 @!p1 $0xFFFFFE40;
	s0 =	simm.s32 @!p1 $0x32  }
0x11f: {  	[tilespmem:s30], [sflag:$0x1] =	stream.indirect.gather @!p1 [hbm4b:s5+s0], $0x40, s2, s0, $0xb8;
	[tilespmem:$0xCF80] =	vst v63  }
0x120: {  	s2 =	simm.s32 @!p1 $0x38;
	s30 =	simm.s32 @!p1 $0x1000  }
0x121: {  	[tilespmem:s30], [sflag:$0x1] =	stream.indirect.gather @!p1 [hbm4b:s5+s0], $0x40, s2, s0, $0xb8;
	[tilespmem:$0xCF80] =	vst v63  }
0x122: {  	s2 =	simm.s32 @!p1 $0x70;
	s30 =	simm.s32 @!p1 $0x1C80  }
0x123: {  	[tilespmem:s30], [sflag:$0x1] =	stream.indirect.gather @!p1 [hbm4b:s5+s0], $0x40, s2, s0, $0xb8;
	[tilespmem:$0xCF80] =	vst v63  }
0x124: {  	s2 =	simm.s32 @!p1 $0xA8;
	s30 =	simm.s32 @!p1 $0x2900  }
0x125: {  	[tilespmem:s30], [sflag:$0x1] =	stream.indirect.gather @!p1 [hbm4b:s5+s0], $0x40, s2, s0, $0xb8;
	[tilespmem:$0xCF80] =	vst v63  }
0x126: {  	s2 =	simm.s32 @!p1 $0xE0;
	s30 =	simm.s32 @!p1 $0x3580  }
0x127: {  	[tilespmem:s30], [sflag:$0x1] =	stream.indirect.gather @!p1 [hbm4b:s5+s0], $0x40, s2, s0, $0xb8;
	[tilespmem:$0xCF80] =	vst v63  }
0x128: {  	s2 =	simm.s32 @!p1 $0x118;
	s30 =	simm.s32 @!p1 $0x4200  }
0x129: {  	[tilespmem:s30], [sflag:$0x1] =	stream.indirect.gather @!p1 [hbm4b:s5+s0], $0x40, s2, s0, $0xb8;
	[tilespmem:$0xCF80] =	vst v63  }
0x12a: {  	s2 =	simm.s32 @!p1 $0x150;
	s30 =	simm.s32 @!p1 $0x4E80  }
0x12b: {  	[tilespmem:s30], [sflag:$0x1] =	stream.indirect.gather @!p1 [hbm4b:s5+s0], $0x40, s2, s0, $0xb8;
	[tilespmem:$0xCF80] =	vst v63  }
0x12c: {  	s2 =	simm.s32 @!p1 $0x188;
	s30 =	simm.s32 @!p1 $0x5B00  }
0x12d: {  	[tilespmem:s30], [sflag:$0x1] =	stream.indirect.gather @!p1 [hbm4b:s5+s0], $0x40, s2, s0, $0xb8;
	[tilespmem:$0xCF80] =	vst v63  }
0x12e: {  	_ =	swait.ge [sflag:s26], $0xC80  }
0x12f: {  	[sflag:s26] =	ssyncset.done $0x0  }
0x130: {  	[sflag:s26] =	ssyncadd.s32 $0xFFFFF380  }
0x131: {  	_ =	swait.ge [sflag:s26], $0xC80  }
0x132: {  	[sflag:s26] =	ssyncset.done $0x0  }
0x133: {  	[sflag:s26] =	ssyncadd.s32 $0xFFFFF380  }
0x134: {  	_ =	swait.ge [sflag:s26], $0xC80  }
0x135: {  	[sflag:s26] =	ssyncset.done $0x0  }
0x136: {  	[sflag:s26] =	ssyncadd.s32 $0xFFFFF380  }
0x137: {  	_ =	swait.ge [sflag:s26], $0xC80  }
0x138: {  	[sflag:s26] =	ssyncset.done $0x0  }
0x139: {  	[sflag:s26] =	ssyncadd.s32 $0xFFFFF380  }
0x13a: {  	_ =	swait.ge [sflag:s26], $0xC80  }
0x13b: {  	[sflag:s26] =	ssyncset.done $0x0  }
0x13c: {  	[sflag:s26] =	ssyncadd.s32 $0xFFFFF380  }
0x13d: {  	_ =	swait.ge [sflag:s26], $0xC80  }
0x13e: {  	[sflag:s26] =	ssyncset.done $0x0  }
0x13f: {  	[sflag:s26] =	ssyncadd.s32 $0xFFFFF380  }
0x140: {  	_ =	swait.ge [sflag:s26], $0xC80  }
0x141: {  	[sflag:s26] =	ssyncset.done $0x0  }
0x142: {  	[sflag:s26] =	ssyncadd.s32 $0xFFFFF380  }
0x143: {  	_ =	swait.ge [sflag:s26], $0xC80  }
0x144: {  	[sflag:s26] =	ssyncset.done $0x0  }
0x145: {  	s0 =	simm.s32 @!p0 $0x4;
	[sflag:s26] =	ssyncadd.s32 $0xFFFFF380  }
0x146: {  	_ =	swait.ge @!p0 [sflag:s0], $0x200  }
0x147: {  	[sflag:s0] =	ssyncset.done @!p0 $0x0  }
0x148: {  	s31 =	simm.s32 $0x0;
	[sflag:s0] =	ssyncadd.s32 @!p0 $0xFFFFFE00  }
0x149: {  	v5 =	vld [tilespmem:s31+$0x8D30]  }
0x14a: {  	v7 =	vld [tilespmem:s31+$0x6780]  }
0x14b: {  	v8 =	vld [tilespmem:s31+$0x6790]  }
0x14c: {  	v9 =	vld [tilespmem:s31+$0x67A0]  }
0x14d: {  	v10 =	vld [tilespmem:s31+$0x67B0]  }
0x14e: {  	v11 =	vld [tilespmem:s31+$0x7400]  }
0x14f: {  	v12 =	vld [tilespmem:s31+$0x7410]  }
0x150: {  	v13 =	vld [tilespmem:s31+$0x7420]  }
0x151: {  	v21 =	vld [tilespmem:s31+$0x7430]  }
0x152: {  	v6 =	vimm.f32 $0.0e+00;
	v22 =	vld [tilespmem:s31+$0x8080]  }
0x153: {  	v26 =	vld [tilespmem:s31+$0x8090];
	v5 =	vadd.f32 v5, v6  }
0x154: {  	v20 =	vadd.f32 v7, v6;
	v19 =	vadd.f32 v8, v6  }
0x155: {  	v25 =	vld [tilespmem:s31+$0x80A0];
	v18 =	vadd.f32 v9, v6;
	v17 =	vadd.f32 v10, v6  }
0x156: {  	v24 =	vld [tilespmem:s31+$0x80B0];
	v16 =	vadd.f32 v11, v6;
	v15 =	vadd.f32 v12, v6  }
0x157: {  	v23 =	vld [tilespmem:s31+$0x8D00];
	v14 =	vadd.f32 v13, v6;
	v13 =	vadd.f32 v21, v6  }
0x158: {  	v12 =	vadd.f32 v22, v6;
	v21 =	vld [tilespmem:s31+$0x8D10];
	v9 =	vadd.f32 v26, v6;
	v10 =	vimm.f32 $0.0e+00  }
0x159: {  	s2 =	simm.s32 $0x40;
	s30 =	simm.s32 $0x200;
	v22 =	vld [tilespmem:s31+$0x8D20];
	v11 =	vimm.f32 $0.0e+00;
	v8 =	vimm.f32 $0.0e+00;
	v7 =	vimm.f32 $0.0e+00  }
.LBB2_7:
0x15a: {  	p0 =	sne.s32 s30, $0x3100;
	v26 =	vld [tilespmem:s2+$0x8D30];
	v6 =	vadd.f32 v25, v6  }
0x15b: {  	v25 =	vld [tilespmem:s2+$0x6780];
	v10 =	vadd.f32 v24, v10  }
0x15c: {  	v24 =	vld [tilespmem:s2+$0x6790];
	v11 =	vadd.f32 v23, v11  }
0x15d: {  	v23 =	vld [tilespmem:s2+$0x67A0];
	v8 =	vadd.f32 v21, v8  }
0x15e: {  	v21 =	vld [tilespmem:s2+$0x67B0];
	v7 =	vadd.f32 v22, v7  }
0x15f: {  	v22 =	vld [tilespmem:s2+$0x7400];
	v5 =	vadd.f32 v26, v5  }
0x160: {  	v20 =	vadd.f32 v25, v20;
	v25 =	vld [tilespmem:s2+$0x7410]  }
0x161: {  	v19 =	vadd.f32 v24, v19;
	v24 =	vld [tilespmem:s2+$0x7420]  }
0x162: {  	v18 =	vadd.f32 v23, v18;
	v23 =	vld [tilespmem:s2+$0x7430]  }
0x163: {  	v17 =	vadd.f32 v21, v17;
	v21 =	vld [tilespmem:s2+$0x8080]  }
0x164: {  	v16 =	vadd.f32 v22, v16;
	v22 =	vld [tilespmem:s2+$0x8090]  }
.Ltmp2:
0x165: {  	v15 =	vadd.f32 v25, v15;
	v25 =	vld [tilespmem:s2+$0x80A0];
	(pc) =	sbr.rel @p0 .LBB2_7-.Ltmp2, $4  }
0x166: {  	v14 =	vadd.f32 v24, v14;
	v24 =	vld [tilespmem:s2+$0x80B0]  }
0x167: {  	v13 =	vadd.f32 v23, v13;
	v23 =	vld [tilespmem:s2+$0x8D00]  }
0x168: {  	v12 =	vadd.f32 v21, v12;
	v21 =	vld [tilespmem:s2+$0x8D10]  }
0x169: {  	v9 =	vadd.f32 v22, v9;
	v22 =	vld [tilespmem:s2+$0x8D20];
	s2 =	sshra.s32 s30, $0x2;
	s30 =	sadd.s32 $0x100, s30  }
0x16a: {  	v26 =	vld [tilespmem:$0x1C0]  }
0x16b: {  	v27 =	vld [tilespmem:$0x1D0]  }
0x16c: {  	v28 =	vld [tilespmem:$0x1E0]  }
0x16d: {  	v29 =	vld [tilespmem:$0x1E2];
	_ =	sdelay $0x2  }
0x16e: {  	v48 =	vld [tilespmem:$0x208];
	vm1 =	vne.s32 v26, $0x0  }
0x16f: {  	v26 =	vsel vm1, $0x1, v0;
	vm1 =	vne.s32 v27, $0x0;
	v27 =	vld [tilespmem:$0x1F8]  }
0x170: {  	v31 =	vld [tilespmem:$0x21A];
	vm2 =	vne.s32 v29, $0x0;
	v30 =	vsel vm1, $0x1, v0;
	vm1 =	vne.s32 v28, $0x0  }
0x171: {  	v50 =	vld [tilespmem:$0x218];
	v26 =	vadd.s32 v26, v30;
	v49 =	vsel vm1, $0x1, v0;
	vm1 =	vmand vm2, vm0  }
0x172: {  	v26 =	vadd.s32 v49, v26;
	v51 =	vsel vm1, $0x1, v0  }
0x173: {  	v53 =	vld [tilespmem:$0x230];
	v26 =	vadd.s32 v51, v26  }
0x174: {  	v57 =	vld [tilespmem:$0x250];
	v26 =	vcvt.s32.f32 v26;
	vm1 =	vne.s32 v27, $0x0  }
0x175: {  	v55 =	vld [tilespmem:$0x240];
	vm2 =	vne.s32 v31, $0x0;
	v52 =	vsel vm1, $0x1, v0;
	vm1 =	vne.s32 v48, $0x0  }
0x176: {  	v58 =	vld [tilespmem:$0x252];
	v27 =	vperm.xlane v26, v1;
	v28 =	vsel vm1, $0x1, v0;
	vm1 =	vne.s32 v50, $0x0  }
0x177: {  	v28 =	vadd.s32 v52, v28;
	v54 =	vsel vm1, $0x1, v0;
	vm1 =	vmand vm2, vm0  }
0x178: {  	v26 =	vadd.f32 v26, v27;
	v27 =	vadd.s32 v54, v28;
	v56 =	vsel vm1, $0x1, v0  }
0x179: {  	v33 =	vld [tilespmem:$0x268];
	vm2 =	vne.s32 v57, $0x0;
	vm1 =	vne.s32 v53, $0x0;
	v27 =	vadd.s32 v56, v27  }
0x17a: {  	v60 =	vld [tilespmem:$0x278];
	v34 =	vsel vm1, $0x1, v0;
	vm1 =	vne.s32 v55, $0x0;
	v32 =	vperm.xlane v26, v2  }
0x17b: {  	v61 =	vld [tilespmem:$0x288];
	v27 =	vcvt.s32.f32 v27;
	v31 =	vsel vm1, $0x1, v0;
	vm1 =	vne.s32 v58, $0x0  }
0x17c: {  	v35 =	vsel vm2, $0x1, v0;
	vm1 =	vmand vm1, vm0  }
0x17d: {  	v62 =	vld [tilespmem:$0x28A];
	v31 =	vadd.s32 v34, v31;
	v26 =	vadd.f32 v26, v32;
	v59 =	vperm.xlane v27, v1  }
0x17e: {  	v63 =	vsel vm1, $0x1, v0;
	vm1 =	vne.s32 v33, $0x0;
	v31 =	vadd.s32 v35, v31  }
0x17f: {  	v33 =	vsel vm1, $0x1, v0;
	vm1 =	vne.s32 v60, $0x0;
	v35 =	vadd.s32 v63, v31  }
0x180: {  	v27 =	vadd.f32 v27, v59;
	v37 =	vsel vm1, $0x1, v0;
	vm1 =	vne.s32 v61, $0x0  }
0x181: {  	v36 =	vperm.xlane v26, v3;
	v38 =	vcvt.s32.f32 v35;
	v39 =	vsel vm1, $0x1, v0  }
0x182: {  	vm1 =	vne.s32 v62, $0x0;
	v31 =	vadd.s32 v33, v37;
	v40 =	vperm.xlane v27, v2  }
0x183: {  	vm1 =	vmand vm1, vm0;
	v41 =	vperm.xlane v38, v1;
	v26 =	vadd.f32 v26, v36  }
0x184: {  	v30 =	vadd.s32 v39, v31;
	v42 =	vsel vm1, $0x1, v0;
	v27 =	vadd.f32 v27, v40  }
0x185: {  	v43 =	vadd.s32 v42, v30;
	v29 =	vadd.f32 v38, v41;
	v44 =	vperm.xlane v26, v4  }
0x186: {  	v28 =	vcvt.s32.f32 v43  }
0x187: {  	v45 =	vperm.xlane v27, v3;
	v32 =	vperm.xlane v29, v2;
	v26 =	vadd.f32 v26, v44  }
0x188: {  	v46 =	vperm.xlane v28, v1  }
0x189: {  	v27 =	vadd.f32 v27, v45;
	v29 =	vadd.f32 v29, v32;
	v26 =	vmax.f32 v26, $9.999999710e-10  }
0x18a: {  	v47 =	vld [tilespmem:s2+$0x8D30];
	v28 =	vadd.f32 v28, v46;
	(erf) = vrcp.f32 v26  }
0x18b: {  	v49 =	vld [tilespmem:s2+$0x6790];
	v50 =	vperm.xlane v27, v4;
	v52 =	vperm.xlane v29, v3  }
0x18c: {  	v51 =	vld [tilespmem:s2+$0x67A0];
	v53 =	vperm.xlane v28, v2  }
0x18d: {  	v48 =	vld [tilespmem:s2+$0x6780];
	v26 =	vadd.f32 v27, v50;
	v29 =	vadd.f32 v29, v52  }
0x18e: {  	v57 =	vld [tilespmem:s2+$0x8090];
	v28 =	vadd.f32 v28, v53  }
0x18f: {  	v54 =	vld [tilespmem:s2+$0x7410];
	v26 =	vmax.f32 v26, $9.999999710e-10;
	v56 =	vperm.xlane v29, v4  }
0x190: {  	v55 =	vld [tilespmem:s2+$0x7420];
	v38 =	vperm.xlane v28, v3;
	(erf) = vrcp.f32 v26  }
0x191: {  	v58 =	vld [tilespmem:s2+$0x80A0]  }
0x192: {  	v37 =	vld [tilespmem:s2+$0x67B0];
	v29 =	vadd.f32 v29, v56;
	v28 =	vadd.f32 v28, v38  }
0x193: {  	v20 =	vadd.f32 v48, v20;
	v27 =	vld [tilespmem:s2+$0x7400]  }
0x194: {  	v60 =	vld [tilespmem:s2+$0x8D00];
	v29 =	vmax.f32 v29, $9.999999710e-10;
	v61 =	vpop (erf);
	v40 =	vperm.xlane v28, v4  }
0x195: {  	v63 =	vld [tilespmem:s2+$0x8D20];
	(erf) = vrcp.f32 v29;
	v20 =	vmul.f32 v61, v20  }
0x196: {  	v19 =	vadd.f32 v49, v19;
	v59 =	vld [tilespmem:s2+$0x80B0];
	v28 =	vadd.f32 v28, v40  }
0x197: {  	v18 =	vadd.f32 v51, v18;
	v39 =	vld [tilespmem:s2+$0x7430];
	v17 =	vadd.f32 v37, v17  }
0x198: {  	v26 =	vld [tilespmem:s2+$0x8080];
	v16 =	vadd.f32 v27, v16;
	v19 =	vmul.f32 v61, v19;
	v28 =	vmax.f32 v28, $9.999999710e-10  }
0x199: {  	v62 =	vld [tilespmem:s2+$0x8D10];
	v18 =	vmul.f32 v61, v18;
	[tilespmem:$0xCD80] =	vst v20;
	(erf) = vrcp.f32 v28;
	v20 =	vpop (erf)  }
0x19a: {  	v15 =	vadd.f32 v54, v15;
	v17 =	vmul.f32 v61, v17;
	[tilespmem:$0xCD90] =	vst v19;
	v16 =	vmul.f32 v20, v16  }
0x19b: {  	v14 =	vadd.f32 v55, v14;
	[tilespmem:$0xCDA0] =	vst v18  }
0x19c: {  	v10 =	vadd.f32 v24, v10;
	v13 =	vadd.f32 v39, v13;
	[tilespmem:$0xCDB0] =	vst v17;
	v15 =	vmul.f32 v20, v15  }
0x19d: {  	v6 =	vadd.f32 v25, v6;
	v12 =	vadd.f32 v26, v12;
	v14 =	vmul.f32 v20, v14;
	[tilespmem:$0xCDC0] =	vst v16  }
0x19e: {  	v9 =	vadd.f32 v57, v9;
	v10 =	vadd.f32 v59, v10;
	v13 =	vmul.f32 v20, v13;
	[tilespmem:$0xCDD0] =	vst v15;
	v16 =	vpop (erf)  }
0x19f: {  	v11 =	vadd.f32 v23, v11;
	v6 =	vadd.f32 v58, v6;
	[tilespmem:$0xCDE0] =	vst v14;
	v12 =	vmul.f32 v16, v12  }
0x1a0: {  	v8 =	vadd.f32 v21, v8;
	[tilespmem:$0xCDF0] =	vst v13;
	v9 =	vmul.f32 v16, v9  }
0x1a1: {  	v11 =	vadd.f32 v60, v11;
	v6 =	vmul.f32 v16, v6;
	[tilespmem:$0xCE00] =	vst v12  }
0x1a2: {  	v7 =	vadd.f32 v22, v7;
	v8 =	vadd.f32 v62, v8;
	[tilespmem:$0xCE10] =	vst v9;
	v9 =	vmul.f32 v16, v10;
	v10 =	vpop (erf)  }
0x1a3: {  	v5 =	vadd.f32 v47, v5;
	[tilespmem:$0xCE20] =	vst v6;
	v6 =	vmul.f32 v10, v11  }
0x1a4: {  	v7 =	vadd.f32 v63, v7;
	[tilespmem:$0xCE30] =	vst v9;
	v8 =	vmul.f32 v10, v8  }
0x1a5: {  	v5 =	vmul.f32 v10, v5;
	[tilespmem:$0xCE40] =	vst v6  }
0x1a6: {  	v6 =	vmul.f32 v10, v7;
	[tilespmem:$0xCE50] =	vst v8  }
0x1a7: {  	[tilespmem:$0xCE70] =	vst v5  }
0x1a8: {  	s0 =	simm.s32 $0x0;
	[tilespmem:$0xCE60] =	vst v6  }
0x1a9: {  	v5 =	vld [tilespmem:s0+$0xBF30]  }
0x1aa: {  	v7 =	vld [tilespmem:s0+$0x9980]  }
0x1ab: {  	v8 =	vld [tilespmem:s0+$0x9990]  }
0x1ac: {  	v9 =	vld [tilespmem:s0+$0x99A0]  }
0x1ad: {  	v10 =	vld [tilespmem:s0+$0x99B0]  }
0x1ae: {  	v11 =	vld [tilespmem:s0+$0xA600]  }
0x1af: {  	v12 =	vld [tilespmem:s0+$0xA610]  }
0x1b0: {  	v13 =	vld [tilespmem:s0+$0xA620]  }
0x1b1: {  	v21 =	vld [tilespmem:s0+$0xA630]  }
0x1b2: {  	v6 =	vimm.f32 $0.0e+00;
	v22 =	vld [tilespmem:s0+$0xB280]  }
0x1b3: {  	v26 =	vld [tilespmem:s0+$0xB290];
	v5 =	vadd.f32 v5, v6  }
0x1b4: {  	v20 =	vadd.f32 v7, v6;
	v19 =	vadd.f32 v8, v6  }
0x1b5: {  	v25 =	vld [tilespmem:s0+$0xB2A0];
	v18 =	vadd.f32 v9, v6;
	v17 =	vadd.f32 v10, v6  }
0x1b6: {  	v24 =	vld [tilespmem:s0+$0xB2B0];
	v16 =	vadd.f32 v11, v6;
	v15 =	vadd.f32 v12, v6  }
0x1b7: {  	v23 =	vld [tilespmem:s0+$0xBF00];
	v14 =	vadd.f32 v13, v6;
	v13 =	vadd.f32 v21, v6  }
0x1b8: {  	v12 =	vadd.f32 v22, v6;
	v21 =	vld [tilespmem:s0+$0xBF10];
	v9 =	vadd.f32 v26, v6;
	v10 =	vimm.f32 $0.0e+00  }
0x1b9: {  	s30 =	simm.s32 $0x200;
	s2 =	simm.s32 $0x40;
	v22 =	vld [tilespmem:s0+$0xBF20];
	v11 =	vimm.f32 $0.0e+00;
	v8 =	vimm.f32 $0.0e+00;
	v7 =	vimm.f32 $0.0e+00  }
.LBB2_9:
0x1ba: {  	p0 =	sne.s32 s30, $0x3100;
	v26 =	vld [tilespmem:s2+$0xBF30];
	v6 =	vadd.f32 v25, v6  }
0x1bb: {  	v25 =	vld [tilespmem:s2+$0x9980];
	v10 =	vadd.f32 v24, v10  }
0x1bc: {  	v24 =	vld [tilespmem:s2+$0x9990];
	v11 =	vadd.f32 v23, v11  }
0x1bd: {  	v23 =	vld [tilespmem:s2+$0x99A0];
	v8 =	vadd.f32 v21, v8  }
0x1be: {  	v21 =	vld [tilespmem:s2+$0x99B0];
	v7 =	vadd.f32 v22, v7  }
0x1bf: {  	v22 =	vld [tilespmem:s2+$0xA600];
	v5 =	vadd.f32 v26, v5  }
0x1c0: {  	v20 =	vadd.f32 v25, v20;
	v25 =	vld [tilespmem:s2+$0xA610]  }
0x1c1: {  	v19 =	vadd.f32 v24, v19;
	v24 =	vld [tilespmem:s2+$0xA620]  }
0x1c2: {  	v18 =	vadd.f32 v23, v18;
	v23 =	vld [tilespmem:s2+$0xA630]  }
0x1c3: {  	v17 =	vadd.f32 v21, v17;
	v21 =	vld [tilespmem:s2+$0xB280]  }
0x1c4: {  	v16 =	vadd.f32 v22, v16;
	v22 =	vld [tilespmem:s2+$0xB290]  }
.Ltmp3:
0x1c5: {  	v15 =	vadd.f32 v25, v15;
	v25 =	vld [tilespmem:s2+$0xB2A0];
	(pc) =	sbr.rel @p0 .LBB2_9-.Ltmp3, $4  }
0x1c6: {  	v14 =	vadd.f32 v24, v14;
	v24 =	vld [tilespmem:s2+$0xB2B0]  }
0x1c7: {  	v13 =	vadd.f32 v23, v13;
	v23 =	vld [tilespmem:s2+$0xBF00]  }
0x1c8: {  	v12 =	vadd.f32 v21, v12;
	v21 =	vld [tilespmem:s2+$0xBF10]  }
0x1c9: {  	v9 =	vadd.f32 v22, v9;
	v22 =	vld [tilespmem:s2+$0xBF20];
	s2 =	sshra.s32 s30, $0x2;
	s30 =	sadd.s32 $0x100, s30  }
0x1ca: {  	v26 =	vld [tilespmem:$0x2A0]  }
0x1cb: {  	v27 =	vld [tilespmem:$0x2B0]  }
0x1cc: {  	v28 =	vld [tilespmem:$0x2C0]  }
0x1cd: {  	v29 =	vld [tilespmem:$0x2C2];
	_ =	sdelay $0x1  }
0x1ce: {  	v63 =	vld [tilespmem:$0x2D8]  }
0x1cf: {  	v33 =	vld [tilespmem:$0x2E8];
	vm1 =	vne.s32 v26, $0x0  }
0x1d0: {  	v31 =	vld [tilespmem:$0x2FA];
	v26 =	vsel vm1, $0x1, v0;
	vm1 =	vne.s32 v27, $0x0  }
0x1d1: {  	v35 =	vld [tilespmem:$0x2F8];
	vm2 =	vne.s32 v29, $0x0;
	v30 =	vsel vm1, $0x1, v0;
	vm1 =	vne.s32 v28, $0x0  }
0x1d2: {  	v44 =	vld [tilespmem:$0x330];
	v34 =	vsel vm1, $0x1, v0;
	vm1 =	vmand vm2, vm0  }
0x1d3: {  	v26 =	vadd.s32 v26, v30;
	v36 =	vsel vm1, $0x1, v0;
	vm1 =	vne.s32 v63, $0x0  }
0x1d4: {  	v39 =	vld [tilespmem:$0x310];
	v26 =	vadd.s32 v34, v26;
	v38 =	vsel vm1, $0x1, v0;
	vm1 =	vne.s32 v33, $0x0  }
0x1d5: {  	v41 =	vld [tilespmem:$0x320];
	vm2 =	vne.s32 v31, $0x0;
	v26 =	vadd.s32 v36, v26;
	v28 =	vsel vm1, $0x1, v0  }
0x1d6: {  	v45 =	vld [tilespmem:$0x332];
	v26 =	vcvt.s32.f32 v26;
	vm1 =	vne.s32 v35, $0x0;
	v28 =	vadd.s32 v38, v28  }
0x1d7: {  	v40 =	vsel vm1, $0x1, v0;
	vm1 =	vmand vm2, vm0;
	vm2 =	vne.s32 v44, $0x0  }
0x1d8: {  	v33 =	vld [tilespmem:$0x348];
	v37 =	vperm.xlane v26, v1;
	v42 =	vadd.s32 v40, v28;
	v43 =	vsel vm1, $0x1, v0  }
0x1d9: {  	v47 =	vld [tilespmem:$0x358];
	vm1 =	vne.s32 v39, $0x0;
	v35 =	vsel vm2, $0x1, v0;
	v27 =	vadd.s32 v43, v42  }
0x1da: {  	v34 =	vsel vm1, $0x1, v0;
	vm1 =	vne.s32 v41, $0x0;
	v26 =	vadd.f32 v26, v37  }
0x1db: {  	v48 =	vld [tilespmem:$0x368];
	v27 =	vcvt.s32.f32 v27;
	v31 =	vsel vm1, $0x1, v0;
	vm1 =	vne.s32 v45, $0x0  }
0x1dc: {  	v49 =	vld [tilespmem:$0x36A];
	vm1 =	vmand vm1, vm0;
	v31 =	vadd.s32 v34, v31;
	v32 =	vperm.xlane v26, v2  }
0x1dd: {  	v46 =	vperm.xlane v27, v1;
	v50 =	vsel vm1, $0x1, v0;
	vm1 =	vne.s32 v33, $0x0  }
0x1de: {  	v31 =	vadd.s32 v35, v31;
	v33 =	vsel vm1, $0x1, v0;
	vm1 =	vne.s32 v47, $0x0  }
0x1df: {  	v51 =	vadd.s32 v50, v31;
	v26 =	vadd.f32 v26, v32;
	v27 =	vadd.f32 v27, v46  }
0x1e0: {  	v52 =	vsel vm1, $0x1, v0;
	vm1 =	vne.s32 v48, $0x0;
	v53 =	vcvt.s32.f32 v51  }
0x1e1: {  	v54 =	vsel vm1, $0x1, v0;
	vm1 =	vne.s32 v49, $0x0;
	v31 =	vadd.s32 v33, v52  }
0x1e2: {  	v36 =	vperm.xlane v26, v3;
	v55 =	vperm.xlane v27, v2;
	vm1 =	vmand vm1, vm0  }
0x1e3: {  	v56 =	vperm.xlane v53, v1;
	v30 =	vadd.s32 v54, v31;
	v57 =	vsel vm1, $0x1, v0  }
0x1e4: {  	v26 =	vadd.f32 v26, v36;
	v27 =	vadd.f32 v27, v55;
	v58 =	vadd.s32 v57, v30  }
0x1e5: {  	v29 =	vadd.f32 v53, v56;
	v28 =	vcvt.s32.f32 v58  }
0x1e6: {  	v59 =	vperm.xlane v26, v4;
	v60 =	vperm.xlane v27, v3  }
0x1e7: {  	v32 =	vperm.xlane v29, v2;
	v61 =	vperm.xlane v28, v1  }
0x1e8: {  	v26 =	vadd.f32 v26, v59;
	v27 =	vadd.f32 v27, v60  }
0x1e9: {  	v62 =	vld [tilespmem:s2+$0x9980];
	v29 =	vadd.f32 v29, v32;
	v28 =	vadd.f32 v28, v61  }
0x1ea: {  	v63 =	vld [tilespmem:s2+$0x9990];
	v43 =	vperm.xlane v27, v4  }
0x1eb: {  	v44 =	vld [tilespmem:s2+$0x99A0];
	v26 =	vmax.f32 v26, $9.999999710e-10;
	v45 =	vperm.xlane v29, v3;
	v46 =	vperm.xlane v28, v2  }
0x1ec: {  	v39 =	vld [tilespmem:s2+$0xA630];
	(erf) = vrcp.f32 v26;
	v47 =	vadd.f32 v27, v43  }
0x1ed: {  	v37 =	vld [tilespmem:s2+$0x99B0];
	v29 =	vadd.f32 v29, v45;
	v28 =	vadd.f32 v28, v46  }
0x1ee: {  	v34 =	vld [tilespmem:s2+$0xBF30]  }
0x1ef: {  	v50 =	vld [tilespmem:s2+$0xA620];
	v26 =	vmax.f32 v47, $9.999999710e-10;
	v51 =	vperm.xlane v29, v4;
	v38 =	vperm.xlane v28, v3  }
0x1f0: {  	v48 =	vld [tilespmem:s2+$0xA600];
	(erf) = vrcp.f32 v26  }
0x1f1: {  	v49 =	vld [tilespmem:s2+$0xA610];
	v29 =	vadd.f32 v29, v51;
	v28 =	vadd.f32 v28, v38  }
0x1f2: {  	v52 =	vld [tilespmem:s2+$0xB280]  }
0x1f3: {  	v54 =	vld [tilespmem:s2+$0xB2A0];
	v29 =	vmax.f32 v29, $9.999999710e-10;
	v40 =	vperm.xlane v28, v4  }
0x1f4: {  	v20 =	vadd.f32 v62, v20;
	v53 =	vld [tilespmem:s2+$0xB290];
	(erf) = vrcp.f32 v29  }
0x1f5: {  	v19 =	vadd.f32 v63, v19;
	v55 =	vld [tilespmem:s2+$0xB2B0];
	v57 =	vpop (erf);
	v28 =	vadd.f32 v28, v40  }
0x1f6: {  	v18 =	vadd.f32 v44, v18;
	v56 =	vld [tilespmem:s2+$0xBF00];
	v20 =	vmul.f32 v57, v20  }
0x1f7: {  	v17 =	vadd.f32 v37, v17;
	v58 =	vld [tilespmem:s2+$0xBF10];
	v19 =	vmul.f32 v57, v19;
	v28 =	vmax.f32 v28, $9.999999710e-10  }
0x1f8: {  	v16 =	vadd.f32 v48, v16;
	v59 =	vld [tilespmem:s2+$0xBF20];
	v18 =	vmul.f32 v57, v18;
	[tilespmem:$0xCE80] =	vst v20;
	(erf) = vrcp.f32 v28  }
0x1f9: {  	v15 =	vadd.f32 v49, v15;
	v17 =	vmul.f32 v57, v17;
	[tilespmem:$0xCE90] =	vst v19;
	v60 =	vpop (erf)  }
0x1fa: {  	v14 =	vadd.f32 v50, v14;
	[tilespmem:$0xCEA0] =	vst v18;
	v16 =	vmul.f32 v60, v16  }
0x1fb: {  	v13 =	vadd.f32 v39, v13;
	[tilespmem:$0xCEB0] =	vst v17;
	v15 =	vmul.f32 v60, v15  }
0x1fc: {  	v6 =	vadd.f32 v25, v6;
	v12 =	vadd.f32 v52, v12;
	v14 =	vmul.f32 v60, v14;
	[tilespmem:$0xCEC0] =	vst v16  }
0x1fd: {  	v10 =	vadd.f32 v24, v10;
	v9 =	vadd.f32 v53, v9;
	v13 =	vmul.f32 v60, v13;
	[tilespmem:$0xCED0] =	vst v15;
	v61 =	vpop (erf)  }
0x1fe: {  	v11 =	vadd.f32 v23, v11;
	v6 =	vadd.f32 v54, v6;
	[tilespmem:$0xCEE0] =	vst v14;
	v12 =	vmul.f32 v61, v12  }
0x1ff: {  	v8 =	vadd.f32 v21, v8;
	v10 =	vadd.f32 v55, v10;
	[tilespmem:$0xCEF0] =	vst v13;
	v9 =	vmul.f32 v61, v9  }
0x200: {  	v11 =	vadd.f32 v56, v11;
	v6 =	vmul.f32 v61, v6;
	[tilespmem:$0xCF00] =	vst v12  }
0x201: {  	v7 =	vadd.f32 v22, v7;
	v8 =	vadd.f32 v58, v8;
	v62 =	vmul.f32 v61, v10;
	[tilespmem:$0xCF10] =	vst v9;
	v63 =	vpop (erf)  }
0x202: {  	s22 =	sadd.s32 $0x1, s22;
	v5 =	vadd.f32 v34, v5;
	[tilespmem:$0xCF20] =	vst v6;
	v6 =	vmul.f32 v63, v11  }
0x203: {  	p0 =	sne.s32 s22, $0x20;
	v7 =	vadd.f32 v59, v7;
	[tilespmem:$0xCF30] =	vst v62;
	v8 =	vmul.f32 v63, v8  }
.Ltmp4:
0x204: {  	v5 =	vmul.f32 v63, v5;
	[tilespmem:$0xCF40] =	vst v6;
	(pc) =	sbr.rel @p0 .LBB2_2-.Ltmp4, $4  }
0x205: {  	v6 =	vmul.f32 v63, v7;
	[tilespmem:$0xCF50] =	vst v8  }
0x206: {  	s0 =	sshll.u32 s6, $0x3;
	s31 =	rddreg [dreg:$0x1];
	[tilespmem:$0xCF70] =	vst v5  }
0x207: {  	s0 =	sadd.s32 s31, s0;
	[tilespmem:$0xCF60] =	vst v6  }
0x208: {  	[hbm4b:s0+s3] =	stream.linear.scatter [tilespmem:s28], [sflag:$0x4], $0x200, $0x38;
	[tilespmem:$0xCF80] =	vst v63  }
0x209: {  	s0 =	simm.s32 $0x3  }
0x20a: {  	_ =	swait.ge [sflag:s0], $0x200  }
0x20b: {  	[sflag:s0] =	ssyncset.done $0x0  }
0x20c: {  	s2 =	simm.s32 $0x4;
	[sflag:s0] =	ssyncadd.s32 $0xFFFFFE00  }
0x20d: {  	_ =	swait.ge [sflag:s2], $0x200  }
0x20e: {  	s6 =	rddreg [dreg:$0x5]  }
0x20f: {  	s31 =	rddreg [dreg:$0x4];
	s6 =	sadd.s32 $0x1, s6  }
0x210: {  	p0 =	sne.s32 s6, s31  }
.Ltmp5:
0x211: {  	_ = 	snop;
	(pc) =	sbr.rel @p0 .LBB2_1-.Ltmp5, $3  }
0x212: {  	_ =	sdelay $0x1  }
0x213: {  	[sflag:s2] =	ssyncset.done $0x0  }
0x214: {  	[sflag:s2] =	ssyncadd.s32 $0xFFFFFE00  }
0x215: {  	_ =	sfence.sel $0x180000  }
0x216: {  	[bflag:$0x0] =	sbarrier.arrive $0xFFFF  }
0x217: {  	_ =	strace $0x90000047  }
0x218: {  	s0 =	stileid.u32;
	[bflag:$0x2] =	sbarrier.arrive $0xFFFF  }
0x219: {  	p0 =	sne.s32 s0, $0x0;
	s0 =	rddreg [dreg:$0x2]  }
0x21a: {  	s0 =	sadd.s32 @!p0 $0x100000, s0  }
0x21b: {  	[sflag:s0] =	ssyncadd.tile.s32 @!p0 $0x1;
	_ =	shalt  }
.Lfunc_end2:
_tile_overlayer_lowered:
.L_overlay_start_2:
0x21c: {  	(tag) =	ssettag $0x2  }
0x21d: {  	s0 =	rddreg [dreg:$0x0];
	s2 =	stileid.u32  }
0x21e: {  	s1 =	rddreg [dreg:$0x1];
	p0 =	sne.s32 s2, $0x0  }
0x21f: {  	s3 =	rddreg [dreg:$0x2];
	[bflag:$0x3] =	sbarrier.arrive $0xFFFF;
	s2 =	simm.s32 @!p0 $0x1C05  }
0x220: {  	[timem:s3], [sflag:s2] =	dma.local @!p0 [hbm:s0], s1  }
0x221: {  	s0 =	simm.s32 @!p0 $0x5  }
0x222: {  	_ =	swait.ge @!p0 [sflag:s0], s1  }
0x223: {  	s1 =	ssub.s32 @!p0 $0x0, s1;
	[sflag:s0] =	ssyncset.done @!p0 $0x0  }
0x224: {  	[sflag:s0] =	ssyncadd.s32 @!p0 s1  }
0x225: {  	[bflag:$0x3] =	sbarrier.arrive $0xFFFF  }
0x226: {  	_ =	shalt  }

</sc_bundles>
